<compile_context>
chip_gen: v7x
topology: tpu7x:2x2x1
jax: 0.10.2.dev20260603
libtpu: 0.0.44.dev20260713+nightly
codegen_flags: <defaults>
</compile_context>

<pallas_src>
import functools

import jax
import jax.numpy as jnp
from jax import lax
from jax.experimental import pallas as pl
from jax.experimental.pallas import tpu as pltpu
from jax.experimental.pallas import tpu_sc as plsc

N = 10000
E = 320000
D = 128
H = 128
C = 16
G = 128

NP = 10240
BLK = 2048
NBLK = NP // BLK
NC = 2
NS = 16
NWORK = NC * NS
EPW = E // NWORK
K = 80
NB = EPW // K
NB3 = (NB - 2) // 3
ROWS_PW = NP // NS


def _front_body(x_ref, w_ref, aw_ref, z_ref, sp_ref, stats_ref, ssum, ssq):
    i = pl.program_id(0)

    @pl.when(i == 0)
    def _():
        ssum[0] = 0.0
        ssq[0] = 0.0

    xb = x_ref[...]
    ssum[0] += jnp.sum(xb)
    ssq[0] += jnp.sum(xb * xb)

    w = w_ref[...]
    zb = jnp.dot(xb, w.T, preferred_element_type=jnp.float32)
    z_ref[...] = zb

    aw = aw_ref[...]
    a1 = aw[0, :H]
    a2 = aw[0, H:]
    rid = lax.broadcasted_iota(jnp.int32, (16, H), 0)
    amat = jnp.where(rid == 0, a1[None, :],
                     jnp.where(rid == 1, a2[None, :], 0.0))
    sp_ref[...] = lax.dot_general(amat, zb, (((1,), (1,)), ((), ())),
                                  preferred_element_type=jnp.float32)

    @pl.when(i == pl.num_programs(0) - 1)
    def _():
        cnt = float(N * D)
        mu = ssum[0] / cnt
        var = (ssq[0] - cnt * mu * mu) / (cnt - 1.0)
        rstd = lax.rsqrt(var)
        wsum = jnp.sum(w, axis=1)
        k12 = jnp.sum(wsum * (a1 + a2))
        c12 = mu * rstd * k12
        lane = lax.broadcasted_iota(jnp.int32, (1, H), 1)
        row1 = jnp.where(lane == 0, mu,
                         jnp.where(lane == 1, rstd,
                                   jnp.where(lane == 2, c12, 0.0)))
        stats_ref[0:1, :] = (mu * rstd) * wsum[None, :]
        stats_ref[1:2, :] = row1
        stats_ref[2:8, :] = jnp.zeros((6, H), jnp.float32)


def _front(x_p, W_fc, a_w):
    return pl.pallas_call(
        _front_body,
        grid=(NBLK,),
        in_specs=[
            pl.BlockSpec((BLK, D), lambda i: (i, 0)),
            pl.BlockSpec((H, D), lambda i: (0, 0)),
            pl.BlockSpec((1, 2 * H), lambda i: (0, 0)),
        ],
        out_specs=[
            pl.BlockSpec((BLK, H), lambda i: (i, 0)),
            pl.BlockSpec((16, BLK), lambda i: (0, i)),
            pl.BlockSpec((8, H), lambda i: (0, 0)),
        ],
        out_shape=[
            jax.ShapeDtypeStruct((NP, H), jnp.float32),
            jax.ShapeDtypeStruct((16, NP), jnp.float32),
            jax.ShapeDtypeStruct((8, H), jnp.float32),
        ],
        scratch_shapes=[pltpu.SMEM((1,), jnp.float32),
                        pltpu.SMEM((1,), jnp.float32)],
    )(x_p, W_fc, a_w)


def _sc_h_body(adj_hbm, sp_hbm, stats_hbm, out_h_hbm, out_hs_hbm,
               s1_v, s2_v, st_v, src_v, dst_v, h_v, hsum_v):
    c = lax.axis_index("c")
    s = lax.axis_index("s")
    wid = s * NC + c

    pltpu.sync_copy(sp_hbm.at[0], s1_v)
    pltpu.sync_copy(sp_hbm.at[1], s2_v)
    pltpu.sync_copy(stats_hbm.at[1, pl.ds(0, 16)], st_v)
    stv = st_v[...]
    rstd = stv[1]
    c12 = stv[2]

    def zh(t, carry):
        hsum_v[pl.ds(t * 16, 16)] = jnp.zeros((16,), jnp.float32)
        return carry

    lax.fori_loop(0, NP // 16, zh, 0)

    base0 = wid * EPW
    pltpu.sync_copy(adj_hbm.at[pl.ds(base0, EPW)], src_v)
    pltpu.sync_copy(adj_hbm.at[pl.ds(E + base0, EPW)], dst_v)

    UN = 5

    def grp(j4, carry):
        acc = []
        for t in range(UN):
            j = j4 * UN + t
            s16 = src_v[pl.ds(j * 16, 16)]
            d16 = dst_v[pl.ds(j * 16, 16)]
            g = plsc.load_gather(s1_v, [s16]) + plsc.load_gather(s2_v, [d16])
            lg = g * rstd - c12
            lg = jnp.where(lg >= 0.0, lg, 0.05 * lg)
            acc.append((s16, jnp.exp(lg)))
        for t, (s16, h16) in enumerate(acc):
            h_v[pl.ds((j4 * UN + t) * 16, 16)] = h16
        for t, (s16, h16) in enumerate(acc):
            plsc.addupdate_scatter(hsum_v, [s16], h16)
        return carry

    lax.fori_loop(0, EPW // 16 // UN, grp, 0)
    pltpu.sync_copy(h_v, out_h_hbm.at[pl.ds(base0, EPW)])
    pltpu.sync_copy(hsum_v, out_hs_hbm.at[wid])


def _sc_h(adj, s_pair, stats):
    mesh = plsc.VectorSubcoreMesh(core_axis_name="c", subcore_axis_name="s")
    f = pl.kernel(
        _sc_h_body,
        out_type=[
            jax.ShapeDtypeStruct((E,), jnp.float32),
            jax.ShapeDtypeStruct((NWORK, NP), jnp.float32),
        ],
        mesh=mesh,
        scratch_types=[
            pltpu.VMEM((NP,), jnp.float32),
            pltpu.VMEM((NP,), jnp.float32),
            pltpu.VMEM((16,), jnp.float32),
            pltpu.VMEM((EPW,), jnp.int32),
            pltpu.VMEM((EPW,), jnp.int32),
            pltpu.VMEM((EPW,), jnp.float32),
            pltpu.VMEM((NP,), jnp.float32),
        ],
        compiler_params=pltpu.CompilerParams(needs_layout_passes=False),
    )
    return f(adj, s_pair, stats)


NBUF = 4
NB4 = (NB - 1) // NBUF


def _sc_scatter_body(adj_hbm, h_hbm, z_hbm, out_u_hbm,
                     s0_v, s1_v, s2_v, s3_v, d0_v, d1_v, d2_v, d3_v,
                     h0_v, h1_v, h2_v, h3_v, r0_v, r1_v, r2_v, r3_v, u_sh,
                     i0, i1, i2, i3, g0, g1, g2, g3, t0, t1, t2, t3):
    c = lax.axis_index("c")
    s = lax.axis_index("s")
    wid = s * NC + c
    base0 = wid * EPW

    src_bufs = (s0_v, s1_v, s2_v, s3_v)
    dst_bufs = (d0_v, d1_v, d2_v, d3_v)
    h_bufs = (h0_v, h1_v, h2_v, h3_v)
    row_bufs = (r0_v, r1_v, r2_v, r3_v)
    isems = (i0, i1, i2, i3)
    gsems = (g0, g1, g2, g3)
    ssems = (t0, t1, t2, t3)

    def zrow(e, carry):
        for q in range(H // 16):
            r0_v[e, pl.ds(q * 16, 16)] = jnp.zeros((16,), jnp.float32)
        return carry

    lax.fori_loop(0, K, zrow, 0)
    row0 = s * ROWS_PW
    for j in range(ROWS_PW // K):
        pltpu.sync_copy(r0_v, u_sh.at[pl.ds(row0 + j * K, K)])
    plsc.subcore_barrier()

    def stage_idx(b, par):
        pltpu.async_copy(adj_hbm.at[pl.ds(base0 + b * K, K)],
                         src_bufs[par], isems[par])
        pltpu.async_copy(adj_hbm.at[pl.ds(E + base0 + b * K, K)],
                         dst_bufs[par], isems[par])
        pltpu.async_copy(h_hbm.at[pl.ds(base0 + b * K, K)], h_bufs[par],
                         isems[par])

    def wait_idx(par):
        pltpu.make_async_copy(adj_hbm.at[pl.ds(base0, K)], src_bufs[par],
                              isems[par]).wait()
        pltpu.make_async_copy(adj_hbm.at[pl.ds(E + base0, K)], dst_bufs[par],
                              isems[par]).wait()
        pltpu.make_async_copy(h_hbm.at[pl.ds(base0, K)], h_bufs[par],
                              isems[par]).wait()

    def start_gather(par):
        pltpu.async_copy(z_hbm.at[dst_bufs[par]], row_bufs[par], gsems[par])

    def wait_gather(par):
        pltpu.make_async_copy(z_hbm.at[dst_bufs[par]], row_bufs[par],
                              gsems[par]).wait()

    def scale(par):
        rows = row_bufs[par]
        hb = h_bufs[par]

        def erow(e4, carry):
            hss = []
            for t in range(4):
                e = e4 * 4 + t
                ev = jnp.full((16,), 0, jnp.int32) + e
                hss.append(plsc.load_gather(hb, [ev]))
            for t in range(4):
                e = e4 * 4 + t
                for q in range(H // 16):
                    rows[e, pl.ds(q * 16, 16)] = (
                        rows[e, pl.ds(q * 16, 16)] * hss[t])
            return carry

        lax.fori_loop(0, K // 4, erow, 0)

    def start_scatter(par):
        pltpu.async_copy(row_bufs[par], u_sh.at[src_bufs[par]], ssems[par],
                         add=True)

    def wait_scatter(par):
        pltpu.make_async_copy(row_bufs[par], u_sh.at[src_bufs[par]],
                              ssems[par]).wait()

    stage_idx(0, 0)
    stage_idx(1, 1)
    stage_idx(2, 2)
    wait_idx(0)
    start_gather(0)
    wait_idx(1)
    start_gather(1)

    def step(b, par):
        wait_gather(par)
        scale(par)
        start_scatter(par)
        nb3 = b + 3
        pn3 = (par + 3) % NBUF

        @pl.when(nb3 < NB)
        def _():
            @pl.when(b >= 1)
            def _():
                wait_scatter(pn3)

            stage_idx(nb3, pn3)

        nb2 = b + 2
        pn2 = (par + 2) % NBUF

        @pl.when(nb2 < NB)
        def _():
            wait_idx(pn2)
            start_gather(pn2)

    def quad(q, carry):
        b = q * NBUF
        step(b, 0)
        step(b + 1, 1)
        step(b + 2, 2)
        step(b + 3, 3)
        return carry

    lax.fori_loop(0, NB4, quad, 0)
    step(NB - 1, (NB - 1) % NBUF)

    for b in (NB - 4, NB - 3, NB - 2, NB - 1):
        wait_scatter(b % NBUF)

    plsc.subcore_barrier()
    pltpu.sync_copy(u_sh.at[pl.ds(row0, ROWS_PW)],
                    out_u_hbm.at[c, pl.ds(row0, ROWS_PW)])


def _sc_scatter(adj, h_all, zraw):
    mesh = plsc.VectorSubcoreMesh(core_axis_name="c", subcore_axis_name="s")
    f = pl.kernel(
        _sc_scatter_body,
        out_type=jax.ShapeDtypeStruct((NC, NP, H), jnp.float32),
        mesh=mesh,
        scratch_types=(
            [pltpu.VMEM((K,), jnp.int32)] * NBUF
            + [pltpu.VMEM((K,), jnp.int32)] * NBUF
            + [pltpu.VMEM((K,), jnp.float32)] * NBUF
            + [pltpu.VMEM((K, H), jnp.float32)] * NBUF
            + [pltpu.VMEM_SHARED((NP, H), jnp.float32)]
            + [pltpu.SemaphoreType.DMA] * (3 * NBUF)
        ),
        compiler_params=pltpu.CompilerParams(needs_layout_passes=False),
    )
    return f(adj, h_all, zraw)


def _post_body(p_ref, h_ref, idx_ref, stats_ref, gamma_ref, beta_ref,
               fc1w_ref, fc1b_ref, fc2w_ref, fc2b_ref, out_ref, acc_ref):
    i = pl.program_id(0)

    @pl.when(i == 0)
    def _():
        acc_ref[...] = jnp.zeros_like(acc_ref)

    u = p_ref[0] + p_ref[1]
    hs = jnp.sum(h_ref[...], axis=0)[:, None]
    muwr = stats_ref[0:1, :]
    rstd = stats_ref[1, 1]
    hs_safe = jnp.where(hs > 0.0, hs, 1.0)
    xh = jnp.maximum((u * rstd - hs * muwr) / hs_safe, 0.0)

    idxb = idx_ref[0, 0, :]
    oh = (idxb[:, None] == lax.broadcasted_iota(jnp.int32, (1, G), 1)
          ).astype(jnp.float32)
    acc_ref[...] += lax.dot_general(oh, xh, (((0,), (0,)), ((), ())),
                                    preferred_element_type=jnp.float32)

    @pl.when(i == pl.num_programs(0) - 1)
    def _():
        pooled = acc_ref[...]
        mean = jnp.mean(pooled, axis=0, keepdims=True)
        var = jnp.mean((pooled - mean) ** 2, axis=0, keepdims=True)
        xb = (pooled - mean) * lax.rsqrt(var + 1e-5)
        xb = xb * gamma_ref[...] + beta_ref[...]
        y = jnp.maximum(
            jnp.dot(xb, fc1w_ref[...].T, preferred_element_type=jnp.float32)
            + fc1b_ref[...], 0.0)
        y = (jnp.dot(y, fc2w_ref[...].T, preferred_element_type=jnp.float32)
             + fc2b_ref[...])
        m = jnp.max(y, axis=1, keepdims=True)
        ly = y - m
        lse = jnp.log(jnp.sum(jnp.exp(ly), axis=1, keepdims=True))
        out_ref[...] = ly - lse


def _post(partials, hsums, idx3, stats, bn_gamma, bn_beta, fc1_w, fc1_b,
          fc2_w, fc2_b):
    return pl.pallas_call(
        _post_body,
        grid=(NBLK,),
        in_specs=[
            pl.BlockSpec((NC, BLK, H), lambda i: (0, i, 0)),
            pl.BlockSpec((NWORK, BLK), lambda i: (0, i)),
            pl.BlockSpec((1, 1, BLK), lambda i: (i, 0, 0)),
            pl.BlockSpec((8, H), lambda i: (0, 0)),
            pl.BlockSpec((1, H), lambda i: (0, 0)),
            pl.BlockSpec((1, H), lambda i: (0, 0)),
            pl.BlockSpec((H, H), lambda i: (0, 0)),
            pl.BlockSpec((1, H), lambda i: (0, 0)),
            pl.BlockSpec((C, H), lambda i: (0, 0)),
            pl.BlockSpec((1, C), lambda i: (0, 0)),
        ],
        out_specs=pl.BlockSpec((G, C), lambda i: (0, 0)),
        out_shape=jax.ShapeDtypeStruct((G, C), jnp.float32),
        scratch_shapes=[pltpu.VMEM((G, H), jnp.float32)],
    )(partials, hsums, idx3, stats, bn_gamma[None, :], bn_beta[None, :],
      fc1_w, fc1_b[None, :], fc2_w, fc2_b[None, :])


def kernel(x_in, adj, idx, W_fc, a_w, fc1_w, fc1_b, fc2_w, fc2_b,
           bn_gamma, bn_beta):
    x_p = jnp.pad(x_in, ((0, NP - N), (0, 0)))
    zraw, s_pair, stats = _front(x_p, W_fc, a_w)
    adj_flat = jnp.reshape(adj, (2 * E,))
    h_all, hsums = _sc_h(adj_flat, s_pair, stats)
    partials = _sc_scatter(adj_flat, h_all, zraw)
    idx3 = jnp.pad(idx, (0, NP - N)).reshape(NBLK, 1, BLK)
    return _post(partials, hsums, idx3, stats, bn_gamma, bn_beta, fc1_w,
                 fc1_b, fc2_w, fc2_b)

# --- scband reference (transcript-rebuilt; emitter-appended) ---
"""Pipeline reference for scband-gat-7224134992179 (READ-ONLY COPY).

The authoritative reference and input builder live on the scoring server;
editing this copy changes nothing except your own understanding.
"""

import jax, jax.numpy as jnp
import numpy as np

N = 10000
E = 320000
D = 128
H = 128
C = 16
G = 128

def setup_inputs(seed: int = 0) -> dict:
    key = jax.random.key(seed)
    ks = jax.random.split(key, 12)
    x_in = jax.random.normal(ks[0], (N, D), dtype=jnp.float32)
    adj = jax.random.randint(ks[1], (2, E), 0, N, dtype=jnp.int32)
    idx = jnp.sort(jax.random.randint(ks[2], (N,), 0, G, dtype=jnp.int32))
    idx = idx.at[-1].set(G - 1)  # ensure max(idx)+1 == G
    W_fc = jax.random.normal(ks[3], (H, D), dtype=jnp.float32) * 0.05
    a_w = jax.random.normal(ks[4], (1, 2 * H), dtype=jnp.float32) * 0.05
    fc1_w = jax.random.normal(ks[5], (H, H), dtype=jnp.float32) * 0.05
    fc1_b = jnp.zeros((H,), dtype=jnp.float32)
    fc2_w = jax.random.normal(ks[6], (C, H), dtype=jnp.float32) * 0.05
    fc2_b = jnp.zeros((C,), dtype=jnp.float32)
    bn_gamma = jnp.ones((H,), dtype=jnp.float32)
    bn_beta = jnp.zeros((H,), dtype=jnp.float32)
    return {"x_in": x_in, "adj": adj, "idx": idx, "W_fc": W_fc, "a_w": a_w,
            "fc1_w": fc1_w, "fc1_b": fc1_b, "fc2_w": fc2_w, "fc2_b": fc2_b,
            "bn_gamma": bn_gamma, "bn_beta": bn_beta}

def reference(x_in, adj, idx, W_fc, a_w, fc1_w, fc1_b, fc2_w, fc2_b, bn_gamma, bn_beta):
    # input standardization (torch std is unbiased, ddof=1)
    x = (x_in - jnp.mean(x_in)) / jnp.std(x_in, ddof=1)
    # GATLayer
    z = x @ W_fc.T                                   # [N, H]
    src = adj[0]
    dst = adj[1]
    h = jnp.concatenate([z[src], z[dst]], axis=1) @ a_w.T   # [E, 1]
    h = jnp.where(h >= 0, h, 0.05 * h)               # LeakyReLU(0.05)
    h = jnp.exp(h.squeeze(-1))                       # [E]
    h_sum = jax.ops.segment_sum(h, src, num_segments=N)
    h_norm = h_sum[src]
    alpha = h / h_norm
    out_mp = jax.ops.segment_sum(alpha[:, None] * z[dst], src, num_segments=N)  # sparse.mm(adj_att, z)
    xh = jax.nn.relu(out_mp)
    # dropout: identity (eval semantics)
    pooled = jax.ops.segment_sum(xh, idx, num_segments=G)    # scatter_add graph pooling
    # BatchNorm1d with batch statistics (training-mode normalization, biased var)
    mean = jnp.mean(pooled, axis=0)
    var = jnp.var(pooled, axis=0)
    xb = (pooled - mean) / jnp.sqrt(var + 1e-5) * bn_gamma + bn_beta
    y = jax.nn.relu(xb @ fc1_w.T + fc1_b)
    y = y @ fc2_w.T + fc2_b
    return jax.nn.log_softmax(y, axis=1)

if __name__ == "__main__":
    import jax
    _d = setup_inputs()
    print(jax.jit(kernel)(*tuple(_d.values())))

</pallas_src>

<mosaic_0001>
#map = affine_map<(d0, d1) -> (0)>
#map1 = affine_map<(d0, d1) -> (0, 0)>
module attributes {stable_mosaic.version = 14 : i64} {
  func.func @_sc_h_body(%arg0: i32, %arg1: i32, %arg2: memref<640000xi32, #tpu.memory_space<hbm>>, %arg3: memref<16x10240xf32, #tpu.memory_space<hbm>>, %arg4: memref<8x128xf32, #tpu.memory_space<hbm>>, %arg5: memref<320000xf32, #tpu.memory_space<hbm>>, %arg6: memref<32x10240xf32, #tpu.memory_space<hbm>>, %arg7: memref<10240xf32, #tpu.memory_space<vmem>>, %arg8: memref<10240xf32, #tpu.memory_space<vmem>>, %arg9: memref<16xf32, #tpu.memory_space<vmem>>, %arg10: memref<10000xi32, #tpu.memory_space<vmem>>, %arg11: memref<10000xi32, #tpu.memory_space<vmem>>, %arg12: memref<10000xf32, #tpu.memory_space<vmem>>, %arg13: memref<10240xf32, #tpu.memory_space<vmem>>) attributes {dimension_semantics = [#tpu.dimension_semantics<core_parallel>, #tpu.dimension_semantics<subcore_parallel>], iteration_bounds = array<i64: 2, 16>, scalar_prefetch = 0 : i64, scratch_operands = 7 : i64, tpu.core_type = #tpu.core_type<sc_vector_subcore>, window_params = [{transform_indices = #map}, {transform_indices = #map1}, {transform_indices = #map1}, {transform_indices = #map}, {transform_indices = #map1}]} {
    %mul3A = arith.constant 2 : i32
    %mul3A_0 = arith.muli %arg1, %mul3A : i32
    %add3A = arith.addi %mul3A_0, %arg0 : i32
    %run_scoped3A = arith.constant 0 : i32
    "tpu.region"() ({
      %run_scoped3A_21 = tpu.sem_alloc : memref<!tpu.dma_semaphore, #tpu.memory_space<semaphore_mem>>
      %dma_start3A = arith.constant 0 : i32
      %dma_start3A_22 = tpu.memref_slice %arg3[%run_scoped3A, %dma_start3A] : memref<16x10240xf32, #tpu.memory_space<hbm>> -> memref<1x10240xf32, #tpu.memory_space<hbm>>
      %dma_start3A_23 = tpu.memref_squeeze %dma_start3A_22 : memref<1x10240xf32, #tpu.memory_space<hbm>> -> memref<10240xf32, #tpu.memory_space<hbm>>
      %dma_start3A_24 = arith.constant 0 : i32
      %dma_start3A_25 = tpu.memref_slice %arg3[%run_scoped3A, %dma_start3A_24] : memref<16x10240xf32, #tpu.memory_space<hbm>> -> memref<1x10240xf32, #tpu.memory_space<hbm>>
      %dma_start3A_26 = tpu.memref_squeeze %dma_start3A_25 : memref<1x10240xf32, #tpu.memory_space<hbm>> -> memref<10240xf32, #tpu.memory_space<hbm>>
      tpu.enqueue_dma source(%dma_start3A_26 : memref<10240xf32, #tpu.memory_space<hbm>>) target(%arg7 : memref<10240xf32, #tpu.memory_space<vmem>>) target_semaphore(%run_scoped3A_21 : memref<!tpu.dma_semaphore, #tpu.memory_space<semaphore_mem>>)
      %dma_wait3A = arith.constant 0 : i32
      %dma_wait3A_27 = tpu.memref_slice %arg3[%run_scoped3A, %dma_wait3A] : memref<16x10240xf32, #tpu.memory_space<hbm>> -> memref<1x10240xf32, #tpu.memory_space<hbm>>
      %dma_wait3A_28 = tpu.memref_squeeze %dma_wait3A_27 : memref<1x10240xf32, #tpu.memory_space<hbm>> -> memref<10240xf32, #tpu.memory_space<hbm>>
      %dma_wait3A_29 = arith.constant 0 : i32
      %dma_wait3A_30 = tpu.memref_slice %arg3[%run_scoped3A, %dma_wait3A_29] : memref<16x10240xf32, #tpu.memory_space<hbm>> -> memref<1x10240xf32, #tpu.memory_space<hbm>>
      %dma_wait3A_31 = tpu.memref_squeeze %dma_wait3A_30 : memref<1x10240xf32, #tpu.memory_space<hbm>> -> memref<10240xf32, #tpu.memory_space<hbm>>
      tpu.wait_dma2 semaphore(%run_scoped3A_21 : memref<!tpu.dma_semaphore, #tpu.memory_space<semaphore_mem>>) src(%dma_wait3A_31 : memref<10240xf32, #tpu.memory_space<hbm>>) dst(%arg7 : memref<10240xf32, #tpu.memory_space<vmem>>)
      tpu.yield
    }) : () -> ()
    %run_scoped3A_1 = arith.constant 1 : i32
    "tpu.region"() ({
      %run_scoped3A_21 = tpu.sem_alloc : memref<!tpu.dma_semaphore, #tpu.memory_space<semaphore_mem>>
      %dma_start3A = arith.constant 0 : i32
      %dma_start3A_22 = tpu.memref_slice %arg3[%run_scoped3A_1, %dma_start3A] : memref<16x10240xf32, #tpu.memory_space<hbm>> -> memref<1x10240xf32, #tpu.memory_space<hbm>>
      %dma_start3A_23 = tpu.memref_squeeze %dma_start3A_22 : memref<1x10240xf32, #tpu.memory_space<hbm>> -> memref<10240xf32, #tpu.memory_space<hbm>>
      %dma_start3A_24 = arith.constant 0 : i32
      %dma_start3A_25 = tpu.memref_slice %arg3[%run_scoped3A_1, %dma_start3A_24] : memref<16x10240xf32, #tpu.memory_space<hbm>> -> memref<1x10240xf32, #tpu.memory_space<hbm>>
      %dma_start3A_26 = tpu.memref_squeeze %dma_start3A_25 : memref<1x10240xf32, #tpu.memory_space<hbm>> -> memref<10240xf32, #tpu.memory_space<hbm>>
      tpu.enqueue_dma source(%dma_start3A_26 : memref<10240xf32, #tpu.memory_space<hbm>>) target(%arg8 : memref<10240xf32, #tpu.memory_space<vmem>>) target_semaphore(%run_scoped3A_21 : memref<!tpu.dma_semaphore, #tpu.memory_space<semaphore_mem>>)
      %dma_wait3A = arith.constant 0 : i32
      %dma_wait3A_27 = tpu.memref_slice %arg3[%run_scoped3A_1, %dma_wait3A] : memref<16x10240xf32, #tpu.memory_space<hbm>> -> memref<1x10240xf32, #tpu.memory_space<hbm>>
      %dma_wait3A_28 = tpu.memref_squeeze %dma_wait3A_27 : memref<1x10240xf32, #tpu.memory_space<hbm>> -> memref<10240xf32, #tpu.memory_space<hbm>>
      %dma_wait3A_29 = arith.constant 0 : i32
      %dma_wait3A_30 = tpu.memref_slice %arg3[%run_scoped3A_1, %dma_wait3A_29] : memref<16x10240xf32, #tpu.memory_space<hbm>> -> memref<1x10240xf32, #tpu.memory_space<hbm>>
      %dma_wait3A_31 = tpu.memref_squeeze %dma_wait3A_30 : memref<1x10240xf32, #tpu.memory_space<hbm>> -> memref<10240xf32, #tpu.memory_space<hbm>>
      tpu.wait_dma2 semaphore(%run_scoped3A_21 : memref<!tpu.dma_semaphore, #tpu.memory_space<semaphore_mem>>) src(%dma_wait3A_31 : memref<10240xf32, #tpu.memory_space<hbm>>) dst(%arg8 : memref<10240xf32, #tpu.memory_space<vmem>>)
      tpu.yield
    }) : () -> ()
    %run_scoped3A_2 = arith.constant 1 : i32
    "tpu.region"() ({
      %run_scoped3A_21 = tpu.sem_alloc : memref<!tpu.dma_semaphore, #tpu.memory_space<semaphore_mem>>
      %dma_start3A = arith.constant 0 : i32
      %dma_start3A_22 = tpu.memref_slice %arg4[%run_scoped3A_2, %dma_start3A] : memref<8x128xf32, #tpu.memory_space<hbm>> -> memref<1x16xf32, #tpu.memory_space<hbm>>
      %dma_start3A_23 = tpu.memref_squeeze %dma_start3A_22 : memref<1x16xf32, #tpu.memory_space<hbm>> -> memref<16xf32, #tpu.memory_space<hbm>>
      %dma_start3A_24 = arith.constant 0 : i32
      %dma_start3A_25 = tpu.memref_slice %arg4[%run_scoped3A_2, %dma_start3A_24] : memref<8x128xf32, #tpu.memory_space<hbm>> -> memref<1x16xf32, #tpu.memory_space<hbm>>
      %dma_start3A_26 = tpu.memref_squeeze %dma_start3A_25 : memref<1x16xf32, #tpu.memory_space<hbm>> -> memref<16xf32, #tpu.memory_space<hbm>>
      tpu.enqueue_dma source(%dma_start3A_26 : memref<16xf32, #tpu.memory_space<hbm>>) target(%arg9 : memref<16xf32, #tpu.memory_space<vmem>>) target_semaphore(%run_scoped3A_21 : memref<!tpu.dma_semaphore, #tpu.memory_space<semaphore_mem>>)
      %dma_wait3A = arith.constant 0 : i32
      %dma_wait3A_27 = tpu.memref_slice %arg4[%run_scoped3A_2, %dma_wait3A] : memref<8x128xf32, #tpu.memory_space<hbm>> -> memref<1x16xf32, #tpu.memory_space<hbm>>
      %dma_wait3A_28 = tpu.memref_squeeze %dma_wait3A_27 : memref<1x16xf32, #tpu.memory_space<hbm>> -> memref<16xf32, #tpu.memory_space<hbm>>
      %dma_wait3A_29 = arith.constant 0 : i32
      %dma_wait3A_30 = tpu.memref_slice %arg4[%run_scoped3A_2, %dma_wait3A_29] : memref<8x128xf32, #tpu.memory_space<hbm>> -> memref<1x16xf32, #tpu.memory_space<hbm>>
      %dma_wait3A_31 = tpu.memref_squeeze %dma_wait3A_30 : memref<1x16xf32, #tpu.memory_space<hbm>> -> memref<16xf32, #tpu.memory_space<hbm>>
      tpu.wait_dma2 semaphore(%run_scoped3A_21 : memref<!tpu.dma_semaphore, #tpu.memory_space<semaphore_mem>>) src(%dma_wait3A_31 : memref<16xf32, #tpu.memory_space<hbm>>) dst(%arg9 : memref<16xf32, #tpu.memory_space<vmem>>)
      tpu.yield
    }) : () -> ()
    %get3A = arith.constant 0 : index
    %get3A_3 = tpu.vector_load %arg9[%get3A] {strides = array<i32>} : memref<16xf32, #tpu.memory_space<vmem>>, vector<16xf32>,
    %slice3A = vector.extract_strided_slice %get3A_3 {offsets = [1], sizes = [1], strides = [1]} : vector<16xf32> to vector<1xf32>
    %squeeze3A = vector.extract %slice3A[0] : f32 from vector<1xf32>
    %slice3A_4 = vector.extract_strided_slice %get3A_3 {offsets = [2], sizes = [1], strides = [1]} : vector<16xf32> to vector<1xf32>
    %squeeze3A_5 = vector.extract %slice3A_4[0] : f32 from vector<1xf32>
    %scan3A = arith.constant 0 : i32
    %scan3A_6 = arith.constant 0 : i32
    %scan3A_7 = arith.constant 640 : i32
    %scan3A_8 = arith.addi %scan3A_6, %scan3A_7 : i32
    %scan3A_9 = arith.constant 1 : i32
    scf.for %scan3A_21 = %scan3A_6 to %scan3A_8 step %scan3A_9  : i32 {
      %broadcast_in_dim3A = arith.constant 0.000000e+00 : f32
      %broadcast_in_dim3A_22 = vector.broadcast %broadcast_in_dim3A : f32 to vector<16xf32>
      %mul3A_23 = arith.constant 16 : i32
      %mul3A_24 = arith.muli %scan3A_21, %mul3A_23 : i32
      %swap3A = arith.index_cast %mul3A_24 : i32 to index
      %swap3A_25 = tpu.vector_load %arg13[%swap3A] {strides = array<i32>} : memref<10240xf32, #tpu.memory_space<vmem>>, vector<16xf32>,
      tpu.vector_store %arg13[%swap3A], %broadcast_in_dim3A_22 {strides = array<i32>} : memref<10240xf32, #tpu.memory_space<vmem>>, vector<16xf32>,
    }
    %scan3A_10 = arith.constant 640 : i32
    %mul3A_11 = arith.constant 10000 : i32
    %mul3A_12 = arith.muli %add3A, %mul3A_11 : i32
    "tpu.region"() ({
      %run_scoped3A_21 = tpu.sem_alloc : memref<!tpu.dma_semaphore, #tpu.memory_space<semaphore_mem>>
      %dma_start3A = tpu.memref_slice %arg2[%mul3A_12] : memref<640000xi32, #tpu.memory_space<hbm>> -> memref<10000xi32, #tpu.memory_space<hbm>>
      %dma_start3A_22 = tpu.memref_slice %arg2[%mul3A_12] : memref<640000xi32, #tpu.memory_space<hbm>> -> memref<10000xi32, #tpu.memory_space<hbm>>
      tpu.enqueue_dma source(%dma_start3A_22 : memref<10000xi32, #tpu.memory_space<hbm>>) target(%arg10 : memref<10000xi32, #tpu.memory_space<vmem>>) target_semaphore(%run_scoped3A_21 : memref<!tpu.dma_semaphore, #tpu.memory_space<semaphore_mem>>)
      %dma_wait3A = tpu.memref_slice %arg2[%mul3A_12] : memref<640000xi32, #tpu.memory_space<hbm>> -> memref<10000xi32, #tpu.memory_space<hbm>>
      %dma_wait3A_23 = tpu.memref_slice %arg2[%mul3A_12] : memref<640000xi32, #tpu.memory_space<hbm>> -> memref<10000xi32, #tpu.memory_space<hbm>>
      tpu.wait_dma2 semaphore(%run_scoped3A_21 : memref<!tpu.dma_semaphore, #tpu.memory_space<semaphore_mem>>) src(%dma_wait3A_23 : memref<10000xi32, #tpu.memory_space<hbm>>) dst(%arg10 : memref<10000xi32, #tpu.memory_space<vmem>>)
      tpu.yield
    }) : () -> ()
    %add3A_13 = arith.constant 320000 : i32
    %add3A_14 = arith.addi %add3A_13, %mul3A_12 : i32
    "tpu.region"() ({
      %run_scoped3A_21 = tpu.sem_alloc : memref<!tpu.dma_semaphore, #tpu.memory_space<semaphore_mem>>
      %dma_start3A = tpu.memref_slice %arg2[%add3A_14] : memref<640000xi32, #tpu.memory_space<hbm>> -> memref<10000xi32, #tpu.memory_space<hbm>>
      %dma_start3A_22 = tpu.memref_slice %arg2[%add3A_14] : memref<640000xi32, #tpu.memory_space<hbm>> -> memref<10000xi32, #tpu.memory_space<hbm>>
      tpu.enqueue_dma source(%dma_start3A_22 : memref<10000xi32, #tpu.memory_space<hbm>>) target(%arg11 : memref<10000xi32, #tpu.memory_space<vmem>>) target_semaphore(%run_scoped3A_21 : memref<!tpu.dma_semaphore, #tpu.memory_space<semaphore_mem>>)
      %dma_wait3A = tpu.memref_slice %arg2[%add3A_14] : memref<640000xi32, #tpu.memory_space<hbm>> -> memref<10000xi32, #tpu.memory_space<hbm>>
      %dma_wait3A_23 = tpu.memref_slice %arg2[%add3A_14] : memref<640000xi32, #tpu.memory_space<hbm>> -> memref<10000xi32, #tpu.memory_space<hbm>>
      tpu.wait_dma2 semaphore(%run_scoped3A_21 : memref<!tpu.dma_semaphore, #tpu.memory_space<semaphore_mem>>) src(%dma_wait3A_23 : memref<10000xi32, #tpu.memory_space<hbm>>) dst(%arg11 : memref<10000xi32, #tpu.memory_space<vmem>>)
      tpu.yield
    }) : () -> ()
    %scan3A_15 = arith.constant 0 : i32
    %scan3A_16 = arith.constant 0 : i32
    %scan3A_17 = arith.constant 125 : i32
    %scan3A_18 = arith.addi %scan3A_16, %scan3A_17 : i32
    %scan3A_19 = arith.constant 1 : i32
    scf.for %scan3A_21 = %scan3A_16 to %scan3A_18 step %scan3A_19  : i32 {
      %mul3A_22 = arith.constant 5 : i32
      %mul3A_23 = arith.muli %scan3A_21, %mul3A_22 : i32
      %add3A_24 = arith.constant 0 : i32
      %add3A_25 = arith.addi %mul3A_23, %add3A_24 : i32
      %mul3A_26 = arith.constant 16 : i32
      %mul3A_27 = arith.muli %add3A_25, %mul3A_26 : i32
      %get3A_28 = arith.index_cast %mul3A_27 : i32 to index
      %get3A_29 = tpu.vector_load %arg10[%get3A_28] {strides = array<i32>} : memref<10000xi32, #tpu.memory_space<vmem>>, vector<16xi32>,
      %mul3A_30 = arith.constant 16 : i32
      %mul3A_31 = arith.muli %add3A_25, %mul3A_30 : i32
      %get3A_32 = arith.index_cast %mul3A_31 : i32 to index
      %get3A_33 = tpu.vector_load %arg11[%get3A_32] {strides = array<i32>} : memref<10000xi32, #tpu.memory_space<vmem>>, vector<16xi32>,
      %gather3A = tpu.vector_load_idx %arg7[%get3A_29] : memref<10240xf32, #tpu.memory_space<vmem>>[vector<16xi32>], vector<16xf32>,
      %gather3A_34 = tpu.vector_load_idx %arg8[%get3A_33] : memref<10240xf32, #tpu.memory_space<vmem>>[vector<16xi32>], vector<16xf32>,
      %add3A_35 = arith.addf %gather3A, %gather3A_34 : vector<16xf32>
      %mul3A_36 = vector.broadcast %squeeze3A : f32 to vector<16xf32>
      %mul3A_37 = arith.mulf %add3A_35, %mul3A_36 : vector<16xf32>
      %sub3A = vector.broadcast %squeeze3A_5 : f32 to vector<16xf32>
      %sub3A_38 = arith.subf %mul3A_37, %sub3A : vector<16xf32>
      %ge3A = arith.constant 0.000000e+00 : f32
      %ge3A_39 = vector.broadcast %ge3A : f32 to vector<16xf32>
      %ge3A_40 = arith.cmpf oge, %sub3A_38, %ge3A_39 : vector<16xf32>
      %mul3A_41 = arith.constant 5.000000e-02 : f32
      %mul3A_42 = vector.broadcast %mul3A_41 : f32 to vector<16xf32>
      %mul3A_43 = arith.mulf %mul3A_42, %sub3A_38 : vector<16xf32>
      %select_n3A = arith.select %ge3A_40, %sub3A_38, %mul3A_43 : vector<16xi1>, vector<16xf32>
      %exp3A = math.exp %select_n3A : vector<16xf32>
      %mul3A_44 = arith.constant 5 : i32
      %mul3A_45 = arith.muli %scan3A_21, %mul3A_44 : i32
      %add3A_46 = arith.constant 1 : i32
      %add3A_47 = arith.addi %mul3A_45, %add3A_46 : i32
      %mul3A_48 = arith.constant 16 : i32
      %mul3A_49 = arith.muli %add3A_47, %mul3A_48 : i32
      %get3A_50 = arith.index_cast %mul3A_49 : i32 to index
      %get3A_51 = tpu.vector_load %arg10[%get3A_50] {strides = array<i32>} : memref<10000xi32, #tpu.memory_space<vmem>>, vector<16xi32>,
      %mul3A_52 = arith.constant 16 : i32
      %mul3A_53 = arith.muli %add3A_47, %mul3A_52 : i32
      %get3A_54 = arith.index_cast %mul3A_53 : i32 to index
      %get3A_55 = tpu.vector_load %arg11[%get3A_54] {strides = array<i32>} : memref<10000xi32, #tpu.memory_space<vmem>>, vector<16xi32>,
      %gather3A_56 = tpu.vector_load_idx %arg7[%get3A_51] : memref<10240xf32, #tpu.memory_space<vmem>>[vector<16xi32>], vector<16xf32>,
      %gather3A_57 = tpu.vector_load_idx %arg8[%get3A_55] : memref<10240xf32, #tpu.memory_space<vmem>>[vector<16xi32>], vector<16xf32>,
      %add3A_58 = arith.addf %gather3A_56, %gather3A_57 : vector<16xf32>
      %mul3A_59 = vector.broadcast %squeeze3A : f32 to vector<16xf32>
      %mul3A_60 = arith.mulf %add3A_58, %mul3A_59 : vector<16xf32>
      %sub3A_61 = vector.broadcast %squeeze3A_5 : f32 to vector<16xf32>
      %sub3A_62 = arith.subf %mul3A_60, %sub3A_61 : vector<16xf32>
      %ge3A_63 = arith.constant 0.000000e+00 : f32
      %ge3A_64 = vector.broadcast %ge3A_63 : f32 to vector<16xf32>
      %ge3A_65 = arith.cmpf oge, %sub3A_62, %ge3A_64 : vector<16xf32>
      %mul3A_66 = arith.constant 5.000000e-02 : f32
      %mul3A_67 = vector.broadcast %mul3A_66 : f32 to vector<16xf32>
      %mul3A_68 = arith.mulf %mul3A_67, %sub3A_62 : vector<16xf32>
      %select_n3A_69 = arith.select %ge3A_65, %sub3A_62, %mul3A_68 : vector<16xi1>, vector<16xf32>
      %exp3A_70 = math.exp %select_n3A_69 : vector<16xf32>
      %mul3A_71 = arith.constant 5 : i32
      %mul3A_72 = arith.muli %scan3A_21, %mul3A_71 : i32
      %add3A_73 = arith.constant 2 : i32
      %add3A_74 = arith.addi %mul3A_72, %add3A_73 : i32
      %mul3A_75 = arith.constant 16 : i32
      %mul3A_76 = arith.muli %add3A_74, %mul3A_75 : i32
      %get3A_77 = arith.index_cast %mul3A_76 : i32 to index
      %get3A_78 = tpu.vector_load %arg10[%get3A_77] {strides = array<i32>} : memref<10000xi32, #tpu.memory_space<vmem>>, vector<16xi32>,
      %mul3A_79 = arith.constant 16 : i32
      %mul3A_80 = arith.muli %add3A_74, %mul3A_79 : i32
      %get3A_81 = arith.index_cast %mul3A_80 : i32 to index
      %get3A_82 = tpu.vector_load %arg11[%get3A_81] {strides = array<i32>} : memref<10000xi32, #tpu.memory_space<vmem>>, vector<16xi32>,
      %gather3A_83 = tpu.vector_load_idx %arg7[%get3A_78] : memref<10240xf32, #tpu.memory_space<vmem>>[vector<16xi32>], vector<16xf32>,
      %gather3A_84 = tpu.vector_load_idx %arg8[%get3A_82] : memref<10240xf32, #tpu.memory_space<vmem>>[vector<16xi32>], vector<16xf32>,
      %add3A_85 = arith.addf %gather3A_83, %gather3A_84 : vector<16xf32>
      %mul3A_86 = vector.broadcast %squeeze3A : f32 to vector<16xf32>
      %mul3A_87 = arith.mulf %add3A_85, %mul3A_86 : vector<16xf32>
      %sub3A_88 = vector.broadcast %squeeze3A_5 : f32 to vector<16xf32>
      %sub3A_89 = arith.subf %mul3A_87, %sub3A_88 : vector<16xf32>
      %ge3A_90 = arith.constant 0.000000e+00 : f32
      %ge3A_91 = vector.broadcast %ge3A_90 : f32 to vector<16xf32>
      %ge3A_92 = arith.cmpf oge, %sub3A_89, %ge3A_91 : vector<16xf32>
      %mul3A_93 = arith.constant 5.000000e-02 : f32
      %mul3A_94 = vector.broadcast %mul3A_93 : f32 to vector<16xf32>
      %mul3A_95 = arith.mulf %mul3A_94, %sub3A_89 : vector<16xf32>
      %select_n3A_96 = arith.select %ge3A_92, %sub3A_89, %mul3A_95 : vector<16xi1>, vector<16xf32>
      %exp3A_97 = math.exp %select_n3A_96 : vector<16xf32>
      %mul3A_98 = arith.constant 5 : i32
      %mul3A_99 = arith.muli %scan3A_21, %mul3A_98 : i32
      %add3A_100 = arith.constant 3 : i32
      %add3A_101 = arith.addi %mul3A_99, %add3A_100 : i32
      %mul3A_102 = arith.constant 16 : i32
      %mul3A_103 = arith.muli %add3A_101, %mul3A_102 : i32
      %get3A_104 = arith.index_cast %mul3A_103 : i32 to index
      %get3A_105 = tpu.vector_load %arg10[%get3A_104] {strides = array<i32>} : memref<10000xi32, #tpu.memory_space<vmem>>, vector<16xi32>,
      %mul3A_106 = arith.constant 16 : i32
      %mul3A_107 = arith.muli %add3A_101, %mul3A_106 : i32
      %get3A_108 = arith.index_cast %mul3A_107 : i32 to index
      %get3A_109 = tpu.vector_load %arg11[%get3A_108] {strides = array<i32>} : memref<10000xi32, #tpu.memory_space<vmem>>, vector<16xi32>,
      %gather3A_110 = tpu.vector_load_idx %arg7[%get3A_105] : memref<10240xf32, #tpu.memory_space<vmem>>[vector<16xi32>], vector<16xf32>,
      %gather3A_111 = tpu.vector_load_idx %arg8[%get3A_109] : memref<10240xf32, #tpu.memory_space<vmem>>[vector<16xi32>], vector<16xf32>,
      %add3A_112 = arith.addf %gather3A_110, %gather3A_111 : vector<16xf32>
      %mul3A_113 = vector.broadcast %squeeze3A : f32 to vector<16xf32>
      %mul3A_114 = arith.mulf %add3A_112, %mul3A_113 : vector<16xf32>
      %sub3A_115 = vector.broadcast %squeeze3A_5 : f32 to vector<16xf32>
      %sub3A_116 = arith.subf %mul3A_114, %sub3A_115 : vector<16xf32>
      %ge3A_117 = arith.constant 0.000000e+00 : f32
      %ge3A_118 = vector.broadcast %ge3A_117 : f32 to vector<16xf32>
      %ge3A_119 = arith.cmpf oge, %sub3A_116, %ge3A_118 : vector<16xf32>
      %mul3A_120 = arith.constant 5.000000e-02 : f32
      %mul3A_121 = vector.broadcast %mul3A_120 : f32 to vector<16xf32>
      %mul3A_122 = arith.mulf %mul3A_121, %sub3A_116 : vector<16xf32>
      %select_n3A_123 = arith.select %ge3A_119, %sub3A_116, %mul3A_122 : vector<16xi1>, vector<16xf32>
      %exp3A_124 = math.exp %select_n3A_123 : vector<16xf32>
      %mul3A_125 = arith.constant 5 : i32
      %mul3A_126 = arith.muli %scan3A_21, %mul3A_125 : i32
      %add3A_127 = arith.constant 4 : i32
      %add3A_128 = arith.addi %mul3A_126, %add3A_127 : i32
      %mul3A_129 = arith.constant 16 : i32
      %mul3A_130 = arith.muli %add3A_128, %mul3A_129 : i32
      %get3A_131 = arith.index_cast %mul3A_130 : i32 to index
      %get3A_132 = tpu.vector_load %arg10[%get3A_131] {strides = array<i32>} : memref<10000xi32, #tpu.memory_space<vmem>>, vector<16xi32>,
      %mul3A_133 = arith.constant 16 : i32
      %mul3A_134 = arith.muli %add3A_128, %mul3A_133 : i32
      %get3A_135 = arith.index_cast %mul3A_134 : i32 to index
      %get3A_136 = tpu.vector_load %arg11[%get3A_135] {strides = array<i32>} : memref<10000xi32, #tpu.memory_space<vmem>>, vector<16xi32>,
      %gather3A_137 = tpu.vector_load_idx %arg7[%get3A_132] : memref<10240xf32, #tpu.memory_space<vmem>>[vector<16xi32>], vector<16xf32>,
      %gather3A_138 = tpu.vector_load_idx %arg8[%get3A_136] : memref<10240xf32, #tpu.memory_space<vmem>>[vector<16xi32>], vector<16xf32>,
      %add3A_139 = arith.addf %gather3A_137, %gather3A_138 : vector<16xf32>
      %mul3A_140 = vector.broadcast %squeeze3A : f32 to vector<16xf32>
      %mul3A_141 = arith.mulf %add3A_139, %mul3A_140 : vector<16xf32>
      %sub3A_142 = vector.broadcast %squeeze3A_5 : f32 to vector<16xf32>
      %sub3A_143 = arith.subf %mul3A_141, %sub3A_142 : vector<16xf32>
      %ge3A_144 = arith.constant 0.000000e+00 : f32
      %ge3A_145 = vector.broadcast %ge3A_144 : f32 to vector<16xf32>
      %ge3A_146 = arith.cmpf oge, %sub3A_143, %ge3A_145 : vector<16xf32>
      %mul3A_147 = arith.constant 5.000000e-02 : f32
      %mul3A_148 = vector.broadcast %mul3A_147 : f32 to vector<16xf32>
      %mul3A_149 = arith.mulf %mul3A_148, %sub3A_143 : vector<16xf32>
      %select_n3A_150 = arith.select %ge3A_146, %sub3A_143, %mul3A_149 : vector<16xi1>, vector<16xf32>
      %exp3A_151 = math.exp %select_n3A_150 : vector<16xf32>
      %mul3A_152 = arith.constant 5 : i32
      %mul3A_153 = arith.muli %scan3A_21, %mul3A_152 : i32
      %add3A_154 = arith.constant 0 : i32
      %add3A_155 = arith.addi %mul3A_153, %add3A_154 : i32
      %mul3A_156 = arith.constant 16 : i32
      %mul3A_157 = arith.muli %add3A_155, %mul3A_156 : i32
      %swap3A = arith.index_cast %mul3A_157 : i32 to index
      %swap3A_158 = tpu.vector_load %arg12[%swap3A] {strides = array<i32>} : memref<10000xf32, #tpu.memory_space<vmem>>, vector<16xf32>,
      tpu.vector_store %arg12[%swap3A], %exp3A {strides = array<i32>} : memref<10000xf32, #tpu.memory_space<vmem>>, vector<16xf32>,
      %mul3A_159 = arith.constant 5 : i32
      %mul3A_160 = arith.muli %scan3A_21, %mul3A_159 : i32
      %add3A_161 = arith.constant 1 : i32
      %add3A_162 = arith.addi %mul3A_160, %add3A_161 : i32
      %mul3A_163 = arith.constant 16 : i32
      %mul3A_164 = arith.muli %add3A_162, %mul3A_163 : i32
      %swap3A_165 = arith.index_cast %mul3A_164 : i32 to index
      %swap3A_166 = tpu.vector_load %arg12[%swap3A_165] {strides = array<i32>} : memref<10000xf32, #tpu.memory_space<vmem>>, vector<16xf32>,
      tpu.vector_store %arg12[%swap3A_165], %exp3A_70 {strides = array<i32>} : memref<10000xf32, #tpu.memory_space<vmem>>, vector<16xf32>,
      %mul3A_167 = arith.constant 5 : i32
      %mul3A_168 = arith.muli %scan3A_21, %mul3A_167 : i32
      %add3A_169 = arith.constant 2 : i32
      %add3A_170 = arith.addi %mul3A_168, %add3A_169 : i32
      %mul3A_171 = arith.constant 16 : i32
      %mul3A_172 = arith.muli %add3A_170, %mul3A_171 : i32
      %swap3A_173 = arith.index_cast %mul3A_172 : i32 to index
      %swap3A_174 = tpu.vector_load %arg12[%swap3A_173] {strides = array<i32>} : memref<10000xf32, #tpu.memory_space<vmem>>, vector<16xf32>,
      tpu.vector_store %arg12[%swap3A_173], %exp3A_97 {strides = array<i32>} : memref<10000xf32, #tpu.memory_space<vmem>>, vector<16xf32>,
      %mul3A_175 = arith.constant 5 : i32
      %mul3A_176 = arith.muli %scan3A_21, %mul3A_175 : i32
      %add3A_177 = arith.constant 3 : i32
      %add3A_178 = arith.addi %mul3A_176, %add3A_177 : i32
      %mul3A_179 = arith.constant 16 : i32
      %mul3A_180 = arith.muli %add3A_178, %mul3A_179 : i32
      %swap3A_181 = arith.index_cast %mul3A_180 : i32 to index
      %swap3A_182 = tpu.vector_load %arg12[%swap3A_181] {strides = array<i32>} : memref<10000xf32, #tpu.memory_space<vmem>>, vector<16xf32>,
      tpu.vector_store %arg12[%swap3A_181], %exp3A_124 {strides = array<i32>} : memref<10000xf32, #tpu.memory_space<vmem>>, vector<16xf32>,
      %mul3A_183 = arith.constant 5 : i32
      %mul3A_184 = arith.muli %scan3A_21, %mul3A_183 : i32
      %add3A_185 = arith.constant 4 : i32
      %add3A_186 = arith.addi %mul3A_184, %add3A_185 : i32
      %mul3A_187 = arith.constant 16 : i32
      %mul3A_188 = arith.muli %add3A_186, %mul3A_187 : i32
      %swap3A_189 = arith.index_cast %mul3A_188 : i32 to index
      %swap3A_190 = tpu.vector_load %arg12[%swap3A_189] {strides = array<i32>} : memref<10000xf32, #tpu.memory_space<vmem>>, vector<16xf32>,
      tpu.vector_store %arg12[%swap3A_189], %exp3A_151 {strides = array<i32>} : memref<10000xf32, #tpu.memory_space<vmem>>, vector<16xf32>,
      tpu.vector_store_idx %arg13[%get3A_29], %exp3A {add = true} : memref<10240xf32, #tpu.memory_space<vmem>>[vector<16xi32>], vector<16xf32>,
      tpu.vector_store_idx %arg13[%get3A_51], %exp3A_70 {add = true} : memref<10240xf32, #tpu.memory_space<vmem>>[vector<16xi32>], vector<16xf32>,
      tpu.vector_store_idx %arg13[%get3A_78], %exp3A_97 {add = true} : memref<10240xf32, #tpu.memory_space<vmem>>[vector<16xi32>], vector<16xf32>,
      tpu.vector_store_idx %arg13[%get3A_105], %exp3A_124 {add = true} : memref<10240xf32, #tpu.memory_space<vmem>>[vector<16xi32>], vector<16xf32>,
      tpu.vector_store_idx %arg13[%get3A_132], %exp3A_151 {add = true} : memref<10240xf32, #tpu.memory_space<vmem>>[vector<16xi32>], vector<16xf32>,
    }
    %scan3A_20 = arith.constant 125 : i32
    "tpu.region"() ({
      %run_scoped3A_21 = tpu.sem_alloc : memref<!tpu.dma_semaphore, #tpu.memory_space<semaphore_mem>>
      %dma_start3A = tpu.memref_slice %arg5[%mul3A_12] : memref<320000xf32, #tpu.memory_space<hbm>> -> memref<10000xf32, #tpu.memory_space<hbm>>
      %dma_start3A_22 = tpu.memref_slice %arg5[%mul3A_12] : memref<320000xf32, #tpu.memory_space<hbm>> -> memref<10000xf32, #tpu.memory_space<hbm>>
      tpu.enqueue_dma source(%arg12 : memref<10000xf32, #tpu.memory_space<vmem>>) target(%dma_start3A_22 : memref<10000xf32, #tpu.memory_space<hbm>>) target_semaphore(%run_scoped3A_21 : memref<!tpu.dma_semaphore, #tpu.memory_space<semaphore_mem>>)
      %dma_wait3A = tpu.memref_slice %arg5[%mul3A_12] : memref<320000xf32, #tpu.memory_space<hbm>> -> memref<10000xf32, #tpu.memory_space<hbm>>
      %dma_wait3A_23 = tpu.memref_slice %arg5[%mul3A_12] : memref<320000xf32, #tpu.memory_space<hbm>> -> memref<10000xf32, #tpu.memory_space<hbm>>
      tpu.wait_dma2 semaphore(%run_scoped3A_21 : memref<!tpu.dma_semaphore, #tpu.memory_space<semaphore_mem>>) src(%arg12 : memref<10000xf32, #tpu.memory_space<vmem>>) dst(%dma_wait3A_23 : memref<10000xf32, #tpu.memory_space<hbm>>)
      tpu.yield
    }) : () -> ()
    "tpu.region"() ({
      %run_scoped3A_21 = tpu.sem_alloc : memref<!tpu.dma_semaphore, #tpu.memory_space<semaphore_mem>>
      %dma_start3A = arith.constant 0 : i32
      %dma_start3A_22 = tpu.memref_slice %arg6[%add3A, %dma_start3A] : memref<32x10240xf32, #tpu.memory_space<hbm>> -> memref<1x10240xf32, #tpu.memory_space<hbm>>
      %dma_start3A_23 = tpu.memref_squeeze %dma_start3A_22 : memref<1x10240xf32, #tpu.memory_space<hbm>> -> memref<10240xf32, #tpu.memory_space<hbm>>
      %dma_start3A_24 = arith.constant 0 : i32
      %dma_start3A_25 = tpu.memref_slice %arg6[%add3A, %dma_start3A_24] : memref<32x10240xf32, #tpu.memory_space<hbm>> -> memref<1x10240xf32, #tpu.memory_space<hbm>>
      %dma_start3A_26 = tpu.memref_squeeze %dma_start3A_25 : memref<1x10240xf32, #tpu.memory_space<hbm>> -> memref<10240xf32, #tpu.memory_space<hbm>>
      tpu.enqueue_dma source(%arg13 : memref<10240xf32, #tpu.memory_space<vmem>>) target(%dma_start3A_26 : memref<10240xf32, #tpu.memory_space<hbm>>) target_semaphore(%run_scoped3A_21 : memref<!tpu.dma_semaphore, #tpu.memory_space<semaphore_mem>>)
      %dma_wait3A = arith.constant 0 : i32
      %dma_wait3A_27 = tpu.memref_slice %arg6[%add3A, %dma_wait3A] : memref<32x10240xf32, #tpu.memory_space<hbm>> -> memref<1x10240xf32, #tpu.memory_space<hbm>>
      %dma_wait3A_28 = tpu.memref_squeeze %dma_wait3A_27 : memref<1x10240xf32, #tpu.memory_space<hbm>> -> memref<10240xf32, #tpu.memory_space<hbm>>
      %dma_wait3A_29 = arith.constant 0 : i32
      %dma_wait3A_30 = tpu.memref_slice %arg6[%add3A, %dma_wait3A_29] : memref<32x10240xf32, #tpu.memory_space<hbm>> -> memref<1x10240xf32, #tpu.memory_space<hbm>>
      %dma_wait3A_31 = tpu.memref_squeeze %dma_wait3A_30 : memref<1x10240xf32, #tpu.memory_space<hbm>> -> memref<10240xf32, #tpu.memory_space<hbm>>
      tpu.wait_dma2 semaphore(%run_scoped3A_21 : memref<!tpu.dma_semaphore, #tpu.memory_space<semaphore_mem>>) src(%arg13 : memref<10240xf32, #tpu.memory_space<vmem>>) dst(%dma_wait3A_31 : memref<10240xf32, #tpu.memory_space<hbm>>)
      tpu.yield
    }) : () -> ()
    return
  }
}

#map = affine_map<(d0, d1) -> (0)>
#map1 = affine_map<(d0, d1) -> (0, 0)>
#map2 = affine_map<(d0, d1) -> (0, 0, 0)>
module attributes {stable_mosaic.version = 14 : i64} {
  func.func @_sc_scatter_body(%arg0: i32, %arg1: i32, %arg2: memref<640000xi32, #tpu.memory_space<hbm>>, %arg3: memref<320000xf32, #tpu.memory_space<hbm>>, %arg4: memref<10240x128xf32, #tpu.memory_space<hbm>>, %arg5: memref<2x10240x128xf32, #tpu.memory_space<hbm>>, %arg6: memref<80xi32, #tpu.memory_space<vmem>>, %arg7: memref<80xi32, #tpu.memory_space<vmem>>, %arg8: memref<80xi32, #tpu.memory_space<vmem>>, %arg9: memref<80xi32, #tpu.memory_space<vmem>>, %arg10: memref<80xi32, #tpu.memory_space<vmem>>, %arg11: memref<80xi32, #tpu.memory_space<vmem>>, %arg12: memref<80xi32, #tpu.memory_space<vmem>>, %arg13: memref<80xi32, #tpu.memory_space<vmem>>, %arg14: memref<80xf32, #tpu.memory_space<vmem>>, %arg15: memref<80xf32, #tpu.memory_space<vmem>>, %arg16: memref<80xf32, #tpu.memory_space<vmem>>, %arg17: memref<80xf32, #tpu.memory_space<vmem>>, %arg18: memref<80x128xf32, #tpu.memory_space<vmem>>, %arg19: memref<80x128xf32, #tpu.memory_space<vmem>>, %arg20: memref<80x128xf32, #tpu.memory_space<vmem>>, %arg21: memref<80x128xf32, #tpu.memory_space<vmem>>, %arg22: memref<10240x128xf32, #tpu.memory_space<vmem_shared>>, %arg23: memref<!tpu.dma_semaphore, #tpu.memory_space<semaphore_mem>>, %arg24: memref<!tpu.dma_semaphore, #tpu.memory_space<semaphore_mem>>, %arg25: memref<!tpu.dma_semaphore, #tpu.memory_space<semaphore_mem>>, %arg26: memref<!tpu.dma_semaphore, #tpu.memory_space<semaphore_mem>>, %arg27: memref<!tpu.dma_semaphore, #tpu.memory_space<semaphore_mem>>, %arg28: memref<!tpu.dma_semaphore, #tpu.memory_space<semaphore_mem>>, %arg29: memref<!tpu.dma_semaphore, #tpu.memory_space<semaphore_mem>>, %arg30: memref<!tpu.dma_semaphore, #tpu.memory_space<semaphore_mem>>, %arg31: memref<!tpu.dma_semaphore, #tpu.memory_space<semaphore_mem>>, %arg32: memref<!tpu.dma_semaphore, #tpu.memory_space<semaphore_mem>>, %arg33: memref<!tpu.dma_semaphore, #tpu.memory_space<semaphore_mem>>, %arg34: memref<!tpu.dma_semaphore, #tpu.memory_space<semaphore_mem>>) attributes {dimension_semantics = [#tpu.dimension_semantics<core_parallel>, #tpu.dimension_semantics<subcore_parallel>], iteration_bounds = array<i64: 2, 16>, scalar_prefetch = 0 : i64, scratch_operands = 29 : i64, tpu.core_type = #tpu.core_type<sc_vector_subcore>, window_params = [{transform_indices = #map}, {transform_indices = #map}, {transform_indices = #map1}, {transform_indices = #map2}]} {
    %mul3A = arith.constant 2 : i32
    %mul3A_0 = arith.muli %arg1, %mul3A : i32
    %add3A = arith.addi %mul3A_0, %arg0 : i32
    %mul3A_1 = arith.constant 10000 : i32
    %mul3A_2 = arith.muli %add3A, %mul3A_1 : i32
    %scan3A = arith.constant 0 : i32
    %scan3A_3 = arith.constant 0 : i32
    %scan3A_4 = arith.constant 80 : i32
    %scan3A_5 = arith.addi %scan3A_3, %scan3A_4 : i32
    %scan3A_6 = arith.constant 1 : i32
    scf.for %scan3A_119 = %scan3A_3 to %scan3A_5 step %scan3A_6  : i32 {
      %broadcast_in_dim3A = arith.constant 0.000000e+00 : f32
      %broadcast_in_dim3A_120 = vector.broadcast %broadcast_in_dim3A : f32 to vector<16xf32>
      %swap3A = arith.index_cast %scan3A_119 : i32 to index
      %swap3A_121 = arith.constant 0 : index
      %swap3A_122 = tpu.vector_load %arg18[%swap3A, %swap3A_121] {strides = array<i32>} : memref<80x128xf32, #tpu.memory_space<vmem>>, vector<16xf32>,
      tpu.vector_store %arg18[%swap3A, %swap3A_121], %broadcast_in_dim3A_120 {strides = array<i32>} : memref<80x128xf32, #tpu.memory_space<vmem>>, vector<16xf32>,
      %broadcast_in_dim3A_123 = arith.constant 0.000000e+00 : f32
      %broadcast_in_dim3A_124 = vector.broadcast %broadcast_in_dim3A_123 : f32 to vector<16xf32>
      %swap3A_125 = arith.index_cast %scan3A_119 : i32 to index
      %swap3A_126 = arith.constant 16 : index
      %swap3A_127 = tpu.vector_load %arg18[%swap3A_125, %swap3A_126] {strides = array<i32>} : memref<80x128xf32, #tpu.memory_space<vmem>>, vector<16xf32>,
      tpu.vector_store %arg18[%swap3A_125, %swap3A_126], %broadcast_in_dim3A_124 {strides = array<i32>} : memref<80x128xf32, #tpu.memory_space<vmem>>, vector<16xf32>,
      %broadcast_in_dim3A_128 = arith.constant 0.000000e+00 : f32
      %broadcast_in_dim3A_129 = vector.broadcast %broadcast_in_dim3A_128 : f32 to vector<16xf32>
      %swap3A_130 = arith.index_cast %scan3A_119 : i32 to index
      %swap3A_131 = arith.constant 32 : index
      %swap3A_132 = tpu.vector_load %arg18[%swap3A_130, %swap3A_131] {strides = array<i32>} : memref<80x128xf32, #tpu.memory_space<vmem>>, vector<16xf32>,
      tpu.vector_store %arg18[%swap3A_130, %swap3A_131], %broadcast_in_dim3A_129 {strides = array<i32>} : memref<80x128xf32, #tpu.memory_space<vmem>>, vector<16xf32>,
      %broadcast_in_dim3A_133 = arith.constant 0.000000e+00 : f32
      %broadcast_in_dim3A_134 = vector.broadcast %broadcast_in_dim3A_133 : f32 to vector<16xf32>
      %swap3A_135 = arith.index_cast %scan3A_119 : i32 to index
      %swap3A_136 = arith.constant 48 : index
      %swap3A_137 = tpu.vector_load %arg18[%swap3A_135, %swap3A_136] {strides = array<i32>} : memref<80x128xf32, #tpu.memory_space<vmem>>, vector<16xf32>,
      tpu.vector_store %arg18[%swap3A_135, %swap3A_136], %broadcast_in_dim3A_134 {strides = array<i32>} : memref<80x128xf32, #tpu.memory_space<vmem>>, vector<16xf32>,
      %broadcast_in_dim3A_138 = arith.constant 0.000000e+00 : f32
      %broadcast_in_dim3A_139 = vector.broadcast %broadcast_in_dim3A_138 : f32 to vector<16xf32>
      %swap3A_140 = arith.index_cast %scan3A_119 : i32 to index
      %swap3A_141 = arith.constant 64 : index
      %swap3A_142 = tpu.vector_load %arg18[%swap3A_140, %swap3A_141] {strides = array<i32>} : memref<80x128xf32, #tpu.memory_space<vmem>>, vector<16xf32>,
      tpu.vector_store %arg18[%swap3A_140, %swap3A_141], %broadcast_in_dim3A_139 {strides = array<i32>} : memref<80x128xf32, #tpu.memory_space<vmem>>, vector<16xf32>,
      %broadcast_in_dim3A_143 = arith.constant 0.000000e+00 : f32
      %broadcast_in_dim3A_144 = vector.broadcast %broadcast_in_dim3A_143 : f32 to vector<16xf32>
      %swap3A_145 = arith.index_cast %scan3A_119 : i32 to index
      %swap3A_146 = arith.constant 80 : index
      %swap3A_147 = tpu.vector_load %arg18[%swap3A_145, %swap3A_146] {strides = array<i32>} : memref<80x128xf32, #tpu.memory_space<vmem>>, vector<16xf32>,
      tpu.vector_store %arg18[%swap3A_145, %swap3A_146], %broadcast_in_dim3A_144 {strides = array<i32>} : memref<80x128xf32, #tpu.memory_space<vmem>>, vector<16xf32>,
      %broadcast_in_dim3A_148 = arith.constant 0.000000e+00 : f32
      %broadcast_in_dim3A_149 = vector.broadcast %broadcast_in_dim3A_148 : f32 to vector<16xf32>
      %swap3A_150 = arith.index_cast %scan3A_119 : i32 to index
      %swap3A_151 = arith.constant 96 : index
      %swap3A_152 = tpu.vector_load %arg18[%swap3A_150, %swap3A_151] {strides = array<i32>} : memref<80x128xf32, #tpu.memory_space<vmem>>, vector<16xf32>,
      tpu.vector_store %arg18[%swap3A_150, %swap3A_151], %broadcast_in_dim3A_149 {strides = array<i32>} : memref<80x128xf32, #tpu.memory_space<vmem>>, vector<16xf32>,
      %broadcast_in_dim3A_153 = arith.constant 0.000000e+00 : f32
      %broadcast_in_dim3A_154 = vector.broadcast %broadcast_in_dim3A_153 : f32 to vector<16xf32>
      %swap3A_155 = arith.index_cast %scan3A_119 : i32 to index
      %swap3A_156 = arith.constant 112 : index
      %swap3A_157 = tpu.vector_load %arg18[%swap3A_155, %swap3A_156] {strides = array<i32>} : memref<80x128xf32, #tpu.memory_space<vmem>>, vector<16xf32>,
      tpu.vector_store %arg18[%swap3A_155, %swap3A_156], %broadcast_in_dim3A_154 {strides = array<i32>} : memref<80x128xf32, #tpu.memory_space<vmem>>, vector<16xf32>,
    }
    %scan3A_7 = arith.constant 80 : i32
    %mul3A_8 = arith.constant 640 : i32
    %mul3A_9 = arith.muli %arg1, %mul3A_8 : i32
    %add3A_10 = arith.constant 0 : i32
    %add3A_11 = arith.addi %mul3A_9, %add3A_10 : i32
    "tpu.region"() ({
      %run_scoped3A = tpu.sem_alloc : memref<!tpu.dma_semaphore, #tpu.memory_space<semaphore_mem>>
      %dma_start3A_119 = arith.constant 0 : i32
      %dma_start3A_120 = tpu.memref_slice %arg22[%add3A_11, %dma_start3A_119] : memref<10240x128xf32, #tpu.memory_space<vmem_shared>> -> memref<80x128xf32, #tpu.memory_space<vmem_shared>>
      %dma_start3A_121 = arith.constant 0 : i32
      %dma_start3A_122 = tpu.memref_slice %arg22[%add3A_11, %dma_start3A_121] : memref<10240x128xf32, #tpu.memory_space<vmem_shared>> -> memref<80x128xf32, #tpu.memory_space<vmem_shared>>
      tpu.enqueue_dma source(%arg18 : memref<80x128xf32, #tpu.memory_space<vmem>>) target(%dma_start3A_122 : memref<80x128xf32, #tpu.memory_space<vmem_shared>>) target_semaphore(%run_scoped3A : memref<!tpu.dma_semaphore, #tpu.memory_space<semaphore_mem>>)
      %dma_wait3A_123 = arith.constant 0 : i32
      %dma_wait3A_124 = tpu.memref_slice %arg22[%add3A_11, %dma_wait3A_123] : memref<10240x128xf32, #tpu.memory_space<vmem_shared>> -> memref<80x128xf32, #tpu.memory_space<vmem_shared>>
      %dma_wait3A_125 = arith.constant 0 : i32
      %dma_wait3A_126 = tpu.memref_slice %arg22[%add3A_11, %dma_wait3A_125] : memref<10240x128xf32, #tpu.memory_space<vmem_shared>> -> memref<80x128xf32, #tpu.memory_space<vmem_shared>>
      tpu.wait_dma2 semaphore(%run_scoped3A : memref<!tpu.dma_semaphore, #tpu.memory_space<semaphore_mem>>) src(%arg18 : memref<80x128xf32, #tpu.memory_space<vmem>>) dst(%dma_wait3A_126 : memref<80x128xf32, #tpu.memory_space<vmem_shared>>)
      tpu.yield
    }) : () -> ()
    %add3A_12 = arith.constant 80 : i32
    %add3A_13 = arith.addi %mul3A_9, %add3A_12 : i32
    "tpu.region"() ({
      %run_scoped3A = tpu.sem_alloc : memref<!tpu.dma_semaphore, #tpu.memory_space<semaphore_mem>>
      %dma_start3A_119 = arith.constant 0 : i32
      %dma_start3A_120 = tpu.memref_slice %arg22[%add3A_13, %dma_start3A_119] : memref<10240x128xf32, #tpu.memory_space<vmem_shared>> -> memref<80x128xf32, #tpu.memory_space<vmem_shared>>
      %dma_start3A_121 = arith.constant 0 : i32
      %dma_start3A_122 = tpu.memref_slice %arg22[%add3A_13, %dma_start3A_121] : memref<10240x128xf32, #tpu.memory_space<vmem_shared>> -> memref<80x128xf32, #tpu.memory_space<vmem_shared>>
      tpu.enqueue_dma source(%arg18 : memref<80x128xf32, #tpu.memory_space<vmem>>) target(%dma_start3A_122 : memref<80x128xf32, #tpu.memory_space<vmem_shared>>) target_semaphore(%run_scoped3A : memref<!tpu.dma_semaphore, #tpu.memory_space<semaphore_mem>>)
      %dma_wait3A_123 = arith.constant 0 : i32
      %dma_wait3A_124 = tpu.memref_slice %arg22[%add3A_13, %dma_wait3A_123] : memref<10240x128xf32, #tpu.memory_space<vmem_shared>> -> memref<80x128xf32, #tpu.memory_space<vmem_shared>>
      %dma_wait3A_125 = arith.constant 0 : i32
      %dma_wait3A_126 = tpu.memref_slice %arg22[%add3A_13, %dma_wait3A_125] : memref<10240x128xf32, #tpu.memory_space<vmem_shared>> -> memref<80x128xf32, #tpu.memory_space<vmem_shared>>
      tpu.wait_dma2 semaphore(%run_scoped3A : memref<!tpu.dma_semaphore, #tpu.memory_space<semaphore_mem>>) src(%arg18 : memref<80x128xf32, #tpu.memory_space<vmem>>) dst(%dma_wait3A_126 : memref<80x128xf32, #tpu.memory_space<vmem_shared>>)
      tpu.yield
    }) : () -> ()
    %add3A_14 = arith.constant 160 : i32
    %add3A_15 = arith.addi %mul3A_9, %add3A_14 : i32
    "tpu.region"() ({
      %run_scoped3A = tpu.sem_alloc : memref<!tpu.dma_semaphore, #tpu.memory_space<semaphore_mem>>
      %dma_start3A_119 = arith.constant 0 : i32
      %dma_start3A_120 = tpu.memref_slice %arg22[%add3A_15, %dma_start3A_119] : memref<10240x128xf32, #tpu.memory_space<vmem_shared>> -> memref<80x128xf32, #tpu.memory_space<vmem_shared>>
      %dma_start3A_121 = arith.constant 0 : i32
      %dma_start3A_122 = tpu.memref_slice %arg22[%add3A_15, %dma_start3A_121] : memref<10240x128xf32, #tpu.memory_space<vmem_shared>> -> memref<80x128xf32, #tpu.memory_space<vmem_shared>>
      tpu.enqueue_dma source(%arg18 : memref<80x128xf32, #tpu.memory_space<vmem>>) target(%dma_start3A_122 : memref<80x128xf32, #tpu.memory_space<vmem_shared>>) target_semaphore(%run_scoped3A : memref<!tpu.dma_semaphore, #tpu.memory_space<semaphore_mem>>)
      %dma_wait3A_123 = arith.constant 0 : i32
      %dma_wait3A_124 = tpu.memref_slice %arg22[%add3A_15, %dma_wait3A_123] : memref<10240x128xf32, #tpu.memory_space<vmem_shared>> -> memref<80x128xf32, #tpu.memory_space<vmem_shared>>
      %dma_wait3A_125 = arith.constant 0 : i32
      %dma_wait3A_126 = tpu.memref_slice %arg22[%add3A_15, %dma_wait3A_125] : memref<10240x128xf32, #tpu.memory_space<vmem_shared>> -> memref<80x128xf32, #tpu.memory_space<vmem_shared>>
      tpu.wait_dma2 semaphore(%run_scoped3A : memref<!tpu.dma_semaphore, #tpu.memory_space<semaphore_mem>>) src(%arg18 : memref<80x128xf32, #tpu.memory_space<vmem>>) dst(%dma_wait3A_126 : memref<80x128xf32, #tpu.memory_space<vmem_shared>>)
      tpu.yield
    }) : () -> ()
    %add3A_16 = arith.constant 240 : i32
    %add3A_17 = arith.addi %mul3A_9, %add3A_16 : i32
    "tpu.region"() ({
      %run_scoped3A = tpu.sem_alloc : memref<!tpu.dma_semaphore, #tpu.memory_space<semaphore_mem>>
      %dma_start3A_119 = arith.constant 0 : i32
      %dma_start3A_120 = tpu.memref_slice %arg22[%add3A_17, %dma_start3A_119] : memref<10240x128xf32, #tpu.memory_space<vmem_shared>> -> memref<80x128xf32, #tpu.memory_space<vmem_shared>>
      %dma_start3A_121 = arith.constant 0 : i32
      %dma_start3A_122 = tpu.memref_slice %arg22[%add3A_17, %dma_start3A_121] : memref<10240x128xf32, #tpu.memory_space<vmem_shared>> -> memref<80x128xf32, #tpu.memory_space<vmem_shared>>
      tpu.enqueue_dma source(%arg18 : memref<80x128xf32, #tpu.memory_space<vmem>>) target(%dma_start3A_122 : memref<80x128xf32, #tpu.memory_space<vmem_shared>>) target_semaphore(%run_scoped3A : memref<!tpu.dma_semaphore, #tpu.memory_space<semaphore_mem>>)
      %dma_wait3A_123 = arith.constant 0 : i32
      %dma_wait3A_124 = tpu.memref_slice %arg22[%add3A_17, %dma_wait3A_123] : memref<10240x128xf32, #tpu.memory_space<vmem_shared>> -> memref<80x128xf32, #tpu.memory_space<vmem_shared>>
      %dma_wait3A_125 = arith.constant 0 : i32
      %dma_wait3A_126 = tpu.memref_slice %arg22[%add3A_17, %dma_wait3A_125] : memref<10240x128xf32, #tpu.memory_space<vmem_shared>> -> memref<80x128xf32, #tpu.memory_space<vmem_shared>>
      tpu.wait_dma2 semaphore(%run_scoped3A : memref<!tpu.dma_semaphore, #tpu.memory_space<semaphore_mem>>) src(%arg18 : memref<80x128xf32, #tpu.memory_space<vmem>>) dst(%dma_wait3A_126 : memref<80x128xf32, #tpu.memory_space<vmem_shared>>)
      tpu.yield
    }) : () -> ()
    %add3A_18 = arith.constant 320 : i32
    %add3A_19 = arith.addi %mul3A_9, %add3A_18 : i32
    "tpu.region"() ({
      %run_scoped3A = tpu.sem_alloc : memref<!tpu.dma_semaphore, #tpu.memory_space<semaphore_mem>>
      %dma_start3A_119 = arith.constant 0 : i32
      %dma_start3A_120 = tpu.memref_slice %arg22[%add3A_19, %dma_start3A_119] : memref<10240x128xf32, #tpu.memory_space<vmem_shared>> -> memref<80x128xf32, #tpu.memory_space<vmem_shared>>
      %dma_start3A_121 = arith.constant 0 : i32
      %dma_start3A_122 = tpu.memref_slice %arg22[%add3A_19, %dma_start3A_121] : memref<10240x128xf32, #tpu.memory_space<vmem_shared>> -> memref<80x128xf32, #tpu.memory_space<vmem_shared>>
      tpu.enqueue_dma source(%arg18 : memref<80x128xf32, #tpu.memory_space<vmem>>) target(%dma_start3A_122 : memref<80x128xf32, #tpu.memory_space<vmem_shared>>) target_semaphore(%run_scoped3A : memref<!tpu.dma_semaphore, #tpu.memory_space<semaphore_mem>>)
      %dma_wait3A_123 = arith.constant 0 : i32
      %dma_wait3A_124 = tpu.memref_slice %arg22[%add3A_19, %dma_wait3A_123] : memref<10240x128xf32, #tpu.memory_space<vmem_shared>> -> memref<80x128xf32, #tpu.memory_space<vmem_shared>>
      %dma_wait3A_125 = arith.constant 0 : i32
      %dma_wait3A_126 = tpu.memref_slice %arg22[%add3A_19, %dma_wait3A_125] : memref<10240x128xf32, #tpu.memory_space<vmem_shared>> -> memref<80x128xf32, #tpu.memory_space<vmem_shared>>
      tpu.wait_dma2 semaphore(%run_scoped3A : memref<!tpu.dma_semaphore, #tpu.memory_space<semaphore_mem>>) src(%arg18 : memref<80x128xf32, #tpu.memory_space<vmem>>) dst(%dma_wait3A_126 : memref<80x128xf32, #tpu.memory_space<vmem_shared>>)
      tpu.yield
    }) : () -> ()
    %add3A_20 = arith.constant 400 : i32
    %add3A_21 = arith.addi %mul3A_9, %add3A_20 : i32
    "tpu.region"() ({
      %run_scoped3A = tpu.sem_alloc : memref<!tpu.dma_semaphore, #tpu.memory_space<semaphore_mem>>
      %dma_start3A_119 = arith.constant 0 : i32
      %dma_start3A_120 = tpu.memref_slice %arg22[%add3A_21, %dma_start3A_119] : memref<10240x128xf32, #tpu.memory_space<vmem_shared>> -> memref<80x128xf32, #tpu.memory_space<vmem_shared>>
      %dma_start3A_121 = arith.constant 0 : i32
      %dma_start3A_122 = tpu.memref_slice %arg22[%add3A_21, %dma_start3A_121] : memref<10240x128xf32, #tpu.memory_space<vmem_shared>> -> memref<80x128xf32, #tpu.memory_space<vmem_shared>>
      tpu.enqueue_dma source(%arg18 : memref<80x128xf32, #tpu.memory_space<vmem>>) target(%dma_start3A_122 : memref<80x128xf32, #tpu.memory_space<vmem_shared>>) target_semaphore(%run_scoped3A : memref<!tpu.dma_semaphore, #tpu.memory_space<semaphore_mem>>)
      %dma_wait3A_123 = arith.constant 0 : i32
      %dma_wait3A_124 = tpu.memref_slice %arg22[%add3A_21, %dma_wait3A_123] : memref<10240x128xf32, #tpu.memory_space<vmem_shared>> -> memref<80x128xf32, #tpu.memory_space<vmem_shared>>
      %dma_wait3A_125 = arith.constant 0 : i32
      %dma_wait3A_126 = tpu.memref_slice %arg22[%add3A_21, %dma_wait3A_125] : memref<10240x128xf32, #tpu.memory_space<vmem_shared>> -> memref<80x128xf32, #tpu.memory_space<vmem_shared>>
      tpu.wait_dma2 semaphore(%run_scoped3A : memref<!tpu.dma_semaphore, #tpu.memory_space<semaphore_mem>>) src(%arg18 : memref<80x128xf32, #tpu.memory_space<vmem>>) dst(%dma_wait3A_126 : memref<80x128xf32, #tpu.memory_space<vmem_shared>>)
      tpu.yield
    }) : () -> ()
    %add3A_22 = arith.constant 480 : i32
    %add3A_23 = arith.addi %mul3A_9, %add3A_22 : i32
    "tpu.region"() ({
      %run_scoped3A = tpu.sem_alloc : memref<!tpu.dma_semaphore, #tpu.memory_space<semaphore_mem>>
      %dma_start3A_119 = arith.constant 0 : i32
      %dma_start3A_120 = tpu.memref_slice %arg22[%add3A_23, %dma_start3A_119] : memref<10240x128xf32, #tpu.memory_space<vmem_shared>> -> memref<80x128xf32, #tpu.memory_space<vmem_shared>>
      %dma_start3A_121 = arith.constant 0 : i32
      %dma_start3A_122 = tpu.memref_slice %arg22[%add3A_23, %dma_start3A_121] : memref<10240x128xf32, #tpu.memory_space<vmem_shared>> -> memref<80x128xf32, #tpu.memory_space<vmem_shared>>
      tpu.enqueue_dma source(%arg18 : memref<80x128xf32, #tpu.memory_space<vmem>>) target(%dma_start3A_122 : memref<80x128xf32, #tpu.memory_space<vmem_shared>>) target_semaphore(%run_scoped3A : memref<!tpu.dma_semaphore, #tpu.memory_space<semaphore_mem>>)
      %dma_wait3A_123 = arith.constant 0 : i32
      %dma_wait3A_124 = tpu.memref_slice %arg22[%add3A_23, %dma_wait3A_123] : memref<10240x128xf32, #tpu.memory_space<vmem_shared>> -> memref<80x128xf32, #tpu.memory_space<vmem_shared>>
      %dma_wait3A_125 = arith.constant 0 : i32
      %dma_wait3A_126 = tpu.memref_slice %arg22[%add3A_23, %dma_wait3A_125] : memref<10240x128xf32, #tpu.memory_space<vmem_shared>> -> memref<80x128xf32, #tpu.memory_space<vmem_shared>>
      tpu.wait_dma2 semaphore(%run_scoped3A : memref<!tpu.dma_semaphore, #tpu.memory_space<semaphore_mem>>) src(%arg18 : memref<80x128xf32, #tpu.memory_space<vmem>>) dst(%dma_wait3A_126 : memref<80x128xf32, #tpu.memory_space<vmem_shared>>)
      tpu.yield
    }) : () -> ()
    %add3A_24 = arith.constant 560 : i32
    %add3A_25 = arith.addi %mul3A_9, %add3A_24 : i32
    "tpu.region"() ({
      %run_scoped3A = tpu.sem_alloc : memref<!tpu.dma_semaphore, #tpu.memory_space<semaphore_mem>>
      %dma_start3A_119 = arith.constant 0 : i32
      %dma_start3A_120 = tpu.memref_slice %arg22[%add3A_25, %dma_start3A_119] : memref<10240x128xf32, #tpu.memory_space<vmem_shared>> -> memref<80x128xf32, #tpu.memory_space<vmem_shared>>
      %dma_start3A_121 = arith.constant 0 : i32
      %dma_start3A_122 = tpu.memref_slice %arg22[%add3A_25, %dma_start3A_121] : memref<10240x128xf32, #tpu.memory_space<vmem_shared>> -> memref<80x128xf32, #tpu.memory_space<vmem_shared>>
      tpu.enqueue_dma source(%arg18 : memref<80x128xf32, #tpu.memory_space<vmem>>) target(%dma_start3A_122 : memref<80x128xf32, #tpu.memory_space<vmem_shared>>) target_semaphore(%run_scoped3A : memref<!tpu.dma_semaphore, #tpu.memory_space<semaphore_mem>>)
      %dma_wait3A_123 = arith.constant 0 : i32
      %dma_wait3A_124 = tpu.memref_slice %arg22[%add3A_25, %dma_wait3A_123] : memref<10240x128xf32, #tpu.memory_space<vmem_shared>> -> memref<80x128xf32, #tpu.memory_space<vmem_shared>>
      %dma_wait3A_125 = arith.constant 0 : i32
      %dma_wait3A_126 = tpu.memref_slice %arg22[%add3A_25, %dma_wait3A_125] : memref<10240x128xf32, #tpu.memory_space<vmem_shared>> -> memref<80x128xf32, #tpu.memory_space<vmem_shared>>
      tpu.wait_dma2 semaphore(%run_scoped3A : memref<!tpu.dma_semaphore, #tpu.memory_space<semaphore_mem>>) src(%arg18 : memref<80x128xf32, #tpu.memory_space<vmem>>) dst(%dma_wait3A_126 : memref<80x128xf32, #tpu.memory_space<vmem_shared>>)
      tpu.yield
    }) : () -> ()
    %barrier3A = arith.constant 0 : index
    tpu.barrier barrier_id(%barrier3A)
    %add3A_26 = arith.constant 0 : i32
    %add3A_27 = arith.addi %mul3A_2, %add3A_26 : i32
    %dma_start3A = tpu.memref_slice %arg2[%add3A_27] : memref<640000xi32, #tpu.memory_space<hbm>> -> memref<80xi32, #tpu.memory_space<hbm>>
    %dma_start3A_28 = tpu.memref_slice %arg2[%add3A_27] : memref<640000xi32, #tpu.memory_space<hbm>> -> memref<80xi32, #tpu.memory_space<hbm>>
    tpu.enqueue_dma source(%dma_start3A_28 : memref<80xi32, #tpu.memory_space<hbm>>) target(%arg6 : memref<80xi32, #tpu.memory_space<vmem>>) target_semaphore(%arg23 : memref<!tpu.dma_semaphore, #tpu.memory_space<semaphore_mem>>)
    %add3A_29 = arith.constant 320000 : i32
    %add3A_30 = arith.addi %add3A_29, %mul3A_2 : i32
    %add3A_31 = arith.constant 0 : i32
    %add3A_32 = arith.addi %add3A_30, %add3A_31 : i32
    %dma_start3A_33 = tpu.memref_slice %arg2[%add3A_32] : memref<640000xi32, #tpu.memory_space<hbm>> -> memref<80xi32, #tpu.memory_space<hbm>>
    %dma_start3A_34 = tpu.memref_slice %arg2[%add3A_32] : memref<640000xi32, #tpu.memory_space<hbm>> -> memref<80xi32, #tpu.memory_space<hbm>>
    tpu.enqueue_dma source(%dma_start3A_34 : memref<80xi32, #tpu.memory_space<hbm>>) target(%arg10 : memref<80xi32, #tpu.memory_space<vmem>>) target_semaphore(%arg23 : memref<!tpu.dma_semaphore, #tpu.memory_space<semaphore_mem>>)
    %add3A_35 = arith.constant 0 : i32
    %add3A_36 = arith.addi %mul3A_2, %add3A_35 : i32
    %dma_start3A_37 = tpu.memref_slice %arg3[%add3A_36] : memref<320000xf32, #tpu.memory_space<hbm>> -> memref<80xf32, #tpu.memory_space<hbm>>
    %dma_start3A_38 = tpu.memref_slice %arg3[%add3A_36] : memref<320000xf32, #tpu.memory_space<hbm>> -> memref<80xf32, #tpu.memory_space<hbm>>
    tpu.enqueue_dma source(%dma_start3A_38 : memref<80xf32, #tpu.memory_space<hbm>>) target(%arg14 : memref<80xf32, #tpu.memory_space<vmem>>) target_semaphore(%arg23 : memref<!tpu.dma_semaphore, #tpu.memory_space<semaphore_mem>>)
    %add3A_39 = arith.constant 80 : i32
    %add3A_40 = arith.addi %mul3A_2, %add3A_39 : i32
    %dma_start3A_41 = tpu.memref_slice %arg2[%add3A_40] : memref<640000xi32, #tpu.memory_space<hbm>> -> memref<80xi32, #tpu.memory_space<hbm>>
    %dma_start3A_42 = tpu.memref_slice %arg2[%add3A_40] : memref<640000xi32, #tpu.memory_space<hbm>> -> memref<80xi32, #tpu.memory_space<hbm>>
    tpu.enqueue_dma source(%dma_start3A_42 : memref<80xi32, #tpu.memory_space<hbm>>) target(%arg7 : memref<80xi32, #tpu.memory_space<vmem>>) target_semaphore(%arg24 : memref<!tpu.dma_semaphore, #tpu.memory_space<semaphore_mem>>)
    %add3A_43 = arith.constant 320000 : i32
    %add3A_44 = arith.addi %add3A_43, %mul3A_2 : i32
    %add3A_45 = arith.constant 80 : i32
    %add3A_46 = arith.addi %add3A_44, %add3A_45 : i32
    %dma_start3A_47 = tpu.memref_slice %arg2[%add3A_46] : memref<640000xi32, #tpu.memory_space<hbm>> -> memref<80xi32, #tpu.memory_space<hbm>>
    %dma_start3A_48 = tpu.memref_slice %arg2[%add3A_46] : memref<640000xi32, #tpu.memory_space<hbm>> -> memref<80xi32, #tpu.memory_space<hbm>>
    tpu.enqueue_dma source(%dma_start3A_48 : memref<80xi32, #tpu.memory_space<hbm>>) target(%arg11 : memref<80xi32, #tpu.memory_space<vmem>>) target_semaphore(%arg24 : memref<!tpu.dma_semaphore, #tpu.memory_space<semaphore_mem>>)
    %add3A_49 = arith.constant 80 : i32
    %add3A_50 = arith.addi %mul3A_2, %add3A_49 : i32
    %dma_start3A_51 = tpu.memref_slice %arg3[%add3A_50] : memref<320000xf32, #tpu.memory_space<hbm>> -> memref<80xf32, #tpu.memory_space<hbm>>
    %dma_start3A_52 = tpu.memref_slice %arg3[%add3A_50] : memref<320000xf32, #tpu.memory_space<hbm>> -> memref<80xf32, #tpu.memory_space<hbm>>
    tpu.enqueue_dma source(%dma_start3A_52 : memref<80xf32, #tpu.memory_space<hbm>>) target(%arg15 : memref<80xf32, #tpu.memory_space<vmem>>) target_semaphore(%arg24 : memref<!tpu.dma_semaphore, #tpu.memory_space<semaphore_mem>>)
    %add3A_53 = arith.constant 160 : i32
    %add3A_54 = arith.addi %mul3A_2, %add3A_53 : i32
    %dma_start3A_55 = tpu.memref_slice %arg2[%add3A_54] : memref<640000xi32, #tpu.memory_space<hbm>> -> memref<80xi32, #tpu.memory_space<hbm>>
    %dma_start3A_56 = tpu.memref_slice %arg2[%add3A_54] : memref<640000xi32, #tpu.memory_space<hbm>> -> memref<80xi32, #tpu.memory_space<hbm>>
    tpu.enqueue_dma source(%dma_start3A_56 : memref<80xi32, #tpu.memory_space<hbm>>) target(%arg8 : memref<80xi32, #tpu.memory_space<vmem>>) target_semaphore(%arg25 : memref<!tpu.dma_semaphore, #tpu.memory_space<semaphore_mem>>)
    %add3A_57 = arith.constant 320000 : i32
    %add3A_58 = arith.addi %add3A_57, %mul3A_2 : i32
    %add3A_59 = arith.constant 160 : i32
    %add3A_60 = arith.addi %add3A_58, %add3A_59 : i32
    %dma_start3A_61 = tpu.memref_slice %arg2[%add3A_60] : memref<640000xi32, #tpu.memory_space<hbm>> -> memref<80xi32, #tpu.memory_space<hbm>>
    %dma_start3A_62 = tpu.memref_slice %arg2[%add3A_60] : memref<640000xi32, #tpu.memory_space<hbm>> -> memref<80xi32, #tpu.memory_space<hbm>>
    tpu.enqueue_dma source(%dma_start3A_62 : memref<80xi32, #tpu.memory_space<hbm>>) target(%arg12 : memref<80xi32, #tpu.memory_space<vmem>>) target_semaphore(%arg25 : memref<!tpu.dma_semaphore, #tpu.memory_space<semaphore_mem>>)
    %add3A_63 = arith.constant 160 : i32
    %add3A_64 = arith.addi %mul3A_2, %add3A_63 : i32
    %dma_start3A_65 = tpu.memref_slice %arg3[%add3A_64] : memref<320000xf32, #tpu.memory_space<hbm>> -> memref<80xf32, #tpu.memory_space<hbm>>
    %dma_start3A_66 = tpu.memref_slice %arg3[%add3A_64] : memref<320000xf32, #tpu.memory_space<hbm>> -> memref<80xf32, #tpu.memory_space<hbm>>
    tpu.enqueue_dma source(%dma_start3A_66 : memref<80xf32, #tpu.memory_space<hbm>>) target(%arg16 : memref<80xf32, #tpu.memory_space<vmem>>) target_semaphore(%arg25 : memref<!tpu.dma_semaphore, #tpu.memory_space<semaphore_mem>>)
    %dma_wait3A = tpu.memref_slice %arg2[%mul3A_2] : memref<640000xi32, #tpu.memory_space<hbm>> -> memref<80xi32, #tpu.memory_space<hbm>>
    %dma_wait3A_67 = tpu.memref_slice %arg2[%mul3A_2] : memref<640000xi32, #tpu.memory_space<hbm>> -> memref<80xi32, #tpu.memory_space<hbm>>
    tpu.wait_dma2 semaphore(%arg23 : memref<!tpu.dma_semaphore, #tpu.memory_space<semaphore_mem>>) src(%dma_wait3A_67 : memref<80xi32, #tpu.memory_space<hbm>>) dst(%arg6 : memref<80xi32, #tpu.memory_space<vmem>>)
    %add3A_68 = arith.constant 320000 : i32
    %add3A_69 = arith.addi %add3A_68, %mul3A_2 : i32
    %dma_wait3A_70 = tpu.memref_slice %arg2[%add3A_69] : memref<640000xi32, #tpu.memory_space<hbm>> -> memref<80xi32, #tpu.memory_space<hbm>>
    %dma_wait3A_71 = tpu.memref_slice %arg2[%add3A_69] : memref<640000xi32, #tpu.memory_space<hbm>> -> memref<80xi32, #tpu.memory_space<hbm>>
    tpu.wait_dma2 semaphore(%arg23 : memref<!tpu.dma_semaphore, #tpu.memory_space<semaphore_mem>>) src(%dma_wait3A_71 : memref<80xi32, #tpu.memory_space<hbm>>) dst(%arg10 : memref<80xi32, #tpu.memory_space<vmem>>)
    %dma_wait3A_72 = tpu.memref_slice %arg3[%mul3A_2] : memref<320000xf32, #tpu.memory_space<hbm>> -> memref<80xf32, #tpu.memory_space<hbm>>
    %dma_wait3A_73 = tpu.memref_slice %arg3[%mul3A_2] : memref<320000xf32, #tpu.memory_space<hbm>> -> memref<80xf32, #tpu.memory_space<hbm>>
    tpu.wait_dma2 semaphore(%arg23 : memref<!tpu.dma_semaphore, #tpu.memory_space<semaphore_mem>>) src(%dma_wait3A_73 : memref<80xf32, #tpu.memory_space<hbm>>) dst(%arg14 : memref<80xf32, #tpu.memory_space<vmem>>)
    %dma_start3A_74 = arith.constant 0 : i32
    %dma_start3A_75 = arith.constant 0 : i32
    %dma_start3A_76 = tpu.memref_slice %arg4[%dma_start3A_74, %dma_start3A_75] : memref<10240x128xf32, #tpu.memory_space<hbm>> -> memref<10240x128xf32, #tpu.memory_space<hbm>>
    tpu.enqueue_indirect_dma source(%dma_start3A_76 : memref<10240x128xf32, #tpu.memory_space<hbm>>) target(%arg18 : memref<80x128xf32, #tpu.memory_space<vmem>>) offsets(%arg10 : memref<80xi32, #tpu.memory_space<vmem>>) semaphore(%arg27 : memref<!tpu.dma_semaphore, #tpu.memory_space<semaphore_mem>>)
    %dma_wait3A_77 = tpu.memref_slice %arg2[%mul3A_2] : memref<640000xi32, #tpu.memory_space<hbm>> -> memref<80xi32, #tpu.memory_space<hbm>>
    %dma_wait3A_78 = tpu.memref_slice %arg2[%mul3A_2] : memref<640000xi32, #tpu.memory_space<hbm>> -> memref<80xi32, #tpu.memory_space<hbm>>
    tpu.wait_dma2 semaphore(%arg24 : memref<!tpu.dma_semaphore, #tpu.memory_space<semaphore_mem>>) src(%dma_wait3A_78 : memref<80xi32, #tpu.memory_space<hbm>>) dst(%arg7 : memref<80xi32, #tpu.memory_space<vmem>>)
    %add3A_79 = arith.constant 320000 : i32
    %add3A_80 = arith.addi %add3A_79, %mul3A_2 : i32
    %dma_wait3A_81 = tpu.memref_slice %arg2[%add3A_80] : memref<640000xi32, #tpu.memory_space<hbm>> -> memref<80xi32, #tpu.memory_space<hbm>>
    %dma_wait3A_82 = tpu.memref_slice %arg2[%add3A_80] : memref<640000xi32, #tpu.memory_space<hbm>> -> memref<80xi32, #tpu.memory_space<hbm>>
    tpu.wait_dma2 semaphore(%arg24 : memref<!tpu.dma_semaphore, #tpu.memory_space<semaphore_mem>>) src(%dma_wait3A_82 : memref<80xi32, #tpu.memory_space<hbm>>) dst(%arg11 : memref<80xi32, #tpu.memory_space<vmem>>)
    %dma_wait3A_83 = tpu.memref_slice %arg3[%mul3A_2] : memref<320000xf32, #tpu.memory_space<hbm>> -> memref<80xf32, #tpu.memory_space<hbm>>
    %dma_wait3A_84 = tpu.memref_slice %arg3[%mul3A_2] : memref<320000xf32, #tpu.memory_space<hbm>> -> memref<80xf32, #tpu.memory_space<hbm>>
    tpu.wait_dma2 semaphore(%arg24 : memref<!tpu.dma_semaphore, #tpu.memory_space<semaphore_mem>>) src(%dma_wait3A_84 : memref<80xf32, #tpu.memory_space<hbm>>) dst(%arg15 : memref<80xf32, #tpu.memory_space<vmem>>)
    %dma_start3A_85 = arith.constant 0 : i32
    %dma_start3A_86 = arith.constant 0 : i32
    %dma_start3A_87 = tpu.memref_slice %arg4[%dma_start3A_85, %dma_start3A_86] : memref<10240x128xf32, #tpu.memory_space<hbm>> -> memref<10240x128xf32, #tpu.memory_space<hbm>>
    tpu.enqueue_indirect_dma source(%dma_start3A_87 : memref<10240x128xf32, #tpu.memory_space<hbm>>) target(%arg19 : memref<80x128xf32, #tpu.memory_space<vmem>>) offsets(%arg11 : memref<80xi32, #tpu.memory_space<vmem>>) semaphore(%arg28 : memref<!tpu.dma_semaphore, #tpu.memory_space<semaphore_mem>>)
    %scan3A_88 = arith.constant 0 : i32
    %scan3A_89 = arith.constant 0 : i32
    %scan3A_90 = arith.constant 31 : i32
    %scan3A_91 = arith.addi %scan3A_89, %scan3A_90 : i32
    %scan3A_92 = arith.constant 1 : i32
    scf.for %scan3A_119 = %scan3A_89 to %scan3A_91 step %scan3A_92  : i32 {
      %mul3A_120 = arith.constant 4 : i32
      %mul3A_121 = arith.muli %scan3A_119, %mul3A_120 : i32
      %dma_wait3A_122 = arith.constant 0 : i32
      %dma_wait3A_123 = arith.constant 0 : i32
      %dma_wait3A_124 = tpu.memref_slice %arg4[%dma_wait3A_122, %dma_wait3A_123] : memref<10240x128xf32, #tpu.memory_space<hbm>> -> memref<10240x128xf32, #tpu.memory_space<hbm>>
      tpu.wait_indirect_dma semaphore(%arg27 : memref<!tpu.dma_semaphore, #tpu.memory_space<semaphore_mem>>) src(%dma_wait3A_124 : memref<10240x128xf32, #tpu.memory_space<hbm>>) dst(%arg18 : memref<80x128xf32, #tpu.memory_space<vmem>>)
      %scan3A_125 = arith.constant 0 : i32
      %scan3A_126 = arith.constant 0 : i32
      %scan3A_127 = arith.constant 20 : i32
      %scan3A_128 = arith.addi %scan3A_126, %scan3A_127 : i32
      %scan3A_129 = arith.constant 1 : i32
      scf.for %scan3A_229 = %scan3A_126 to %scan3A_128 step %scan3A_129  : i32 {
        %mul3A_230 = arith.constant 4 : i32
        %mul3A_231 = arith.muli %scan3A_229, %mul3A_230 : i32
        %add3A_232 = arith.constant 0 : i32
        %add3A_233 = arith.addi %mul3A_231, %add3A_232 : i32
        %broadcast_in_dim3A = arith.constant 0 : i32
        %broadcast_in_dim3A_234 = vector.broadcast %broadcast_in_dim3A : i32 to vector<16xi32>
        %add3A_235 = vector.broadcast %add3A_233 : i32 to vector<16xi32>
        %add3A_236 = arith.addi %broadcast_in_dim3A_234, %add3A_235 : vector<16xi32>
        %gather3A = tpu.vector_load_idx %arg14[%add3A_236] : memref<80xf32, #tpu.memory_space<vmem>>[vector<16xi32>], vector<16xf32>,
        %mul3A_237 = arith.constant 4 : i32
        %mul3A_238 = arith.muli %scan3A_229, %mul3A_237 : i32
        %add3A_239 = arith.constant 1 : i32
        %add3A_240 = arith.addi %mul3A_238, %add3A_239 : i32
        %broadcast_in_dim3A_241 = arith.constant 0 : i32
        %broadcast_in_dim3A_242 = vector.broadcast %broadcast_in_dim3A_241 : i32 to vector<16xi32>
        %add3A_243 = vector.broadcast %add3A_240 : i32 to vector<16xi32>
        %add3A_244 = arith.addi %broadcast_in_dim3A_242, %add3A_243 : vector<16xi32>
        %gather3A_245 = tpu.vector_load_idx %arg14[%add3A_244] : memref<80xf32, #tpu.memory_space<vmem>>[vector<16xi32>], vector<16xf32>,
        %mul3A_246 = arith.constant 4 : i32
        %mul3A_247 = arith.muli %scan3A_229, %mul3A_246 : i32
        %add3A_248 = arith.constant 2 : i32
        %add3A_249 = arith.addi %mul3A_247, %add3A_248 : i32
        %broadcast_in_dim3A_250 = arith.constant 0 : i32
        %broadcast_in_dim3A_251 = vector.broadcast %broadcast_in_dim3A_250 : i32 to vector<16xi32>
        %add3A_252 = vector.broadcast %add3A_249 : i32 to vector<16xi32>
        %add3A_253 = arith.addi %broadcast_in_dim3A_251, %add3A_252 : vector<16xi32>
        %gather3A_254 = tpu.vector_load_idx %arg14[%add3A_253] : memref<80xf32, #tpu.memory_space<vmem>>[vector<16xi32>], vector<16xf32>,
        %mul3A_255 = arith.constant 4 : i32
        %mul3A_256 = arith.muli %scan3A_229, %mul3A_255 : i32
        %add3A_257 = arith.constant 3 : i32
        %add3A_258 = arith.addi %mul3A_256, %add3A_257 : i32
        %broadcast_in_dim3A_259 = arith.constant 0 : i32
        %broadcast_in_dim3A_260 = vector.broadcast %broadcast_in_dim3A_259 : i32 to vector<16xi32>
        %add3A_261 = vector.broadcast %add3A_258 : i32 to vector<16xi32>
        %add3A_262 = arith.addi %broadcast_in_dim3A_260, %add3A_261 : vector<16xi32>
        %gather3A_263 = tpu.vector_load_idx %arg14[%add3A_262] : memref<80xf32, #tpu.memory_space<vmem>>[vector<16xi32>], vector<16xf32>,
        %mul3A_264 = arith.constant 4 : i32
        %mul3A_265 = arith.muli %scan3A_229, %mul3A_264 : i32
        %add3A_266 = arith.constant 0 : i32
        %add3A_267 = arith.addi %mul3A_265, %add3A_266 : i32
        %get3A = arith.index_cast %add3A_267 : i32 to index
        %get3A_268 = arith.constant 0 : index
        %get3A_269 = tpu.vector_load %arg18[%get3A, %get3A_268] {strides = array<i32>} : memref<80x128xf32, #tpu.memory_space<vmem>>, vector<16xf32>,
        %mul3A_270 = arith.mulf %get3A_269, %gather3A : vector<16xf32>
        %swap3A = arith.index_cast %add3A_267 : i32 to index
        %swap3A_271 = arith.constant 0 : index
        %swap3A_272 = tpu.vector_load %arg18[%swap3A, %swap3A_271] {strides = array<i32>} : memref<80x128xf32, #tpu.memory_space<vmem>>, vector<16xf32>,
        tpu.vector_store %arg18[%swap3A, %swap3A_271], %mul3A_270 {strides = array<i32>} : memref<80x128xf32, #tpu.memory_space<vmem>>, vector<16xf32>,
        %get3A_273 = arith.index_cast %add3A_267 : i32 to index
        %get3A_274 = arith.constant 16 : index
        %get3A_275 = tpu.vector_load %arg18[%get3A_273, %get3A_274] {strides = array<i32>} : memref<80x128xf32, #tpu.memory_space<vmem>>, vector<16xf32>,
        %mul3A_276 = arith.mulf %get3A_275, %gather3A : vector<16xf32>
        %swap3A_277 = arith.index_cast %add3A_267 : i32 to index
        %swap3A_278 = arith.constant 16 : index
        %swap3A_279 = tpu.vector_load %arg18[%swap3A_277, %swap3A_278] {strides = array<i32>} : memref<80x128xf32, #tpu.memory_space<vmem>>, vector<16xf32>,
        tpu.vector_store %arg18[%swap3A_277, %swap3A_278], %mul3A_276 {strides = array<i32>} : memref<80x128xf32, #tpu.memory_space<vmem>>, vector<16xf32>,
        %get3A_280 = arith.index_cast %add3A_267 : i32 to index
        %get3A_281 = arith.constant 32 : index
        %get3A_282 = tpu.vector_load %arg18[%get3A_280, %get3A_281] {strides = array<i32>} : memref<80x128xf32, #tpu.memory_space<vmem>>, vector<16xf32>,
        %mul3A_283 = arith.mulf %get3A_282, %gather3A : vector<16xf32>
        %swap3A_284 = arith.index_cast %add3A_267 : i32 to index
        %swap3A_285 = arith.constant 32 : index
        %swap3A_286 = tpu.vector_load %arg18[%swap3A_284, %swap3A_285] {strides = array<i32>} : memref<80x128xf32, #tpu.memory_space<vmem>>, vector<16xf32>,
        tpu.vector_store %arg18[%swap3A_284, %swap3A_285], %mul3A_283 {strides = array<i32>} : memref<80x128xf32, #tpu.memory_space<vmem>>, vector<16xf32>,
        %get3A_287 = arith.index_cast %add3A_267 : i32 to index
        %get3A_288 = arith.constant 48 : index
        %get3A_289 = tpu.vector_load %arg18[%get3A_287, %get3A_288] {strides = array<i32>} : memref<80x128xf32, #tpu.memory_space<vmem>>, vector<16xf32>,
        %mul3A_290 = arith.mulf %get3A_289, %gather3A : vector<16xf32>
        %swap3A_291 = arith.index_cast %add3A_267 : i32 to index
        %swap3A_292 = arith.constant 48 : index
        %swap3A_293 = tpu.vector_load %arg18[%swap3A_291, %swap3A_292] {strides = array<i32>} : memref<80x128xf32, #tpu.memory_space<vmem>>, vector<16xf32>,
        tpu.vector_store %arg18[%swap3A_291, %swap3A_292], %mul3A_290 {strides = array<i32>} : memref<80x128xf32, #tpu.memory_space<vmem>>, vector<16xf32>,
        %get3A_294 = arith.index_cast %add3A_267 : i32 to index
        %get3A_295 = arith.constant 64 : index
        %get3A_296 = tpu.vector_load %arg18[%get3A_294, %get3A_295] {strides = array<i32>} : memref<80x128xf32, #tpu.memory_space<vmem>>, vector<16xf32>,
        %mul3A_297 = arith.mulf %get3A_296, %gather3A : vector<16xf32>
        %swap3A_298 = arith.index_cast %add3A_267 : i32 to index
        %swap3A_299 = arith.constant 64 : index
        %swap3A_300 = tpu.vector_load %arg18[%swap3A_298, %swap3A_299] {strides = array<i32>} : memref<80x128xf32, #tpu.memory_space<vmem>>, vector<16xf32>,
        tpu.vector_store %arg18[%swap3A_298, %swap3A_299], %mul3A_297 {strides = array<i32>} : memref<80x128xf32, #tpu.memory_space<vmem>>, vector<16xf32>,
        %get3A_301 = arith.index_cast %add3A_267 : i32 to index
        %get3A_302 = arith.constant 80 : index
        %get3A_303 = tpu.vector_load %arg18[%get3A_301, %get3A_302] {strides = array<i32>} : memref<80x128xf32, #tpu.memory_space<vmem>>, vector<16xf32>,
        %mul3A_304 = arith.mulf %get3A_303, %gather3A : vector<16xf32>
        %swap3A_305 = arith.index_cast %add3A_267 : i32 to index
        %swap3A_306 = arith.constant 80 : index
        %swap3A_307 = tpu.vector_load %arg18[%swap3A_305, %swap3A_306] {strides = array<i32>} : memref<80x128xf32, #tpu.memory_space<vmem>>, vector<16xf32>,
        tpu.vector_store %arg18[%swap3A_305, %swap3A_306], %mul3A_304 {strides = array<i32>} : memref<80x128xf32, #tpu.memory_space<vmem>>, vector<16xf32>,
        %get3A_308 = arith.index_cast %add3A_267 : i32 to index
        %get3A_309 = arith.constant 96 : index
        %get3A_310 = tpu.vector_load %arg18[%get3A_308, %get3A_309] {strides = array<i32>} : memref<80x128xf32, #tpu.memory_space<vmem>>, vector<16xf32>,
        %mul3A_311 = arith.mulf %get3A_310, %gather3A : vector<16xf32>
        %swap3A_312 = arith.index_cast %add3A_267 : i32 to index
        %swap3A_313 = arith.constant 96 : index
        %swap3A_314 = tpu.vector_load %arg18[%swap3A_312, %swap3A_313] {strides = array<i32>} : memref<80x128xf32, #tpu.memory_space<vmem>>, vector<16xf32>,
        tpu.vector_store %arg18[%swap3A_312, %swap3A_313], %mul3A_311 {strides = array<i32>} : memref<80x128xf32, #tpu.memory_space<vmem>>, vector<16xf32>,
        %get3A_315 = arith.index_cast %add3A_267 : i32 to index
        %get3A_316 = arith.constant 112 : index
        %get3A_317 = tpu.vector_load %arg18[%get3A_315, %get3A_316] {strides = array<i32>} : memref<80x128xf32, #tpu.memory_space<vmem>>, vector<16xf32>,
        %mul3A_318 = arith.mulf %get3A_317, %gather3A : vector<16xf32>
        %swap3A_319 = arith.index_cast %add3A_267 : i32 to index
        %swap3A_320 = arith.constant 112 : index
        %swap3A_321 = tpu.vector_load %arg18[%swap3A_319, %swap3A_320] {strides = array<i32>} : memref<80x128xf32, #tpu.memory_space<vmem>>, vector<16xf32>,
        tpu.vector_store %arg18[%swap3A_319, %swap3A_320], %mul3A_318 {strides = array<i32>} : memref<80x128xf32, #tpu.memory_space<vmem>>, vector<16xf32>,
        %mul3A_322 = arith.constant 4 : i32
        %mul3A_323 = arith.muli %scan3A_229, %mul3A_322 : i32
        %add3A_324 = arith.constant 1 : i32
        %add3A_325 = arith.addi %mul3A_323, %add3A_324 : i32
        %get3A_326 = arith.index_cast %add3A_325 : i32 to index
        %get3A_327 = arith.constant 0 : index
        %get3A_328 = tpu.vector_load %arg18[%get3A_326, %get3A_327] {strides = array<i32>} : memref<80x128xf32, #tpu.memory_space<vmem>>, vector<16xf32>,
        %mul3A_329 = arith.mulf %get3A_328, %gather3A_245 : vector<16xf32>
        %swap3A_330 = arith.index_cast %add3A_325 : i32 to index
        %swap3A_331 = arith.constant 0 : index
        %swap3A_332 = tpu.vector_load %arg18[%swap3A_330, %swap3A_331] {strides = array<i32>} : memref<80x128xf32, #tpu.memory_space<vmem>>, vector<16xf32>,
        tpu.vector_store %arg18[%swap3A_330, %swap3A_331], %mul3A_329 {strides = array<i32>} : memref<80x128xf32, #tpu.memory_space<vmem>>, vector<16xf32>,
        %get3A_333 = arith.index_cast %add3A_325 : i32 to index
        %get3A_334 = arith.constant 16 : index
        %get3A_335 = tpu.vector_load %arg18[%get3A_333, %get3A_334] {strides = array<i32>} : memref<80x128xf32, #tpu.memory_space<vmem>>, vector<16xf32>,
        %mul3A_336 = arith.mulf %get3A_335, %gather3A_245 : vector<16xf32>
        %swap3A_337 = arith.index_cast %add3A_325 : i32 to index
        %swap3A_338 = arith.constant 16 : index
        %swap3A_339 = tpu.vector_load %arg18[%swap3A_337, %swap3A_338] {strides = array<i32>} : memref<80x128xf32, #tpu.memory_space<vmem>>, vector<16xf32>,
        tpu.vector_store %arg18[%swap3A_337, %swap3A_338], %mul3A_336 {strides = array<i32>} : memref<80x128xf32, #tpu.memory_space<vmem>>, vector<16xf32>,
        %get3A_340 = arith.index_cast %add3A_325 : i32 to index
        %get3A_341 = arith.constant 32 : index
        %get3A_342 = tpu.vector_load %arg18[%get3A_340, %get3A_341] {strides = array<i32>} : memref<80x128xf32, #tpu.memory_space<vmem>>, vector<16xf32>,
        %mul3A_343 = arith.mulf %get3A_342, %gather3A_245 : vector<16xf32>
        %swap3A_344 = arith.index_cast %add3A_325 : i32 to index
        %swap3A_345 = arith.constant 32 : index
        %swap3A_346 = tpu.vector_load %arg18[%swap3A_344, %swap3A_345] {strides = array<i32>} : memref<80x128xf32, #tpu.memory_space<vmem>>, vector<16xf32>,
        tpu.vector_store %arg18[%swap3A_344, %swap3A_345], %mul3A_343 {strides = array<i32>} : memref<80x128xf32, #tpu.memory_space<vmem>>, vector<16xf32>,
        %get3A_347 = arith.index_cast %add3A_325 : i32 to index
        %get3A_348 = arith.constant 48 : index
        %get3A_349 = tpu.vector_load %arg18[%get3A_347, %get3A_348] {strides = array<i32>} : memref<80x128xf32, #tpu.memory_space<vmem>>, vector<16xf32>,
        %mul3A_350 = arith.mulf %get3A_349, %gather3A_245 : vector<16xf32>
        %swap3A_351 = arith.index_cast %add3A_325 : i32 to index
        %swap3A_352 = arith.constant 48 : index
        %swap3A_353 = tpu.vector_load %arg18[%swap3A_351, %swap3A_352] {strides = array<i32>} : memref<80x128xf32, #tpu.memory_space<vmem>>, vector<16xf32>,
        tpu.vector_store %arg18[%swap3A_351, %swap3A_352], %mul3A_350 {strides = array<i32>} : memref<80x128xf32, #tpu.memory_space<vmem>>, vector<16xf32>,
        %get3A_354 = arith.index_cast %add3A_325 : i32 to index
        %get3A_355 = arith.constant 64 : index
        %get3A_356 = tpu.vector_load %arg18[%get3A_354, %get3A_355] {strides = array<i32>} : memref<80x128xf32, #tpu.memory_space<vmem>>, vector<16xf32>,
        %mul3A_357 = arith.mulf %get3A_356, %gather3A_245 : vector<16xf32>
        %swap3A_358 = arith.index_cast %add3A_325 : i32 to index
        %swap3A_359 = arith.constant 64 : index
        %swap3A_360 = tpu.vector_load %arg18[%swap3A_358, %swap3A_359] {strides = array<i32>} : memref<80x128xf32, #tpu.memory_space<vmem>>, vector<16xf32>,
        tpu.vector_store %arg18[%swap3A_358, %swap3A_359], %mul3A_357 {strides = array<i32>} : memref<80x128xf32, #tpu.memory_space<vmem>>, vector<16xf32>,
        %get3A_361 = arith.index_cast %add3A_325 : i32 to index
        %get3A_362 = arith.constant 80 : index
        %get3A_363 = tpu.vector_load %arg18[%get3A_361, %get3A_362] {strides = array<i32>} : memref<80x128xf32, #tpu.memory_space<vmem>>, vector<16xf32>,
        %mul3A_364 = arith.mulf %get3A_363, %gather3A_245 : vector<16xf32>
        %swap3A_365 = arith.index_cast %add3A_325 : i32 to index
        %swap3A_366 = arith.constant 80 : index
        %swap3A_367 = tpu.vector_load %arg18[%swap3A_365, %swap3A_366] {strides = array<i32>} : memref<80x128xf32, #tpu.memory_space<vmem>>, vector<16xf32>,
        tpu.vector_store %arg18[%swap3A_365, %swap3A_366], %mul3A_364 {strides = array<i32>} : memref<80x128xf32, #tpu.memory_space<vmem>>, vector<16xf32>,
        %get3A_368 = arith.index_cast %add3A_325 : i32 to index
        %get3A_369 = arith.constant 96 : index
        %get3A_370 = tpu.vector_load %arg18[%get3A_368, %get3A_369] {strides = array<i32>} : memref<80x128xf32, #tpu.memory_space<vmem>>, vector<16xf32>,
        %mul3A_371 = arith.mulf %get3A_370, %gather3A_245 : vector<16xf32>
        %swap3A_372 = arith.index_cast %add3A_325 : i32 to index
        %swap3A_373 = arith.constant 96 : index
        %swap3A_374 = tpu.vector_load %arg18[%swap3A_372, %swap3A_373] {strides = array<i32>} : memref<80x128xf32, #tpu.memory_space<vmem>>, vector<16xf32>,
        tpu.vector_store %arg18[%swap3A_372, %swap3A_373], %mul3A_371 {strides = array<i32>} : memref<80x128xf32, #tpu.memory_space<vmem>>, vector<16xf32>,
        %get3A_375 = arith.index_cast %add3A_325 : i32 to index
        %get3A_376 = arith.constant 112 : index
        %get3A_377 = tpu.vector_load %arg18[%get3A_375, %get3A_376] {strides = array<i32>} : memref<80x128xf32, #tpu.memory_space<vmem>>, vector<16xf32>,
        %mul3A_378 = arith.mulf %get3A_377, %gather3A_245 : vector<16xf32>
        %swap3A_379 = arith.index_cast %add3A_325 : i32 to index
        %swap3A_380 = arith.constant 112 : index
        %swap3A_381 = tpu.vector_load %arg18[%swap3A_379, %swap3A_380] {strides = array<i32>} : memref<80x128xf32, #tpu.memory_space<vmem>>, vector<16xf32>,
        tpu.vector_store %arg18[%swap3A_379, %swap3A_380], %mul3A_378 {strides = array<i32>} : memref<80x128xf32, #tpu.memory_space<vmem>>, vector<16xf32>,
        %mul3A_382 = arith.constant 4 : i32
        %mul3A_383 = arith.muli %scan3A_229, %mul3A_382 : i32
        %add3A_384 = arith.constant 2 : i32
        %add3A_385 = arith.addi %mul3A_383, %add3A_384 : i32
        %get3A_386 = arith.index_cast %add3A_385 : i32 to index
        %get3A_387 = arith.constant 0 : index
        %get3A_388 = tpu.vector_load %arg18[%get3A_386, %get3A_387] {strides = array<i32>} : memref<80x128xf32, #tpu.memory_space<vmem>>, vector<16xf32>,
        %mul3A_389 = arith.mulf %get3A_388, %gather3A_254 : vector<16xf32>
        %swap3A_390 = arith.index_cast %add3A_385 : i32 to index
        %swap3A_391 = arith.constant 0 : index
        %swap3A_392 = tpu.vector_load %arg18[%swap3A_390, %swap3A_391] {strides = array<i32>} : memref<80x128xf32, #tpu.memory_space<vmem>>, vector<16xf32>,
        tpu.vector_store %arg18[%swap3A_390, %swap3A_391], %mul3A_389 {strides = array<i32>} : memref<80x128xf32, #tpu.memory_space<vmem>>, vector<16xf32>,
        %get3A_393 = arith.index_cast %add3A_385 : i32 to index
        %get3A_394 = arith.constant 16 : index
        %get3A_395 = tpu.vector_load %arg18[%get3A_393, %get3A_394] {strides = array<i32>} : memref<80x128xf32, #tpu.memory_space<vmem>>, vector<16xf32>,
        %mul3A_396 = arith.mulf %get3A_395, %gather3A_254 : vector<16xf32>
        %swap3A_397 = arith.index_cast %add3A_385 : i32 to index
        %swap3A_398 = arith.constant 16 : index
        %swap3A_399 = tpu.vector_load %arg18[%swap3A_397, %swap3A_398] {strides = array<i32>} : memref<80x128xf32, #tpu.memory_space<vmem>>, vector<16xf32>,
        tpu.vector_store %arg18[%swap3A_397, %swap3A_398], %mul3A_396 {strides = array<i32>} : memref<80x128xf32, #tpu.memory_space<vmem>>, vector<16xf32>,
        %get3A_400 = arith.index_cast %add3A_385 : i32 to index
        %get3A_401 = arith.constant 32 : index
        %get3A_402 = tpu.vector_load %arg18[%get3A_400, %get3A_401] {strides = array<i32>} : memref<80x128xf32, #tpu.memory_space<vmem>>, vector<16xf32>,
        %mul3A_403 = arith.mulf %get3A_402, %gather3A_254 : vector<16xf32>
        %swap3A_404 = arith.index_cast %add3A_385 : i32 to index
        %swap3A_405 = arith.constant 32 : index
        %swap3A_406 = tpu.vector_load %arg18[%swap3A_404, %swap3A_405] {strides = array<i32>} : memref<80x128xf32, #tpu.memory_space<vmem>>, vector<16xf32>,
        tpu.vector_store %arg18[%swap3A_404, %swap3A_405], %mul3A_403 {strides = array<i32>} : memref<80x128xf32, #tpu.memory_space<vmem>>, vector<16xf32>,
        %get3A_407 = arith.index_cast %add3A_385 : i32 to index
        %get3A_408 = arith.constant 48 : index
        %get3A_409 = tpu.vector_load %arg18[%get3A_407, %get3A_408] {strides = array<i32>} : memref<80x128xf32, #tpu.memory_space<vmem>>, vector<16xf32>,
        %mul3A_410 = arith.mulf %get3A_409, %gather3A_254 : vector<16xf32>
        %swap3A_411 = arith.index_cast %add3A_385 : i32 to index
        %swap3A_412 = arith.constant 48 : index
        %swap3A_413 = tpu.vector_load %arg18[%swap3A_411, %swap3A_412] {strides = array<i32>} : memref<80x128xf32, #tpu.memory_space<vmem>>, vector<16xf32>,
        tpu.vector_store %arg18[%swap3A_411, %swap3A_412], %mul3A_410 {strides = array<i32>} : memref<80x128xf32, #tpu.memory_space<vmem>>, vector<16xf32>,
        %get3A_414 = arith.index_cast %add3A_385 : i32 to index
        %get3A_415 = arith.constant 64 : index
        %get3A_416 = tpu.vector_load %arg18[%get3A_414, %get3A_415] {strides = array<i32>} : memref<80x128xf32, #tpu.memory_space<vmem>>, vector<16xf32>,
        %mul3A_417 = arith.mulf %get3A_416, %gather3A_254 : vector<16xf32>
        %swap3A_418 = arith.index_cast %add3A_385 : i32 to index
        %swap3A_419 = arith.constant 64 : index
        %swap3A_420 = tpu.vector_load %arg18[%swap3A_418, %swap3A_419] {strides = array<i32>} : memref<80x128xf32, #tpu.memory_space<vmem>>, vector<16xf32>,
        tpu.vector_store %arg18[%swap3A_418, %swap3A_419], %mul3A_417 {strides = array<i32>} : memref<80x128xf32, #tpu.memory_space<vmem>>, vector<16xf32>,
        %get3A_421 = arith.index_cast %add3A_385 : i32 to index
        %get3A_422 = arith.constant 80 : index
        %get3A_423 = tpu.vector_load %arg18[%get3A_421, %get3A_422] {strides = array<i32>} : memref<80x128xf32, #tpu.memory_space<vmem>>, vector<16xf32>,
        %mul3A_424 = arith.mulf %get3A_423, %gather3A_254 : vector<16xf32>
        %swap3A_425 = arith.index_cast %add3A_385 : i32 to index
        %swap3A_426 = arith.constant 80 : index
        %swap3A_427 = tpu.vector_load %arg18[%swap3A_425, %swap3A_426] {strides = array<i32>} : memref<80x128xf32, #tpu.memory_space<vmem>>, vector<16xf32>,
        tpu.vector_store %arg18[%swap3A_425, %swap3A_426], %mul3A_424 {strides = array<i32>} : memref<80x128xf32, #tpu.memory_space<vmem>>, vector<16xf32>,
        %get3A_428 = arith.index_cast %add3A_385 : i32 to index
        %get3A_429 = arith.constant 96 : index
        %get3A_430 = tpu.vector_load %arg18[%get3A_428, %get3A_429] {strides = array<i32>} : memref<80x128xf32, #tpu.memory_space<vmem>>, vector<16xf32>,
        %mul3A_431 = arith.mulf %get3A_430, %gather3A_254 : vector<16xf32>
        %swap3A_432 = arith.index_cast %add3A_385 : i32 to index
        %swap3A_433 = arith.constant 96 : index
        %swap3A_434 = tpu.vector_load %arg18[%swap3A_432, %swap3A_433] {strides = array<i32>} : memref<80x128xf32, #tpu.memory_space<vmem>>, vector<16xf32>,
        tpu.vector_store %arg18[%swap3A_432, %swap3A_433], %mul3A_431 {strides = array<i32>} : memref<80x128xf32, #tpu.memory_space<vmem>>, vector<16xf32>,
        %get3A_435 = arith.index_cast %add3A_385 : i32 to index
        %get3A_436 = arith.constant 112 : index
        %get3A_437 = tpu.vector_load %arg18[%get3A_435, %get3A_436] {strides = array<i32>} : memref<80x128xf32, #tpu.memory_space<vmem>>, vector<16xf32>,
        %mul3A_438 = arith.mulf %get3A_437, %gather3A_254 : vector<16xf32>
        %swap3A_439 = arith.index_cast %add3A_385 : i32 to index
        %swap3A_440 = arith.constant 112 : index
        %swap3A_441 = tpu.vector_load %arg18[%swap3A_439, %swap3A_440] {strides = array<i32>} : memref<80x128xf32, #tpu.memory_space<vmem>>, vector<16xf32>,
        tpu.vector_store %arg18[%swap3A_439, %swap3A_440], %mul3A_438 {strides = array<i32>} : memref<80x128xf32, #tpu.memory_space<vmem>>, vector<16xf32>,
        %mul3A_442 = arith.constant 4 : i32
        %mul3A_443 = arith.muli %scan3A_229, %mul3A_442 : i32
        %add3A_444 = arith.constant 3 : i32
        %add3A_445 = arith.addi %mul3A_443, %add3A_444 : i32
        %get3A_446 = arith.index_cast %add3A_445 : i32 to index
        %get3A_447 = arith.constant 0 : index
        %get3A_448 = tpu.vector_load %arg18[%get3A_446, %get3A_447] {strides = array<i32>} : memref<80x128xf32, #tpu.memory_space<vmem>>, vector<16xf32>,
        %mul3A_449 = arith.mulf %get3A_448, %gather3A_263 : vector<16xf32>
        %swap3A_450 = arith.index_cast %add3A_445 : i32 to index
        %swap3A_451 = arith.constant 0 : index
        %swap3A_452 = tpu.vector_load %arg18[%swap3A_450, %swap3A_451] {strides = array<i32>} : memref<80x128xf32, #tpu.memory_space<vmem>>, vector<16xf32>,
        tpu.vector_store %arg18[%swap3A_450, %swap3A_451], %mul3A_449 {strides = array<i32>} : memref<80x128xf32, #tpu.memory_space<vmem>>, vector<16xf32>,
        %get3A_453 = arith.index_cast %add3A_445 : i32 to index
        %get3A_454 = arith.constant 16 : index
        %get3A_455 = tpu.vector_load %arg18[%get3A_453, %get3A_454] {strides = array<i32>} : memref<80x128xf32, #tpu.memory_space<vmem>>, vector<16xf32>,
        %mul3A_456 = arith.mulf %get3A_455, %gather3A_263 : vector<16xf32>
        %swap3A_457 = arith.index_cast %add3A_445 : i32 to index
        %swap3A_458 = arith.constant 16 : index
        %swap3A_459 = tpu.vector_load %arg18[%swap3A_457, %swap3A_458] {strides = array<i32>} : memref<80x128xf32, #tpu.memory_space<vmem>>, vector<16xf32>,
        tpu.vector_store %arg18[%swap3A_457, %swap3A_458], %mul3A_456 {strides = array<i32>} : memref<80x128xf32, #tpu.memory_space<vmem>>, vector<16xf32>,
        %get3A_460 = arith.index_cast %add3A_445 : i32 to index
        %get3A_461 = arith.constant 32 : index
        %get3A_462 = tpu.vector_load %arg18[%get3A_460, %get3A_461] {strides = array<i32>} : memref<80x128xf32, #tpu.memory_space<vmem>>, vector<16xf32>,
        %mul3A_463 = arith.mulf %get3A_462, %gather3A_263 : vector<16xf32>
        %swap3A_464 = arith.index_cast %add3A_445 : i32 to index
        %swap3A_465 = arith.constant 32 : index
        %swap3A_466 = tpu.vector_load %arg18[%swap3A_464, %swap3A_465] {strides = array<i32>} : memref<80x128xf32, #tpu.memory_space<vmem>>, vector<16xf32>,
        tpu.vector_store %arg18[%swap3A_464, %swap3A_465], %mul3A_463 {strides = array<i32>} : memref<80x128xf32, #tpu.memory_space<vmem>>, vector<16xf32>,
        %get3A_467 = arith.index_cast %add3A_445 : i32 to index
        %get3A_468 = arith.constant 48 : index
        %get3A_469 = tpu.vector_load %arg18[%get3A_467, %get3A_468] {strides = array<i32>} : memref<80x128xf32, #tpu.memory_space<vmem>>, vector<16xf32>,
        %mul3A_470 = arith.mulf %get3A_469, %gather3A_263 : vector<16xf32>
        %swap3A_471 = arith.index_cast %add3A_445 : i32 to index
        %swap3A_472 = arith.constant 48 : index
        %swap3A_473 = tpu.vector_load %arg18[%swap3A_471, %swap3A_472] {strides = array<i32>} : memref<80x128xf32, #tpu.memory_space<vmem>>, vector<16xf32>,
        tpu.vector_store %arg18[%swap3A_471, %swap3A_472], %mul3A_470 {strides = array<i32>} : memref<80x128xf32, #tpu.memory_space<vmem>>, vector<16xf32>,
        %get3A_474 = arith.index_cast %add3A_445 : i32 to index
        %get3A_475 = arith.constant 64 : index
        %get3A_476 = tpu.vector_load %arg18[%get3A_474, %get3A_475] {strides = array<i32>} : memref<80x128xf32, #tpu.memory_space<vmem>>, vector<16xf32>,
        %mul3A_477 = arith.mulf %get3A_476, %gather3A_263 : vector<16xf32>
        %swap3A_478 = arith.index_cast %add3A_445 : i32 to index
        %swap3A_479 = arith.constant 64 : index
        %swap3A_480 = tpu.vector_load %arg18[%swap3A_478, %swap3A_479] {strides = array<i32>} : memref<80x128xf32, #tpu.memory_space<vmem>>, vector<16xf32>,
        tpu.vector_store %arg18[%swap3A_478, %swap3A_479], %mul3A_477 {strides = array<i32>} : memref<80x128xf32, #tpu.memory_space<vmem>>, vector<16xf32>,
        %get3A_481 = arith.index_cast %add3A_445 : i32 to index
        %get3A_482 = arith.constant 80 : index
        %get3A_483 = tpu.vector_load %arg18[%get3A_481, %get3A_482] {strides = array<i32>} : memref<80x128xf32, #tpu.memory_space<vmem>>, vector<16xf32>,
        %mul3A_484 = arith.mulf %get3A_483, %gather3A_263 : vector<16xf32>
        %swap3A_485 = arith.index_cast %add3A_445 : i32 to index
        %swap3A_486 = arith.constant 80 : index
        %swap3A_487 = tpu.vector_load %arg18[%swap3A_485, %swap3A_486] {strides = array<i32>} : memref<80x128xf32, #tpu.memory_space<vmem>>, vector<16xf32>,
        tpu.vector_store %arg18[%swap3A_485, %swap3A_486], %mul3A_484 {strides = array<i32>} : memref<80x128xf32, #tpu.memory_space<vmem>>, vector<16xf32>,
        %get3A_488 = arith.index_cast %add3A_445 : i32 to index
        %get3A_489 = arith.constant 96 : index
        %get3A_490 = tpu.vector_load %arg18[%get3A_488, %get3A_489] {strides = array<i32>} : memref<80x128xf32, #tpu.memory_space<vmem>>, vector<16xf32>,
        %mul3A_491 = arith.mulf %get3A_490, %gather3A_263 : vector<16xf32>
        %swap3A_492 = arith.index_cast %add3A_445 : i32 to index
        %swap3A_493 = arith.constant 96 : index
        %swap3A_494 = tpu.vector_load %arg18[%swap3A_492, %swap3A_493] {strides = array<i32>} : memref<80x128xf32, #tpu.memory_space<vmem>>, vector<16xf32>,
        tpu.vector_store %arg18[%swap3A_492, %swap3A_493], %mul3A_491 {strides = array<i32>} : memref<80x128xf32, #tpu.memory_space<vmem>>, vector<16xf32>,
        %get3A_495 = arith.index_cast %add3A_445 : i32 to index
        %get3A_496 = arith.constant 112 : index
        %get3A_497 = tpu.vector_load %arg18[%get3A_495, %get3A_496] {strides = array<i32>} : memref<80x128xf32, #tpu.memory_space<vmem>>, vector<16xf32>,
        %mul3A_498 = arith.mulf %get3A_497, %gather3A_263 : vector<16xf32>
        %swap3A_499 = arith.index_cast %add3A_445 : i32 to index
        %swap3A_500 = arith.constant 112 : index
        %swap3A_501 = tpu.vector_load %arg18[%swap3A_499, %swap3A_500] {strides = array<i32>} : memref<80x128xf32, #tpu.memory_space<vmem>>, vector<16xf32>,
        tpu.vector_store %arg18[%swap3A_499, %swap3A_500], %mul3A_498 {strides = array<i32>} : memref<80x128xf32, #tpu.memory_space<vmem>>, vector<16xf32>,
      }
      %scan3A_130 = arith.constant 20 : i32
      %dma_start3A_131 = arith.constant 0 : i32
      %dma_start3A_132 = arith.constant 0 : i32
      %dma_start3A_133 = tpu.memref_slice %arg22[%dma_start3A_131, %dma_start3A_132] : memref<10240x128xf32, #tpu.memory_space<vmem_shared>> -> memref<10240x128xf32, #tpu.memory_space<vmem_shared>>
      tpu.enqueue_indirect_dma source(%arg18 : memref<80x128xf32, #tpu.memory_space<vmem>>) target(%dma_start3A_133 : memref<10240x128xf32, #tpu.memory_space<vmem_shared>>) offsets(%arg6 : memref<80xi32, #tpu.memory_space<vmem>>) semaphore(%arg31 : memref<!tpu.dma_semaphore, #tpu.memory_space<semaphore_mem>>) {add = true}
      %add3A_134 = arith.constant 3 : i32
      %add3A_135 = arith.addi %mul3A_121, %add3A_134 : i32
      %lt3A = arith.constant 125 : i32
      %lt3A_136 = arith.cmpi slt, %add3A_135, %lt3A : i32
      %convert_element_type3A = arith.extui %lt3A_136 : i1 to i32
      %cond3A = arith.constant 0 : i32
      %cond3A_137 = arith.cmpi ne, %convert_element_type3A, %cond3A : i32
      scf.if %cond3A_137 {
        %ge3A = arith.constant 1 : i32
        %ge3A_229 = arith.cmpi sge, %mul3A_121, %ge3A : i32
        %convert_element_type3A_230 = arith.extui %ge3A_229 : i1 to i32
        %cond3A_231 = arith.constant 0 : i32
        %cond3A_232 = arith.cmpi ne, %convert_element_type3A_230, %cond3A_231 : i32
        scf.if %cond3A_232 {
          %dma_wait3A_250 = arith.constant 0 : i32
          %dma_wait3A_251 = arith.constant 0 : i32
          %dma_wait3A_252 = tpu.memref_slice %arg22[%dma_wait3A_250, %dma_wait3A_251] : memref<10240x128xf32, #tpu.memory_space<vmem_shared>> -> memref<10240x128xf32, #tpu.memory_space<vmem_shared>>
          tpu.wait_indirect_dma semaphore(%arg34 : memref<!tpu.dma_semaphore, #tpu.memory_space<semaphore_mem>>) src(%arg21 : memref<80x128xf32, #tpu.memory_space<vmem>>) dst(%dma_wait3A_252 : memref<10240x128xf32, #tpu.memory_space<vmem_shared>>)
        } else {
        }
        %mul3A_233 = arith.constant 80 : i32
        %mul3A_234 = arith.muli %add3A_135, %mul3A_233 : i32
        %add3A_235 = arith.addi %mul3A_2, %mul3A_234 : i32
        %dma_start3A_236 = tpu.memref_slice %arg2[%add3A_235] : memref<640000xi32, #tpu.memory_space<hbm>> -> memref<80xi32, #tpu.memory_space<hbm>>
        %dma_start3A_237 = tpu.memref_slice %arg2[%add3A_235] : memref<640000xi32, #tpu.memory_space<hbm>> -> memref<80xi32, #tpu.memory_space<hbm>>
        tpu.enqueue_dma source(%dma_start3A_237 : memref<80xi32, #tpu.memory_space<hbm>>) target(%arg9 : memref<80xi32, #tpu.memory_space<vmem>>) target_semaphore(%arg26 : memref<!tpu.dma_semaphore, #tpu.memory_space<semaphore_mem>>)
        %add3A_238 = arith.constant 320000 : i32
        %add3A_239 = arith.addi %add3A_238, %mul3A_2 : i32
        %mul3A_240 = arith.constant 80 : i32
        %mul3A_241 = arith.muli %add3A_135, %mul3A_240 : i32
        %add3A_242 = arith.addi %add3A_239, %mul3A_241 : i32
        %dma_start3A_243 = tpu.memref_slice %arg2[%add3A_242] : memref<640000xi32, #tpu.memory_space<hbm>> -> memref<80xi32, #tpu.memory_space<hbm>>
        %dma_start3A_244 = tpu.memref_slice %arg2[%add3A_242] : memref<640000xi32, #tpu.memory_space<hbm>> -> memref<80xi32, #tpu.memory_space<hbm>>
        tpu.enqueue_dma source(%dma_start3A_244 : memref<80xi32, #tpu.memory_space<hbm>>) target(%arg13 : memref<80xi32, #tpu.memory_space<vmem>>) target_semaphore(%arg26 : memref<!tpu.dma_semaphore, #tpu.memory_space<semaphore_mem>>)
        %mul3A_245 = arith.constant 80 : i32
        %mul3A_246 = arith.muli %add3A_135, %mul3A_245 : i32
        %add3A_247 = arith.addi %mul3A_2, %mul3A_246 : i32
        %dma_start3A_248 = tpu.memref_slice %arg3[%add3A_247] : memref<320000xf32, #tpu.memory_space<hbm>> -> memref<80xf32, #tpu.memory_space<hbm>>
        %dma_start3A_249 = tpu.memref_slice %arg3[%add3A_247] : memref<320000xf32, #tpu.memory_space<hbm>> -> memref<80xf32, #tpu.memory_space<hbm>>
        tpu.enqueue_dma source(%dma_start3A_249 : memref<80xf32, #tpu.memory_space<hbm>>) target(%arg17 : memref<80xf32, #tpu.memory_space<vmem>>) target_semaphore(%arg26 : memref<!tpu.dma_semaphore, #tpu.memory_space<semaphore_mem>>)
      } else {
      }
      %add3A_138 = arith.constant 2 : i32
      %add3A_139 = arith.addi %mul3A_121, %add3A_138 : i32
      %lt3A_140 = arith.constant 125 : i32
      %lt3A_141 = arith.cmpi slt, %add3A_139, %lt3A_140 : i32
      %convert_element_type3A_142 = arith.extui %lt3A_141 : i1 to i32
      %cond3A_143 = arith.constant 0 : i32
      %cond3A_144 = arith.cmpi ne, %convert_element_type3A_142, %cond3A_143 : i32
      scf.if %cond3A_144 {
        %dma_wait3A_229 = tpu.memref_slice %arg2[%mul3A_2] : memref<640000xi32, #tpu.memory_space<hbm>> -> memref<80xi32, #tpu.memory_space<hbm>>
        %dma_wait3A_230 = tpu.memref_slice %arg2[%mul3A_2] : memref<640000xi32, #tpu.memory_space<hbm>> -> memref<80xi32, #tpu.memory_space<hbm>>
        tpu.wait_dma2 semaphore(%arg25 : memref<!tpu.dma_semaphore, #tpu.memory_space<semaphore_mem>>) src(%dma_wait3A_230 : memref<80xi32, #tpu.memory_space<hbm>>) dst(%arg8 : memref<80xi32, #tpu.memory_space<vmem>>)
        %add3A_231 = arith.constant 320000 : i32
        %add3A_232 = arith.addi %add3A_231, %mul3A_2 : i32
        %dma_wait3A_233 = tpu.memref_slice %arg2[%add3A_232] : memref<640000xi32, #tpu.memory_space<hbm>> -> memref<80xi32, #tpu.memory_space<hbm>>
        %dma_wait3A_234 = tpu.memref_slice %arg2[%add3A_232] : memref<640000xi32, #tpu.memory_space<hbm>> -> memref<80xi32, #tpu.memory_space<hbm>>
        tpu.wait_dma2 semaphore(%arg25 : memref<!tpu.dma_semaphore, #tpu.memory_space<semaphore_mem>>) src(%dma_wait3A_234 : memref<80xi32, #tpu.memory_space<hbm>>) dst(%arg12 : memref<80xi32, #tpu.memory_space<vmem>>)
        %dma_wait3A_235 = tpu.memref_slice %arg3[%mul3A_2] : memref<320000xf32, #tpu.memory_space<hbm>> -> memref<80xf32, #tpu.memory_space<hbm>>
        %dma_wait3A_236 = tpu.memref_slice %arg3[%mul3A_2] : memref<320000xf32, #tpu.memory_space<hbm>> -> memref<80xf32, #tpu.memory_space<hbm>>
        tpu.wait_dma2 semaphore(%arg25 : memref<!tpu.dma_semaphore, #tpu.memory_space<semaphore_mem>>) src(%dma_wait3A_236 : memref<80xf32, #tpu.memory_space<hbm>>) dst(%arg16 : memref<80xf32, #tpu.memory_space<vmem>>)
        %dma_start3A_237 = arith.constant 0 : i32
        %dma_start3A_238 = arith.constant 0 : i32
        %dma_start3A_239 = tpu.memref_slice %arg4[%dma_start3A_237, %dma_start3A_238] : memref<10240x128xf32, #tpu.memory_space<hbm>> -> memref<10240x128xf32, #tpu.memory_space<hbm>>
        tpu.enqueue_indirect_dma source(%dma_start3A_239 : memref<10240x128xf32, #tpu.memory_space<hbm>>) target(%arg20 : memref<80x128xf32, #tpu.memory_space<vmem>>) offsets(%arg12 : memref<80xi32, #tpu.memory_space<vmem>>) semaphore(%arg29 : memref<!tpu.dma_semaphore, #tpu.memory_space<semaphore_mem>>)
      } else {
      }
      %add3A_145 = arith.constant 1 : i32
      %add3A_146 = arith.addi %mul3A_121, %add3A_145 : i32
      %dma_wait3A_147 = arith.constant 0 : i32
      %dma_wait3A_148 = arith.constant 0 : i32
      %dma_wait3A_149 = tpu.memref_slice %arg4[%dma_wait3A_147, %dma_wait3A_148] : memref<10240x128xf32, #tpu.memory_space<hbm>> -> memref<10240x128xf32, #tpu.memory_space<hbm>>
      tpu.wait_indirect_dma semaphore(%arg28 : memref<!tpu.dma_semaphore, #tpu.memory_space<semaphore_mem>>) src(%dma_wait3A_149 : memref<10240x128xf32, #tpu.memory_space<hbm>>) dst(%arg19 : memref<80x128xf32, #tpu.memory_space<vmem>>)
      %scan3A_150 = arith.constant 0 : i32
      %scan3A_151 = arith.constant 0 : i32
      %scan3A_152 = arith.constant 20 : i32
      %scan3A_153 = arith.addi %scan3A_151, %scan3A_152 : i32
      %scan3A_154 = arith.constant 1 : i32
      scf.for %scan3A_229 = %scan3A_151 to %scan3A_153 step %scan3A_154  : i32 {
        %mul3A_230 = arith.constant 4 : i32
        %mul3A_231 = arith.muli %scan3A_229, %mul3A_230 : i32
        %add3A_232 = arith.constant 0 : i32
        %add3A_233 = arith.addi %mul3A_231, %add3A_232 : i32
        %broadcast_in_dim3A = arith.constant 0 : i32
        %broadcast_in_dim3A_234 = vector.broadcast %broadcast_in_dim3A : i32 to vector<16xi32>
        %add3A_235 = vector.broadcast %add3A_233 : i32 to vector<16xi32>
        %add3A_236 = arith.addi %broadcast_in_dim3A_234, %add3A_235 : vector<16xi32>
        %gather3A = tpu.vector_load_idx %arg15[%add3A_236] : memref<80xf32, #tpu.memory_space<vmem>>[vector<16xi32>], vector<16xf32>,
        %mul3A_237 = arith.constant 4 : i32
        %mul3A_238 = arith.muli %scan3A_229, %mul3A_237 : i32
        %add3A_239 = arith.constant 1 : i32
        %add3A_240 = arith.addi %mul3A_238, %add3A_239 : i32
        %broadcast_in_dim3A_241 = arith.constant 0 : i32
        %broadcast_in_dim3A_242 = vector.broadcast %broadcast_in_dim3A_241 : i32 to vector<16xi32>
        %add3A_243 = vector.broadcast %add3A_240 : i32 to vector<16xi32>
        %add3A_244 = arith.addi %broadcast_in_dim3A_242, %add3A_243 : vector<16xi32>
        %gather3A_245 = tpu.vector_load_idx %arg15[%add3A_244] : memref<80xf32, #tpu.memory_space<vmem>>[vector<16xi32>], vector<16xf32>,
        %mul3A_246 = arith.constant 4 : i32
        %mul3A_247 = arith.muli %scan3A_229, %mul3A_246 : i32
        %add3A_248 = arith.constant 2 : i32
        %add3A_249 = arith.addi %mul3A_247, %add3A_248 : i32
        %broadcast_in_dim3A_250 = arith.constant 0 : i32
        %broadcast_in_dim3A_251 = vector.broadcast %broadcast_in_dim3A_250 : i32 to vector<16xi32>
        %add3A_252 = vector.broadcast %add3A_249 : i32 to vector<16xi32>
        %add3A_253 = arith.addi %broadcast_in_dim3A_251, %add3A_252 : vector<16xi32>
        %gather3A_254 = tpu.vector_load_idx %arg15[%add3A_253] : memref<80xf32, #tpu.memory_space<vmem>>[vector<16xi32>], vector<16xf32>,
        %mul3A_255 = arith.constant 4 : i32
        %mul3A_256 = arith.muli %scan3A_229, %mul3A_255 : i32
        %add3A_257 = arith.constant 3 : i32
        %add3A_258 = arith.addi %mul3A_256, %add3A_257 : i32
        %broadcast_in_dim3A_259 = arith.constant 0 : i32
        %broadcast_in_dim3A_260 = vector.broadcast %broadcast_in_dim3A_259 : i32 to vector<16xi32>
        %add3A_261 = vector.broadcast %add3A_258 : i32 to vector<16xi32>
        %add3A_262 = arith.addi %broadcast_in_dim3A_260, %add3A_261 : vector<16xi32>
        %gather3A_263 = tpu.vector_load_idx %arg15[%add3A_262] : memref<80xf32, #tpu.memory_space<vmem>>[vector<16xi32>], vector<16xf32>,
        %mul3A_264 = arith.constant 4 : i32
        %mul3A_265 = arith.muli %scan3A_229, %mul3A_264 : i32
        %add3A_266 = arith.constant 0 : i32
        %add3A_267 = arith.addi %mul3A_265, %add3A_266 : i32
        %get3A = arith.index_cast %add3A_267 : i32 to index
        %get3A_268 = arith.constant 0 : index
        %get3A_269 = tpu.vector_load %arg19[%get3A, %get3A_268] {strides = array<i32>} : memref<80x128xf32, #tpu.memory_space<vmem>>, vector<16xf32>,
        %mul3A_270 = arith.mulf %get3A_269, %gather3A : vector<16xf32>
        %swap3A = arith.index_cast %add3A_267 : i32 to index
        %swap3A_271 = arith.constant 0 : index
        %swap3A_272 = tpu.vector_load %arg19[%swap3A, %swap3A_271] {strides = array<i32>} : memref<80x128xf32, #tpu.memory_space<vmem>>, vector<16xf32>,
        tpu.vector_store %arg19[%swap3A, %swap3A_271], %mul3A_270 {strides = array<i32>} : memref<80x128xf32, #tpu.memory_space<vmem>>, vector<16xf32>,
        %get3A_273 = arith.index_cast %add3A_267 : i32 to index
        %get3A_274 = arith.constant 16 : index
        %get3A_275 = tpu.vector_load %arg19[%get3A_273, %get3A_274] {strides = array<i32>} : memref<80x128xf32, #tpu.memory_space<vmem>>, vector<16xf32>,
        %mul3A_276 = arith.mulf %get3A_275, %gather3A : vector<16xf32>
        %swap3A_277 = arith.index_cast %add3A_267 : i32 to index
        %swap3A_278 = arith.constant 16 : index
        %swap3A_279 = tpu.vector_load %arg19[%swap3A_277, %swap3A_278] {strides = array<i32>} : memref<80x128xf32, #tpu.memory_space<vmem>>, vector<16xf32>,
        tpu.vector_store %arg19[%swap3A_277, %swap3A_278], %mul3A_276 {strides = array<i32>} : memref<80x128xf32, #tpu.memory_space<vmem>>, vector<16xf32>,
        %get3A_280 = arith.index_cast %add3A_267 : i32 to index
        %get3A_281 = arith.constant 32 : index
        %get3A_282 = tpu.vector_load %arg19[%get3A_280, %get3A_281] {strides = array<i32>} : memref<80x128xf32, #tpu.memory_space<vmem>>, vector<16xf32>,
        %mul3A_283 = arith.mulf %get3A_282, %gather3A : vector<16xf32>
        %swap3A_284 = arith.index_cast %add3A_267 : i32 to index
        %swap3A_285 = arith.constant 32 : index
        %swap3A_286 = tpu.vector_load %arg19[%swap3A_284, %swap3A_285] {strides = array<i32>} : memref<80x128xf32, #tpu.memory_space<vmem>>, vector<16xf32>,
        tpu.vector_store %arg19[%swap3A_284, %swap3A_285], %mul3A_283 {strides = array<i32>} : memref<80x128xf32, #tpu.memory_space<vmem>>, vector<16xf32>,
        %get3A_287 = arith.index_cast %add3A_267 : i32 to index
        %get3A_288 = arith.constant 48 : index
        %get3A_289 = tpu.vector_load %arg19[%get3A_287, %get3A_288] {strides = array<i32>} : memref<80x128xf32, #tpu.memory_space<vmem>>, vector<16xf32>,
        %mul3A_290 = arith.mulf %get3A_289, %gather3A : vector<16xf32>
        %swap3A_291 = arith.index_cast %add3A_267 : i32 to index
        %swap3A_292 = arith.constant 48 : index
        %swap3A_293 = tpu.vector_load %arg19[%swap3A_291, %swap3A_292] {strides = array<i32>} : memref<80x128xf32, #tpu.memory_space<vmem>>, vector<16xf32>,
        tpu.vector_store %arg19[%swap3A_291, %swap3A_292], %mul3A_290 {strides = array<i32>} : memref<80x128xf32, #tpu.memory_space<vmem>>, vector<16xf32>,
        %get3A_294 = arith.index_cast %add3A_267 : i32 to index
        %get3A_295 = arith.constant 64 : index
        %get3A_296 = tpu.vector_load %arg19[%get3A_294, %get3A_295] {strides = array<i32>} : memref<80x128xf32, #tpu.memory_space<vmem>>, vector<16xf32>,
        %mul3A_297 = arith.mulf %get3A_296, %gather3A : vector<16xf32>
        %swap3A_298 = arith.index_cast %add3A_267 : i32 to index
        %swap3A_299 = arith.constant 64 : index
        %swap3A_300 = tpu.vector_load %arg19[%swap3A_298, %swap3A_299] {strides = array<i32>} : memref<80x128xf32, #tpu.memory_space<vmem>>, vector<16xf32>,
        tpu.vector_store %arg19[%swap3A_298, %swap3A_299], %mul3A_297 {strides = array<i32>} : memref<80x128xf32, #tpu.memory_space<vmem>>, vector<16xf32>,
        %get3A_301 = arith.index_cast %add3A_267 : i32 to index
        %get3A_302 = arith.constant 80 : index
        %get3A_303 = tpu.vector_load %arg19[%get3A_301, %get3A_302] {strides = array<i32>} : memref<80x128xf32, #tpu.memory_space<vmem>>, vector<16xf32>,
        %mul3A_304 = arith.mulf %get3A_303, %gather3A : vector<16xf32>
        %swap3A_305 = arith.index_cast %add3A_267 : i32 to index
        %swap3A_306 = arith.constant 80 : index
        %swap3A_307 = tpu.vector_load %arg19[%swap3A_305, %swap3A_306] {strides = array<i32>} : memref<80x128xf32, #tpu.memory_space<vmem>>, vector<16xf32>,
        tpu.vector_store %arg19[%swap3A_305, %swap3A_306], %mul3A_304 {strides = array<i32>} : memref<80x128xf32, #tpu.memory_space<vmem>>, vector<16xf32>,
        %get3A_308 = arith.index_cast %add3A_267 : i32 to index
        %get3A_309 = arith.constant 96 : index
        %get3A_310 = tpu.vector_load %arg19[%get3A_308, %get3A_309] {strides = array<i32>} : memref<80x128xf32, #tpu.memory_space<vmem>>, vector<16xf32>,
        %mul3A_311 = arith.mulf %get3A_310, %gather3A : vector<16xf32>
        %swap3A_312 = arith.index_cast %add3A_267 : i32 to index
        %swap3A_313 = arith.constant 96 : index
        %swap3A_314 = tpu.vector_load %arg19[%swap3A_312, %swap3A_313] {strides = array<i32>} : memref<80x128xf32, #tpu.memory_space<vmem>>, vector<16xf32>,
        tpu.vector_store %arg19[%swap3A_312, %swap3A_313], %mul3A_311 {strides = array<i32>} : memref<80x128xf32, #tpu.memory_space<vmem>>, vector<16xf32>,
        %get3A_315 = arith.index_cast %add3A_267 : i32 to index
        %get3A_316 = arith.constant 112 : index
        %get3A_317 = tpu.vector_load %arg19[%get3A_315, %get3A_316] {strides = array<i32>} : memref<80x128xf32, #tpu.memory_space<vmem>>, vector<16xf32>,
        %mul3A_318 = arith.mulf %get3A_317, %gather3A : vector<16xf32>
        %swap3A_319 = arith.index_cast %add3A_267 : i32 to index
        %swap3A_320 = arith.constant 112 : index
        %swap3A_321 = tpu.vector_load %arg19[%swap3A_319, %swap3A_320] {strides = array<i32>} : memref<80x128xf32, #tpu.memory_space<vmem>>, vector<16xf32>,
        tpu.vector_store %arg19[%swap3A_319, %swap3A_320], %mul3A_318 {strides = array<i32>} : memref<80x128xf32, #tpu.memory_space<vmem>>, vector<16xf32>,
        %mul3A_322 = arith.constant 4 : i32
        %mul3A_323 = arith.muli %scan3A_229, %mul3A_322 : i32
        %add3A_324 = arith.constant 1 : i32
        %add3A_325 = arith.addi %mul3A_323, %add3A_324 : i32
        %get3A_326 = arith.index_cast %add3A_325 : i32 to index
        %get3A_327 = arith.constant 0 : index
        %get3A_328 = tpu.vector_load %arg19[%get3A_326, %get3A_327] {strides = array<i32>} : memref<80x128xf32, #tpu.memory_space<vmem>>, vector<16xf32>,
        %mul3A_329 = arith.mulf %get3A_328, %gather3A_245 : vector<16xf32>
        %swap3A_330 = arith.index_cast %add3A_325 : i32 to index
        %swap3A_331 = arith.constant 0 : index
        %swap3A_332 = tpu.vector_load %arg19[%swap3A_330, %swap3A_331] {strides = array<i32>} : memref<80x128xf32, #tpu.memory_space<vmem>>, vector<16xf32>,
        tpu.vector_store %arg19[%swap3A_330, %swap3A_331], %mul3A_329 {strides = array<i32>} : memref<80x128xf32, #tpu.memory_space<vmem>>, vector<16xf32>,
        %get3A_333 = arith.index_cast %add3A_325 : i32 to index
        %get3A_334 = arith.constant 16 : index
        %get3A_335 = tpu.vector_load %arg19[%get3A_333, %get3A_334] {strides = array<i32>} : memref<80x128xf32, #tpu.memory_space<vmem>>, vector<16xf32>,
        %mul3A_336 = arith.mulf %get3A_335, %gather3A_245 : vector<16xf32>
        %swap3A_337 = arith.index_cast %add3A_325 : i32 to index
        %swap3A_338 = arith.constant 16 : index
        %swap3A_339 = tpu.vector_load %arg19[%swap3A_337, %swap3A_338] {strides = array<i32>} : memref<80x128xf32, #tpu.memory_space<vmem>>, vector<16xf32>,
        tpu.vector_store %arg19[%swap3A_337, %swap3A_338], %mul3A_336 {strides = array<i32>} : memref<80x128xf32, #tpu.memory_space<vmem>>, vector<16xf32>,
        %get3A_340 = arith.index_cast %add3A_325 : i32 to index
        %get3A_341 = arith.constant 32 : index
        %get3A_342 = tpu.vector_load %arg19[%get3A_340, %get3A_341] {strides = array<i32>} : memref<80x128xf32, #tpu.memory_space<vmem>>, vector<16xf32>,
        %mul3A_343 = arith.mulf %get3A_342, %gather3A_245 : vector<16xf32>
        %swap3A_344 = arith.index_cast %add3A_325 : i32 to index
        %swap3A_345 = arith.constant 32 : index
        %swap3A_346 = tpu.vector_load %arg19[%swap3A_344, %swap3A_345] {strides = array<i32>} : memref<80x128xf32, #tpu.memory_space<vmem>>, vector<16xf32>,
        tpu.vector_store %arg19[%swap3A_344, %swap3A_345], %mul3A_343 {strides = array<i32>} : memref<80x128xf32, #tpu.memory_space<vmem>>, vector<16xf32>,
        %get3A_347 = arith.index_cast %add3A_325 : i32 to index
        %get3A_348 = arith.constant 48 : index
        %get3A_349 = tpu.vector_load %arg19[%get3A_347, %get3A_348] {strides = array<i32>} : memref<80x128xf32, #tpu.memory_space<vmem>>, vector<16xf32>,
        %mul3A_350 = arith.mulf %get3A_349, %gather3A_245 : vector<16xf32>
        %swap3A_351 = arith.index_cast %add3A_325 : i32 to index
        %swap3A_352 = arith.constant 48 : index
        %swap3A_353 = tpu.vector_load %arg19[%swap3A_351, %swap3A_352] {strides = array<i32>} : memref<80x128xf32, #tpu.memory_space<vmem>>, vector<16xf32>,
        tpu.vector_store %arg19[%swap3A_351, %swap3A_352], %mul3A_350 {strides = array<i32>} : memref<80x128xf32, #tpu.memory_space<vmem>>, vector<16xf32>,
        %get3A_354 = arith.index_cast %add3A_325 : i32 to index
        %get3A_355 = arith.constant 64 : index
        %get3A_356 = tpu.vector_load %arg19[%get3A_354, %get3A_355] {strides = array<i32>} : memref<80x128xf32, #tpu.memory_space<vmem>>, vector<16xf32>,
        %mul3A_357 = arith.mulf %get3A_356, %gather3A_245 : vector<16xf32>
        %swap3A_358 = arith.index_cast %add3A_325 : i32 to index
        %swap3A_359 = arith.constant 64 : index
        %swap3A_360 = tpu.vector_load %arg19[%swap3A_358, %swap3A_359] {strides = array<i32>} : memref<80x128xf32, #tpu.memory_space<vmem>>, vector<16xf32>,
        tpu.vector_store %arg19[%swap3A_358, %swap3A_359], %mul3A_357 {strides = array<i32>} : memref<80x128xf32, #tpu.memory_space<vmem>>, vector<16xf32>,
        %get3A_361 = arith.index_cast %add3A_325 : i32 to index
        %get3A_362 = arith.constant 80 : index
        %get3A_363 = tpu.vector_load %arg19[%get3A_361, %get3A_362] {strides = array<i32>} : memref<80x128xf32, #tpu.memory_space<vmem>>, vector<16xf32>,
        %mul3A_364 = arith.mulf %get3A_363, %gather3A_245 : vector<16xf32>
        %swap3A_365 = arith.index_cast %add3A_325 : i32 to index
        %swap3A_366 = arith.constant 80 : index
        %swap3A_367 = tpu.vector_load %arg19[%swap3A_365, %swap3A_366] {strides = array<i32>} : memref<80x128xf32, #tpu.memory_space<vmem>>, vector<16xf32>,
        tpu.vector_store %arg19[%swap3A_365, %swap3A_366], %mul3A_364 {strides = array<i32>} : memref<80x128xf32, #tpu.memory_space<vmem>>, vector<16xf32>,
        %get3A_368 = arith.index_cast %add3A_325 : i32 to index
        %get3A_369 = arith.constant 96 : index
        %get3A_370 = tpu.vector_load %arg19[%get3A_368, %get3A_369] {strides = array<i32>} : memref<80x128xf32, #tpu.memory_space<vmem>>, vector<16xf32>,
        %mul3A_371 = arith.mulf %get3A_370, %gather3A_245 : vector<16xf32>
        %swap3A_372 = arith.index_cast %add3A_325 : i32 to index
        %swap3A_373 = arith.constant 96 : index
        %swap3A_374 = tpu.vector_load %arg19[%swap3A_372, %swap3A_373] {strides = array<i32>} : memref<80x128xf32, #tpu.memory_space<vmem>>, vector<16xf32>,
        tpu.vector_store %arg19[%swap3A_372, %swap3A_373], %mul3A_371 {strides = array<i32>} : memref<80x128xf32, #tpu.memory_space<vmem>>, vector<16xf32>,
        %get3A_375 = arith.index_cast %add3A_325 : i32 to index
        %get3A_376 = arith.constant 112 : index
        %get3A_377 = tpu.vector_load %arg19[%get3A_375, %get3A_376] {strides = array<i32>} : memref<80x128xf32, #tpu.memory_space<vmem>>, vector<16xf32>,
        %mul3A_378 = arith.mulf %get3A_377, %gather3A_245 : vector<16xf32>
        %swap3A_379 = arith.index_cast %add3A_325 : i32 to index
        %swap3A_380 = arith.constant 112 : index
        %swap3A_381 = tpu.vector_load %arg19[%swap3A_379, %swap3A_380] {strides = array<i32>} : memref<80x128xf32, #tpu.memory_space<vmem>>, vector<16xf32>,
        tpu.vector_store %arg19[%swap3A_379, %swap3A_380], %mul3A_378 {strides = array<i32>} : memref<80x128xf32, #tpu.memory_space<vmem>>, vector<16xf32>,
        %mul3A_382 = arith.constant 4 : i32
        %mul3A_383 = arith.muli %scan3A_229, %mul3A_382 : i32
        %add3A_384 = arith.constant 2 : i32
        %add3A_385 = arith.addi %mul3A_383, %add3A_384 : i32
        %get3A_386 = arith.index_cast %add3A_385 : i32 to index
        %get3A_387 = arith.constant 0 : index
        %get3A_388 = tpu.vector_load %arg19[%get3A_386, %get3A_387] {strides = array<i32>} : memref<80x128xf32, #tpu.memory_space<vmem>>, vector<16xf32>,
        %mul3A_389 = arith.mulf %get3A_388, %gather3A_254 : vector<16xf32>
        %swap3A_390 = arith.index_cast %add3A_385 : i32 to index
        %swap3A_391 = arith.constant 0 : index
        %swap3A_392 = tpu.vector_load %arg19[%swap3A_390, %swap3A_391] {strides = array<i32>} : memref<80x128xf32, #tpu.memory_space<vmem>>, vector<16xf32>,
        tpu.vector_store %arg19[%swap3A_390, %swap3A_391], %mul3A_389 {strides = array<i32>} : memref<80x128xf32, #tpu.memory_space<vmem>>, vector<16xf32>,
        %get3A_393 = arith.index_cast %add3A_385 : i32 to index
        %get3A_394 = arith.constant 16 : index
        %get3A_395 = tpu.vector_load %arg19[%get3A_393, %get3A_394] {strides = array<i32>} : memref<80x128xf32, #tpu.memory_space<vmem>>, vector<16xf32>,
        %mul3A_396 = arith.mulf %get3A_395, %gather3A_254 : vector<16xf32>
        %swap3A_397 = arith.index_cast %add3A_385 : i32 to index
        %swap3A_398 = arith.constant 16 : index
        %swap3A_399 = tpu.vector_load %arg19[%swap3A_397, %swap3A_398] {strides = array<i32>} : memref<80x128xf32, #tpu.memory_space<vmem>>, vector<16xf32>,
        tpu.vector_store %arg19[%swap3A_397, %swap3A_398], %mul3A_396 {strides = array<i32>} : memref<80x128xf32, #tpu.memory_space<vmem>>, vector<16xf32>,
        %get3A_400 = arith.index_cast %add3A_385 : i32 to index
        %get3A_401 = arith.constant 32 : index
        %get3A_402 = tpu.vector_load %arg19[%get3A_400, %get3A_401] {strides = array<i32>} : memref<80x128xf32, #tpu.memory_space<vmem>>, vector<16xf32>,
        %mul3A_403 = arith.mulf %get3A_402, %gather3A_254 : vector<16xf32>
        %swap3A_404 = arith.index_cast %add3A_385 : i32 to index
        %swap3A_405 = arith.constant 32 : index
        %swap3A_406 = tpu.vector_load %arg19[%swap3A_404, %swap3A_405] {strides = array<i32>} : memref<80x128xf32, #tpu.memory_space<vmem>>, vector<16xf32>,
        tpu.vector_store %arg19[%swap3A_404, %swap3A_405], %mul3A_403 {strides = array<i32>} : memref<80x128xf32, #tpu.memory_space<vmem>>, vector<16xf32>,
        %get3A_407 = arith.index_cast %add3A_385 : i32 to index
        %get3A_408 = arith.constant 48 : index
        %get3A_409 = tpu.vector_load %arg19[%get3A_407, %get3A_408] {strides = array<i32>} : memref<80x128xf32, #tpu.memory_space<vmem>>, vector<16xf32>,
        %mul3A_410 = arith.mulf %get3A_409, %gather3A_254 : vector<16xf32>
        %swap3A_411 = arith.index_cast %add3A_385 : i32 to index
        %swap3A_412 = arith.constant 48 : index
        %swap3A_413 = tpu.vector_load %arg19[%swap3A_411, %swap3A_412] {strides = array<i32>} : memref<80x128xf32, #tpu.memory_space<vmem>>, vector<16xf32>,
        tpu.vector_store %arg19[%swap3A_411, %swap3A_412], %mul3A_410 {strides = array<i32>} : memref<80x128xf32, #tpu.memory_space<vmem>>, vector<16xf32>,
        %get3A_414 = arith.index_cast %add3A_385 : i32 to index
        %get3A_415 = arith.constant 64 : index
        %get3A_416 = tpu.vector_load %arg19[%get3A_414, %get3A_415] {strides = array<i32>} : memref<80x128xf32, #tpu.memory_space<vmem>>, vector<16xf32>,
        %mul3A_417 = arith.mulf %get3A_416, %gather3A_254 : vector<16xf32>
        %swap3A_418 = arith.index_cast %add3A_385 : i32 to index
        %swap3A_419 = arith.constant 64 : index
        %swap3A_420 = tpu.vector_load %arg19[%swap3A_418, %swap3A_419] {strides = array<i32>} : memref<80x128xf32, #tpu.memory_space<vmem>>, vector<16xf32>,
        tpu.vector_store %arg19[%swap3A_418, %swap3A_419], %mul3A_417 {strides = array<i32>} : memref<80x128xf32, #tpu.memory_space<vmem>>, vector<16xf32>,
        %get3A_421 = arith.index_cast %add3A_385 : i32 to index
        %get3A_422 = arith.constant 80 : index
        %get3A_423 = tpu.vector_load %arg19[%get3A_421, %get3A_422] {strides = array<i32>} : memref<80x128xf32, #tpu.memory_space<vmem>>, vector<16xf32>,
        %mul3A_424 = arith.mulf %get3A_423, %gather3A_254 : vector<16xf32>
        %swap3A_425 = arith.index_cast %add3A_385 : i32 to index
        %swap3A_426 = arith.constant 80 : index
        %swap3A_427 = tpu.vector_load %arg19[%swap3A_425, %swap3A_426] {strides = array<i32>} : memref<80x128xf32, #tpu.memory_space<vmem>>, vector<16xf32>,
        tpu.vector_store %arg19[%swap3A_425, %swap3A_426], %mul3A_424 {strides = array<i32>} : memref<80x128xf32, #tpu.memory_space<vmem>>, vector<16xf32>,
        %get3A_428 = arith.index_cast %add3A_385 : i32 to index
        %get3A_429 = arith.constant 96 : index
        %get3A_430 = tpu.vector_load %arg19[%get3A_428, %get3A_429] {strides = array<i32>} : memref<80x128xf32, #tpu.memory_space<vmem>>, vector<16xf32>,
        %mul3A_431 = arith.mulf %get3A_430, %gather3A_254 : vector<16xf32>
        %swap3A_432 = arith.index_cast %add3A_385 : i32 to index
        %swap3A_433 = arith.constant 96 : index
        %swap3A_434 = tpu.vector_load %arg19[%swap3A_432, %swap3A_433] {strides = array<i32>} : memref<80x128xf32, #tpu.memory_space<vmem>>, vector<16xf32>,
        tpu.vector_store %arg19[%swap3A_432, %swap3A_433], %mul3A_431 {strides = array<i32>} : memref<80x128xf32, #tpu.memory_space<vmem>>, vector<16xf32>,
        %get3A_435 = arith.index_cast %add3A_385 : i32 to index
        %get3A_436 = arith.constant 112 : index
        %get3A_437 = tpu.vector_load %arg19[%get3A_435, %get3A_436] {strides = array<i32>} : memref<80x128xf32, #tpu.memory_space<vmem>>, vector<16xf32>,
        %mul3A_438 = arith.mulf %get3A_437, %gather3A_254 : vector<16xf32>
        %swap3A_439 = arith.index_cast %add3A_385 : i32 to index
        %swap3A_440 = arith.constant 112 : index
        %swap3A_441 = tpu.vector_load %arg19[%swap3A_439, %swap3A_440] {strides = array<i32>} : memref<80x128xf32, #tpu.memory_space<vmem>>, vector<16xf32>,
        tpu.vector_store %arg19[%swap3A_439, %swap3A_440], %mul3A_438 {strides = array<i32>} : memref<80x128xf32, #tpu.memory_space<vmem>>, vector<16xf32>,
        %mul3A_442 = arith.constant 4 : i32
        %mul3A_443 = arith.muli %scan3A_229, %mul3A_442 : i32
        %add3A_444 = arith.constant 3 : i32
        %add3A_445 = arith.addi %mul3A_443, %add3A_444 : i32
        %get3A_446 = arith.index_cast %add3A_445 : i32 to index
        %get3A_447 = arith.constant 0 : index
        %get3A_448 = tpu.vector_load %arg19[%get3A_446, %get3A_447] {strides = array<i32>} : memref<80x128xf32, #tpu.memory_space<vmem>>, vector<16xf32>,
        %mul3A_449 = arith.mulf %get3A_448, %gather3A_263 : vector<16xf32>
        %swap3A_450 = arith.index_cast %add3A_445 : i32 to index
        %swap3A_451 = arith.constant 0 : index
        %swap3A_452 = tpu.vector_load %arg19[%swap3A_450, %swap3A_451] {strides = array<i32>} : memref<80x128xf32, #tpu.memory_space<vmem>>, vector<16xf32>,
        tpu.vector_store %arg19[%swap3A_450, %swap3A_451], %mul3A_449 {strides = array<i32>} : memref<80x128xf32, #tpu.memory_space<vmem>>, vector<16xf32>,
        %get3A_453 = arith.index_cast %add3A_445 : i32 to index
        %get3A_454 = arith.constant 16 : index
        %get3A_455 = tpu.vector_load %arg19[%get3A_453, %get3A_454] {strides = array<i32>} : memref<80x128xf32, #tpu.memory_space<vmem>>, vector<16xf32>,
        %mul3A_456 = arith.mulf %get3A_455, %gather3A_263 : vector<16xf32>
        %swap3A_457 = arith.index_cast %add3A_445 : i32 to index
        %swap3A_458 = arith.constant 16 : index
        %swap3A_459 = tpu.vector_load %arg19[%swap3A_457, %swap3A_458] {strides = array<i32>} : memref<80x128xf32, #tpu.memory_space<vmem>>, vector<16xf32>,
        tpu.vector_store %arg19[%swap3A_457, %swap3A_458], %mul3A_456 {strides = array<i32>} : memref<80x128xf32, #tpu.memory_space<vmem>>, vector<16xf32>,
        %get3A_460 = arith.index_cast %add3A_445 : i32 to index
        %get3A_461 = arith.constant 32 : index
        %get3A_462 = tpu.vector_load %arg19[%get3A_460, %get3A_461] {strides = array<i32>} : memref<80x128xf32, #tpu.memory_space<vmem>>, vector<16xf32>,
        %mul3A_463 = arith.mulf %get3A_462, %gather3A_263 : vector<16xf32>
        %swap3A_464 = arith.index_cast %add3A_445 : i32 to index
        %swap3A_465 = arith.constant 32 : index
        %swap3A_466 = tpu.vector_load %arg19[%swap3A_464, %swap3A_465] {strides = array<i32>} : memref<80x128xf32, #tpu.memory_space<vmem>>, vector<16xf32>,
        tpu.vector_store %arg19[%swap3A_464, %swap3A_465], %mul3A_463 {strides = array<i32>} : memref<80x128xf32, #tpu.memory_space<vmem>>, vector<16xf32>,
        %get3A_467 = arith.index_cast %add3A_445 : i32 to index
        %get3A_468 = arith.constant 48 : index
        %get3A_469 = tpu.vector_load %arg19[%get3A_467, %get3A_468] {strides = array<i32>} : memref<80x128xf32, #tpu.memory_space<vmem>>, vector<16xf32>,
        %mul3A_470 = arith.mulf %get3A_469, %gather3A_263 : vector<16xf32>
        %swap3A_471 = arith.index_cast %add3A_445 : i32 to index
        %swap3A_472 = arith.constant 48 : index
        %swap3A_473 = tpu.vector_load %arg19[%swap3A_471, %swap3A_472] {strides = array<i32>} : memref<80x128xf32, #tpu.memory_space<vmem>>, vector<16xf32>,
        tpu.vector_store %arg19[%swap3A_471, %swap3A_472], %mul3A_470 {strides = array<i32>} : memref<80x128xf32, #tpu.memory_space<vmem>>, vector<16xf32>,
        %get3A_474 = arith.index_cast %add3A_445 : i32 to index
        %get3A_475 = arith.constant 64 : index
        %get3A_476 = tpu.vector_load %arg19[%get3A_474, %get3A_475] {strides = array<i32>} : memref<80x128xf32, #tpu.memory_space<vmem>>, vector<16xf32>,
        %mul3A_477 = arith.mulf %get3A_476, %gather3A_263 : vector<16xf32>
        %swap3A_478 = arith.index_cast %add3A_445 : i32 to index
        %swap3A_479 = arith.constant 64 : index
        %swap3A_480 = tpu.vector_load %arg19[%swap3A_478, %swap3A_479] {strides = array<i32>} : memref<80x128xf32, #tpu.memory_space<vmem>>, vector<16xf32>,
        tpu.vector_store %arg19[%swap3A_478, %swap3A_479], %mul3A_477 {strides = array<i32>} : memref<80x128xf32, #tpu.memory_space<vmem>>, vector<16xf32>,
        %get3A_481 = arith.index_cast %add3A_445 : i32 to index
        %get3A_482 = arith.constant 80 : index
        %get3A_483 = tpu.vector_load %arg19[%get3A_481, %get3A_482] {strides = array<i32>} : memref<80x128xf32, #tpu.memory_space<vmem>>, vector<16xf32>,
        %mul3A_484 = arith.mulf %get3A_483, %gather3A_263 : vector<16xf32>
        %swap3A_485 = arith.index_cast %add3A_445 : i32 to index
        %swap3A_486 = arith.constant 80 : index
        %swap3A_487 = tpu.vector_load %arg19[%swap3A_485, %swap3A_486] {strides = array<i32>} : memref<80x128xf32, #tpu.memory_space<vmem>>, vector<16xf32>,
        tpu.vector_store %arg19[%swap3A_485, %swap3A_486], %mul3A_484 {strides = array<i32>} : memref<80x128xf32, #tpu.memory_space<vmem>>, vector<16xf32>,
        %get3A_488 = arith.index_cast %add3A_445 : i32 to index
        %get3A_489 = arith.constant 96 : index
        %get3A_490 = tpu.vector_load %arg19[%get3A_488, %get3A_489] {strides = array<i32>} : memref<80x128xf32, #tpu.memory_space<vmem>>, vector<16xf32>,
        %mul3A_491 = arith.mulf %get3A_490, %gather3A_263 : vector<16xf32>
        %swap3A_492 = arith.index_cast %add3A_445 : i32 to index
        %swap3A_493 = arith.constant 96 : index
        %swap3A_494 = tpu.vector_load %arg19[%swap3A_492, %swap3A_493] {strides = array<i32>} : memref<80x128xf32, #tpu.memory_space<vmem>>, vector<16xf32>,
        tpu.vector_store %arg19[%swap3A_492, %swap3A_493], %mul3A_491 {strides = array<i32>} : memref<80x128xf32, #tpu.memory_space<vmem>>, vector<16xf32>,
        %get3A_495 = arith.index_cast %add3A_445 : i32 to index
        %get3A_496 = arith.constant 112 : index
        %get3A_497 = tpu.vector_load %arg19[%get3A_495, %get3A_496] {strides = array<i32>} : memref<80x128xf32, #tpu.memory_space<vmem>>, vector<16xf32>,
        %mul3A_498 = arith.mulf %get3A_497, %gather3A_263 : vector<16xf32>
        %swap3A_499 = arith.index_cast %add3A_445 : i32 to index
        %swap3A_500 = arith.constant 112 : index
        %swap3A_501 = tpu.vector_load %arg19[%swap3A_499, %swap3A_500] {strides = array<i32>} : memref<80x128xf32, #tpu.memory_space<vmem>>, vector<16xf32>,
        tpu.vector_store %arg19[%swap3A_499, %swap3A_500], %mul3A_498 {strides = array<i32>} : memref<80x128xf32, #tpu.memory_space<vmem>>, vector<16xf32>,
      }
      %scan3A_155 = arith.constant 20 : i32
      %dma_start3A_156 = arith.constant 0 : i32
      %dma_start3A_157 = arith.constant 0 : i32
      %dma_start3A_158 = tpu.memref_slice %arg22[%dma_start3A_156, %dma_start3A_157] : memref<10240x128xf32, #tpu.memory_space<vmem_shared>> -> memref<10240x128xf32, #tpu.memory_space<vmem_shared>>
      tpu.enqueue_indirect_dma source(%arg19 : memref<80x128xf32, #tpu.memory_space<vmem>>) target(%dma_start3A_158 : memref<10240x128xf32, #tpu.memory_space<vmem_shared>>) offsets(%arg7 : memref<80xi32, #tpu.memory_space<vmem>>) semaphore(%arg32 : memref<!tpu.dma_semaphore, #tpu.memory_space<semaphore_mem>>) {add = true}
      %add3A_159 = arith.constant 3 : i32
      %add3A_160 = arith.addi %add3A_146, %add3A_159 : i32
      %lt3A_161 = arith.constant 125 : i32
      %lt3A_162 = arith.cmpi slt, %add3A_160, %lt3A_161 : i32
      %convert_element_type3A_163 = arith.extui %lt3A_162 : i1 to i32
      %cond3A_164 = arith.constant 0 : i32
      %cond3A_165 = arith.cmpi ne, %convert_element_type3A_163, %cond3A_164 : i32
      scf.if %cond3A_165 {
        %ge3A = arith.constant 1 : i32
        %ge3A_229 = arith.cmpi sge, %add3A_146, %ge3A : i32
        %convert_element_type3A_230 = arith.extui %ge3A_229 : i1 to i32
        %cond3A_231 = arith.constant 0 : i32
        %cond3A_232 = arith.cmpi ne, %convert_element_type3A_230, %cond3A_231 : i32
        scf.if %cond3A_232 {
          %dma_wait3A_250 = arith.constant 0 : i32
          %dma_wait3A_251 = arith.constant 0 : i32
          %dma_wait3A_252 = tpu.memref_slice %arg22[%dma_wait3A_250, %dma_wait3A_251] : memref<10240x128xf32, #tpu.memory_space<vmem_shared>> -> memref<10240x128xf32, #tpu.memory_space<vmem_shared>>
          tpu.wait_indirect_dma semaphore(%arg31 : memref<!tpu.dma_semaphore, #tpu.memory_space<semaphore_mem>>) src(%arg18 : memref<80x128xf32, #tpu.memory_space<vmem>>) dst(%dma_wait3A_252 : memref<10240x128xf32, #tpu.memory_space<vmem_shared>>)
        } else {
        }
        %mul3A_233 = arith.constant 80 : i32
        %mul3A_234 = arith.muli %add3A_160, %mul3A_233 : i32
        %add3A_235 = arith.addi %mul3A_2, %mul3A_234 : i32
        %dma_start3A_236 = tpu.memref_slice %arg2[%add3A_235] : memref<640000xi32, #tpu.memory_space<hbm>> -> memref<80xi32, #tpu.memory_space<hbm>>
        %dma_start3A_237 = tpu.memref_slice %arg2[%add3A_235] : memref<640000xi32, #tpu.memory_space<hbm>> -> memref<80xi32, #tpu.memory_space<hbm>>
        tpu.enqueue_dma source(%dma_start3A_237 : memref<80xi32, #tpu.memory_space<hbm>>) target(%arg6 : memref<80xi32, #tpu.memory_space<vmem>>) target_semaphore(%arg23 : memref<!tpu.dma_semaphore, #tpu.memory_space<semaphore_mem>>)
        %add3A_238 = arith.constant 320000 : i32
        %add3A_239 = arith.addi %add3A_238, %mul3A_2 : i32
        %mul3A_240 = arith.constant 80 : i32
        %mul3A_241 = arith.muli %add3A_160, %mul3A_240 : i32
        %add3A_242 = arith.addi %add3A_239, %mul3A_241 : i32
        %dma_start3A_243 = tpu.memref_slice %arg2[%add3A_242] : memref<640000xi32, #tpu.memory_space<hbm>> -> memref<80xi32, #tpu.memory_space<hbm>>
        %dma_start3A_244 = tpu.memref_slice %arg2[%add3A_242] : memref<640000xi32, #tpu.memory_space<hbm>> -> memref<80xi32, #tpu.memory_space<hbm>>
        tpu.enqueue_dma source(%dma_start3A_244 : memref<80xi32, #tpu.memory_space<hbm>>) target(%arg10 : memref<80xi32, #tpu.memory_space<vmem>>) target_semaphore(%arg23 : memref<!tpu.dma_semaphore, #tpu.memory_space<semaphore_mem>>)
        %mul3A_245 = arith.constant 80 : i32
        %mul3A_246 = arith.muli %add3A_160, %mul3A_245 : i32
        %add3A_247 = arith.addi %mul3A_2, %mul3A_246 : i32
        %dma_start3A_248 = tpu.memref_slice %arg3[%add3A_247] : memref<320000xf32, #tpu.memory_space<hbm>> -> memref<80xf32, #tpu.memory_space<hbm>>
        %dma_start3A_249 = tpu.memref_slice %arg3[%add3A_247] : memref<320000xf32, #tpu.memory_space<hbm>> -> memref<80xf32, #tpu.memory_space<hbm>>
        tpu.enqueue_dma source(%dma_start3A_249 : memref<80xf32, #tpu.memory_space<hbm>>) target(%arg14 : memref<80xf32, #tpu.memory_space<vmem>>) target_semaphore(%arg23 : memref<!tpu.dma_semaphore, #tpu.memory_space<semaphore_mem>>)
      } else {
      }
      %add3A_166 = arith.constant 2 : i32
      %add3A_167 = arith.addi %add3A_146, %add3A_166 : i32
      %lt3A_168 = arith.constant 125 : i32
      %lt3A_169 = arith.cmpi slt, %add3A_167, %lt3A_168 : i32
      %convert_element_type3A_170 = arith.extui %lt3A_169 : i1 to i32
      %cond3A_171 = arith.constant 0 : i32
      %cond3A_172 = arith.cmpi ne, %convert_element_type3A_170, %cond3A_171 : i32
      scf.if %cond3A_172 {
        %dma_wait3A_229 = tpu.memref_slice %arg2[%mul3A_2] : memref<640000xi32, #tpu.memory_space<hbm>> -> memref<80xi32, #tpu.memory_space<hbm>>
        %dma_wait3A_230 = tpu.memref_slice %arg2[%mul3A_2] : memref<640000xi32, #tpu.memory_space<hbm>> -> memref<80xi32, #tpu.memory_space<hbm>>
        tpu.wait_dma2 semaphore(%arg26 : memref<!tpu.dma_semaphore, #tpu.memory_space<semaphore_mem>>) src(%dma_wait3A_230 : memref<80xi32, #tpu.memory_space<hbm>>) dst(%arg9 : memref<80xi32, #tpu.memory_space<vmem>>)
        %add3A_231 = arith.constant 320000 : i32
        %add3A_232 = arith.addi %add3A_231, %mul3A_2 : i32
        %dma_wait3A_233 = tpu.memref_slice %arg2[%add3A_232] : memref<640000xi32, #tpu.memory_space<hbm>> -> memref<80xi32, #tpu.memory_space<hbm>>
        %dma_wait3A_234 = tpu.memref_slice %arg2[%add3A_232] : memref<640000xi32, #tpu.memory_space<hbm>> -> memref<80xi32, #tpu.memory_space<hbm>>
        tpu.wait_dma2 semaphore(%arg26 : memref<!tpu.dma_semaphore, #tpu.memory_space<semaphore_mem>>) src(%dma_wait3A_234 : memref<80xi32, #tpu.memory_space<hbm>>) dst(%arg13 : memref<80xi32, #tpu.memory_space<vmem>>)
        %dma_wait3A_235 = tpu.memref_slice %arg3[%mul3A_2] : memref<320000xf32, #tpu.memory_space<hbm>> -> memref<80xf32, #tpu.memory_space<hbm>>
        %dma_wait3A_236 = tpu.memref_slice %arg3[%mul3A_2] : memref<320000xf32, #tpu.memory_space<hbm>> -> memref<80xf32, #tpu.memory_space<hbm>>
        tpu.wait_dma2 semaphore(%arg26 : memref<!tpu.dma_semaphore, #tpu.memory_space<semaphore_mem>>) src(%dma_wait3A_236 : memref<80xf32, #tpu.memory_space<hbm>>) dst(%arg17 : memref<80xf32, #tpu.memory_space<vmem>>)
        %dma_start3A_237 = arith.constant 0 : i32
        %dma_start3A_238 = arith.constant 0 : i32
        %dma_start3A_239 = tpu.memref_slice %arg4[%dma_start3A_237, %dma_start3A_238] : memref<10240x128xf32, #tpu.memory_space<hbm>> -> memref<10240x128xf32, #tpu.memory_space<hbm>>
        tpu.enqueue_indirect_dma source(%dma_start3A_239 : memref<10240x128xf32, #tpu.memory_space<hbm>>) target(%arg21 : memref<80x128xf32, #tpu.memory_space<vmem>>) offsets(%arg13 : memref<80xi32, #tpu.memory_space<vmem>>) semaphore(%arg30 : memref<!tpu.dma_semaphore, #tpu.memory_space<semaphore_mem>>)
      } else {
      }
      %add3A_173 = arith.constant 2 : i32
      %add3A_174 = arith.addi %mul3A_121, %add3A_173 : i32
      %dma_wait3A_175 = arith.constant 0 : i32
      %dma_wait3A_176 = arith.constant 0 : i32
      %dma_wait3A_177 = tpu.memref_slice %arg4[%dma_wait3A_175, %dma_wait3A_176] : memref<10240x128xf32, #tpu.memory_space<hbm>> -> memref<10240x128xf32, #tpu.memory_space<hbm>>
      tpu.wait_indirect_dma semaphore(%arg29 : memref<!tpu.dma_semaphore, #tpu.memory_space<semaphore_mem>>) src(%dma_wait3A_177 : memref<10240x128xf32, #tpu.memory_space<hbm>>) dst(%arg20 : memref<80x128xf32, #tpu.memory_space<vmem>>)
      %scan3A_178 = arith.constant 0 : i32
      %scan3A_179 = arith.constant 0 : i32
      %scan3A_180 = arith.constant 20 : i32
      %scan3A_181 = arith.addi %scan3A_179, %scan3A_180 : i32
      %scan3A_182 = arith.constant 1 : i32
      scf.for %scan3A_229 = %scan3A_179 to %scan3A_181 step %scan3A_182  : i32 {
        %mul3A_230 = arith.constant 4 : i32
        %mul3A_231 = arith.muli %scan3A_229, %mul3A_230 : i32
        %add3A_232 = arith.constant 0 : i32
        %add3A_233 = arith.addi %mul3A_231, %add3A_232 : i32
        %broadcast_in_dim3A = arith.constant 0 : i32
        %broadcast_in_dim3A_234 = vector.broadcast %broadcast_in_dim3A : i32 to vector<16xi32>
        %add3A_235 = vector.broadcast %add3A_233 : i32 to vector<16xi32>
        %add3A_236 = arith.addi %broadcast_in_dim3A_234, %add3A_235 : vector<16xi32>
        %gather3A = tpu.vector_load_idx %arg16[%add3A_236] : memref<80xf32, #tpu.memory_space<vmem>>[vector<16xi32>], vector<16xf32>,
        %mul3A_237 = arith.constant 4 : i32
        %mul3A_238 = arith.muli %scan3A_229, %mul3A_237 : i32
        %add3A_239 = arith.constant 1 : i32
        %add3A_240 = arith.addi %mul3A_238, %add3A_239 : i32
        %broadcast_in_dim3A_241 = arith.constant 0 : i32
        %broadcast_in_dim3A_242 = vector.broadcast %broadcast_in_dim3A_241 : i32 to vector<16xi32>
        %add3A_243 = vector.broadcast %add3A_240 : i32 to vector<16xi32>
        %add3A_244 = arith.addi %broadcast_in_dim3A_242, %add3A_243 : vector<16xi32>
        %gather3A_245 = tpu.vector_load_idx %arg16[%add3A_244] : memref<80xf32, #tpu.memory_space<vmem>>[vector<16xi32>], vector<16xf32>,
        %mul3A_246 = arith.constant 4 : i32
        %mul3A_247 = arith.muli %scan3A_229, %mul3A_246 : i32
        %add3A_248 = arith.constant 2 : i32
        %add3A_249 = arith.addi %mul3A_247, %add3A_248 : i32
        %broadcast_in_dim3A_250 = arith.constant 0 : i32
        %broadcast_in_dim3A_251 = vector.broadcast %broadcast_in_dim3A_250 : i32 to vector<16xi32>
        %add3A_252 = vector.broadcast %add3A_249 : i32 to vector<16xi32>
        %add3A_253 = arith.addi %broadcast_in_dim3A_251, %add3A_252 : vector<16xi32>
        %gather3A_254 = tpu.vector_load_idx %arg16[%add3A_253] : memref<80xf32, #tpu.memory_space<vmem>>[vector<16xi32>], vector<16xf32>,
        %mul3A_255 = arith.constant 4 : i32
        %mul3A_256 = arith.muli %scan3A_229, %mul3A_255 : i32
        %add3A_257 = arith.constant 3 : i32
        %add3A_258 = arith.addi %mul3A_256, %add3A_257 : i32
        %broadcast_in_dim3A_259 = arith.constant 0 : i32
        %broadcast_in_dim3A_260 = vector.broadcast %broadcast_in_dim3A_259 : i32 to vector<16xi32>
        %add3A_261 = vector.broadcast %add3A_258 : i32 to vector<16xi32>
        %add3A_262 = arith.addi %broadcast_in_dim3A_260, %add3A_261 : vector<16xi32>
        %gather3A_263 = tpu.vector_load_idx %arg16[%add3A_262] : memref<80xf32, #tpu.memory_space<vmem>>[vector<16xi32>], vector<16xf32>,
        %mul3A_264 = arith.constant 4 : i32
        %mul3A_265 = arith.muli %scan3A_229, %mul3A_264 : i32
        %add3A_266 = arith.constant 0 : i32
        %add3A_267 = arith.addi %mul3A_265, %add3A_266 : i32
        %get3A = arith.index_cast %add3A_267 : i32 to index
        %get3A_268 = arith.constant 0 : index
        %get3A_269 = tpu.vector_load %arg20[%get3A, %get3A_268] {strides = array<i32>} : memref<80x128xf32, #tpu.memory_space<vmem>>, vector<16xf32>,
        %mul3A_270 = arith.mulf %get3A_269, %gather3A : vector<16xf32>
        %swap3A = arith.index_cast %add3A_267 : i32 to index
        %swap3A_271 = arith.constant 0 : index
        %swap3A_272 = tpu.vector_load %arg20[%swap3A, %swap3A_271] {strides = array<i32>} : memref<80x128xf32, #tpu.memory_space<vmem>>, vector<16xf32>,
        tpu.vector_store %arg20[%swap3A, %swap3A_271], %mul3A_270 {strides = array<i32>} : memref<80x128xf32, #tpu.memory_space<vmem>>, vector<16xf32>,
        %get3A_273 = arith.index_cast %add3A_267 : i32 to index
        %get3A_274 = arith.constant 16 : index
        %get3A_275 = tpu.vector_load %arg20[%get3A_273, %get3A_274] {strides = array<i32>} : memref<80x128xf32, #tpu.memory_space<vmem>>, vector<16xf32>,
        %mul3A_276 = arith.mulf %get3A_275, %gather3A : vector<16xf32>
        %swap3A_277 = arith.index_cast %add3A_267 : i32 to index
        %swap3A_278 = arith.constant 16 : index
        %swap3A_279 = tpu.vector_load %arg20[%swap3A_277, %swap3A_278] {strides = array<i32>} : memref<80x128xf32, #tpu.memory_space<vmem>>, vector<16xf32>,
        tpu.vector_store %arg20[%swap3A_277, %swap3A_278], %mul3A_276 {strides = array<i32>} : memref<80x128xf32, #tpu.memory_space<vmem>>, vector<16xf32>,
        %get3A_280 = arith.index_cast %add3A_267 : i32 to index
        %get3A_281 = arith.constant 32 : index
        %get3A_282 = tpu.vector_load %arg20[%get3A_280, %get3A_281] {strides = array<i32>} : memref<80x128xf32, #tpu.memory_space<vmem>>, vector<16xf32>,
        %mul3A_283 = arith.mulf %get3A_282, %gather3A : vector<16xf32>
        %swap3A_284 = arith.index_cast %add3A_267 : i32 to index
        %swap3A_285 = arith.constant 32 : index
        %swap3A_286 = tpu.vector_load %arg20[%swap3A_284, %swap3A_285] {strides = array<i32>} : memref<80x128xf32, #tpu.memory_space<vmem>>, vector<16xf32>,
        tpu.vector_store %arg20[%swap3A_284, %swap3A_285], %mul3A_283 {strides = array<i32>} : memref<80x128xf32, #tpu.memory_space<vmem>>, vector<16xf32>,
        %get3A_287 = arith.index_cast %add3A_267 : i32 to index
        %get3A_288 = arith.constant 48 : index
        %get3A_289 = tpu.vector_load %arg20[%get3A_287, %get3A_288] {strides = array<i32>} : memref<80x128xf32, #tpu.memory_space<vmem>>, vector<16xf32>,
        %mul3A_290 = arith.mulf %get3A_289, %gather3A : vector<16xf32>
        %swap3A_291 = arith.index_cast %add3A_267 : i32 to index
        %swap3A_292 = arith.constant 48 : index
        %swap3A_293 = tpu.vector_load %arg20[%swap3A_291, %swap3A_292] {strides = array<i32>} : memref<80x128xf32, #tpu.memory_space<vmem>>, vector<16xf32>,
        tpu.vector_store %arg20[%swap3A_291, %swap3A_292], %mul3A_290 {strides = array<i32>} : memref<80x128xf32, #tpu.memory_space<vmem>>, vector<16xf32>,
        %get3A_294 = arith.index_cast %add3A_267 : i32 to index
        %get3A_295 = arith.constant 64 : index
        %get3A_296 = tpu.vector_load %arg20[%get3A_294, %get3A_295] {strides = array<i32>} : memref<80x128xf32, #tpu.memory_space<vmem>>, vector<16xf32>,
        %mul3A_297 = arith.mulf %get3A_296, %gather3A : vector<16xf32>
        %swap3A_298 = arith.index_cast %add3A_267 : i32 to index
        %swap3A_299 = arith.constant 64 : index
        %swap3A_300 = tpu.vector_load %arg20[%swap3A_298, %swap3A_299] {strides = array<i32>} : memref<80x128xf32, #tpu.memory_space<vmem>>, vector<16xf32>,
        tpu.vector_store %arg20[%swap3A_298, %swap3A_299], %mul3A_297 {strides = array<i32>} : memref<80x128xf32, #tpu.memory_space<vmem>>, vector<16xf32>,
        %get3A_301 = arith.index_cast %add3A_267 : i32 to index
        %get3A_302 = arith.constant 80 : index
        %get3A_303 = tpu.vector_load %arg20[%get3A_301, %get3A_302] {strides = array<i32>} : memref<80x128xf32, #tpu.memory_space<vmem>>, vector<16xf32>,
        %mul3A_304 = arith.mulf %get3A_303, %gather3A : vector<16xf32>
        %swap3A_305 = arith.index_cast %add3A_267 : i32 to index
        %swap3A_306 = arith.constant 80 : index
        %swap3A_307 = tpu.vector_load %arg20[%swap3A_305, %swap3A_306] {strides = array<i32>} : memref<80x128xf32, #tpu.memory_space<vmem>>, vector<16xf32>,
        tpu.vector_store %arg20[%swap3A_305, %swap3A_306], %mul3A_304 {strides = array<i32>} : memref<80x128xf32, #tpu.memory_space<vmem>>, vector<16xf32>,
        %get3A_308 = arith.index_cast %add3A_267 : i32 to index
        %get3A_309 = arith.constant 96 : index
        %get3A_310 = tpu.vector_load %arg20[%get3A_308, %get3A_309] {strides = array<i32>} : memref<80x128xf32, #tpu.memory_space<vmem>>, vector<16xf32>,
        %mul3A_311 = arith.mulf %get3A_310, %gather3A : vector<16xf32>
        %swap3A_312 = arith.index_cast %add3A_267 : i32 to index
        %swap3A_313 = arith.constant 96 : index
        %swap3A_314 = tpu.vector_load %arg20[%swap3A_312, %swap3A_313] {strides = array<i32>} : memref<80x128xf32, #tpu.memory_space<vmem>>, vector<16xf32>,
        tpu.vector_store %arg20[%swap3A_312, %swap3A_313], %mul3A_311 {strides = array<i32>} : memref<80x128xf32, #tpu.memory_space<vmem>>, vector<16xf32>,
        %get3A_315 = arith.index_cast %add3A_267 : i32 to index
        %get3A_316 = arith.constant 112 : index
        %get3A_317 = tpu.vector_load %arg20[%get3A_315, %get3A_316] {strides = array<i32>} : memref<80x128xf32, #tpu.memory_space<vmem>>, vector<16xf32>,
        %mul3A_318 = arith.mulf %get3A_317, %gather3A : vector<16xf32>
        %swap3A_319 = arith.index_cast %add3A_267 : i32 to index
        %swap3A_320 = arith.constant 112 : index
        %swap3A_321 = tpu.vector_load %arg20[%swap3A_319, %swap3A_320] {strides = array<i32>} : memref<80x128xf32, #tpu.memory_space<vmem>>, vector<16xf32>,
        tpu.vector_store %arg20[%swap3A_319, %swap3A_320], %mul3A_318 {strides = array<i32>} : memref<80x128xf32, #tpu.memory_space<vmem>>, vector<16xf32>,
        %mul3A_322 = arith.constant 4 : i32
        %mul3A_323 = arith.muli %scan3A_229, %mul3A_322 : i32
        %add3A_324 = arith.constant 1 : i32
        %add3A_325 = arith.addi %mul3A_323, %add3A_324 : i32
        %get3A_326 = arith.index_cast %add3A_325 : i32 to index
        %get3A_327 = arith.constant 0 : index
        %get3A_328 = tpu.vector_load %arg20[%get3A_326, %get3A_327] {strides = array<i32>} : memref<80x128xf32, #tpu.memory_space<vmem>>, vector<16xf32>,
        %mul3A_329 = arith.mulf %get3A_328, %gather3A_245 : vector<16xf32>
        %swap3A_330 = arith.index_cast %add3A_325 : i32 to index
        %swap3A_331 = arith.constant 0 : index
        %swap3A_332 = tpu.vector_load %arg20[%swap3A_330, %swap3A_331] {strides = array<i32>} : memref<80x128xf32, #tpu.memory_space<vmem>>, vector<16xf32>,
        tpu.vector_store %arg20[%swap3A_330, %swap3A_331], %mul3A_329 {strides = array<i32>} : memref<80x128xf32, #tpu.memory_space<vmem>>, vector<16xf32>,
        %get3A_333 = arith.index_cast %add3A_325 : i32 to index
        %get3A_334 = arith.constant 16 : index
        %get3A_335 = tpu.vector_load %arg20[%get3A_333, %get3A_334] {strides = array<i32>} : memref<80x128xf32, #tpu.memory_space<vmem>>, vector<16xf32>,
        %mul3A_336 = arith.mulf %get3A_335, %gather3A_245 : vector<16xf32>
        %swap3A_337 = arith.index_cast %add3A_325 : i32 to index
        %swap3A_338 = arith.constant 16 : index
        %swap3A_339 = tpu.vector_load %arg20[%swap3A_337, %swap3A_338] {strides = array<i32>} : memref<80x128xf32, #tpu.memory_space<vmem>>, vector<16xf32>,
        tpu.vector_store %arg20[%swap3A_337, %swap3A_338], %mul3A_336 {strides = array<i32>} : memref<80x128xf32, #tpu.memory_space<vmem>>, vector<16xf32>,
        %get3A_340 = arith.index_cast %add3A_325 : i32 to index
        %get3A_341 = arith.constant 32 : index
        %get3A_342 = tpu.vector_load %arg20[%get3A_340, %get3A_341] {strides = array<i32>} : memref<80x128xf32, #tpu.memory_space<vmem>>, vector<16xf32>,
        %mul3A_343 = arith.mulf %get3A_342, %gather3A_245 : vector<16xf32>
        %swap3A_344 = arith.index_cast %add3A_325 : i32 to index
        %swap3A_345 = arith.constant 32 : index
        %swap3A_346 = tpu.vector_load %arg20[%swap3A_344, %swap3A_345] {strides = array<i32>} : memref<80x128xf32, #tpu.memory_space<vmem>>, vector<16xf32>,
        tpu.vector_store %arg20[%swap3A_344, %swap3A_345], %mul3A_343 {strides = array<i32>} : memref<80x128xf32, #tpu.memory_space<vmem>>, vector<16xf32>,
        %get3A_347 = arith.index_cast %add3A_325 : i32 to index
        %get3A_348 = arith.constant 48 : index
        %get3A_349 = tpu.vector_load %arg20[%get3A_347, %get3A_348] {strides = array<i32>} : memref<80x128xf32, #tpu.memory_space<vmem>>, vector<16xf32>,
        %mul3A_350 = arith.mulf %get3A_349, %gather3A_245 : vector<16xf32>
        %swap3A_351 = arith.index_cast %add3A_325 : i32 to index
        %swap3A_352 = arith.constant 48 : index
        %swap3A_353 = tpu.vector_load %arg20[%swap3A_351, %swap3A_352] {strides = array<i32>} : memref<80x128xf32, #tpu.memory_space<vmem>>, vector<16xf32>,
        tpu.vector_store %arg20[%swap3A_351, %swap3A_352], %mul3A_350 {strides = array<i32>} : memref<80x128xf32, #tpu.memory_space<vmem>>, vector<16xf32>,
        %get3A_354 = arith.index_cast %add3A_325 : i32 to index
        %get3A_355 = arith.constant 64 : index
        %get3A_356 = tpu.vector_load %arg20[%get3A_354, %get3A_355] {strides = array<i32>} : memref<80x128xf32, #tpu.memory_space<vmem>>, vector<16xf32>,
        %mul3A_357 = arith.mulf %get3A_356, %gather3A_245 : vector<16xf32>
        %swap3A_358 = arith.index_cast %add3A_325 : i32 to index
        %swap3A_359 = arith.constant 64 : index
        %swap3A_360 = tpu.vector_load %arg20[%swap3A_358, %swap3A_359] {strides = array<i32>} : memref<80x128xf32, #tpu.memory_space<vmem>>, vector<16xf32>,
        tpu.vector_store %arg20[%swap3A_358, %swap3A_359], %mul3A_357 {strides = array<i32>} : memref<80x128xf32, #tpu.memory_space<vmem>>, vector<16xf32>,
        %get3A_361 = arith.index_cast %add3A_325 : i32 to index
        %get3A_362 = arith.constant 80 : index
        %get3A_363 = tpu.vector_load %arg20[%get3A_361, %get3A_362] {strides = array<i32>} : memref<80x128xf32, #tpu.memory_space<vmem>>, vector<16xf32>,
        %mul3A_364 = arith.mulf %get3A_363, %gather3A_245 : vector<16xf32>
        %swap3A_365 = arith.index_cast %add3A_325 : i32 to index
        %swap3A_366 = arith.constant 80 : index
        %swap3A_367 = tpu.vector_load %arg20[%swap3A_365, %swap3A_366] {strides = array<i32>} : memref<80x128xf32, #tpu.memory_space<vmem>>, vector<16xf32>,
        tpu.vector_store %arg20[%swap3A_365, %swap3A_366], %mul3A_364 {strides = array<i32>} : memref<80x128xf32, #tpu.memory_space<vmem>>, vector<16xf32>,
        %get3A_368 = arith.index_cast %add3A_325 : i32 to index
        %get3A_369 = arith.constant 96 : index
        %get3A_370 = tpu.vector_load %arg20[%get3A_368, %get3A_369] {strides = array<i32>} : memref<80x128xf32, #tpu.memory_space<vmem>>, vector<16xf32>,
        %mul3A_371 = arith.mulf %get3A_370, %gather3A_245 : vector<16xf32>
        %swap3A_372 = arith.index_cast %add3A_325 : i32 to index
        %swap3A_373 = arith.constant 96 : index
        %swap3A_374 = tpu.vector_load %arg20[%swap3A_372, %swap3A_373] {strides = array<i32>} : memref<80x128xf32, #tpu.memory_space<vmem>>, vector<16xf32>,
        tpu.vector_store %arg20[%swap3A_372, %swap3A_373], %mul3A_371 {strides = array<i32>} : memref<80x128xf32, #tpu.memory_space<vmem>>, vector<16xf32>,
        %get3A_375 = arith.index_cast %add3A_325 : i32 to index
        %get3A_376 = arith.constant 112 : index
        %get3A_377 = tpu.vector_load %arg20[%get3A_375, %get3A_376] {strides = array<i32>} : memref<80x128xf32, #tpu.memory_space<vmem>>, vector<16xf32>,
        %mul3A_378 = arith.mulf %get3A_377, %gather3A_245 : vector<16xf32>
        %swap3A_379 = arith.index_cast %add3A_325 : i32 to index
        %swap3A_380 = arith.constant 112 : index
        %swap3A_381 = tpu.vector_load %arg20[%swap3A_379, %swap3A_380] {strides = array<i32>} : memref<80x128xf32, #tpu.memory_space<vmem>>, vector<16xf32>,
        tpu.vector_store %arg20[%swap3A_379, %swap3A_380], %mul3A_378 {strides = array<i32>} : memref<80x128xf32, #tpu.memory_space<vmem>>, vector<16xf32>,
        %mul3A_382 = arith.constant 4 : i32
        %mul3A_383 = arith.muli %scan3A_229, %mul3A_382 : i32
        %add3A_384 = arith.constant 2 : i32
        %add3A_385 = arith.addi %mul3A_383, %add3A_384 : i32
        %get3A_386 = arith.index_cast %add3A_385 : i32 to index
        %get3A_387 = arith.constant 0 : index
        %get3A_388 = tpu.vector_load %arg20[%get3A_386, %get3A_387] {strides = array<i32>} : memref<80x128xf32, #tpu.memory_space<vmem>>, vector<16xf32>,
        %mul3A_389 = arith.mulf %get3A_388, %gather3A_254 : vector<16xf32>
        %swap3A_390 = arith.index_cast %add3A_385 : i32 to index
        %swap3A_391 = arith.constant 0 : index
        %swap3A_392 = tpu.vector_load %arg20[%swap3A_390, %swap3A_391] {strides = array<i32>} : memref<80x128xf32, #tpu.memory_space<vmem>>, vector<16xf32>,
        tpu.vector_store %arg20[%swap3A_390, %swap3A_391], %mul3A_389 {strides = array<i32>} : memref<80x128xf32, #tpu.memory_space<vmem>>, vector<16xf32>,
        %get3A_393 = arith.index_cast %add3A_385 : i32 to index
        %get3A_394 = arith.constant 16 : index
        %get3A_395 = tpu.vector_load %arg20[%get3A_393, %get3A_394] {strides = array<i32>} : memref<80x128xf32, #tpu.memory_space<vmem>>, vector<16xf32>,
        %mul3A_396 = arith.mulf %get3A_395, %gather3A_254 : vector<16xf32>
        %swap3A_397 = arith.index_cast %add3A_385 : i32 to index
        %swap3A_398 = arith.constant 16 : index
        %swap3A_399 = tpu.vector_load %arg20[%swap3A_397, %swap3A_398] {strides = array<i32>} : memref<80x128xf32, #tpu.memory_space<vmem>>, vector<16xf32>,
        tpu.vector_store %arg20[%swap3A_397, %swap3A_398], %mul3A_396 {strides = array<i32>} : memref<80x128xf32, #tpu.memory_space<vmem>>, vector<16xf32>,
        %get3A_400 = arith.index_cast %add3A_385 : i32 to index
        %get3A_401 = arith.constant 32 : index
        %get3A_402 = tpu.vector_load %arg20[%get3A_400, %get3A_401] {strides = array<i32>} : memref<80x128xf32, #tpu.memory_space<vmem>>, vector<16xf32>,
        %mul3A_403 = arith.mulf %get3A_402, %gather3A_254 : vector<16xf32>
        %swap3A_404 = arith.index_cast %add3A_385 : i32 to index
        %swap3A_405 = arith.constant 32 : index
        %swap3A_406 = tpu.vector_load %arg20[%swap3A_404, %swap3A_405] {strides = array<i32>} : memref<80x128xf32, #tpu.memory_space<vmem>>, vector<16xf32>,
        tpu.vector_store %arg20[%swap3A_404, %swap3A_405], %mul3A_403 {strides = array<i32>} : memref<80x128xf32, #tpu.memory_space<vmem>>, vector<16xf32>,
        %get3A_407 = arith.index_cast %add3A_385 : i32 to index
        %get3A_408 = arith.constant 48 : index
        %get3A_409 = tpu.vector_load %arg20[%get3A_407, %get3A_408] {strides = array<i32>} : memref<80x128xf32, #tpu.memory_space<vmem>>, vector<16xf32>,
        %mul3A_410 = arith.mulf %get3A_409, %gather3A_254 : vector<16xf32>
        %swap3A_411 = arith.index_cast %add3A_385 : i32 to index
        %swap3A_412 = arith.constant 48 : index
        %swap3A_413 = tpu.vector_load %arg20[%swap3A_411, %swap3A_412] {strides = array<i32>} : memref<80x128xf32, #tpu.memory_space<vmem>>, vector<16xf32>,
        tpu.vector_store %arg20[%swap3A_411, %swap3A_412], %mul3A_410 {strides = array<i32>} : memref<80x128xf32, #tpu.memory_space<vmem>>, vector<16xf32>,
        %get3A_414 = arith.index_cast %add3A_385 : i32 to index
        %get3A_415 = arith.constant 64 : index
        %get3A_416 = tpu.vector_load %arg20[%get3A_414, %get3A_415] {strides = array<i32>} : memref<80x128xf32, #tpu.memory_space<vmem>>, vector<16xf32>,
        %mul3A_417 = arith.mulf %get3A_416, %gather3A_254 : vector<16xf32>
        %swap3A_418 = arith.index_cast %add3A_385 : i32 to index
        %swap3A_419 = arith.constant 64 : index
        %swap3A_420 = tpu.vector_load %arg20[%swap3A_418, %swap3A_419] {strides = array<i32>} : memref<80x128xf32, #tpu.memory_space<vmem>>, vector<16xf32>,
        tpu.vector_store %arg20[%swap3A_418, %swap3A_419], %mul3A_417 {strides = array<i32>} : memref<80x128xf32, #tpu.memory_space<vmem>>, vector<16xf32>,
        %get3A_421 = arith.index_cast %add3A_385 : i32 to index
        %get3A_422 = arith.constant 80 : index
        %get3A_423 = tpu.vector_load %arg20[%get3A_421, %get3A_422] {strides = array<i32>} : memref<80x128xf32, #tpu.memory_space<vmem>>, vector<16xf32>,
        %mul3A_424 = arith.mulf %get3A_423, %gather3A_254 : vector<16xf32>
        %swap3A_425 = arith.index_cast %add3A_385 : i32 to index
        %swap3A_426 = arith.constant 80 : index
        %swap3A_427 = tpu.vector_load %arg20[%swap3A_425, %swap3A_426] {strides = array<i32>} : memref<80x128xf32, #tpu.memory_space<vmem>>, vector<16xf32>,
        tpu.vector_store %arg20[%swap3A_425, %swap3A_426], %mul3A_424 {strides = array<i32>} : memref<80x128xf32, #tpu.memory_space<vmem>>, vector<16xf32>,
        %get3A_428 = arith.index_cast %add3A_385 : i32 to index
        %get3A_429 = arith.constant 96 : index
        %get3A_430 = tpu.vector_load %arg20[%get3A_428, %get3A_429] {strides = array<i32>} : memref<80x128xf32, #tpu.memory_space<vmem>>, vector<16xf32>,
        %mul3A_431 = arith.mulf %get3A_430, %gather3A_254 : vector<16xf32>
        %swap3A_432 = arith.index_cast %add3A_385 : i32 to index
        %swap3A_433 = arith.constant 96 : index
        %swap3A_434 = tpu.vector_load %arg20[%swap3A_432, %swap3A_433] {strides = array<i32>} : memref<80x128xf32, #tpu.memory_space<vmem>>, vector<16xf32>,
        tpu.vector_store %arg20[%swap3A_432, %swap3A_433], %mul3A_431 {strides = array<i32>} : memref<80x128xf32, #tpu.memory_space<vmem>>, vector<16xf32>,
        %get3A_435 = arith.index_cast %add3A_385 : i32 to index
        %get3A_436 = arith.constant 112 : index
        %get3A_437 = tpu.vector_load %arg20[%get3A_435, %get3A_436] {strides = array<i32>} : memref<80x128xf32, #tpu.memory_space<vmem>>, vector<16xf32>,
        %mul3A_438 = arith.mulf %get3A_437, %gather3A_254 : vector<16xf32>
        %swap3A_439 = arith.index_cast %add3A_385 : i32 to index
        %swap3A_440 = arith.constant 112 : index
        %swap3A_441 = tpu.vector_load %arg20[%swap3A_439, %swap3A_440] {strides = array<i32>} : memref<80x128xf32, #tpu.memory_space<vmem>>, vector<16xf32>,
        tpu.vector_store %arg20[%swap3A_439, %swap3A_440], %mul3A_438 {strides = array<i32>} : memref<80x128xf32, #tpu.memory_space<vmem>>, vector<16xf32>,
        %mul3A_442 = arith.constant 4 : i32
        %mul3A_443 = arith.muli %scan3A_229, %mul3A_442 : i32
        %add3A_444 = arith.constant 3 : i32
        %add3A_445 = arith.addi %mul3A_443, %add3A_444 : i32
        %get3A_446 = arith.index_cast %add3A_445 : i32 to index
        %get3A_447 = arith.constant 0 : index
        %get3A_448 = tpu.vector_load %arg20[%get3A_446, %get3A_447] {strides = array<i32>} : memref<80x128xf32, #tpu.memory_space<vmem>>, vector<16xf32>,
        %mul3A_449 = arith.mulf %get3A_448, %gather3A_263 : vector<16xf32>
        %swap3A_450 = arith.index_cast %add3A_445 : i32 to index
        %swap3A_451 = arith.constant 0 : index
        %swap3A_452 = tpu.vector_load %arg20[%swap3A_450, %swap3A_451] {strides = array<i32>} : memref<80x128xf32, #tpu.memory_space<vmem>>, vector<16xf32>,
        tpu.vector_store %arg20[%swap3A_450, %swap3A_451], %mul3A_449 {strides = array<i32>} : memref<80x128xf32, #tpu.memory_space<vmem>>, vector<16xf32>,
        %get3A_453 = arith.index_cast %add3A_445 : i32 to index
        %get3A_454 = arith.constant 16 : index
        %get3A_455 = tpu.vector_load %arg20[%get3A_453, %get3A_454] {strides = array<i32>} : memref<80x128xf32, #tpu.memory_space<vmem>>, vector<16xf32>,
        %mul3A_456 = arith.mulf %get3A_455, %gather3A_263 : vector<16xf32>
        %swap3A_457 = arith.index_cast %add3A_445 : i32 to index
        %swap3A_458 = arith.constant 16 : index
        %swap3A_459 = tpu.vector_load %arg20[%swap3A_457, %swap3A_458] {strides = array<i32>} : memref<80x128xf32, #tpu.memory_space<vmem>>, vector<16xf32>,
        tpu.vector_store %arg20[%swap3A_457, %swap3A_458], %mul3A_456 {strides = array<i32>} : memref<80x128xf32, #tpu.memory_space<vmem>>, vector<16xf32>,
        %get3A_460 = arith.index_cast %add3A_445 : i32 to index
        %get3A_461 = arith.constant 32 : index
        %get3A_462 = tpu.vector_load %arg20[%get3A_460, %get3A_461] {strides = array<i32>} : memref<80x128xf32, #tpu.memory_space<vmem>>, vector<16xf32>,
        %mul3A_463 = arith.mulf %get3A_462, %gather3A_263 : vector<16xf32>
        %swap3A_464 = arith.index_cast %add3A_445 : i32 to index
        %swap3A_465 = arith.constant 32 : index
        %swap3A_466 = tpu.vector_load %arg20[%swap3A_464, %swap3A_465] {strides = array<i32>} : memref<80x128xf32, #tpu.memory_space<vmem>>, vector<16xf32>,
        tpu.vector_store %arg20[%swap3A_464, %swap3A_465], %mul3A_463 {strides = array<i32>} : memref<80x128xf32, #tpu.memory_space<vmem>>, vector<16xf32>,
        %get3A_467 = arith.index_cast %add3A_445 : i32 to index
        %get3A_468 = arith.constant 48 : index
        %get3A_469 = tpu.vector_load %arg20[%get3A_467, %get3A_468] {strides = array<i32>} : memref<80x128xf32, #tpu.memory_space<vmem>>, vector<16xf32>,
        %mul3A_470 = arith.mulf %get3A_469, %gather3A_263 : vector<16xf32>
        %swap3A_471 = arith.index_cast %add3A_445 : i32 to index
        %swap3A_472 = arith.constant 48 : index
        %swap3A_473 = tpu.vector_load %arg20[%swap3A_471, %swap3A_472] {strides = array<i32>} : memref<80x128xf32, #tpu.memory_space<vmem>>, vector<16xf32>,
        tpu.vector_store %arg20[%swap3A_471, %swap3A_472], %mul3A_470 {strides = array<i32>} : memref<80x128xf32, #tpu.memory_space<vmem>>, vector<16xf32>,
        %get3A_474 = arith.index_cast %add3A_445 : i32 to index
        %get3A_475 = arith.constant 64 : index
        %get3A_476 = tpu.vector_load %arg20[%get3A_474, %get3A_475] {strides = array<i32>} : memref<80x128xf32, #tpu.memory_space<vmem>>, vector<16xf32>,
        %mul3A_477 = arith.mulf %get3A_476, %gather3A_263 : vector<16xf32>
        %swap3A_478 = arith.index_cast %add3A_445 : i32 to index
        %swap3A_479 = arith.constant 64 : index
        %swap3A_480 = tpu.vector_load %arg20[%swap3A_478, %swap3A_479] {strides = array<i32>} : memref<80x128xf32, #tpu.memory_space<vmem>>, vector<16xf32>,
        tpu.vector_store %arg20[%swap3A_478, %swap3A_479], %mul3A_477 {strides = array<i32>} : memref<80x128xf32, #tpu.memory_space<vmem>>, vector<16xf32>,
        %get3A_481 = arith.index_cast %add3A_445 : i32 to index
        %get3A_482 = arith.constant 80 : index
        %get3A_483 = tpu.vector_load %arg20[%get3A_481, %get3A_482] {strides = array<i32>} : memref<80x128xf32, #tpu.memory_space<vmem>>, vector<16xf32>,
        %mul3A_484 = arith.mulf %get3A_483, %gather3A_263 : vector<16xf32>
        %swap3A_485 = arith.index_cast %add3A_445 : i32 to index
        %swap3A_486 = arith.constant 80 : index
        %swap3A_487 = tpu.vector_load %arg20[%swap3A_485, %swap3A_486] {strides = array<i32>} : memref<80x128xf32, #tpu.memory_space<vmem>>, vector<16xf32>,
        tpu.vector_store %arg20[%swap3A_485, %swap3A_486], %mul3A_484 {strides = array<i32>} : memref<80x128xf32, #tpu.memory_space<vmem>>, vector<16xf32>,
        %get3A_488 = arith.index_cast %add3A_445 : i32 to index
        %get3A_489 = arith.constant 96 : index
        %get3A_490 = tpu.vector_load %arg20[%get3A_488, %get3A_489] {strides = array<i32>} : memref<80x128xf32, #tpu.memory_space<vmem>>, vector<16xf32>,
        %mul3A_491 = arith.mulf %get3A_490, %gather3A_263 : vector<16xf32>
        %swap3A_492 = arith.index_cast %add3A_445 : i32 to index
        %swap3A_493 = arith.constant 96 : index
        %swap3A_494 = tpu.vector_load %arg20[%swap3A_492, %swap3A_493] {strides = array<i32>} : memref<80x128xf32, #tpu.memory_space<vmem>>, vector<16xf32>,
        tpu.vector_store %arg20[%swap3A_492, %swap3A_493], %mul3A_491 {strides = array<i32>} : memref<80x128xf32, #tpu.memory_space<vmem>>, vector<16xf32>,
        %get3A_495 = arith.index_cast %add3A_445 : i32 to index
        %get3A_496 = arith.constant 112 : index
        %get3A_497 = tpu.vector_load %arg20[%get3A_495, %get3A_496] {strides = array<i32>} : memref<80x128xf32, #tpu.memory_space<vmem>>, vector<16xf32>,
        %mul3A_498 = arith.mulf %get3A_497, %gather3A_263 : vector<16xf32>
        %swap3A_499 = arith.index_cast %add3A_445 : i32 to index
        %swap3A_500 = arith.constant 112 : index
        %swap3A_501 = tpu.vector_load %arg20[%swap3A_499, %swap3A_500] {strides = array<i32>} : memref<80x128xf32, #tpu.memory_space<vmem>>, vector<16xf32>,
        tpu.vector_store %arg20[%swap3A_499, %swap3A_500], %mul3A_498 {strides = array<i32>} : memref<80x128xf32, #tpu.memory_space<vmem>>, vector<16xf32>,
      }
      %scan3A_183 = arith.constant 20 : i32
      %dma_start3A_184 = arith.constant 0 : i32
      %dma_start3A_185 = arith.constant 0 : i32
      %dma_start3A_186 = tpu.memref_slice %arg22[%dma_start3A_184, %dma_start3A_185] : memref<10240x128xf32, #tpu.memory_space<vmem_shared>> -> memref<10240x128xf32, #tpu.memory_space<vmem_shared>>
      tpu.enqueue_indirect_dma source(%arg20 : memref<80x128xf32, #tpu.memory_space<vmem>>) target(%dma_start3A_186 : memref<10240x128xf32, #tpu.memory_space<vmem_shared>>) offsets(%arg8 : memref<80xi32, #tpu.memory_space<vmem>>) semaphore(%arg33 : memref<!tpu.dma_semaphore, #tpu.memory_space<semaphore_mem>>) {add = true}
      %add3A_187 = arith.constant 3 : i32
      %add3A_188 = arith.addi %add3A_174, %add3A_187 : i32
      %lt3A_189 = arith.constant 125 : i32
      %lt3A_190 = arith.cmpi slt, %add3A_188, %lt3A_189 : i32
      %convert_element_type3A_191 = arith.extui %lt3A_190 : i1 to i32
      %cond3A_192 = arith.constant 0 : i32
      %cond3A_193 = arith.cmpi ne, %convert_element_type3A_191, %cond3A_192 : i32
      scf.if %cond3A_193 {
        %ge3A = arith.constant 1 : i32
        %ge3A_229 = arith.cmpi sge, %add3A_174, %ge3A : i32
        %convert_element_type3A_230 = arith.extui %ge3A_229 : i1 to i32
        %cond3A_231 = arith.constant 0 : i32
        %cond3A_232 = arith.cmpi ne, %convert_element_type3A_230, %cond3A_231 : i32
        scf.if %cond3A_232 {
          %dma_wait3A_250 = arith.constant 0 : i32
          %dma_wait3A_251 = arith.constant 0 : i32
          %dma_wait3A_252 = tpu.memref_slice %arg22[%dma_wait3A_250, %dma_wait3A_251] : memref<10240x128xf32, #tpu.memory_space<vmem_shared>> -> memref<10240x128xf32, #tpu.memory_space<vmem_shared>>
          tpu.wait_indirect_dma semaphore(%arg32 : memref<!tpu.dma_semaphore, #tpu.memory_space<semaphore_mem>>) src(%arg19 : memref<80x128xf32, #tpu.memory_space<vmem>>) dst(%dma_wait3A_252 : memref<10240x128xf32, #tpu.memory_space<vmem_shared>>)
        } else {
        }
        %mul3A_233 = arith.constant 80 : i32
        %mul3A_234 = arith.muli %add3A_188, %mul3A_233 : i32
        %add3A_235 = arith.addi %mul3A_2, %mul3A_234 : i32
        %dma_start3A_236 = tpu.memref_slice %arg2[%add3A_235] : memref<640000xi32, #tpu.memory_space<hbm>> -> memref<80xi32, #tpu.memory_space<hbm>>
        %dma_start3A_237 = tpu.memref_slice %arg2[%add3A_235] : memref<640000xi32, #tpu.memory_space<hbm>> -> memref<80xi32, #tpu.memory_space<hbm>>
        tpu.enqueue_dma source(%dma_start3A_237 : memref<80xi32, #tpu.memory_space<hbm>>) target(%arg7 : memref<80xi32, #tpu.memory_space<vmem>>) target_semaphore(%arg24 : memref<!tpu.dma_semaphore, #tpu.memory_space<semaphore_mem>>)
        %add3A_238 = arith.constant 320000 : i32
        %add3A_239 = arith.addi %add3A_238, %mul3A_2 : i32
        %mul3A_240 = arith.constant 80 : i32
        %mul3A_241 = arith.muli %add3A_188, %mul3A_240 : i32
        %add3A_242 = arith.addi %add3A_239, %mul3A_241 : i32
        %dma_start3A_243 = tpu.memref_slice %arg2[%add3A_242] : memref<640000xi32, #tpu.memory_space<hbm>> -> memref<80xi32, #tpu.memory_space<hbm>>
        %dma_start3A_244 = tpu.memref_slice %arg2[%add3A_242] : memref<640000xi32, #tpu.memory_space<hbm>> -> memref<80xi32, #tpu.memory_space<hbm>>
        tpu.enqueue_dma source(%dma_start3A_244 : memref<80xi32, #tpu.memory_space<hbm>>) target(%arg11 : memref<80xi32, #tpu.memory_space<vmem>>) target_semaphore(%arg24 : memref<!tpu.dma_semaphore, #tpu.memory_space<semaphore_mem>>)
        %mul3A_245 = arith.constant 80 : i32
        %mul3A_246 = arith.muli %add3A_188, %mul3A_245 : i32
        %add3A_247 = arith.addi %mul3A_2, %mul3A_246 : i32
        %dma_start3A_248 = tpu.memref_slice %arg3[%add3A_247] : memref<320000xf32, #tpu.memory_space<hbm>> -> memref<80xf32, #tpu.memory_space<hbm>>
        %dma_start3A_249 = tpu.memref_slice %arg3[%add3A_247] : memref<320000xf32, #tpu.memory_space<hbm>> -> memref<80xf32, #tpu.memory_space<hbm>>
        tpu.enqueue_dma source(%dma_start3A_249 : memref<80xf32, #tpu.memory_space<hbm>>) target(%arg15 : memref<80xf32, #tpu.memory_space<vmem>>) target_semaphore(%arg24 : memref<!tpu.dma_semaphore, #tpu.memory_space<semaphore_mem>>)
      } else {
      }
      %add3A_194 = arith.constant 2 : i32
      %add3A_195 = arith.addi %add3A_174, %add3A_194 : i32
      %lt3A_196 = arith.constant 125 : i32
      %lt3A_197 = arith.cmpi slt, %add3A_195, %lt3A_196 : i32
      %convert_element_type3A_198 = arith.extui %lt3A_197 : i1 to i32
      %cond3A_199 = arith.constant 0 : i32
      %cond3A_200 = arith.cmpi ne, %convert_element_type3A_198, %cond3A_199 : i32
      scf.if %cond3A_200 {
        %dma_wait3A_229 = tpu.memref_slice %arg2[%mul3A_2] : memref<640000xi32, #tpu.memory_space<hbm>> -> memref<80xi32, #tpu.memory_space<hbm>>
        %dma_wait3A_230 = tpu.memref_slice %arg2[%mul3A_2] : memref<640000xi32, #tpu.memory_space<hbm>> -> memref<80xi32, #tpu.memory_space<hbm>>
        tpu.wait_dma2 semaphore(%arg23 : memref<!tpu.dma_semaphore, #tpu.memory_space<semaphore_mem>>) src(%dma_wait3A_230 : memref<80xi32, #tpu.memory_space<hbm>>) dst(%arg6 : memref<80xi32, #tpu.memory_space<vmem>>)
        %add3A_231 = arith.constant 320000 : i32
        %add3A_232 = arith.addi %add3A_231, %mul3A_2 : i32
        %dma_wait3A_233 = tpu.memref_slice %arg2[%add3A_232] : memref<640000xi32, #tpu.memory_space<hbm>> -> memref<80xi32, #tpu.memory_space<hbm>>
        %dma_wait3A_234 = tpu.memref_slice %arg2[%add3A_232] : memref<640000xi32, #tpu.memory_space<hbm>> -> memref<80xi32, #tpu.memory_space<hbm>>
        tpu.wait_dma2 semaphore(%arg23 : memref<!tpu.dma_semaphore, #tpu.memory_space<semaphore_mem>>) src(%dma_wait3A_234 : memref<80xi32, #tpu.memory_space<hbm>>) dst(%arg10 : memref<80xi32, #tpu.memory_space<vmem>>)
        %dma_wait3A_235 = tpu.memref_slice %arg3[%mul3A_2] : memref<320000xf32, #tpu.memory_space<hbm>> -> memref<80xf32, #tpu.memory_space<hbm>>
        %dma_wait3A_236 = tpu.memref_slice %arg3[%mul3A_2] : memref<320000xf32, #tpu.memory_space<hbm>> -> memref<80xf32, #tpu.memory_space<hbm>>
        tpu.wait_dma2 semaphore(%arg23 : memref<!tpu.dma_semaphore, #tpu.memory_space<semaphore_mem>>) src(%dma_wait3A_236 : memref<80xf32, #tpu.memory_space<hbm>>) dst(%arg14 : memref<80xf32, #tpu.memory_space<vmem>>)
        %dma_start3A_237 = arith.constant 0 : i32
        %dma_start3A_238 = arith.constant 0 : i32
        %dma_start3A_239 = tpu.memref_slice %arg4[%dma_start3A_237, %dma_start3A_238] : memref<10240x128xf32, #tpu.memory_space<hbm>> -> memref<10240x128xf32, #tpu.memory_space<hbm>>
        tpu.enqueue_indirect_dma source(%dma_start3A_239 : memref<10240x128xf32, #tpu.memory_space<hbm>>) target(%arg18 : memref<80x128xf32, #tpu.memory_space<vmem>>) offsets(%arg10 : memref<80xi32, #tpu.memory_space<vmem>>) semaphore(%arg27 : memref<!tpu.dma_semaphore, #tpu.memory_space<semaphore_mem>>)
      } else {
      }
      %add3A_201 = arith.constant 3 : i32
      %add3A_202 = arith.addi %mul3A_121, %add3A_201 : i32
      %dma_wait3A_203 = arith.constant 0 : i32
      %dma_wait3A_204 = arith.constant 0 : i32
      %dma_wait3A_205 = tpu.memref_slice %arg4[%dma_wait3A_203, %dma_wait3A_204] : memref<10240x128xf32, #tpu.memory_space<hbm>> -> memref<10240x128xf32, #tpu.memory_space<hbm>>
      tpu.wait_indirect_dma semaphore(%arg30 : memref<!tpu.dma_semaphore, #tpu.memory_space<semaphore_mem>>) src(%dma_wait3A_205 : memref<10240x128xf32, #tpu.memory_space<hbm>>) dst(%arg21 : memref<80x128xf32, #tpu.memory_space<vmem>>)
      %scan3A_206 = arith.constant 0 : i32
      %scan3A_207 = arith.constant 0 : i32
      %scan3A_208 = arith.constant 20 : i32
      %scan3A_209 = arith.addi %scan3A_207, %scan3A_208 : i32
      %scan3A_210 = arith.constant 1 : i32
      scf.for %scan3A_229 = %scan3A_207 to %scan3A_209 step %scan3A_210  : i32 {
        %mul3A_230 = arith.constant 4 : i32
        %mul3A_231 = arith.muli %scan3A_229, %mul3A_230 : i32
        %add3A_232 = arith.constant 0 : i32
        %add3A_233 = arith.addi %mul3A_231, %add3A_232 : i32
        %broadcast_in_dim3A = arith.constant 0 : i32
        %broadcast_in_dim3A_234 = vector.broadcast %broadcast_in_dim3A : i32 to vector<16xi32>
        %add3A_235 = vector.broadcast %add3A_233 : i32 to vector<16xi32>
        %add3A_236 = arith.addi %broadcast_in_dim3A_234, %add3A_235 : vector<16xi32>
        %gather3A = tpu.vector_load_idx %arg17[%add3A_236] : memref<80xf32, #tpu.memory_space<vmem>>[vector<16xi32>], vector<16xf32>,
        %mul3A_237 = arith.constant 4 : i32
        %mul3A_238 = arith.muli %scan3A_229, %mul3A_237 : i32
        %add3A_239 = arith.constant 1 : i32
        %add3A_240 = arith.addi %mul3A_238, %add3A_239 : i32
        %broadcast_in_dim3A_241 = arith.constant 0 : i32
        %broadcast_in_dim3A_242 = vector.broadcast %broadcast_in_dim3A_241 : i32 to vector<16xi32>
        %add3A_243 = vector.broadcast %add3A_240 : i32 to vector<16xi32>
        %add3A_244 = arith.addi %broadcast_in_dim3A_242, %add3A_243 : vector<16xi32>
        %gather3A_245 = tpu.vector_load_idx %arg17[%add3A_244] : memref<80xf32, #tpu.memory_space<vmem>>[vector<16xi32>], vector<16xf32>,
        %mul3A_246 = arith.constant 4 : i32
        %mul3A_247 = arith.muli %scan3A_229, %mul3A_246 : i32
        %add3A_248 = arith.constant 2 : i32
        %add3A_249 = arith.addi %mul3A_247, %add3A_248 : i32
        %broadcast_in_dim3A_250 = arith.constant 0 : i32
        %broadcast_in_dim3A_251 = vector.broadcast %broadcast_in_dim3A_250 : i32 to vector<16xi32>
        %add3A_252 = vector.broadcast %add3A_249 : i32 to vector<16xi32>
        %add3A_253 = arith.addi %broadcast_in_dim3A_251, %add3A_252 : vector<16xi32>
        %gather3A_254 = tpu.vector_load_idx %arg17[%add3A_253] : memref<80xf32, #tpu.memory_space<vmem>>[vector<16xi32>], vector<16xf32>,
        %mul3A_255 = arith.constant 4 : i32
        %mul3A_256 = arith.muli %scan3A_229, %mul3A_255 : i32
        %add3A_257 = arith.constant 3 : i32
        %add3A_258 = arith.addi %mul3A_256, %add3A_257 : i32
        %broadcast_in_dim3A_259 = arith.constant 0 : i32
        %broadcast_in_dim3A_260 = vector.broadcast %broadcast_in_dim3A_259 : i32 to vector<16xi32>
        %add3A_261 = vector.broadcast %add3A_258 : i32 to vector<16xi32>
        %add3A_262 = arith.addi %broadcast_in_dim3A_260, %add3A_261 : vector<16xi32>
        %gather3A_263 = tpu.vector_load_idx %arg17[%add3A_262] : memref<80xf32, #tpu.memory_space<vmem>>[vector<16xi32>], vector<16xf32>,
        %mul3A_264 = arith.constant 4 : i32
        %mul3A_265 = arith.muli %scan3A_229, %mul3A_264 : i32
        %add3A_266 = arith.constant 0 : i32
        %add3A_267 = arith.addi %mul3A_265, %add3A_266 : i32
        %get3A = arith.index_cast %add3A_267 : i32 to index
        %get3A_268 = arith.constant 0 : index
        %get3A_269 = tpu.vector_load %arg21[%get3A, %get3A_268] {strides = array<i32>} : memref<80x128xf32, #tpu.memory_space<vmem>>, vector<16xf32>,
        %mul3A_270 = arith.mulf %get3A_269, %gather3A : vector<16xf32>
        %swap3A = arith.index_cast %add3A_267 : i32 to index
        %swap3A_271 = arith.constant 0 : index
        %swap3A_272 = tpu.vector_load %arg21[%swap3A, %swap3A_271] {strides = array<i32>} : memref<80x128xf32, #tpu.memory_space<vmem>>, vector<16xf32>,
        tpu.vector_store %arg21[%swap3A, %swap3A_271], %mul3A_270 {strides = array<i32>} : memref<80x128xf32, #tpu.memory_space<vmem>>, vector<16xf32>,
        %get3A_273 = arith.index_cast %add3A_267 : i32 to index
        %get3A_274 = arith.constant 16 : index
        %get3A_275 = tpu.vector_load %arg21[%get3A_273, %get3A_274] {strides = array<i32>} : memref<80x128xf32, #tpu.memory_space<vmem>>, vector<16xf32>,
        %mul3A_276 = arith.mulf %get3A_275, %gather3A : vector<16xf32>
        %swap3A_277 = arith.index_cast %add3A_267 : i32 to index
        %swap3A_278 = arith.constant 16 : index
        %swap3A_279 = tpu.vector_load %arg21[%swap3A_277, %swap3A_278] {strides = array<i32>} : memref<80x128xf32, #tpu.memory_space<vmem>>, vector<16xf32>,
        tpu.vector_store %arg21[%swap3A_277, %swap3A_278], %mul3A_276 {strides = array<i32>} : memref<80x128xf32, #tpu.memory_space<vmem>>, vector<16xf32>,
        %get3A_280 = arith.index_cast %add3A_267 : i32 to index
        %get3A_281 = arith.constant 32 : index
        %get3A_282 = tpu.vector_load %arg21[%get3A_280, %get3A_281] {strides = array<i32>} : memref<80x128xf32, #tpu.memory_space<vmem>>, vector<16xf32>,
        %mul3A_283 = arith.mulf %get3A_282, %gather3A : vector<16xf32>
        %swap3A_284 = arith.index_cast %add3A_267 : i32 to index
        %swap3A_285 = arith.constant 32 : index
        %swap3A_286 = tpu.vector_load %arg21[%swap3A_284, %swap3A_285] {strides = array<i32>} : memref<80x128xf32, #tpu.memory_space<vmem>>, vector<16xf32>,
        tpu.vector_store %arg21[%swap3A_284, %swap3A_285], %mul3A_283 {strides = array<i32>} : memref<80x128xf32, #tpu.memory_space<vmem>>, vector<16xf32>,
        %get3A_287 = arith.index_cast %add3A_267 : i32 to index
        %get3A_288 = arith.constant 48 : index
        %get3A_289 = tpu.vector_load %arg21[%get3A_287, %get3A_288] {strides = array<i32>} : memref<80x128xf32, #tpu.memory_space<vmem>>, vector<16xf32>,
        %mul3A_290 = arith.mulf %get3A_289, %gather3A : vector<16xf32>
        %swap3A_291 = arith.index_cast %add3A_267 : i32 to index
        %swap3A_292 = arith.constant 48 : index
        %swap3A_293 = tpu.vector_load %arg21[%swap3A_291, %swap3A_292] {strides = array<i32>} : memref<80x128xf32, #tpu.memory_space<vmem>>, vector<16xf32>,
        tpu.vector_store %arg21[%swap3A_291, %swap3A_292], %mul3A_290 {strides = array<i32>} : memref<80x128xf32, #tpu.memory_space<vmem>>, vector<16xf32>,
        %get3A_294 = arith.index_cast %add3A_267 : i32 to index
        %get3A_295 = arith.constant 64 : index
        %get3A_296 = tpu.vector_load %arg21[%get3A_294, %get3A_295] {strides = array<i32>} : memref<80x128xf32, #tpu.memory_space<vmem>>, vector<16xf32>,
        %mul3A_297 = arith.mulf %get3A_296, %gather3A : vector<16xf32>
        %swap3A_298 = arith.index_cast %add3A_267 : i32 to index
        %swap3A_299 = arith.constant 64 : index
        %swap3A_300 = tpu.vector_load %arg21[%swap3A_298, %swap3A_299] {strides = array<i32>} : memref<80x128xf32, #tpu.memory_space<vmem>>, vector<16xf32>,
        tpu.vector_store %arg21[%swap3A_298, %swap3A_299], %mul3A_297 {strides = array<i32>} : memref<80x128xf32, #tpu.memory_space<vmem>>, vector<16xf32>,
        %get3A_301 = arith.index_cast %add3A_267 : i32 to index
        %get3A_302 = arith.constant 80 : index
        %get3A_303 = tpu.vector_load %arg21[%get3A_301, %get3A_302] {strides = array<i32>} : memref<80x128xf32, #tpu.memory_space<vmem>>, vector<16xf32>,
        %mul3A_304 = arith.mulf %get3A_303, %gather3A : vector<16xf32>
        %swap3A_305 = arith.index_cast %add3A_267 : i32 to index
        %swap3A_306 = arith.constant 80 : index
        %swap3A_307 = tpu.vector_load %arg21[%swap3A_305, %swap3A_306] {strides = array<i32>} : memref<80x128xf32, #tpu.memory_space<vmem>>, vector<16xf32>,
        tpu.vector_store %arg21[%swap3A_305, %swap3A_306], %mul3A_304 {strides = array<i32>} : memref<80x128xf32, #tpu.memory_space<vmem>>, vector<16xf32>,
        %get3A_308 = arith.index_cast %add3A_267 : i32 to index
        %get3A_309 = arith.constant 96 : index
        %get3A_310 = tpu.vector_load %arg21[%get3A_308, %get3A_309] {strides = array<i32>} : memref<80x128xf32, #tpu.memory_space<vmem>>, vector<16xf32>,
        %mul3A_311 = arith.mulf %get3A_310, %gather3A : vector<16xf32>
        %swap3A_312 = arith.index_cast %add3A_267 : i32 to index
        %swap3A_313 = arith.constant 96 : index
        %swap3A_314 = tpu.vector_load %arg21[%swap3A_312, %swap3A_313] {strides = array<i32>} : memref<80x128xf32, #tpu.memory_space<vmem>>, vector<16xf32>,
        tpu.vector_store %arg21[%swap3A_312, %swap3A_313], %mul3A_311 {strides = array<i32>} : memref<80x128xf32, #tpu.memory_space<vmem>>, vector<16xf32>,
        %get3A_315 = arith.index_cast %add3A_267 : i32 to index
        %get3A_316 = arith.constant 112 : index
        %get3A_317 = tpu.vector_load %arg21[%get3A_315, %get3A_316] {strides = array<i32>} : memref<80x128xf32, #tpu.memory_space<vmem>>, vector<16xf32>,
        %mul3A_318 = arith.mulf %get3A_317, %gather3A : vector<16xf32>
        %swap3A_319 = arith.index_cast %add3A_267 : i32 to index
        %swap3A_320 = arith.constant 112 : index
        %swap3A_321 = tpu.vector_load %arg21[%swap3A_319, %swap3A_320] {strides = array<i32>} : memref<80x128xf32, #tpu.memory_space<vmem>>, vector<16xf32>,
        tpu.vector_store %arg21[%swap3A_319, %swap3A_320], %mul3A_318 {strides = array<i32>} : memref<80x128xf32, #tpu.memory_space<vmem>>, vector<16xf32>,
        %mul3A_322 = arith.constant 4 : i32
        %mul3A_323 = arith.muli %scan3A_229, %mul3A_322 : i32
        %add3A_324 = arith.constant 1 : i32
        %add3A_325 = arith.addi %mul3A_323, %add3A_324 : i32
        %get3A_326 = arith.index_cast %add3A_325 : i32 to index
        %get3A_327 = arith.constant 0 : index
        %get3A_328 = tpu.vector_load %arg21[%get3A_326, %get3A_327] {strides = array<i32>} : memref<80x128xf32, #tpu.memory_space<vmem>>, vector<16xf32>,
        %mul3A_329 = arith.mulf %get3A_328, %gather3A_245 : vector<16xf32>
        %swap3A_330 = arith.index_cast %add3A_325 : i32 to index
        %swap3A_331 = arith.constant 0 : index
        %swap3A_332 = tpu.vector_load %arg21[%swap3A_330, %swap3A_331] {strides = array<i32>} : memref<80x128xf32, #tpu.memory_space<vmem>>, vector<16xf32>,
        tpu.vector_store %arg21[%swap3A_330, %swap3A_331], %mul3A_329 {strides = array<i32>} : memref<80x128xf32, #tpu.memory_space<vmem>>, vector<16xf32>,
        %get3A_333 = arith.index_cast %add3A_325 : i32 to index
        %get3A_334 = arith.constant 16 : index
        %get3A_335 = tpu.vector_load %arg21[%get3A_333, %get3A_334] {strides = array<i32>} : memref<80x128xf32, #tpu.memory_space<vmem>>, vector<16xf32>,
        %mul3A_336 = arith.mulf %get3A_335, %gather3A_245 : vector<16xf32>
        %swap3A_337 = arith.index_cast %add3A_325 : i32 to index
        %swap3A_338 = arith.constant 16 : index
        %swap3A_339 = tpu.vector_load %arg21[%swap3A_337, %swap3A_338] {strides = array<i32>} : memref<80x128xf32, #tpu.memory_space<vmem>>, vector<16xf32>,
        tpu.vector_store %arg21[%swap3A_337, %swap3A_338], %mul3A_336 {strides = array<i32>} : memref<80x128xf32, #tpu.memory_space<vmem>>, vector<16xf32>,
        %get3A_340 = arith.index_cast %add3A_325 : i32 to index
        %get3A_341 = arith.constant 32 : index
        %get3A_342 = tpu.vector_load %arg21[%get3A_340, %get3A_341] {strides = array<i32>} : memref<80x128xf32, #tpu.memory_space<vmem>>, vector<16xf32>,
        %mul3A_343 = arith.mulf %get3A_342, %gather3A_245 : vector<16xf32>
        %swap3A_344 = arith.index_cast %add3A_325 : i32 to index
        %swap3A_345 = arith.constant 32 : index
        %swap3A_346 = tpu.vector_load %arg21[%swap3A_344, %swap3A_345] {strides = array<i32>} : memref<80x128xf32, #tpu.memory_space<vmem>>, vector<16xf32>,
        tpu.vector_store %arg21[%swap3A_344, %swap3A_345], %mul3A_343 {strides = array<i32>} : memref<80x128xf32, #tpu.memory_space<vmem>>, vector<16xf32>,
        %get3A_347 = arith.index_cast %add3A_325 : i32 to index
        %get3A_348 = arith.constant 48 : index
        %get3A_349 = tpu.vector_load %arg21[%get3A_347, %get3A_348] {strides = array<i32>} : memref<80x128xf32, #tpu.memory_space<vmem>>, vector<16xf32>,
        %mul3A_350 = arith.mulf %get3A_349, %gather3A_245 : vector<16xf32>
        %swap3A_351 = arith.index_cast %add3A_325 : i32 to index
        %swap3A_352 = arith.constant 48 : index
        %swap3A_353 = tpu.vector_load %arg21[%swap3A_351, %swap3A_352] {strides = array<i32>} : memref<80x128xf32, #tpu.memory_space<vmem>>, vector<16xf32>,
        tpu.vector_store %arg21[%swap3A_351, %swap3A_352], %mul3A_350 {strides = array<i32>} : memref<80x128xf32, #tpu.memory_space<vmem>>, vector<16xf32>,
        %get3A_354 = arith.index_cast %add3A_325 : i32 to index
        %get3A_355 = arith.constant 64 : index
        %get3A_356 = tpu.vector_load %arg21[%get3A_354, %get3A_355] {strides = array<i32>} : memref<80x128xf32, #tpu.memory_space<vmem>>, vector<16xf32>,
        %mul3A_357 = arith.mulf %get3A_356, %gather3A_245 : vector<16xf32>
        %swap3A_358 = arith.index_cast %add3A_325 : i32 to index
        %swap3A_359 = arith.constant 64 : index
        %swap3A_360 = tpu.vector_load %arg21[%swap3A_358, %swap3A_359] {strides = array<i32>} : memref<80x128xf32, #tpu.memory_space<vmem>>, vector<16xf32>,
        tpu.vector_store %arg21[%swap3A_358, %swap3A_359], %mul3A_357 {strides = array<i32>} : memref<80x128xf32, #tpu.memory_space<vmem>>, vector<16xf32>,
        %get3A_361 = arith.index_cast %add3A_325 : i32 to index
        %get3A_362 = arith.constant 80 : index
        %get3A_363 = tpu.vector_load %arg21[%get3A_361, %get3A_362] {strides = array<i32>} : memref<80x128xf32, #tpu.memory_space<vmem>>, vector<16xf32>,
        %mul3A_364 = arith.mulf %get3A_363, %gather3A_245 : vector<16xf32>
        %swap3A_365 = arith.index_cast %add3A_325 : i32 to index
        %swap3A_366 = arith.constant 80 : index
        %swap3A_367 = tpu.vector_load %arg21[%swap3A_365, %swap3A_366] {strides = array<i32>} : memref<80x128xf32, #tpu.memory_space<vmem>>, vector<16xf32>,
        tpu.vector_store %arg21[%swap3A_365, %swap3A_366], %mul3A_364 {strides = array<i32>} : memref<80x128xf32, #tpu.memory_space<vmem>>, vector<16xf32>,
        %get3A_368 = arith.index_cast %add3A_325 : i32 to index
        %get3A_369 = arith.constant 96 : index
        %get3A_370 = tpu.vector_load %arg21[%get3A_368, %get3A_369] {strides = array<i32>} : memref<80x128xf32, #tpu.memory_space<vmem>>, vector<16xf32>,
        %mul3A_371 = arith.mulf %get3A_370, %gather3A_245 : vector<16xf32>
        %swap3A_372 = arith.index_cast %add3A_325 : i32 to index
        %swap3A_373 = arith.constant 96 : index
        %swap3A_374 = tpu.vector_load %arg21[%swap3A_372, %swap3A_373] {strides = array<i32>} : memref<80x128xf32, #tpu.memory_space<vmem>>, vector<16xf32>,
        tpu.vector_store %arg21[%swap3A_372, %swap3A_373], %mul3A_371 {strides = array<i32>} : memref<80x128xf32, #tpu.memory_space<vmem>>, vector<16xf32>,
        %get3A_375 = arith.index_cast %add3A_325 : i32 to index
        %get3A_376 = arith.constant 112 : index
        %get3A_377 = tpu.vector_load %arg21[%get3A_375, %get3A_376] {strides = array<i32>} : memref<80x128xf32, #tpu.memory_space<vmem>>, vector<16xf32>,
        %mul3A_378 = arith.mulf %get3A_377, %gather3A_245 : vector<16xf32>
        %swap3A_379 = arith.index_cast %add3A_325 : i32 to index
        %swap3A_380 = arith.constant 112 : index
        %swap3A_381 = tpu.vector_load %arg21[%swap3A_379, %swap3A_380] {strides = array<i32>} : memref<80x128xf32, #tpu.memory_space<vmem>>, vector<16xf32>,
        tpu.vector_store %arg21[%swap3A_379, %swap3A_380], %mul3A_378 {strides = array<i32>} : memref<80x128xf32, #tpu.memory_space<vmem>>, vector<16xf32>,
        %mul3A_382 = arith.constant 4 : i32
        %mul3A_383 = arith.muli %scan3A_229, %mul3A_382 : i32
        %add3A_384 = arith.constant 2 : i32
        %add3A_385 = arith.addi %mul3A_383, %add3A_384 : i32
        %get3A_386 = arith.index_cast %add3A_385 : i32 to index
        %get3A_387 = arith.constant 0 : index
        %get3A_388 = tpu.vector_load %arg21[%get3A_386, %get3A_387] {strides = array<i32>} : memref<80x128xf32, #tpu.memory_space<vmem>>, vector<16xf32>,
        %mul3A_389 = arith.mulf %get3A_388, %gather3A_254 : vector<16xf32>
        %swap3A_390 = arith.index_cast %add3A_385 : i32 to index
        %swap3A_391 = arith.constant 0 : index
        %swap3A_392 = tpu.vector_load %arg21[%swap3A_390, %swap3A_391] {strides = array<i32>} : memref<80x128xf32, #tpu.memory_space<vmem>>, vector<16xf32>,
        tpu.vector_store %arg21[%swap3A_390, %swap3A_391], %mul3A_389 {strides = array<i32>} : memref<80x128xf32, #tpu.memory_space<vmem>>, vector<16xf32>,
        %get3A_393 = arith.index_cast %add3A_385 : i32 to index
        %get3A_394 = arith.constant 16 : index
        %get3A_395 = tpu.vector_load %arg21[%get3A_393, %get3A_394] {strides = array<i32>} : memref<80x128xf32, #tpu.memory_space<vmem>>, vector<16xf32>,
        %mul3A_396 = arith.mulf %get3A_395, %gather3A_254 : vector<16xf32>
        %swap3A_397 = arith.index_cast %add3A_385 : i32 to index
        %swap3A_398 = arith.constant 16 : index
        %swap3A_399 = tpu.vector_load %arg21[%swap3A_397, %swap3A_398] {strides = array<i32>} : memref<80x128xf32, #tpu.memory_space<vmem>>, vector<16xf32>,
        tpu.vector_store %arg21[%swap3A_397, %swap3A_398], %mul3A_396 {strides = array<i32>} : memref<80x128xf32, #tpu.memory_space<vmem>>, vector<16xf32>,
        %get3A_400 = arith.index_cast %add3A_385 : i32 to index
        %get3A_401 = arith.constant 32 : index
        %get3A_402 = tpu.vector_load %arg21[%get3A_400, %get3A_401] {strides = array<i32>} : memref<80x128xf32, #tpu.memory_space<vmem>>, vector<16xf32>,
        %mul3A_403 = arith.mulf %get3A_402, %gather3A_254 : vector<16xf32>
        %swap3A_404 = arith.index_cast %add3A_385 : i32 to index
        %swap3A_405 = arith.constant 32 : index
        %swap3A_406 = tpu.vector_load %arg21[%swap3A_404, %swap3A_405] {strides = array<i32>} : memref<80x128xf32, #tpu.memory_space<vmem>>, vector<16xf32>,
        tpu.vector_store %arg21[%swap3A_404, %swap3A_405], %mul3A_403 {strides = array<i32>} : memref<80x128xf32, #tpu.memory_space<vmem>>, vector<16xf32>,
        %get3A_407 = arith.index_cast %add3A_385 : i32 to index
        %get3A_408 = arith.constant 48 : index
        %get3A_409 = tpu.vector_load %arg21[%get3A_407, %get3A_408] {strides = array<i32>} : memref<80x128xf32, #tpu.memory_space<vmem>>, vector<16xf32>,
        %mul3A_410 = arith.mulf %get3A_409, %gather3A_254 : vector<16xf32>
        %swap3A_411 = arith.index_cast %add3A_385 : i32 to index
        %swap3A_412 = arith.constant 48 : index
        %swap3A_413 = tpu.vector_load %arg21[%swap3A_411, %swap3A_412] {strides = array<i32>} : memref<80x128xf32, #tpu.memory_space<vmem>>, vector<16xf32>,
        tpu.vector_store %arg21[%swap3A_411, %swap3A_412], %mul3A_410 {strides = array<i32>} : memref<80x128xf32, #tpu.memory_space<vmem>>, vector<16xf32>,
        %get3A_414 = arith.index_cast %add3A_385 : i32 to index
        %get3A_415 = arith.constant 64 : index
        %get3A_416 = tpu.vector_load %arg21[%get3A_414, %get3A_415] {strides = array<i32>} : memref<80x128xf32, #tpu.memory_space<vmem>>, vector<16xf32>,
        %mul3A_417 = arith.mulf %get3A_416, %gather3A_254 : vector<16xf32>
        %swap3A_418 = arith.index_cast %add3A_385 : i32 to index
        %swap3A_419 = arith.constant 64 : index
        %swap3A_420 = tpu.vector_load %arg21[%swap3A_418, %swap3A_419] {strides = array<i32>} : memref<80x128xf32, #tpu.memory_space<vmem>>, vector<16xf32>,
        tpu.vector_store %arg21[%swap3A_418, %swap3A_419], %mul3A_417 {strides = array<i32>} : memref<80x128xf32, #tpu.memory_space<vmem>>, vector<16xf32>,
        %get3A_421 = arith.index_cast %add3A_385 : i32 to index
        %get3A_422 = arith.constant 80 : index
        %get3A_423 = tpu.vector_load %arg21[%get3A_421, %get3A_422] {strides = array<i32>} : memref<80x128xf32, #tpu.memory_space<vmem>>, vector<16xf32>,
        %mul3A_424 = arith.mulf %get3A_423, %gather3A_254 : vector<16xf32>
        %swap3A_425 = arith.index_cast %add3A_385 : i32 to index
        %swap3A_426 = arith.constant 80 : index
        %swap3A_427 = tpu.vector_load %arg21[%swap3A_425, %swap3A_426] {strides = array<i32>} : memref<80x128xf32, #tpu.memory_space<vmem>>, vector<16xf32>,
        tpu.vector_store %arg21[%swap3A_425, %swap3A_426], %mul3A_424 {strides = array<i32>} : memref<80x128xf32, #tpu.memory_space<vmem>>, vector<16xf32>,
        %get3A_428 = arith.index_cast %add3A_385 : i32 to index
        %get3A_429 = arith.constant 96 : index
        %get3A_430 = tpu.vector_load %arg21[%get3A_428, %get3A_429] {strides = array<i32>} : memref<80x128xf32, #tpu.memory_space<vmem>>, vector<16xf32>,
        %mul3A_431 = arith.mulf %get3A_430, %gather3A_254 : vector<16xf32>
        %swap3A_432 = arith.index_cast %add3A_385 : i32 to index
        %swap3A_433 = arith.constant 96 : index
        %swap3A_434 = tpu.vector_load %arg21[%swap3A_432, %swap3A_433] {strides = array<i32>} : memref<80x128xf32, #tpu.memory_space<vmem>>, vector<16xf32>,
        tpu.vector_store %arg21[%swap3A_432, %swap3A_433], %mul3A_431 {strides = array<i32>} : memref<80x128xf32, #tpu.memory_space<vmem>>, vector<16xf32>,
        %get3A_435 = arith.index_cast %add3A_385 : i32 to index
        %get3A_436 = arith.constant 112 : index
        %get3A_437 = tpu.vector_load %arg21[%get3A_435, %get3A_436] {strides = array<i32>} : memref<80x128xf32, #tpu.memory_space<vmem>>, vector<16xf32>,
        %mul3A_438 = arith.mulf %get3A_437, %gather3A_254 : vector<16xf32>
        %swap3A_439 = arith.index_cast %add3A_385 : i32 to index
        %swap3A_440 = arith.constant 112 : index
        %swap3A_441 = tpu.vector_load %arg21[%swap3A_439, %swap3A_440] {strides = array<i32>} : memref<80x128xf32, #tpu.memory_space<vmem>>, vector<16xf32>,
        tpu.vector_store %arg21[%swap3A_439, %swap3A_440], %mul3A_438 {strides = array<i32>} : memref<80x128xf32, #tpu.memory_space<vmem>>, vector<16xf32>,
        %mul3A_442 = arith.constant 4 : i32
        %mul3A_443 = arith.muli %scan3A_229, %mul3A_442 : i32
        %add3A_444 = arith.constant 3 : i32
        %add3A_445 = arith.addi %mul3A_443, %add3A_444 : i32
        %get3A_446 = arith.index_cast %add3A_445 : i32 to index
        %get3A_447 = arith.constant 0 : index
        %get3A_448 = tpu.vector_load %arg21[%get3A_446, %get3A_447] {strides = array<i32>} : memref<80x128xf32, #tpu.memory_space<vmem>>, vector<16xf32>,
        %mul3A_449 = arith.mulf %get3A_448, %gather3A_263 : vector<16xf32>
        %swap3A_450 = arith.index_cast %add3A_445 : i32 to index
        %swap3A_451 = arith.constant 0 : index
        %swap3A_452 = tpu.vector_load %arg21[%swap3A_450, %swap3A_451] {strides = array<i32>} : memref<80x128xf32, #tpu.memory_space<vmem>>, vector<16xf32>,
        tpu.vector_store %arg21[%swap3A_450, %swap3A_451], %mul3A_449 {strides = array<i32>} : memref<80x128xf32, #tpu.memory_space<vmem>>, vector<16xf32>,
        %get3A_453 = arith.index_cast %add3A_445 : i32 to index
        %get3A_454 = arith.constant 16 : index
        %get3A_455 = tpu.vector_load %arg21[%get3A_453, %get3A_454] {strides = array<i32>} : memref<80x128xf32, #tpu.memory_space<vmem>>, vector<16xf32>,
        %mul3A_456 = arith.mulf %get3A_455, %gather3A_263 : vector<16xf32>
        %swap3A_457 = arith.index_cast %add3A_445 : i32 to index
        %swap3A_458 = arith.constant 16 : index
        %swap3A_459 = tpu.vector_load %arg21[%swap3A_457, %swap3A_458] {strides = array<i32>} : memref<80x128xf32, #tpu.memory_space<vmem>>, vector<16xf32>,
        tpu.vector_store %arg21[%swap3A_457, %swap3A_458], %mul3A_456 {strides = array<i32>} : memref<80x128xf32, #tpu.memory_space<vmem>>, vector<16xf32>,
        %get3A_460 = arith.index_cast %add3A_445 : i32 to index
        %get3A_461 = arith.constant 32 : index
        %get3A_462 = tpu.vector_load %arg21[%get3A_460, %get3A_461] {strides = array<i32>} : memref<80x128xf32, #tpu.memory_space<vmem>>, vector<16xf32>,
        %mul3A_463 = arith.mulf %get3A_462, %gather3A_263 : vector<16xf32>
        %swap3A_464 = arith.index_cast %add3A_445 : i32 to index
        %swap3A_465 = arith.constant 32 : index
        %swap3A_466 = tpu.vector_load %arg21[%swap3A_464, %swap3A_465] {strides = array<i32>} : memref<80x128xf32, #tpu.memory_space<vmem>>, vector<16xf32>,
        tpu.vector_store %arg21[%swap3A_464, %swap3A_465], %mul3A_463 {strides = array<i32>} : memref<80x128xf32, #tpu.memory_space<vmem>>, vector<16xf32>,
        %get3A_467 = arith.index_cast %add3A_445 : i32 to index
        %get3A_468 = arith.constant 48 : index
        %get3A_469 = tpu.vector_load %arg21[%get3A_467, %get3A_468] {strides = array<i32>} : memref<80x128xf32, #tpu.memory_space<vmem>>, vector<16xf32>,
        %mul3A_470 = arith.mulf %get3A_469, %gather3A_263 : vector<16xf32>
        %swap3A_471 = arith.index_cast %add3A_445 : i32 to index
        %swap3A_472 = arith.constant 48 : index
        %swap3A_473 = tpu.vector_load %arg21[%swap3A_471, %swap3A_472] {strides = array<i32>} : memref<80x128xf32, #tpu.memory_space<vmem>>, vector<16xf32>,
        tpu.vector_store %arg21[%swap3A_471, %swap3A_472], %mul3A_470 {strides = array<i32>} : memref<80x128xf32, #tpu.memory_space<vmem>>, vector<16xf32>,
        %get3A_474 = arith.index_cast %add3A_445 : i32 to index
        %get3A_475 = arith.constant 64 : index
        %get3A_476 = tpu.vector_load %arg21[%get3A_474, %get3A_475] {strides = array<i32>} : memref<80x128xf32, #tpu.memory_space<vmem>>, vector<16xf32>,
        %mul3A_477 = arith.mulf %get3A_476, %gather3A_263 : vector<16xf32>
        %swap3A_478 = arith.index_cast %add3A_445 : i32 to index
        %swap3A_479 = arith.constant 64 : index
        %swap3A_480 = tpu.vector_load %arg21[%swap3A_478, %swap3A_479] {strides = array<i32>} : memref<80x128xf32, #tpu.memory_space<vmem>>, vector<16xf32>,
        tpu.vector_store %arg21[%swap3A_478, %swap3A_479], %mul3A_477 {strides = array<i32>} : memref<80x128xf32, #tpu.memory_space<vmem>>, vector<16xf32>,
        %get3A_481 = arith.index_cast %add3A_445 : i32 to index
        %get3A_482 = arith.constant 80 : index
        %get3A_483 = tpu.vector_load %arg21[%get3A_481, %get3A_482] {strides = array<i32>} : memref<80x128xf32, #tpu.memory_space<vmem>>, vector<16xf32>,
        %mul3A_484 = arith.mulf %get3A_483, %gather3A_263 : vector<16xf32>
        %swap3A_485 = arith.index_cast %add3A_445 : i32 to index
        %swap3A_486 = arith.constant 80 : index
        %swap3A_487 = tpu.vector_load %arg21[%swap3A_485, %swap3A_486] {strides = array<i32>} : memref<80x128xf32, #tpu.memory_space<vmem>>, vector<16xf32>,
        tpu.vector_store %arg21[%swap3A_485, %swap3A_486], %mul3A_484 {strides = array<i32>} : memref<80x128xf32, #tpu.memory_space<vmem>>, vector<16xf32>,
        %get3A_488 = arith.index_cast %add3A_445 : i32 to index
        %get3A_489 = arith.constant 96 : index
        %get3A_490 = tpu.vector_load %arg21[%get3A_488, %get3A_489] {strides = array<i32>} : memref<80x128xf32, #tpu.memory_space<vmem>>, vector<16xf32>,
        %mul3A_491 = arith.mulf %get3A_490, %gather3A_263 : vector<16xf32>
        %swap3A_492 = arith.index_cast %add3A_445 : i32 to index
        %swap3A_493 = arith.constant 96 : index
        %swap3A_494 = tpu.vector_load %arg21[%swap3A_492, %swap3A_493] {strides = array<i32>} : memref<80x128xf32, #tpu.memory_space<vmem>>, vector<16xf32>,
        tpu.vector_store %arg21[%swap3A_492, %swap3A_493], %mul3A_491 {strides = array<i32>} : memref<80x128xf32, #tpu.memory_space<vmem>>, vector<16xf32>,
        %get3A_495 = arith.index_cast %add3A_445 : i32 to index
        %get3A_496 = arith.constant 112 : index
        %get3A_497 = tpu.vector_load %arg21[%get3A_495, %get3A_496] {strides = array<i32>} : memref<80x128xf32, #tpu.memory_space<vmem>>, vector<16xf32>,
        %mul3A_498 = arith.mulf %get3A_497, %gather3A_263 : vector<16xf32>
        %swap3A_499 = arith.index_cast %add3A_445 : i32 to index
        %swap3A_500 = arith.constant 112 : index
        %swap3A_501 = tpu.vector_load %arg21[%swap3A_499, %swap3A_500] {strides = array<i32>} : memref<80x128xf32, #tpu.memory_space<vmem>>, vector<16xf32>,
        tpu.vector_store %arg21[%swap3A_499, %swap3A_500], %mul3A_498 {strides = array<i32>} : memref<80x128xf32, #tpu.memory_space<vmem>>, vector<16xf32>,
      }
      %scan3A_211 = arith.constant 20 : i32
      %dma_start3A_212 = arith.constant 0 : i32
      %dma_start3A_213 = arith.constant 0 : i32
      %dma_start3A_214 = tpu.memref_slice %arg22[%dma_start3A_212, %dma_start3A_213] : memref<10240x128xf32, #tpu.memory_space<vmem_shared>> -> memref<10240x128xf32, #tpu.memory_space<vmem_shared>>
      tpu.enqueue_indirect_dma source(%arg21 : memref<80x128xf32, #tpu.memory_space<vmem>>) target(%dma_start3A_214 : memref<10240x128xf32, #tpu.memory_space<vmem_shared>>) offsets(%arg9 : memref<80xi32, #tpu.memory_space<vmem>>) semaphore(%arg34 : memref<!tpu.dma_semaphore, #tpu.memory_space<semaphore_mem>>) {add = true}
      %add3A_215 = arith.constant 3 : i32
      %add3A_216 = arith.addi %add3A_202, %add3A_215 : i32
      %lt3A_217 = arith.constant 125 : i32
      %lt3A_218 = arith.cmpi slt, %add3A_216, %lt3A_217 : i32
      %convert_element_type3A_219 = arith.extui %lt3A_218 : i1 to i32
      %cond3A_220 = arith.constant 0 : i32
      %cond3A_221 = arith.cmpi ne, %convert_element_type3A_219, %cond3A_220 : i32
      scf.if %cond3A_221 {
        %ge3A = arith.constant 1 : i32
        %ge3A_229 = arith.cmpi sge, %add3A_202, %ge3A : i32
        %convert_element_type3A_230 = arith.extui %ge3A_229 : i1 to i32
        %cond3A_231 = arith.constant 0 : i32
        %cond3A_232 = arith.cmpi ne, %convert_element_type3A_230, %cond3A_231 : i32
        scf.if %cond3A_232 {
          %dma_wait3A_250 = arith.constant 0 : i32
          %dma_wait3A_251 = arith.constant 0 : i32
          %dma_wait3A_252 = tpu.memref_slice %arg22[%dma_wait3A_250, %dma_wait3A_251] : memref<10240x128xf32, #tpu.memory_space<vmem_shared>> -> memref<10240x128xf32, #tpu.memory_space<vmem_shared>>
          tpu.wait_indirect_dma semaphore(%arg33 : memref<!tpu.dma_semaphore, #tpu.memory_space<semaphore_mem>>) src(%arg20 : memref<80x128xf32, #tpu.memory_space<vmem>>) dst(%dma_wait3A_252 : memref<10240x128xf32, #tpu.memory_space<vmem_shared>>)
        } else {
        }
        %mul3A_233 = arith.constant 80 : i32
        %mul3A_234 = arith.muli %add3A_216, %mul3A_233 : i32
        %add3A_235 = arith.addi %mul3A_2, %mul3A_234 : i32
        %dma_start3A_236 = tpu.memref_slice %arg2[%add3A_235] : memref<640000xi32, #tpu.memory_space<hbm>> -> memref<80xi32, #tpu.memory_space<hbm>>
        %dma_start3A_237 = tpu.memref_slice %arg2[%add3A_235] : memref<640000xi32, #tpu.memory_space<hbm>> -> memref<80xi32, #tpu.memory_space<hbm>>
        tpu.enqueue_dma source(%dma_start3A_237 : memref<80xi32, #tpu.memory_space<hbm>>) target(%arg8 : memref<80xi32, #tpu.memory_space<vmem>>) target_semaphore(%arg25 : memref<!tpu.dma_semaphore, #tpu.memory_space<semaphore_mem>>)
        %add3A_238 = arith.constant 320000 : i32
        %add3A_239 = arith.addi %add3A_238, %mul3A_2 : i32
        %mul3A_240 = arith.constant 80 : i32
        %mul3A_241 = arith.muli %add3A_216, %mul3A_240 : i32
        %add3A_242 = arith.addi %add3A_239, %mul3A_241 : i32
        %dma_start3A_243 = tpu.memref_slice %arg2[%add3A_242] : memref<640000xi32, #tpu.memory_space<hbm>> -> memref<80xi32, #tpu.memory_space<hbm>>
        %dma_start3A_244 = tpu.memref_slice %arg2[%add3A_242] : memref<640000xi32, #tpu.memory_space<hbm>> -> memref<80xi32, #tpu.memory_space<hbm>>
        tpu.enqueue_dma source(%dma_start3A_244 : memref<80xi32, #tpu.memory_space<hbm>>) target(%arg12 : memref<80xi32, #tpu.memory_space<vmem>>) target_semaphore(%arg25 : memref<!tpu.dma_semaphore, #tpu.memory_space<semaphore_mem>>)
        %mul3A_245 = arith.constant 80 : i32
        %mul3A_246 = arith.muli %add3A_216, %mul3A_245 : i32
        %add3A_247 = arith.addi %mul3A_2, %mul3A_246 : i32
        %dma_start3A_248 = tpu.memref_slice %arg3[%add3A_247] : memref<320000xf32, #tpu.memory_space<hbm>> -> memref<80xf32, #tpu.memory_space<hbm>>
        %dma_start3A_249 = tpu.memref_slice %arg3[%add3A_247] : memref<320000xf32, #tpu.memory_space<hbm>> -> memref<80xf32, #tpu.memory_space<hbm>>
        tpu.enqueue_dma source(%dma_start3A_249 : memref<80xf32, #tpu.memory_space<hbm>>) target(%arg16 : memref<80xf32, #tpu.memory_space<vmem>>) target_semaphore(%arg25 : memref<!tpu.dma_semaphore, #tpu.memory_space<semaphore_mem>>)
      } else {
      }
      %add3A_222 = arith.constant 2 : i32
      %add3A_223 = arith.addi %add3A_202, %add3A_222 : i32
      %lt3A_224 = arith.constant 125 : i32
      %lt3A_225 = arith.cmpi slt, %add3A_223, %lt3A_224 : i32
      %convert_element_type3A_226 = arith.extui %lt3A_225 : i1 to i32
      %cond3A_227 = arith.constant 0 : i32
      %cond3A_228 = arith.cmpi ne, %convert_element_type3A_226, %cond3A_227 : i32
      scf.if %cond3A_228 {
        %dma_wait3A_229 = tpu.memref_slice %arg2[%mul3A_2] : memref<640000xi32, #tpu.memory_space<hbm>> -> memref<80xi32, #tpu.memory_space<hbm>>
        %dma_wait3A_230 = tpu.memref_slice %arg2[%mul3A_2] : memref<640000xi32, #tpu.memory_space<hbm>> -> memref<80xi32, #tpu.memory_space<hbm>>
        tpu.wait_dma2 semaphore(%arg24 : memref<!tpu.dma_semaphore, #tpu.memory_space<semaphore_mem>>) src(%dma_wait3A_230 : memref<80xi32, #tpu.memory_space<hbm>>) dst(%arg7 : memref<80xi32, #tpu.memory_space<vmem>>)
        %add3A_231 = arith.constant 320000 : i32
        %add3A_232 = arith.addi %add3A_231, %mul3A_2 : i32
        %dma_wait3A_233 = tpu.memref_slice %arg2[%add3A_232] : memref<640000xi32, #tpu.memory_space<hbm>> -> memref<80xi32, #tpu.memory_space<hbm>>
        %dma_wait3A_234 = tpu.memref_slice %arg2[%add3A_232] : memref<640000xi32, #tpu.memory_space<hbm>> -> memref<80xi32, #tpu.memory_space<hbm>>
        tpu.wait_dma2 semaphore(%arg24 : memref<!tpu.dma_semaphore, #tpu.memory_space<semaphore_mem>>) src(%dma_wait3A_234 : memref<80xi32, #tpu.memory_space<hbm>>) dst(%arg11 : memref<80xi32, #tpu.memory_space<vmem>>)
        %dma_wait3A_235 = tpu.memref_slice %arg3[%mul3A_2] : memref<320000xf32, #tpu.memory_space<hbm>> -> memref<80xf32, #tpu.memory_space<hbm>>
        %dma_wait3A_236 = tpu.memref_slice %arg3[%mul3A_2] : memref<320000xf32, #tpu.memory_space<hbm>> -> memref<80xf32, #tpu.memory_space<hbm>>
        tpu.wait_dma2 semaphore(%arg24 : memref<!tpu.dma_semaphore, #tpu.memory_space<semaphore_mem>>) src(%dma_wait3A_236 : memref<80xf32, #tpu.memory_space<hbm>>) dst(%arg15 : memref<80xf32, #tpu.memory_space<vmem>>)
        %dma_start3A_237 = arith.constant 0 : i32
        %dma_start3A_238 = arith.constant 0 : i32
        %dma_start3A_239 = tpu.memref_slice %arg4[%dma_start3A_237, %dma_start3A_238] : memref<10240x128xf32, #tpu.memory_space<hbm>> -> memref<10240x128xf32, #tpu.memory_space<hbm>>
        tpu.enqueue_indirect_dma source(%dma_start3A_239 : memref<10240x128xf32, #tpu.memory_space<hbm>>) target(%arg19 : memref<80x128xf32, #tpu.memory_space<vmem>>) offsets(%arg11 : memref<80xi32, #tpu.memory_space<vmem>>) semaphore(%arg28 : memref<!tpu.dma_semaphore, #tpu.memory_space<semaphore_mem>>)
      } else {
      }
    }
    %scan3A_93 = arith.constant 31 : i32
    %dma_wait3A_94 = arith.constant 0 : i32
    %dma_wait3A_95 = arith.constant 0 : i32
    %dma_wait3A_96 = tpu.memref_slice %arg4[%dma_wait3A_94, %dma_wait3A_95] : memref<10240x128xf32, #tpu.memory_space<hbm>> -> memref<10240x128xf32, #tpu.memory_space<hbm>>
    tpu.wait_indirect_dma semaphore(%arg27 : memref<!tpu.dma_semaphore, #tpu.memory_space<semaphore_mem>>) src(%dma_wait3A_96 : memref<10240x128xf32, #tpu.memory_space<hbm>>) dst(%arg18 : memref<80x128xf32, #tpu.memory_space<vmem>>)
    %scan3A_97 = arith.constant 0 : i32
    %scan3A_98 = arith.constant 0 : i32
    %scan3A_99 = arith.constant 20 : i32
    %scan3A_100 = arith.addi %scan3A_98, %scan3A_99 : i32
    %scan3A_101 = arith.constant 1 : i32
    scf.for %scan3A_119 = %scan3A_98 to %scan3A_100 step %scan3A_101  : i32 {
      %mul3A_120 = arith.constant 4 : i32
      %mul3A_121 = arith.muli %scan3A_119, %mul3A_120 : i32
      %add3A_122 = arith.constant 0 : i32
      %add3A_123 = arith.addi %mul3A_121, %add3A_122 : i32
      %broadcast_in_dim3A = arith.constant 0 : i32
      %broadcast_in_dim3A_124 = vector.broadcast %broadcast_in_dim3A : i32 to vector<16xi32>
      %add3A_125 = vector.broadcast %add3A_123 : i32 to vector<16xi32>
      %add3A_126 = arith.addi %broadcast_in_dim3A_124, %add3A_125 : vector<16xi32>
      %gather3A = tpu.vector_load_idx %arg14[%add3A_126] : memref<80xf32, #tpu.memory_space<vmem>>[vector<16xi32>], vector<16xf32>,
      %mul3A_127 = arith.constant 4 : i32
      %mul3A_128 = arith.muli %scan3A_119, %mul3A_127 : i32
      %add3A_129 = arith.constant 1 : i32
      %add3A_130 = arith.addi %mul3A_128, %add3A_129 : i32
      %broadcast_in_dim3A_131 = arith.constant 0 : i32
      %broadcast_in_dim3A_132 = vector.broadcast %broadcast_in_dim3A_131 : i32 to vector<16xi32>
      %add3A_133 = vector.broadcast %add3A_130 : i32 to vector<16xi32>
      %add3A_134 = arith.addi %broadcast_in_dim3A_132, %add3A_133 : vector<16xi32>
      %gather3A_135 = tpu.vector_load_idx %arg14[%add3A_134] : memref<80xf32, #tpu.memory_space<vmem>>[vector<16xi32>], vector<16xf32>,
      %mul3A_136 = arith.constant 4 : i32
      %mul3A_137 = arith.muli %scan3A_119, %mul3A_136 : i32
      %add3A_138 = arith.constant 2 : i32
      %add3A_139 = arith.addi %mul3A_137, %add3A_138 : i32
      %broadcast_in_dim3A_140 = arith.constant 0 : i32
      %broadcast_in_dim3A_141 = vector.broadcast %broadcast_in_dim3A_140 : i32 to vector<16xi32>
      %add3A_142 = vector.broadcast %add3A_139 : i32 to vector<16xi32>
      %add3A_143 = arith.addi %broadcast_in_dim3A_141, %add3A_142 : vector<16xi32>
      %gather3A_144 = tpu.vector_load_idx %arg14[%add3A_143] : memref<80xf32, #tpu.memory_space<vmem>>[vector<16xi32>], vector<16xf32>,
      %mul3A_145 = arith.constant 4 : i32
      %mul3A_146 = arith.muli %scan3A_119, %mul3A_145 : i32
      %add3A_147 = arith.constant 3 : i32
      %add3A_148 = arith.addi %mul3A_146, %add3A_147 : i32
      %broadcast_in_dim3A_149 = arith.constant 0 : i32
      %broadcast_in_dim3A_150 = vector.broadcast %broadcast_in_dim3A_149 : i32 to vector<16xi32>
      %add3A_151 = vector.broadcast %add3A_148 : i32 to vector<16xi32>
      %add3A_152 = arith.addi %broadcast_in_dim3A_150, %add3A_151 : vector<16xi32>
      %gather3A_153 = tpu.vector_load_idx %arg14[%add3A_152] : memref<80xf32, #tpu.memory_space<vmem>>[vector<16xi32>], vector<16xf32>,
      %mul3A_154 = arith.constant 4 : i32
      %mul3A_155 = arith.muli %scan3A_119, %mul3A_154 : i32
      %add3A_156 = arith.constant 0 : i32
      %add3A_157 = arith.addi %mul3A_155, %add3A_156 : i32
      %get3A = arith.index_cast %add3A_157 : i32 to index
      %get3A_158 = arith.constant 0 : index
      %get3A_159 = tpu.vector_load %arg18[%get3A, %get3A_158] {strides = array<i32>} : memref<80x128xf32, #tpu.memory_space<vmem>>, vector<16xf32>,
      %mul3A_160 = arith.mulf %get3A_159, %gather3A : vector<16xf32>
      %swap3A = arith.index_cast %add3A_157 : i32 to index
      %swap3A_161 = arith.constant 0 : index
      %swap3A_162 = tpu.vector_load %arg18[%swap3A, %swap3A_161] {strides = array<i32>} : memref<80x128xf32, #tpu.memory_space<vmem>>, vector<16xf32>,
      tpu.vector_store %arg18[%swap3A, %swap3A_161], %mul3A_160 {strides = array<i32>} : memref<80x128xf32, #tpu.memory_space<vmem>>, vector<16xf32>,
      %get3A_163 = arith.index_cast %add3A_157 : i32 to index
      %get3A_164 = arith.constant 16 : index
      %get3A_165 = tpu.vector_load %arg18[%get3A_163, %get3A_164] {strides = array<i32>} : memref<80x128xf32, #tpu.memory_space<vmem>>, vector<16xf32>,
      %mul3A_166 = arith.mulf %get3A_165, %gather3A : vector<16xf32>
      %swap3A_167 = arith.index_cast %add3A_157 : i32 to index
      %swap3A_168 = arith.constant 16 : index
      %swap3A_169 = tpu.vector_load %arg18[%swap3A_167, %swap3A_168] {strides = array<i32>} : memref<80x128xf32, #tpu.memory_space<vmem>>, vector<16xf32>,
      tpu.vector_store %arg18[%swap3A_167, %swap3A_168], %mul3A_166 {strides = array<i32>} : memref<80x128xf32, #tpu.memory_space<vmem>>, vector<16xf32>,
      %get3A_170 = arith.index_cast %add3A_157 : i32 to index
      %get3A_171 = arith.constant 32 : index
      %get3A_172 = tpu.vector_load %arg18[%get3A_170, %get3A_171] {strides = array<i32>} : memref<80x128xf32, #tpu.memory_space<vmem>>, vector<16xf32>,
      %mul3A_173 = arith.mulf %get3A_172, %gather3A : vector<16xf32>
      %swap3A_174 = arith.index_cast %add3A_157 : i32 to index
      %swap3A_175 = arith.constant 32 : index
      %swap3A_176 = tpu.vector_load %arg18[%swap3A_174, %swap3A_175] {strides = array<i32>} : memref<80x128xf32, #tpu.memory_space<vmem>>, vector<16xf32>,
      tpu.vector_store %arg18[%swap3A_174, %swap3A_175], %mul3A_173 {strides = array<i32>} : memref<80x128xf32, #tpu.memory_space<vmem>>, vector<16xf32>,
      %get3A_177 = arith.index_cast %add3A_157 : i32 to index
      %get3A_178 = arith.constant 48 : index
      %get3A_179 = tpu.vector_load %arg18[%get3A_177, %get3A_178] {strides = array<i32>} : memref<80x128xf32, #tpu.memory_space<vmem>>, vector<16xf32>,
      %mul3A_180 = arith.mulf %get3A_179, %gather3A : vector<16xf32>
      %swap3A_181 = arith.index_cast %add3A_157 : i32 to index
      %swap3A_182 = arith.constant 48 : index
      %swap3A_183 = tpu.vector_load %arg18[%swap3A_181, %swap3A_182] {strides = array<i32>} : memref<80x128xf32, #tpu.memory_space<vmem>>, vector<16xf32>,
      tpu.vector_store %arg18[%swap3A_181, %swap3A_182], %mul3A_180 {strides = array<i32>} : memref<80x128xf32, #tpu.memory_space<vmem>>, vector<16xf32>,
      %get3A_184 = arith.index_cast %add3A_157 : i32 to index
      %get3A_185 = arith.constant 64 : index
      %get3A_186 = tpu.vector_load %arg18[%get3A_184, %get3A_185] {strides = array<i32>} : memref<80x128xf32, #tpu.memory_space<vmem>>, vector<16xf32>,
      %mul3A_187 = arith.mulf %get3A_186, %gather3A : vector<16xf32>
      %swap3A_188 = arith.index_cast %add3A_157 : i32 to index
      %swap3A_189 = arith.constant 64 : index
      %swap3A_190 = tpu.vector_load %arg18[%swap3A_188, %swap3A_189] {strides = array<i32>} : memref<80x128xf32, #tpu.memory_space<vmem>>, vector<16xf32>,
      tpu.vector_store %arg18[%swap3A_188, %swap3A_189], %mul3A_187 {strides = array<i32>} : memref<80x128xf32, #tpu.memory_space<vmem>>, vector<16xf32>,
      %get3A_191 = arith.index_cast %add3A_157 : i32 to index
      %get3A_192 = arith.constant 80 : index
      %get3A_193 = tpu.vector_load %arg18[%get3A_191, %get3A_192] {strides = array<i32>} : memref<80x128xf32, #tpu.memory_space<vmem>>, vector<16xf32>,
      %mul3A_194 = arith.mulf %get3A_193, %gather3A : vector<16xf32>
      %swap3A_195 = arith.index_cast %add3A_157 : i32 to index
      %swap3A_196 = arith.constant 80 : index
      %swap3A_197 = tpu.vector_load %arg18[%swap3A_195, %swap3A_196] {strides = array<i32>} : memref<80x128xf32, #tpu.memory_space<vmem>>, vector<16xf32>,
      tpu.vector_store %arg18[%swap3A_195, %swap3A_196], %mul3A_194 {strides = array<i32>} : memref<80x128xf32, #tpu.memory_space<vmem>>, vector<16xf32>,
      %get3A_198 = arith.index_cast %add3A_157 : i32 to index
      %get3A_199 = arith.constant 96 : index
      %get3A_200 = tpu.vector_load %arg18[%get3A_198, %get3A_199] {strides = array<i32>} : memref<80x128xf32, #tpu.memory_space<vmem>>, vector<16xf32>,
      %mul3A_201 = arith.mulf %get3A_200, %gather3A : vector<16xf32>
      %swap3A_202 = arith.index_cast %add3A_157 : i32 to index
      %swap3A_203 = arith.constant 96 : index
      %swap3A_204 = tpu.vector_load %arg18[%swap3A_202, %swap3A_203] {strides = array<i32>} : memref<80x128xf32, #tpu.memory_space<vmem>>, vector<16xf32>,
      tpu.vector_store %arg18[%swap3A_202, %swap3A_203], %mul3A_201 {strides = array<i32>} : memref<80x128xf32, #tpu.memory_space<vmem>>, vector<16xf32>,
      %get3A_205 = arith.index_cast %add3A_157 : i32 to index
      %get3A_206 = arith.constant 112 : index
      %get3A_207 = tpu.vector_load %arg18[%get3A_205, %get3A_206] {strides = array<i32>} : memref<80x128xf32, #tpu.memory_space<vmem>>, vector<16xf32>,
      %mul3A_208 = arith.mulf %get3A_207, %gather3A : vector<16xf32>
      %swap3A_209 = arith.index_cast %add3A_157 : i32 to index
      %swap3A_210 = arith.constant 112 : index
      %swap3A_211 = tpu.vector_load %arg18[%swap3A_209, %swap3A_210] {strides = array<i32>} : memref<80x128xf32, #tpu.memory_space<vmem>>, vector<16xf32>,
      tpu.vector_store %arg18[%swap3A_209, %swap3A_210], %mul3A_208 {strides = array<i32>} : memref<80x128xf32, #tpu.memory_space<vmem>>, vector<16xf32>,
      %mul3A_212 = arith.constant 4 : i32
      %mul3A_213 = arith.muli %scan3A_119, %mul3A_212 : i32
      %add3A_214 = arith.constant 1 : i32
      %add3A_215 = arith.addi %mul3A_213, %add3A_214 : i32
      %get3A_216 = arith.index_cast %add3A_215 : i32 to index
      %get3A_217 = arith.constant 0 : index
      %get3A_218 = tpu.vector_load %arg18[%get3A_216, %get3A_217] {strides = array<i32>} : memref<80x128xf32, #tpu.memory_space<vmem>>, vector<16xf32>,
      %mul3A_219 = arith.mulf %get3A_218, %gather3A_135 : vector<16xf32>
      %swap3A_220 = arith.index_cast %add3A_215 : i32 to index
      %swap3A_221 = arith.constant 0 : index
      %swap3A_222 = tpu.vector_load %arg18[%swap3A_220, %swap3A_221] {strides = array<i32>} : memref<80x128xf32, #tpu.memory_space<vmem>>, vector<16xf32>,
      tpu.vector_store %arg18[%swap3A_220, %swap3A_221], %mul3A_219 {strides = array<i32>} : memref<80x128xf32, #tpu.memory_space<vmem>>, vector<16xf32>,
      %get3A_223 = arith.index_cast %add3A_215 : i32 to index
      %get3A_224 = arith.constant 16 : index
      %get3A_225 = tpu.vector_load %arg18[%get3A_223, %get3A_224] {strides = array<i32>} : memref<80x128xf32, #tpu.memory_space<vmem>>, vector<16xf32>,
      %mul3A_226 = arith.mulf %get3A_225, %gather3A_135 : vector<16xf32>
      %swap3A_227 = arith.index_cast %add3A_215 : i32 to index
      %swap3A_228 = arith.constant 16 : index
      %swap3A_229 = tpu.vector_load %arg18[%swap3A_227, %swap3A_228] {strides = array<i32>} : memref<80x128xf32, #tpu.memory_space<vmem>>, vector<16xf32>,
      tpu.vector_store %arg18[%swap3A_227, %swap3A_228], %mul3A_226 {strides = array<i32>} : memref<80x128xf32, #tpu.memory_space<vmem>>, vector<16xf32>,
      %get3A_230 = arith.index_cast %add3A_215 : i32 to index
      %get3A_231 = arith.constant 32 : index
      %get3A_232 = tpu.vector_load %arg18[%get3A_230, %get3A_231] {strides = array<i32>} : memref<80x128xf32, #tpu.memory_space<vmem>>, vector<16xf32>,
      %mul3A_233 = arith.mulf %get3A_232, %gather3A_135 : vector<16xf32>
      %swap3A_234 = arith.index_cast %add3A_215 : i32 to index
      %swap3A_235 = arith.constant 32 : index
      %swap3A_236 = tpu.vector_load %arg18[%swap3A_234, %swap3A_235] {strides = array<i32>} : memref<80x128xf32, #tpu.memory_space<vmem>>, vector<16xf32>,
      tpu.vector_store %arg18[%swap3A_234, %swap3A_235], %mul3A_233 {strides = array<i32>} : memref<80x128xf32, #tpu.memory_space<vmem>>, vector<16xf32>,
      %get3A_237 = arith.index_cast %add3A_215 : i32 to index
      %get3A_238 = arith.constant 48 : index
      %get3A_239 = tpu.vector_load %arg18[%get3A_237, %get3A_238] {strides = array<i32>} : memref<80x128xf32, #tpu.memory_space<vmem>>, vector<16xf32>,
      %mul3A_240 = arith.mulf %get3A_239, %gather3A_135 : vector<16xf32>
      %swap3A_241 = arith.index_cast %add3A_215 : i32 to index
      %swap3A_242 = arith.constant 48 : index
      %swap3A_243 = tpu.vector_load %arg18[%swap3A_241, %swap3A_242] {strides = array<i32>} : memref<80x128xf32, #tpu.memory_space<vmem>>, vector<16xf32>,
      tpu.vector_store %arg18[%swap3A_241, %swap3A_242], %mul3A_240 {strides = array<i32>} : memref<80x128xf32, #tpu.memory_space<vmem>>, vector<16xf32>,
      %get3A_244 = arith.index_cast %add3A_215 : i32 to index
      %get3A_245 = arith.constant 64 : index
      %get3A_246 = tpu.vector_load %arg18[%get3A_244, %get3A_245] {strides = array<i32>} : memref<80x128xf32, #tpu.memory_space<vmem>>, vector<16xf32>,
      %mul3A_247 = arith.mulf %get3A_246, %gather3A_135 : vector<16xf32>
      %swap3A_248 = arith.index_cast %add3A_215 : i32 to index
      %swap3A_249 = arith.constant 64 : index
      %swap3A_250 = tpu.vector_load %arg18[%swap3A_248, %swap3A_249] {strides = array<i32>} : memref<80x128xf32, #tpu.memory_space<vmem>>, vector<16xf32>,
      tpu.vector_store %arg18[%swap3A_248, %swap3A_249], %mul3A_247 {strides = array<i32>} : memref<80x128xf32, #tpu.memory_space<vmem>>, vector<16xf32>,
      %get3A_251 = arith.index_cast %add3A_215 : i32 to index
      %get3A_252 = arith.constant 80 : index
      %get3A_253 = tpu.vector_load %arg18[%get3A_251, %get3A_252] {strides = array<i32>} : memref<80x128xf32, #tpu.memory_space<vmem>>, vector<16xf32>,
      %mul3A_254 = arith.mulf %get3A_253, %gather3A_135 : vector<16xf32>
      %swap3A_255 = arith.index_cast %add3A_215 : i32 to index
      %swap3A_256 = arith.constant 80 : index
      %swap3A_257 = tpu.vector_load %arg18[%swap3A_255, %swap3A_256] {strides = array<i32>} : memref<80x128xf32, #tpu.memory_space<vmem>>, vector<16xf32>,
      tpu.vector_store %arg18[%swap3A_255, %swap3A_256], %mul3A_254 {strides = array<i32>} : memref<80x128xf32, #tpu.memory_space<vmem>>, vector<16xf32>,
      %get3A_258 = arith.index_cast %add3A_215 : i32 to index
      %get3A_259 = arith.constant 96 : index
      %get3A_260 = tpu.vector_load %arg18[%get3A_258, %get3A_259] {strides = array<i32>} : memref<80x128xf32, #tpu.memory_space<vmem>>, vector<16xf32>,
      %mul3A_261 = arith.mulf %get3A_260, %gather3A_135 : vector<16xf32>
      %swap3A_262 = arith.index_cast %add3A_215 : i32 to index
      %swap3A_263 = arith.constant 96 : index
      %swap3A_264 = tpu.vector_load %arg18[%swap3A_262, %swap3A_263] {strides = array<i32>} : memref<80x128xf32, #tpu.memory_space<vmem>>, vector<16xf32>,
      tpu.vector_store %arg18[%swap3A_262, %swap3A_263], %mul3A_261 {strides = array<i32>} : memref<80x128xf32, #tpu.memory_space<vmem>>, vector<16xf32>,
      %get3A_265 = arith.index_cast %add3A_215 : i32 to index
      %get3A_266 = arith.constant 112 : index
      %get3A_267 = tpu.vector_load %arg18[%get3A_265, %get3A_266] {strides = array<i32>} : memref<80x128xf32, #tpu.memory_space<vmem>>, vector<16xf32>,
      %mul3A_268 = arith.mulf %get3A_267, %gather3A_135 : vector<16xf32>
      %swap3A_269 = arith.index_cast %add3A_215 : i32 to index
      %swap3A_270 = arith.constant 112 : index
      %swap3A_271 = tpu.vector_load %arg18[%swap3A_269, %swap3A_270] {strides = array<i32>} : memref<80x128xf32, #tpu.memory_space<vmem>>, vector<16xf32>,
      tpu.vector_store %arg18[%swap3A_269, %swap3A_270], %mul3A_268 {strides = array<i32>} : memref<80x128xf32, #tpu.memory_space<vmem>>, vector<16xf32>,
      %mul3A_272 = arith.constant 4 : i32
      %mul3A_273 = arith.muli %scan3A_119, %mul3A_272 : i32
      %add3A_274 = arith.constant 2 : i32
      %add3A_275 = arith.addi %mul3A_273, %add3A_274 : i32
      %get3A_276 = arith.index_cast %add3A_275 : i32 to index
      %get3A_277 = arith.constant 0 : index
      %get3A_278 = tpu.vector_load %arg18[%get3A_276, %get3A_277] {strides = array<i32>} : memref<80x128xf32, #tpu.memory_space<vmem>>, vector<16xf32>,
      %mul3A_279 = arith.mulf %get3A_278, %gather3A_144 : vector<16xf32>
      %swap3A_280 = arith.index_cast %add3A_275 : i32 to index
      %swap3A_281 = arith.constant 0 : index
      %swap3A_282 = tpu.vector_load %arg18[%swap3A_280, %swap3A_281] {strides = array<i32>} : memref<80x128xf32, #tpu.memory_space<vmem>>, vector<16xf32>,
      tpu.vector_store %arg18[%swap3A_280, %swap3A_281], %mul3A_279 {strides = array<i32>} : memref<80x128xf32, #tpu.memory_space<vmem>>, vector<16xf32>,
      %get3A_283 = arith.index_cast %add3A_275 : i32 to index
      %get3A_284 = arith.constant 16 : index
      %get3A_285 = tpu.vector_load %arg18[%get3A_283, %get3A_284] {strides = array<i32>} : memref<80x128xf32, #tpu.memory_space<vmem>>, vector<16xf32>,
      %mul3A_286 = arith.mulf %get3A_285, %gather3A_144 : vector<16xf32>
      %swap3A_287 = arith.index_cast %add3A_275 : i32 to index
      %swap3A_288 = arith.constant 16 : index
      %swap3A_289 = tpu.vector_load %arg18[%swap3A_287, %swap3A_288] {strides = array<i32>} : memref<80x128xf32, #tpu.memory_space<vmem>>, vector<16xf32>,
      tpu.vector_store %arg18[%swap3A_287, %swap3A_288], %mul3A_286 {strides = array<i32>} : memref<80x128xf32, #tpu.memory_space<vmem>>, vector<16xf32>,
      %get3A_290 = arith.index_cast %add3A_275 : i32 to index
      %get3A_291 = arith.constant 32 : index
      %get3A_292 = tpu.vector_load %arg18[%get3A_290, %get3A_291] {strides = array<i32>} : memref<80x128xf32, #tpu.memory_space<vmem>>, vector<16xf32>,
      %mul3A_293 = arith.mulf %get3A_292, %gather3A_144 : vector<16xf32>
      %swap3A_294 = arith.index_cast %add3A_275 : i32 to index
      %swap3A_295 = arith.constant 32 : index
      %swap3A_296 = tpu.vector_load %arg18[%swap3A_294, %swap3A_295] {strides = array<i32>} : memref<80x128xf32, #tpu.memory_space<vmem>>, vector<16xf32>,
      tpu.vector_store %arg18[%swap3A_294, %swap3A_295], %mul3A_293 {strides = array<i32>} : memref<80x128xf32, #tpu.memory_space<vmem>>, vector<16xf32>,
      %get3A_297 = arith.index_cast %add3A_275 : i32 to index
      %get3A_298 = arith.constant 48 : index
      %get3A_299 = tpu.vector_load %arg18[%get3A_297, %get3A_298] {strides = array<i32>} : memref<80x128xf32, #tpu.memory_space<vmem>>, vector<16xf32>,
      %mul3A_300 = arith.mulf %get3A_299, %gather3A_144 : vector<16xf32>
      %swap3A_301 = arith.index_cast %add3A_275 : i32 to index
      %swap3A_302 = arith.constant 48 : index
      %swap3A_303 = tpu.vector_load %arg18[%swap3A_301, %swap3A_302] {strides = array<i32>} : memref<80x128xf32, #tpu.memory_space<vmem>>, vector<16xf32>,
      tpu.vector_store %arg18[%swap3A_301, %swap3A_302], %mul3A_300 {strides = array<i32>} : memref<80x128xf32, #tpu.memory_space<vmem>>, vector<16xf32>,
      %get3A_304 = arith.index_cast %add3A_275 : i32 to index
      %get3A_305 = arith.constant 64 : index
      %get3A_306 = tpu.vector_load %arg18[%get3A_304, %get3A_305] {strides = array<i32>} : memref<80x128xf32, #tpu.memory_space<vmem>>, vector<16xf32>,
      %mul3A_307 = arith.mulf %get3A_306, %gather3A_144 : vector<16xf32>
      %swap3A_308 = arith.index_cast %add3A_275 : i32 to index
      %swap3A_309 = arith.constant 64 : index
      %swap3A_310 = tpu.vector_load %arg18[%swap3A_308, %swap3A_309] {strides = array<i32>} : memref<80x128xf32, #tpu.memory_space<vmem>>, vector<16xf32>,
      tpu.vector_store %arg18[%swap3A_308, %swap3A_309], %mul3A_307 {strides = array<i32>} : memref<80x128xf32, #tpu.memory_space<vmem>>, vector<16xf32>,
      %get3A_311 = arith.index_cast %add3A_275 : i32 to index
      %get3A_312 = arith.constant 80 : index
      %get3A_313 = tpu.vector_load %arg18[%get3A_311, %get3A_312] {strides = array<i32>} : memref<80x128xf32, #tpu.memory_space<vmem>>, vector<16xf32>,
      %mul3A_314 = arith.mulf %get3A_313, %gather3A_144 : vector<16xf32>
      %swap3A_315 = arith.index_cast %add3A_275 : i32 to index
      %swap3A_316 = arith.constant 80 : index
      %swap3A_317 = tpu.vector_load %arg18[%swap3A_315, %swap3A_316] {strides = array<i32>} : memref<80x128xf32, #tpu.memory_space<vmem>>, vector<16xf32>,
      tpu.vector_store %arg18[%swap3A_315, %swap3A_316], %mul3A_314 {strides = array<i32>} : memref<80x128xf32, #tpu.memory_space<vmem>>, vector<16xf32>,
      %get3A_318 = arith.index_cast %add3A_275 : i32 to index
      %get3A_319 = arith.constant 96 : index
      %get3A_320 = tpu.vector_load %arg18[%get3A_318, %get3A_319] {strides = array<i32>} : memref<80x128xf32, #tpu.memory_space<vmem>>, vector<16xf32>,
      %mul3A_321 = arith.mulf %get3A_320, %gather3A_144 : vector<16xf32>
      %swap3A_322 = arith.index_cast %add3A_275 : i32 to index
      %swap3A_323 = arith.constant 96 : index
      %swap3A_324 = tpu.vector_load %arg18[%swap3A_322, %swap3A_323] {strides = array<i32>} : memref<80x128xf32, #tpu.memory_space<vmem>>, vector<16xf32>,
      tpu.vector_store %arg18[%swap3A_322, %swap3A_323], %mul3A_321 {strides = array<i32>} : memref<80x128xf32, #tpu.memory_space<vmem>>, vector<16xf32>,
      %get3A_325 = arith.index_cast %add3A_275 : i32 to index
      %get3A_326 = arith.constant 112 : index
      %get3A_327 = tpu.vector_load %arg18[%get3A_325, %get3A_326] {strides = array<i32>} : memref<80x128xf32, #tpu.memory_space<vmem>>, vector<16xf32>,
      %mul3A_328 = arith.mulf %get3A_327, %gather3A_144 : vector<16xf32>
      %swap3A_329 = arith.index_cast %add3A_275 : i32 to index
      %swap3A_330 = arith.constant 112 : index
      %swap3A_331 = tpu.vector_load %arg18[%swap3A_329, %swap3A_330] {strides = array<i32>} : memref<80x128xf32, #tpu.memory_space<vmem>>, vector<16xf32>,
      tpu.vector_store %arg18[%swap3A_329, %swap3A_330], %mul3A_328 {strides = array<i32>} : memref<80x128xf32, #tpu.memory_space<vmem>>, vector<16xf32>,
      %mul3A_332 = arith.constant 4 : i32
      %mul3A_333 = arith.muli %scan3A_119, %mul3A_332 : i32
      %add3A_334 = arith.constant 3 : i32
      %add3A_335 = arith.addi %mul3A_333, %add3A_334 : i32
      %get3A_336 = arith.index_cast %add3A_335 : i32 to index
      %get3A_337 = arith.constant 0 : index
      %get3A_338 = tpu.vector_load %arg18[%get3A_336, %get3A_337] {strides = array<i32>} : memref<80x128xf32, #tpu.memory_space<vmem>>, vector<16xf32>,
      %mul3A_339 = arith.mulf %get3A_338, %gather3A_153 : vector<16xf32>
      %swap3A_340 = arith.index_cast %add3A_335 : i32 to index
      %swap3A_341 = arith.constant 0 : index
      %swap3A_342 = tpu.vector_load %arg18[%swap3A_340, %swap3A_341] {strides = array<i32>} : memref<80x128xf32, #tpu.memory_space<vmem>>, vector<16xf32>,
      tpu.vector_store %arg18[%swap3A_340, %swap3A_341], %mul3A_339 {strides = array<i32>} : memref<80x128xf32, #tpu.memory_space<vmem>>, vector<16xf32>,
      %get3A_343 = arith.index_cast %add3A_335 : i32 to index
      %get3A_344 = arith.constant 16 : index
      %get3A_345 = tpu.vector_load %arg18[%get3A_343, %get3A_344] {strides = array<i32>} : memref<80x128xf32, #tpu.memory_space<vmem>>, vector<16xf32>,
      %mul3A_346 = arith.mulf %get3A_345, %gather3A_153 : vector<16xf32>
      %swap3A_347 = arith.index_cast %add3A_335 : i32 to index
      %swap3A_348 = arith.constant 16 : index
      %swap3A_349 = tpu.vector_load %arg18[%swap3A_347, %swap3A_348] {strides = array<i32>} : memref<80x128xf32, #tpu.memory_space<vmem>>, vector<16xf32>,
      tpu.vector_store %arg18[%swap3A_347, %swap3A_348], %mul3A_346 {strides = array<i32>} : memref<80x128xf32, #tpu.memory_space<vmem>>, vector<16xf32>,
      %get3A_350 = arith.index_cast %add3A_335 : i32 to index
      %get3A_351 = arith.constant 32 : index
      %get3A_352 = tpu.vector_load %arg18[%get3A_350, %get3A_351] {strides = array<i32>} : memref<80x128xf32, #tpu.memory_space<vmem>>, vector<16xf32>,
      %mul3A_353 = arith.mulf %get3A_352, %gather3A_153 : vector<16xf32>
      %swap3A_354 = arith.index_cast %add3A_335 : i32 to index
      %swap3A_355 = arith.constant 32 : index
      %swap3A_356 = tpu.vector_load %arg18[%swap3A_354, %swap3A_355] {strides = array<i32>} : memref<80x128xf32, #tpu.memory_space<vmem>>, vector<16xf32>,
      tpu.vector_store %arg18[%swap3A_354, %swap3A_355], %mul3A_353 {strides = array<i32>} : memref<80x128xf32, #tpu.memory_space<vmem>>, vector<16xf32>,
      %get3A_357 = arith.index_cast %add3A_335 : i32 to index
      %get3A_358 = arith.constant 48 : index
      %get3A_359 = tpu.vector_load %arg18[%get3A_357, %get3A_358] {strides = array<i32>} : memref<80x128xf32, #tpu.memory_space<vmem>>, vector<16xf32>,
      %mul3A_360 = arith.mulf %get3A_359, %gather3A_153 : vector<16xf32>
      %swap3A_361 = arith.index_cast %add3A_335 : i32 to index
      %swap3A_362 = arith.constant 48 : index
      %swap3A_363 = tpu.vector_load %arg18[%swap3A_361, %swap3A_362] {strides = array<i32>} : memref<80x128xf32, #tpu.memory_space<vmem>>, vector<16xf32>,
      tpu.vector_store %arg18[%swap3A_361, %swap3A_362], %mul3A_360 {strides = array<i32>} : memref<80x128xf32, #tpu.memory_space<vmem>>, vector<16xf32>,
      %get3A_364 = arith.index_cast %add3A_335 : i32 to index
      %get3A_365 = arith.constant 64 : index
      %get3A_366 = tpu.vector_load %arg18[%get3A_364, %get3A_365] {strides = array<i32>} : memref<80x128xf32, #tpu.memory_space<vmem>>, vector<16xf32>,
      %mul3A_367 = arith.mulf %get3A_366, %gather3A_153 : vector<16xf32>
      %swap3A_368 = arith.index_cast %add3A_335 : i32 to index
      %swap3A_369 = arith.constant 64 : index
      %swap3A_370 = tpu.vector_load %arg18[%swap3A_368, %swap3A_369] {strides = array<i32>} : memref<80x128xf32, #tpu.memory_space<vmem>>, vector<16xf32>,
      tpu.vector_store %arg18[%swap3A_368, %swap3A_369], %mul3A_367 {strides = array<i32>} : memref<80x128xf32, #tpu.memory_space<vmem>>, vector<16xf32>,
      %get3A_371 = arith.index_cast %add3A_335 : i32 to index
      %get3A_372 = arith.constant 80 : index
      %get3A_373 = tpu.vector_load %arg18[%get3A_371, %get3A_372] {strides = array<i32>} : memref<80x128xf32, #tpu.memory_space<vmem>>, vector<16xf32>,
      %mul3A_374 = arith.mulf %get3A_373, %gather3A_153 : vector<16xf32>
      %swap3A_375 = arith.index_cast %add3A_335 : i32 to index
      %swap3A_376 = arith.constant 80 : index
      %swap3A_377 = tpu.vector_load %arg18[%swap3A_375, %swap3A_376] {strides = array<i32>} : memref<80x128xf32, #tpu.memory_space<vmem>>, vector<16xf32>,
      tpu.vector_store %arg18[%swap3A_375, %swap3A_376], %mul3A_374 {strides = array<i32>} : memref<80x128xf32, #tpu.memory_space<vmem>>, vector<16xf32>,
      %get3A_378 = arith.index_cast %add3A_335 : i32 to index
      %get3A_379 = arith.constant 96 : index
      %get3A_380 = tpu.vector_load %arg18[%get3A_378, %get3A_379] {strides = array<i32>} : memref<80x128xf32, #tpu.memory_space<vmem>>, vector<16xf32>,
      %mul3A_381 = arith.mulf %get3A_380, %gather3A_153 : vector<16xf32>
      %swap3A_382 = arith.index_cast %add3A_335 : i32 to index
      %swap3A_383 = arith.constant 96 : index
      %swap3A_384 = tpu.vector_load %arg18[%swap3A_382, %swap3A_383] {strides = array<i32>} : memref<80x128xf32, #tpu.memory_space<vmem>>, vector<16xf32>,
      tpu.vector_store %arg18[%swap3A_382, %swap3A_383], %mul3A_381 {strides = array<i32>} : memref<80x128xf32, #tpu.memory_space<vmem>>, vector<16xf32>,
      %get3A_385 = arith.index_cast %add3A_335 : i32 to index
      %get3A_386 = arith.constant 112 : index
      %get3A_387 = tpu.vector_load %arg18[%get3A_385, %get3A_386] {strides = array<i32>} : memref<80x128xf32, #tpu.memory_space<vmem>>, vector<16xf32>,
      %mul3A_388 = arith.mulf %get3A_387, %gather3A_153 : vector<16xf32>
      %swap3A_389 = arith.index_cast %add3A_335 : i32 to index
      %swap3A_390 = arith.constant 112 : index
      %swap3A_391 = tpu.vector_load %arg18[%swap3A_389, %swap3A_390] {strides = array<i32>} : memref<80x128xf32, #tpu.memory_space<vmem>>, vector<16xf32>,
      tpu.vector_store %arg18[%swap3A_389, %swap3A_390], %mul3A_388 {strides = array<i32>} : memref<80x128xf32, #tpu.memory_space<vmem>>, vector<16xf32>,
    }
    %scan3A_102 = arith.constant 20 : i32
    %dma_start3A_103 = arith.constant 0 : i32
    %dma_start3A_104 = arith.constant 0 : i32
    %dma_start3A_105 = tpu.memref_slice %arg22[%dma_start3A_103, %dma_start3A_104] : memref<10240x128xf32, #tpu.memory_space<vmem_shared>> -> memref<10240x128xf32, #tpu.memory_space<vmem_shared>>
    tpu.enqueue_indirect_dma source(%arg18 : memref<80x128xf32, #tpu.memory_space<vmem>>) target(%dma_start3A_105 : memref<10240x128xf32, #tpu.memory_space<vmem_shared>>) offsets(%arg6 : memref<80xi32, #tpu.memory_space<vmem>>) semaphore(%arg31 : memref<!tpu.dma_semaphore, #tpu.memory_space<semaphore_mem>>) {add = true}
    %dma_wait3A_106 = arith.constant 0 : i32
    %dma_wait3A_107 = arith.constant 0 : i32
    %dma_wait3A_108 = tpu.memref_slice %arg22[%dma_wait3A_106, %dma_wait3A_107] : memref<10240x128xf32, #tpu.memory_space<vmem_shared>> -> memref<10240x128xf32, #tpu.memory_space<vmem_shared>>
    tpu.wait_indirect_dma semaphore(%arg32 : memref<!tpu.dma_semaphore, #tpu.memory_space<semaphore_mem>>) src(%arg19 : memref<80x128xf32, #tpu.memory_space<vmem>>) dst(%dma_wait3A_108 : memref<10240x128xf32, #tpu.memory_space<vmem_shared>>)
    %dma_wait3A_109 = arith.constant 0 : i32
    %dma_wait3A_110 = arith.constant 0 : i32
    %dma_wait3A_111 = tpu.memref_slice %arg22[%dma_wait3A_109, %dma_wait3A_110] : memref<10240x128xf32, #tpu.memory_space<vmem_shared>> -> memref<10240x128xf32, #tpu.memory_space<vmem_shared>>
    tpu.wait_indirect_dma semaphore(%arg33 : memref<!tpu.dma_semaphore, #tpu.memory_space<semaphore_mem>>) src(%arg20 : memref<80x128xf32, #tpu.memory_space<vmem>>) dst(%dma_wait3A_111 : memref<10240x128xf32, #tpu.memory_space<vmem_shared>>)
    %dma_wait3A_112 = arith.constant 0 : i32
    %dma_wait3A_113 = arith.constant 0 : i32
    %dma_wait3A_114 = tpu.memref_slice %arg22[%dma_wait3A_112, %dma_wait3A_113] : memref<10240x128xf32, #tpu.memory_space<vmem_shared>> -> memref<10240x128xf32, #tpu.memory_space<vmem_shared>>
    tpu.wait_indirect_dma semaphore(%arg34 : memref<!tpu.dma_semaphore, #tpu.memory_space<semaphore_mem>>) src(%arg21 : memref<80x128xf32, #tpu.memory_space<vmem>>) dst(%dma_wait3A_114 : memref<10240x128xf32, #tpu.memory_space<vmem_shared>>)
    %dma_wait3A_115 = arith.constant 0 : i32
    %dma_wait3A_116 = arith.constant 0 : i32
    %dma_wait3A_117 = tpu.memref_slice %arg22[%dma_wait3A_115, %dma_wait3A_116] : memref<10240x128xf32, #tpu.memory_space<vmem_shared>> -> memref<10240x128xf32, #tpu.memory_space<vmem_shared>>
    tpu.wait_indirect_dma semaphore(%arg31 : memref<!tpu.dma_semaphore, #tpu.memory_space<semaphore_mem>>) src(%arg18 : memref<80x128xf32, #tpu.memory_space<vmem>>) dst(%dma_wait3A_117 : memref<10240x128xf32, #tpu.memory_space<vmem_shared>>)
    %barrier3A_118 = arith.constant 0 : index
    tpu.barrier barrier_id(%barrier3A_118)
    "tpu.region"() ({
      %run_scoped3A = tpu.sem_alloc : memref<!tpu.dma_semaphore, #tpu.memory_space<semaphore_mem>>
      %dma_start3A_119 = arith.constant 0 : i32
      %dma_start3A_120 = tpu.memref_slice %arg5[%arg0, %mul3A_9, %dma_start3A_119] : memref<2x10240x128xf32, #tpu.memory_space<hbm>> -> memref<1x640x128xf32, #tpu.memory_space<hbm>>
      %dma_start3A_121 = tpu.memref_squeeze %dma_start3A_120 : memref<1x640x128xf32, #tpu.memory_space<hbm>> -> memref<640x128xf32, #tpu.memory_space<hbm>>
      %dma_start3A_122 = arith.constant 0 : i32
      %dma_start3A_123 = tpu.memref_slice %arg22[%mul3A_9, %dma_start3A_122] : memref<10240x128xf32, #tpu.memory_space<vmem_shared>> -> memref<640x128xf32, #tpu.memory_space<vmem_shared>>
      tpu.enqueue_dma source(%dma_start3A_123 : memref<640x128xf32, #tpu.memory_space<vmem_shared>>) target(%dma_start3A_121 : memref<640x128xf32, #tpu.memory_space<hbm>>) target_semaphore(%run_scoped3A : memref<!tpu.dma_semaphore, #tpu.memory_space<semaphore_mem>>)
      %dma_wait3A_124 = arith.constant 0 : i32
      %dma_wait3A_125 = tpu.memref_slice %arg5[%arg0, %mul3A_9, %dma_wait3A_124] : memref<2x10240x128xf32, #tpu.memory_space<hbm>> -> memref<1x640x128xf32, #tpu.memory_space<hbm>>
      %dma_wait3A_126 = tpu.memref_squeeze %dma_wait3A_125 : memref<1x640x128xf32, #tpu.memory_space<hbm>> -> memref<640x128xf32, #tpu.memory_space<hbm>>
      %dma_wait3A_127 = arith.constant 0 : i32
      %dma_wait3A_128 = tpu.memref_slice %arg22[%mul3A_9, %dma_wait3A_127] : memref<10240x128xf32, #tpu.memory_space<vmem_shared>> -> memref<640x128xf32, #tpu.memory_space<vmem_shared>>
      tpu.wait_dma2 semaphore(%run_scoped3A : memref<!tpu.dma_semaphore, #tpu.memory_space<semaphore_mem>>) src(%dma_wait3A_128 : memref<640x128xf32, #tpu.memory_space<vmem_shared>>) dst(%dma_wait3A_126 : memref<640x128xf32, #tpu.memory_space<hbm>>)
      tpu.yield
    }) : () -> ()
    return
  }
}

module attributes {stable_mosaic.version = 14 : i64} {
  func.func @_front_body(%arg0: i32, %arg1: memref<2048x128xf32, #tpu.memory_space<vmem>>, %arg2: memref<128x128xf32, #tpu.memory_space<vmem>>, %arg3: memref<1x256xf32, #tpu.memory_space<vmem>>, %arg4: memref<2048x128xf32, #tpu.memory_space<vmem>>, %arg5: memref<16x2048xf32, #tpu.memory_space<vmem>>, %arg6: memref<8x128xf32, #tpu.memory_space<vmem>>, %arg7: memref<1xf32, #tpu.memory_space<smem>>, %arg8: memref<1xf32, #tpu.memory_space<smem>>) attributes {dimension_semantics = [#tpu.dimension_semantics<arbitrary>], iteration_bounds = array<i64: 5>, scalar_prefetch = 0 : i64, scratch_operands = 2 : i64, tpu.core_type = #tpu.core_type<tc>, window_params = [{transform_indices = @transform_0, window_bounds = array<i64: 2048, 128>}, {pipeline_mode = #tpu.pipeline_mode<synchronous>, transform_indices = @transform_1, window_bounds = array<i64: 128, 128>}, {pipeline_mode = #tpu.pipeline_mode<synchronous>, transform_indices = @transform_2, window_bounds = array<i64: 1, 256>}, {transform_indices = @transform_3, window_bounds = array<i64: 2048, 128>}, {transform_indices = @transform_4, window_bounds = array<i64: 16, 2048>}, {pipeline_mode = #tpu.pipeline_mode<synchronous>, transform_indices = @transform_5, window_bounds = array<i64: 8, 128>}]} {
    %eq3A = arith.constant 0 : i32
    %eq3A_0 = arith.cmpi eq, %arg0, %eq3A : i32
    %convert_element_type3A = arith.extui %eq3A_0 : i1 to i32
    %cond3A = arith.constant 0 : i32
    %cond3A_1 = arith.cmpi ne, %convert_element_type3A, %cond3A : i32
    scf.if %cond3A_1 {
      %swap3A_56 = arith.constant 0.000000e+00 : f32
      %swap3A_57 = arith.constant 0 : index
      %swap3A_58 = memref.load %arg7[%swap3A_57] : memref<1xf32, #tpu.memory_space<smem>>
      memref.store %swap3A_56, %arg7[%swap3A_57] : memref<1xf32, #tpu.memory_space<smem>>
      %swap3A_59 = arith.constant 0.000000e+00 : f32
      %swap3A_60 = arith.constant 0 : index
      %swap3A_61 = memref.load %arg8[%swap3A_60] : memref<1xf32, #tpu.memory_space<smem>>
      memref.store %swap3A_59, %arg8[%swap3A_60] : memref<1xf32, #tpu.memory_space<smem>>
    } else {
    }
    %get3A = arith.constant 0 : index
    %get3A_2 = arith.constant 0 : index
    %get3A_3 = vector.load %arg1[%get3A, %get3A_2] : memref<2048x128xf32, #tpu.memory_space<vmem>>, vector<2048x128xf32>
    %get3A_4 = arith.constant 0 : index
    %get3A_5 = memref.load %arg7[%get3A_4] : memref<1xf32, #tpu.memory_space<smem>>
    %reduce_sum3A = vector.shape_cast %get3A_3 : vector<2048x128xf32> to vector<1x2048x128xf32>
    %reduce_sum3A_6 = arith.constant dense<0.000000e+00> : vector<1xf32>
    %reduce_sum3A_7 = vector.multi_reduction <add>, %reduce_sum3A, %reduce_sum3A_6 [1, 2] : vector<1x2048x128xf32> to vector<1xf32>
    %reduce_sum3A_8 = vector.shape_cast %reduce_sum3A_7 : vector<1xf32> to vector<1x1x1xf32>
    %reduce_sum3A_9 = vector.extract %reduce_sum3A_8[0, 0, 0] : f32 from vector<1x1x1xf32>
    %add3A = arith.addf %get3A_5, %reduce_sum3A_9 : f32
    %swap3A = arith.constant 0 : index
    %swap3A_10 = memref.load %arg7[%swap3A] : memref<1xf32, #tpu.memory_space<smem>>
    memref.store %add3A, %arg7[%swap3A] : memref<1xf32, #tpu.memory_space<smem>>
    %get3A_11 = arith.constant 0 : index
    %get3A_12 = memref.load %arg8[%get3A_11] : memref<1xf32, #tpu.memory_space<smem>>
    %mul3A = arith.mulf %get3A_3, %get3A_3 : vector<2048x128xf32>
    %reduce_sum3A_13 = vector.shape_cast %mul3A : vector<2048x128xf32> to vector<1x2048x128xf32>
    %reduce_sum3A_14 = arith.constant dense<0.000000e+00> : vector<1xf32>
    %reduce_sum3A_15 = vector.multi_reduction <add>, %reduce_sum3A_13, %reduce_sum3A_14 [1, 2] : vector<1x2048x128xf32> to vector<1xf32>
    %reduce_sum3A_16 = vector.shape_cast %reduce_sum3A_15 : vector<1xf32> to vector<1x1x1xf32>
    %reduce_sum3A_17 = vector.extract %reduce_sum3A_16[0, 0, 0] : f32 from vector<1x1x1xf32>
    %add3A_18 = arith.addf %get3A_12, %reduce_sum3A_17 : f32
    %swap3A_19 = arith.constant 0 : index
    %swap3A_20 = memref.load %arg8[%swap3A_19] : memref<1xf32, #tpu.memory_space<smem>>
    memref.store %add3A_18, %arg8[%swap3A_19] : memref<1xf32, #tpu.memory_space<smem>>
    %get3A_21 = arith.constant 0 : index
    %get3A_22 = arith.constant 0 : index
    %get3A_23 = vector.load %arg2[%get3A_21, %get3A_22] : memref<128x128xf32, #tpu.memory_space<vmem>>, vector<128x128xf32>
    %transpose3A = tpu.transpose %get3A_23, [1, 0] : vector<128x128xf32> -> vector<128x128xf32>
    %dot_general3A = arith.constant dense<0.000000e+00> : vector<2048x128xf32>
    %dot_general3A_24 = tpu.matmul %get3A_3, %transpose3A, %dot_general3A {dimension_numbers = #tpu.dot_dimension_numbers<[1], [0], [0], [1], [0, 0, 1, 1], [], []>, transpose_lhs_hint = false} : vector<2048x128xf32>, vector<128x128xf32>, vector<2048x128xf32> -> vector<2048x128xf32>
    %swap3A_25 = arith.constant 0 : index
    %swap3A_26 = arith.constant 0 : index
    %swap3A_27 = vector.load %arg4[%swap3A_25, %swap3A_26] : memref<2048x128xf32, #tpu.memory_space<vmem>>, vector<2048x128xf32>
    tpu.vector_store %arg4[%swap3A_25, %swap3A_26], %dot_general3A_24 {strides = array<i32>} : memref<2048x128xf32, #tpu.memory_space<vmem>>, vector<2048x128xf32>,
    %get3A_28 = arith.constant 0 : index
    %get3A_29 = arith.constant 0 : index
    %get3A_30 = vector.load %arg3[%get3A_28, %get3A_29] : memref<1x256xf32, #tpu.memory_space<vmem>>, vector<1x256xf32>
    %slice3A = vector.extract_strided_slice %get3A_30 {offsets = [0, 0], sizes = [1, 128], strides = [1, 1]} : vector<1x256xf32> to vector<1x128xf32>
    %squeeze3A = vector.shape_cast %slice3A : vector<1x128xf32> to vector<128xf32>
    %slice3A_31 = vector.extract_strided_slice %get3A_30 {offsets = [0, 128], sizes = [1, 128], strides = [1, 1]} : vector<1x256xf32> to vector<1x128xf32>
    %squeeze3A_32 = vector.shape_cast %slice3A_31 : vector<1x128xf32> to vector<128xf32>
    %iota3A = tpu.iota {dimensions = array<i32: 0>} : vector<16x128xi32>
    %eq3A_33 = arith.constant 0 : i32
    %eq3A_34 = vector.broadcast %eq3A_33 : i32 to vector<16x128xi32>
    %eq3A_35 = arith.cmpi eq, %iota3A, %eq3A_34 : vector<16x128xi32>
    %broadcast_in_dim3A = vector.shape_cast %squeeze3A : vector<128xf32> to vector<1x128xf32>
    %eq3A_36 = arith.constant 1 : i32
    %eq3A_37 = vector.broadcast %eq3A_36 : i32 to vector<16x128xi32>
    %eq3A_38 = arith.cmpi eq, %iota3A, %eq3A_37 : vector<16x128xi32>
    %broadcast_in_dim3A_39 = vector.shape_cast %squeeze3A_32 : vector<128xf32> to vector<1x128xf32>
    %jit3A = arith.constant 0.000000e+00 : f32
    %broadcast_in_dim3A_40 = vector.shape_cast %broadcast_in_dim3A_39 : vector<1x128xf32> to vector<1x128xf32>
    %broadcast_in_dim3A_41 = vector.broadcast %broadcast_in_dim3A_40 : vector<1x128xf32> to vector<16x128xf32>
    %broadcast_in_dim3A_42 = vector.broadcast %jit3A : f32 to vector<16x128xf32>
    %select_n3A = arith.select %eq3A_38, %broadcast_in_dim3A_41, %broadcast_in_dim3A_42 : vector<16x128xi1>, vector<16x128xf32>
    %broadcast_in_dim3A_43 = vector.shape_cast %broadcast_in_dim3A : vector<1x128xf32> to vector<1x128xf32>
    %broadcast_in_dim3A_44 = vector.broadcast %broadcast_in_dim3A_43 : vector<1x128xf32> to vector<16x128xf32>
    %select_n3A_45 = arith.select %eq3A_35, %broadcast_in_dim3A_44, %select_n3A : vector<16x128xi1>, vector<16x128xf32>
    %dot_general3A_46 = arith.constant dense<0.000000e+00> : vector<16x2048xf32>
    %dot_general3A_47 = tpu.matmul %select_n3A_45, %dot_general3A_24, %dot_general3A_46 {dimension_numbers = #tpu.dot_dimension_numbers<[1], [1], [0], [0], [0, 0, 1, 0], [], []>, transpose_lhs_hint = false} : vector<16x128xf32>, vector<2048x128xf32>, vector<16x2048xf32> -> vector<16x2048xf32>
    %swap3A_48 = arith.constant 0 : index
    %swap3A_49 = arith.constant 0 : index
    %swap3A_50 = vector.load %arg5[%swap3A_48, %swap3A_49] : memref<16x2048xf32, #tpu.memory_space<vmem>>, vector<16x2048xf32>
    tpu.vector_store %arg5[%swap3A_48, %swap3A_49], %dot_general3A_47 {strides = array<i32>} : memref<16x2048xf32, #tpu.memory_space<vmem>>, vector<16x2048xf32>,
    %eq3A_51 = arith.constant 4 : i32
    %eq3A_52 = arith.cmpi eq, %arg0, %eq3A_51 : i32
    %convert_element_type3A_53 = arith.extui %eq3A_52 : i1 to i32
    %cond3A_54 = arith.constant 0 : i32
    %cond3A_55 = arith.cmpi ne, %convert_element_type3A_53, %cond3A_54 : i32
    scf.if %cond3A_55 {
      %get3A_56 = arith.constant 0 : index
      %get3A_57 = memref.load %arg7[%get3A_56] : memref<1xf32, #tpu.memory_space<smem>>
      %div3A = arith.constant 1.280000e+06 : f32
      %div3A_58 = arith.divf %get3A_57, %div3A : f32
      %get3A_59 = arith.constant 0 : index
      %get3A_60 = memref.load %arg8[%get3A_59] : memref<1xf32, #tpu.memory_space<smem>>
      %mul3A_61 = arith.constant 1.280000e+06 : f32
      %mul3A_62 = arith.mulf %mul3A_61, %div3A_58 : f32
      %mul3A_63 = arith.mulf %mul3A_62, %div3A_58 : f32
      %sub3A = arith.subf %get3A_60, %mul3A_63 : f32
      %div3A_64 = arith.constant 0x499C3FF8 : f32
      %div3A_65 = arith.divf %sub3A, %div3A_64 : f32
      %rsqrt3A = math.rsqrt %div3A_65 : f32
      %reduce_sum3A_66 = arith.constant dense<0.000000e+00> : vector<128xf32>
      %reduce_sum3A_67 = vector.multi_reduction <add>, %get3A_23, %reduce_sum3A_66 [1] : vector<128x128xf32> to vector<128xf32>
      %add3A_68 = arith.addf %squeeze3A, %squeeze3A_32 : vector<128xf32>
      %mul3A_69 = arith.mulf %reduce_sum3A_67, %add3A_68 : vector<128xf32>
      %reduce_sum3A_70 = vector.shape_cast %mul3A_69 : vector<128xf32> to vector<1x128xf32>
      %reduce_sum3A_71 = arith.constant dense<0.000000e+00> : vector<1xf32>
      %reduce_sum3A_72 = vector.multi_reduction <add>, %reduce_sum3A_70, %reduce_sum3A_71 [1] : vector<1x128xf32> to vector<1xf32>
      %reduce_sum3A_73 = vector.shape_cast %reduce_sum3A_72 : vector<1xf32> to vector<1x1xf32>
      %reduce_sum3A_74 = vector.extract %reduce_sum3A_73[0, 0] : f32 from vector<1x1xf32>
      %mul3A_75 = arith.mulf %div3A_58, %rsqrt3A : f32
      %mul3A_76 = arith.mulf %mul3A_75, %reduce_sum3A_74 : f32
      %iota3A_77 = tpu.iota {dimensions = array<i32: 1>} : vector<1x128xi32>
      %eq3A_78 = arith.constant 0 : i32
      %eq3A_79 = vector.broadcast %eq3A_78 : i32 to vector<1x128xi32>
      %eq3A_80 = arith.cmpi eq, %iota3A_77, %eq3A_79 : vector<1x128xi32>
      %eq3A_81 = arith.constant 1 : i32
      %eq3A_82 = vector.broadcast %eq3A_81 : i32 to vector<1x128xi32>
      %eq3A_83 = arith.cmpi eq, %iota3A_77, %eq3A_82 : vector<1x128xi32>
      %eq3A_84 = arith.constant 2 : i32
      %eq3A_85 = vector.broadcast %eq3A_84 : i32 to vector<1x128xi32>
      %eq3A_86 = arith.cmpi eq, %iota3A_77, %eq3A_85 : vector<1x128xi32>
      %jit3A_87 = arith.constant 0.000000e+00 : f32
      %broadcast_in_dim3A_88 = vector.broadcast %mul3A_76 : f32 to vector<1x128xf32>
      %broadcast_in_dim3A_89 = vector.broadcast %jit3A_87 : f32 to vector<1x128xf32>
      %select_n3A_90 = arith.select %eq3A_86, %broadcast_in_dim3A_88, %broadcast_in_dim3A_89 : vector<1x128xi1>, vector<1x128xf32>
      %broadcast_in_dim3A_91 = vector.broadcast %rsqrt3A : f32 to vector<1x128xf32>
      %select_n3A_92 = arith.select %eq3A_83, %broadcast_in_dim3A_91, %select_n3A_90 : vector<1x128xi1>, vector<1x128xf32>
      %broadcast_in_dim3A_93 = vector.broadcast %div3A_58 : f32 to vector<1x128xf32>
      %select_n3A_94 = arith.select %eq3A_80, %broadcast_in_dim3A_93, %select_n3A_92 : vector<1x128xi1>, vector<1x128xf32>
      %mul3A_95 = arith.mulf %div3A_58, %rsqrt3A : f32
      %broadcast_in_dim3A_96 = vector.shape_cast %reduce_sum3A_67 : vector<128xf32> to vector<1x128xf32>
      %mul3A_97 = vector.broadcast %mul3A_95 : f32 to vector<1x128xf32>
      %mul3A_98 = arith.mulf %mul3A_97, %broadcast_in_dim3A_96 : vector<1x128xf32>
      %swap3A_99 = arith.constant 0 : index
      %swap3A_100 = arith.constant 0 : index
      %swap3A_101 = vector.load %arg6[%swap3A_99, %swap3A_100] : memref<8x128xf32, #tpu.memory_space<vmem>>, vector<1x128xf32>
      tpu.vector_store %arg6[%swap3A_99, %swap3A_100], %mul3A_98 {strides = array<i32>} : memref<8x128xf32, #tpu.memory_space<vmem>>, vector<1x128xf32>,
      %swap3A_102 = arith.constant 1 : index
      %swap3A_103 = arith.constant 0 : index
      %swap3A_104 = vector.load %arg6[%swap3A_102, %swap3A_103] : memref<8x128xf32, #tpu.memory_space<vmem>>, vector<1x128xf32>
      tpu.vector_store %arg6[%swap3A_102, %swap3A_103], %select_n3A_94 {strides = array<i32>} : memref<8x128xf32, #tpu.memory_space<vmem>>, vector<1x128xf32>,
      %broadcast_in_dim3A_105 = arith.constant 0.000000e+00 : f32
      %broadcast_in_dim3A_106 = vector.broadcast %broadcast_in_dim3A_105 : f32 to vector<6x128xf32>
      %swap3A_107 = arith.constant 2 : index
      %swap3A_108 = arith.constant 0 : index
      %swap3A_109 = vector.load %arg6[%swap3A_107, %swap3A_108] : memref<8x128xf32, #tpu.memory_space<vmem>>, vector<6x128xf32>
      tpu.vector_store %arg6[%swap3A_107, %swap3A_108], %broadcast_in_dim3A_106 {strides = array<i32>} : memref<8x128xf32, #tpu.memory_space<vmem>>, vector<6x128xf32>,
    } else {
    }
    return
  }
  func.func @transform_0(%arg0: i32) -> (i32, i32) {
    %c0_i32 = arith.constant 0 : i32
    %c0_i32_0 = arith.constant 0 : i32
    return %arg0, %c0_i32 : i32, i32
  }
  func.func @transform_1(%arg0: i32) -> (i32, i32) {
    %c0_i32 = arith.constant 0 : i32
    %c0_i32_0 = arith.constant 0 : i32
    %c0_i32_1 = arith.constant 0 : i32
    return %c0_i32, %c0_i32_0 : i32, i32
  }
  func.func @transform_2(%arg0: i32) -> (i32, i32) {
    %c0_i32 = arith.constant 0 : i32
    %c0_i32_0 = arith.constant 0 : i32
    %c0_i32_1 = arith.constant 0 : i32
    return %c0_i32, %c0_i32_0 : i32, i32
  }
  func.func @transform_3(%arg0: i32) -> (i32, i32) {
    %c0_i32 = arith.constant 0 : i32
    %c0_i32_0 = arith.constant 0 : i32
    return %arg0, %c0_i32 : i32, i32
  }
  func.func @transform_4(%arg0: i32) -> (i32, i32) {
    %c0_i32 = arith.constant 0 : i32
    %c0_i32_0 = arith.constant 0 : i32
    return %c0_i32, %arg0 : i32, i32
  }
  func.func @transform_5(%arg0: i32) -> (i32, i32) {
    %c0_i32 = arith.constant 0 : i32
    %c0_i32_0 = arith.constant 0 : i32
    %c0_i32_1 = arith.constant 0 : i32
    return %c0_i32, %c0_i32_0 : i32, i32
  }
}

module attributes {stable_mosaic.version = 14 : i64} {
  func.func @_post_body(%arg0: i32, %arg1: memref<2x2048x128xf32, #tpu.memory_space<vmem>>, %arg2: memref<32x2048xf32, #tpu.memory_space<vmem>>, %arg3: memref<1x1x2048xi32, #tpu.memory_space<vmem>>, %arg4: memref<8x128xf32, #tpu.memory_space<vmem>>, %arg5: memref<1x128xf32, #tpu.memory_space<vmem>>, %arg6: memref<1x128xf32, #tpu.memory_space<vmem>>, %arg7: memref<128x128xf32, #tpu.memory_space<vmem>>, %arg8: memref<1x128xf32, #tpu.memory_space<vmem>>, %arg9: memref<16x128xf32, #tpu.memory_space<vmem>>, %arg10: memref<1x16xf32, #tpu.memory_space<vmem>>, %arg11: memref<128x16xf32, #tpu.memory_space<vmem>>, %arg12: memref<128x128xf32, #tpu.memory_space<vmem>>) attributes {dimension_semantics = [#tpu.dimension_semantics<arbitrary>], iteration_bounds = array<i64: 5>, scalar_prefetch = 0 : i64, scratch_operands = 1 : i64, tpu.core_type = #tpu.core_type<tc>, window_params = [{transform_indices = @transform_0, window_bounds = array<i64: 2, 2048, 128>}, {transform_indices = @transform_1, window_bounds = array<i64: 32, 2048>}, {transform_indices = @transform_2, window_bounds = array<i64: 1, 1, 2048>}, {pipeline_mode = #tpu.pipeline_mode<synchronous>, transform_indices = @transform_3, window_bounds = array<i64: 8, 128>}, {pipeline_mode = #tpu.pipeline_mode<synchronous>, transform_indices = @transform_4, window_bounds = array<i64: 1, 128>}, {pipeline_mode = #tpu.pipeline_mode<synchronous>, transform_indices = @transform_5, window_bounds = array<i64: 1, 128>}, {pipeline_mode = #tpu.pipeline_mode<synchronous>, transform_indices = @transform_6, window_bounds = array<i64: 128, 128>}, {pipeline_mode = #tpu.pipeline_mode<synchronous>, transform_indices = @transform_7, window_bounds = array<i64: 1, 128>}, {pipeline_mode = #tpu.pipeline_mode<synchronous>, transform_indices = @transform_8, window_bounds = array<i64: 16, 128>}, {pipeline_mode = #tpu.pipeline_mode<synchronous>, transform_indices = @transform_9, window_bounds = array<i64: 1, 16>}, {pipeline_mode = #tpu.pipeline_mode<synchronous>, transform_indices = @transform_10, window_bounds = array<i64: 128, 16>}]} {
    %eq3A = arith.constant 0 : i32
    %eq3A_0 = arith.cmpi eq, %arg0, %eq3A : i32
    %convert_element_type3A = arith.extui %eq3A_0 : i1 to i32
    %cond3A = arith.constant 0 : i32
    %cond3A_1 = arith.cmpi ne, %convert_element_type3A, %cond3A : i32
    scf.if %cond3A_1 {
      %broadcast_in_dim3A_55 = arith.constant 0.000000e+00 : f32
      %broadcast_in_dim3A_56 = vector.broadcast %broadcast_in_dim3A_55 : f32 to vector<128x128xf32>
      %swap3A_57 = arith.constant 0 : index
      %swap3A_58 = arith.constant 0 : index
      %swap3A_59 = vector.load %arg12[%swap3A_57, %swap3A_58] : memref<128x128xf32, #tpu.memory_space<vmem>>, vector<128x128xf32>
      tpu.vector_store %arg12[%swap3A_57, %swap3A_58], %broadcast_in_dim3A_56 {strides = array<i32>} : memref<128x128xf32, #tpu.memory_space<vmem>>, vector<128x128xf32>,
    } else {
    }
    %get3A = arith.constant 0 : index
    %get3A_2 = arith.constant 0 : index
    %get3A_3 = arith.constant 0 : index
    %get3A_4 = vector.load %arg1[%get3A, %get3A_2, %get3A_3] : memref<2x2048x128xf32, #tpu.memory_space<vmem>>, vector<1x2048x128xf32>
    %get3A_5 = vector.shape_cast %get3A_4 : vector<1x2048x128xf32> to vector<2048x128xf32>
    %get3A_6 = arith.constant 1 : index
    %get3A_7 = arith.constant 0 : index
    %get3A_8 = arith.constant 0 : index
    %get3A_9 = vector.load %arg1[%get3A_6, %get3A_7, %get3A_8] : memref<2x2048x128xf32, #tpu.memory_space<vmem>>, vector<1x2048x128xf32>
    %get3A_10 = vector.shape_cast %get3A_9 : vector<1x2048x128xf32> to vector<2048x128xf32>
    %add3A = arith.addf %get3A_5, %get3A_10 : vector<2048x128xf32>
    %get3A_11 = arith.constant 0 : index
    %get3A_12 = arith.constant 0 : index
    %get3A_13 = vector.load %arg2[%get3A_11, %get3A_12] : memref<32x2048xf32, #tpu.memory_space<vmem>>, vector<32x2048xf32>
    %reduce_sum3A = arith.constant dense<0.000000e+00> : vector<2048xf32>
    %reduce_sum3A_14 = vector.multi_reduction <add>, %get3A_13, %reduce_sum3A [0] : vector<32x2048xf32> to vector<2048xf32>
    %broadcast_in_dim3A = vector.shape_cast %reduce_sum3A_14 : vector<2048xf32> to vector<2048x1xf32>
    %get3A_15 = arith.constant 0 : index
    %get3A_16 = arith.constant 0 : index
    %get3A_17 = vector.load %arg4[%get3A_15, %get3A_16] : memref<8x128xf32, #tpu.memory_space<vmem>>, vector<1x128xf32>
    %get3A_18 = arith.constant 1 : index
    %get3A_19 = arith.constant 1 : index
    %get3A_20 = vector.load %arg4[%get3A_18, %get3A_19] : memref<8x128xf32, #tpu.memory_space<vmem>>, vector<1x1xf32>
    %get3A_21 = vector.extract %get3A_20[0, 0] : f32 from vector<1x1xf32>
    %gt3A = arith.constant 0.000000e+00 : f32
    %gt3A_22 = vector.broadcast %gt3A : f32 to vector<2048x1xf32>
    %gt3A_23 = arith.cmpf ogt, %broadcast_in_dim3A, %gt3A_22 : vector<2048x1xf32>
    %jit3A = arith.constant 1.000000e+00 : f32
    %broadcast_in_dim3A_24 = vector.broadcast %jit3A : f32 to vector<2048x1xf32>
    %select_n3A = arith.select %gt3A_23, %broadcast_in_dim3A, %broadcast_in_dim3A_24 : vector<2048x1xi1>, vector<2048x1xf32>
    %mul3A = vector.broadcast %get3A_21 : f32 to vector<2048x128xf32>
    %mul3A_25 = arith.mulf %add3A, %mul3A : vector<2048x128xf32>
    %mul3A_26 = vector.broadcast %broadcast_in_dim3A : vector<2048x1xf32> to vector<2048x128xf32>
    %mul3A_27 = vector.broadcast %get3A_17 : vector<1x128xf32> to vector<2048x128xf32>
    %mul3A_28 = arith.mulf %mul3A_26, %mul3A_27 : vector<2048x128xf32>
    %sub3A = arith.subf %mul3A_25, %mul3A_28 : vector<2048x128xf32>
    %div3A = vector.broadcast %select_n3A : vector<2048x1xf32> to vector<2048x128xf32>
    %div3A_29 = arith.divf %sub3A, %div3A : vector<2048x128xf32>
    %max3A = arith.constant 0.000000e+00 : f32
    %max3A_30 = vector.broadcast %max3A : f32 to vector<2048x128xf32>
    %max3A_31 = arith.maximumf %div3A_29, %max3A_30 : vector<2048x128xf32>
    %get3A_32 = arith.constant 0 : index
    %get3A_33 = arith.constant 0 : index
    %get3A_34 = arith.constant 0 : index
    %get3A_35 = vector.load %arg3[%get3A_32, %get3A_33, %get3A_34] : memref<1x1x2048xi32, #tpu.memory_space<vmem>>, vector<1x1x2048xi32>
    %get3A_36 = vector.shape_cast %get3A_35 : vector<1x1x2048xi32> to vector<2048xi32>
    %broadcast_in_dim3A_37 = vector.shape_cast %get3A_36 : vector<2048xi32> to vector<2048x1xi32>
    %iota3A = tpu.iota {dimensions = array<i32: 1>} : vector<1x128xi32>
    %eq3A_38 = vector.broadcast %broadcast_in_dim3A_37 : vector<2048x1xi32> to vector<2048x128xi32>
    %eq3A_39 = vector.broadcast %iota3A : vector<1x128xi32> to vector<2048x128xi32>
    %eq3A_40 = arith.cmpi eq, %eq3A_38, %eq3A_39 : vector<2048x128xi32>
    %convert_element_type3A_41 = arith.extui %eq3A_40 : vector<2048x128xi1> to vector<2048x128xi32>
    %convert_element_type3A_42 = arith.sitofp %convert_element_type3A_41 : vector<2048x128xi32> to vector<2048x128xf32>
    %get3A_43 = arith.constant 0 : index
    %get3A_44 = arith.constant 0 : index
    %get3A_45 = vector.load %arg12[%get3A_43, %get3A_44] : memref<128x128xf32, #tpu.memory_space<vmem>>, vector<128x128xf32>
    %dot_general3A = arith.constant dense<0.000000e+00> : vector<128x128xf32>
    %dot_general3A_46 = tpu.matmul %convert_element_type3A_42, %max3A_31, %dot_general3A {dimension_numbers = #tpu.dot_dimension_numbers<[0], [0], [1], [1], [0, 1, 1, 1], [], []>, transpose_lhs_hint = false} : vector<2048x128xf32>, vector<2048x128xf32>, vector<128x128xf32> -> vector<128x128xf32>
    %add3A_47 = arith.addf %get3A_45, %dot_general3A_46 : vector<128x128xf32>
    %swap3A = arith.constant 0 : index
    %swap3A_48 = arith.constant 0 : index
    %swap3A_49 = vector.load %arg12[%swap3A, %swap3A_48] : memref<128x128xf32, #tpu.memory_space<vmem>>, vector<128x128xf32>
    tpu.vector_store %arg12[%swap3A, %swap3A_48], %add3A_47 {strides = array<i32>} : memref<128x128xf32, #tpu.memory_space<vmem>>, vector<128x128xf32>,
    %eq3A_50 = arith.constant 4 : i32
    %eq3A_51 = arith.cmpi eq, %arg0, %eq3A_50 : i32
    %convert_element_type3A_52 = arith.extui %eq3A_51 : i1 to i32
    %cond3A_53 = arith.constant 0 : i32
    %cond3A_54 = arith.cmpi ne, %convert_element_type3A_52, %cond3A_53 : i32
    scf.if %cond3A_54 {
      %get3A_55 = arith.constant 0 : index
      %get3A_56 = arith.constant 0 : index
      %get3A_57 = vector.load %arg12[%get3A_55, %get3A_56] : memref<128x128xf32, #tpu.memory_space<vmem>>, vector<128x128xf32>
      %reduce_sum3A_58 = arith.constant dense<0.000000e+00> : vector<128xf32>
      %reduce_sum3A_59 = vector.multi_reduction <add>, %get3A_57, %reduce_sum3A_58 [0] : vector<128x128xf32> to vector<128xf32>
      %broadcast_in_dim3A_60 = vector.shape_cast %reduce_sum3A_59 : vector<128xf32> to vector<1x128xf32>
      %div3A_61 = arith.constant 1.280000e+02 : f32
      %div3A_62 = vector.broadcast %div3A_61 : f32 to vector<1x128xf32>
      %div3A_63 = arith.divf %broadcast_in_dim3A_60, %div3A_62 : vector<1x128xf32>
      %sub3A_64 = vector.broadcast %div3A_63 : vector<1x128xf32> to vector<128x128xf32>
      %sub3A_65 = arith.subf %get3A_57, %sub3A_64 : vector<128x128xf32>
      %integer_pow3A = arith.mulf %sub3A_65, %sub3A_65 : vector<128x128xf32>
      %reduce_sum3A_66 = arith.constant dense<0.000000e+00> : vector<128xf32>
      %reduce_sum3A_67 = vector.multi_reduction <add>, %integer_pow3A, %reduce_sum3A_66 [0] : vector<128x128xf32> to vector<128xf32>
      %broadcast_in_dim3A_68 = vector.shape_cast %reduce_sum3A_67 : vector<128xf32> to vector<1x128xf32>
      %div3A_69 = arith.constant 1.280000e+02 : f32
      %div3A_70 = vector.broadcast %div3A_69 : f32 to vector<1x128xf32>
      %div3A_71 = arith.divf %broadcast_in_dim3A_68, %div3A_70 : vector<1x128xf32>
      %sub3A_72 = vector.broadcast %div3A_63 : vector<1x128xf32> to vector<128x128xf32>
      %sub3A_73 = arith.subf %get3A_57, %sub3A_72 : vector<128x128xf32>
      %add3A_74 = arith.constant 9.99999974E-6 : f32
      %add3A_75 = vector.broadcast %add3A_74 : f32 to vector<1x128xf32>
      %add3A_76 = arith.addf %div3A_71, %add3A_75 : vector<1x128xf32>
      %rsqrt3A = math.rsqrt %add3A_76 : vector<1x128xf32>
      %mul3A_77 = vector.broadcast %rsqrt3A : vector<1x128xf32> to vector<128x128xf32>
      %mul3A_78 = arith.mulf %sub3A_73, %mul3A_77 : vector<128x128xf32>
      %get3A_79 = arith.constant 0 : index
      %get3A_80 = arith.constant 0 : index
      %get3A_81 = vector.load %arg5[%get3A_79, %get3A_80] : memref<1x128xf32, #tpu.memory_space<vmem>>, vector<1x128xf32>
      %mul3A_82 = vector.broadcast %get3A_81 : vector<1x128xf32> to vector<128x128xf32>
      %mul3A_83 = arith.mulf %mul3A_78, %mul3A_82 : vector<128x128xf32>
      %get3A_84 = arith.constant 0 : index
      %get3A_85 = arith.constant 0 : index
      %get3A_86 = vector.load %arg6[%get3A_84, %get3A_85] : memref<1x128xf32, #tpu.memory_space<vmem>>, vector<1x128xf32>
      %add3A_87 = vector.broadcast %get3A_86 : vector<1x128xf32> to vector<128x128xf32>
      %add3A_88 = arith.addf %mul3A_83, %add3A_87 : vector<128x128xf32>
      %get3A_89 = arith.constant 0 : index
      %get3A_90 = arith.constant 0 : index
      %get3A_91 = vector.load %arg7[%get3A_89, %get3A_90] : memref<128x128xf32, #tpu.memory_space<vmem>>, vector<128x128xf32>
      %transpose3A = tpu.transpose %get3A_91, [1, 0] : vector<128x128xf32> -> vector<128x128xf32>
      %dot_general3A_92 = arith.constant dense<0.000000e+00> : vector<128x128xf32>
      %dot_general3A_93 = tpu.matmul %add3A_88, %transpose3A, %dot_general3A_92 {dimension_numbers = #tpu.dot_dimension_numbers<[1], [0], [0], [1], [0, 0, 1, 1], [], []>, transpose_lhs_hint = false} : vector<128x128xf32>, vector<128x128xf32>, vector<128x128xf32> -> vector<128x128xf32>
      %get3A_94 = arith.constant 0 : index
      %get3A_95 = arith.constant 0 : index
      %get3A_96 = vector.load %arg8[%get3A_94, %get3A_95] : memref<1x128xf32, #tpu.memory_space<vmem>>, vector<1x128xf32>
      %add3A_97 = vector.broadcast %get3A_96 : vector<1x128xf32> to vector<128x128xf32>
      %add3A_98 = arith.addf %dot_general3A_93, %add3A_97 : vector<128x128xf32>
      %max3A_99 = arith.constant 0.000000e+00 : f32
      %max3A_100 = vector.broadcast %max3A_99 : f32 to vector<128x128xf32>
      %max3A_101 = arith.maximumf %add3A_98, %max3A_100 : vector<128x128xf32>
      %get3A_102 = arith.constant 0 : index
      %get3A_103 = arith.constant 0 : index
      %get3A_104 = vector.load %arg9[%get3A_102, %get3A_103] : memref<16x128xf32, #tpu.memory_space<vmem>>, vector<16x128xf32>
      %transpose3A_105 = tpu.transpose %get3A_104, [1, 0] : vector<16x128xf32> -> vector<128x16xf32>
      %dot_general3A_106 = arith.constant dense<0.000000e+00> : vector<128x16xf32>
      %dot_general3A_107 = tpu.matmul %max3A_101, %transpose3A_105, %dot_general3A_106 {dimension_numbers = #tpu.dot_dimension_numbers<[1], [0], [0], [1], [0, 0, 1, 1], [], []>, transpose_lhs_hint = false} : vector<128x128xf32>, vector<128x16xf32>, vector<128x16xf32> -> vector<128x16xf32>
      %get3A_108 = arith.constant 0 : index
      %get3A_109 = arith.constant 0 : index
      %get3A_110 = vector.load %arg10[%get3A_108, %get3A_109] : memref<1x16xf32, #tpu.memory_space<vmem>>, vector<1x16xf32>
      %add3A_111 = vector.broadcast %get3A_110 : vector<1x16xf32> to vector<128x16xf32>
      %add3A_112 = arith.addf %dot_general3A_107, %add3A_111 : vector<128x16xf32>
      %reduce_max3A = arith.constant dense<0xFF800000> : vector<128xf32>
      %reduce_max3A_113 = vector.multi_reduction <maximumf>, %add3A_112, %reduce_max3A [1] : vector<128x16xf32> to vector<128xf32>
      %broadcast_in_dim3A_114 = vector.shape_cast %reduce_max3A_113 : vector<128xf32> to vector<128x1xf32>
      %sub3A_115 = vector.broadcast %broadcast_in_dim3A_114 : vector<128x1xf32> to vector<128x16xf32>
      %sub3A_116 = arith.subf %add3A_112, %sub3A_115 : vector<128x16xf32>
      %exp3A = math.exp %sub3A_116 : vector<128x16xf32>
      %reduce_sum3A_117 = arith.constant dense<0.000000e+00> : vector<128xf32>
      %reduce_sum3A_118 = vector.multi_reduction <add>, %exp3A, %reduce_sum3A_117 [1] : vector<128x16xf32> to vector<128xf32>
      %broadcast_in_dim3A_119 = vector.shape_cast %reduce_sum3A_118 : vector<128xf32> to vector<128x1xf32>
      %log3A = math.log %broadcast_in_dim3A_119 : vector<128x1xf32>
      %sub3A_120 = vector.broadcast %log3A : vector<128x1xf32> to vector<128x16xf32>
      %sub3A_121 = arith.subf %sub3A_116, %sub3A_120 : vector<128x16xf32>
      %swap3A_122 = arith.constant 0 : index
      %swap3A_123 = arith.constant 0 : index
      %swap3A_124 = vector.load %arg11[%swap3A_122, %swap3A_123] : memref<128x16xf32, #tpu.memory_space<vmem>>, vector<128x16xf32>
      tpu.vector_store %arg11[%swap3A_122, %swap3A_123], %sub3A_121 {strides = array<i32>} : memref<128x16xf32, #tpu.memory_space<vmem>>, vector<128x16xf32>,
    } else {
    }
    return
  }
  func.func @transform_0(%arg0: i32) -> (i32, i32, i32) {
    %c0_i32 = arith.constant 0 : i32
    %c0_i32_0 = arith.constant 0 : i32
    %c0_i32_1 = arith.constant 0 : i32
    return %c0_i32, %arg0, %c0_i32_0 : i32, i32, i32
  }
  func.func @transform_1(%arg0: i32) -> (i32, i32) {
    %c0_i32 = arith.constant 0 : i32
    %c0_i32_0 = arith.constant 0 : i32
    return %c0_i32, %arg0 : i32, i32
  }
  func.func @transform_2(%arg0: i32) -> (i32, i32, i32) {
    %c0_i32 = arith.constant 0 : i32
    %c0_i32_0 = arith.constant 0 : i32
    %c0_i32_1 = arith.constant 0 : i32
    return %arg0, %c0_i32, %c0_i32_0 : i32, i32, i32
  }
  func.func @transform_3(%arg0: i32) -> (i32, i32) {
    %c0_i32 = arith.constant 0 : i32
    %c0_i32_0 = arith.constant 0 : i32
    %c0_i32_1 = arith.constant 0 : i32
    return %c0_i32, %c0_i32_0 : i32, i32
  }
  func.func @transform_4(%arg0: i32) -> (i32, i32) {
    %c0_i32 = arith.constant 0 : i32
    %c0_i32_0 = arith.constant 0 : i32
    %c0_i32_1 = arith.constant 0 : i32
    return %c0_i32, %c0_i32_0 : i32, i32
  }
  func.func @transform_5(%arg0: i32) -> (i32, i32) {
    %c0_i32 = arith.constant 0 : i32
    %c0_i32_0 = arith.constant 0 : i32
    %c0_i32_1 = arith.constant 0 : i32
    return %c0_i32, %c0_i32_0 : i32, i32
  }
  func.func @transform_6(%arg0: i32) -> (i32, i32) {
    %c0_i32 = arith.constant 0 : i32
    %c0_i32_0 = arith.constant 0 : i32
    %c0_i32_1 = arith.constant 0 : i32
    return %c0_i32, %c0_i32_0 : i32, i32
  }
  func.func @transform_7(%arg0: i32) -> (i32, i32) {
    %c0_i32 = arith.constant 0 : i32
    %c0_i32_0 = arith.constant 0 : i32
    %c0_i32_1 = arith.constant 0 : i32
    return %c0_i32, %c0_i32_0 : i32, i32
  }
  func.func @transform_8(%arg0: i32) -> (i32, i32) {
    %c0_i32 = arith.constant 0 : i32
    %c0_i32_0 = arith.constant 0 : i32
    %c0_i32_1 = arith.constant 0 : i32
    return %c0_i32, %c0_i32_0 : i32, i32
  }
  func.func @transform_9(%arg0: i32) -> (i32, i32) {
    %c0_i32 = arith.constant 0 : i32
    %c0_i32_0 = arith.constant 0 : i32
    %c0_i32_1 = arith.constant 0 : i32
    return %c0_i32, %c0_i32_0 : i32, i32
  }
  func.func @transform_10(%arg0: i32) -> (i32, i32) {
    %c0_i32 = arith.constant 0 : i32
    %c0_i32_0 = arith.constant 0 : i32
    %c0_i32_1 = arith.constant 0 : i32
    return %c0_i32, %c0_i32_0 : i32, i32
  }
}

</mosaic_0001>

<sc_bundles>
// kernel: kernel.6.cloned.1.call-start
scs
__scs_entry_jumppad:
0x0: {  	(pc) =	sbr.rel $0x88, $3  }
0x1: {  	(tag) =	ssettag $0x0;
	lr =	simm.s32 $0x1  }
0x2: {  	[smem:$0x3F96] =	sst lr;
	_ =	strace $0xD0000000  }
0x3: {  	_ = 	snop  }
0x4: {  	_ = 	snop  }
0x5: {  	_ = 	snop  }
0x6: {  	_ = 	snop  }
0x7: {  	_ = 	snop  }
__scs_overlays_trampoline_lowered:
0x8: {  	[smem:$0x3FA5] =	sst s0  }
0x9: {  	[smem:$0x3FA6] =	sst s1  }
0xa: {  	[smem:$0x3FA7] =	sst s2  }
0xb: {  	[smem:$0x3FA8] =	sst s3  }
0xc: {  	[smem:$0x3FA9] =	sst s4  }
0xd: {  	[smem:$0x3FAA] =	sst s5  }
0xe: {  	[smem:$0x3FAB] =	sst s6  }
0xf: {  	[smem:$0x3FAC] =	sst s7  }
0x10: {  	[smem:$0x3FAD] =	sst s8  }
0x11: {  	[smem:$0x3FAE] =	sst s9;
	s0 =	simm.s32 @!p0 $0x0  }
0x12: {  	s1 =	sld [smem:$0x3F94];
	s0 =	simm.s32 @p0 $0x1  }
0x13: {  	[smem:$0x3FAF] =	sst s0;
	s0 =	simm.s32 @!p1 $0x0  }
0x14: {  	s2 =	sld [smem:$0x3F93];
	s0 =	simm.s32 @p1 $0x1  }
0x15: {  	[smem:$0x3FB0] =	sst s0;
	s0 =	simm.s32 @!p2 $0x0  }
0x16: {  	s3 =	sld [smem:$0x3FDB];
	s0 =	simm.s32 @p2 $0x1  }
0x17: {  	s4 =	simm.s32 $0x1BF5;
	[smem:$0x3FB2] =	sst s0  }
0x18: {  	s0 =	sld [smem:$0x3F95];
	_ =	swait.ge [sflag:s4], $0x0  }
0x19: {  	s7 =	sld [smem:$0x3F96]  }
0x1a: {  	s8 =	sadd.s32 $0xFFFFE003, lr  }
0x1b: {  	s9 =	sadd.s32 $0xFFFFFEF7, lr;
	s5 =	simm.s32 $0xFFFFFFFF;
	p2 =	slt.u32 s8, $0xFFFFF086  }
0x1c: {  	p1 =	slt.u32 s9, $0xF7A;
	s5 =	simm.s32 @!p2 $0x0  }
0x1d: {  	s5 =	simm.s32 @p1 $0x1;
	p0 =	seq.s32 s7, s2  }
0x1e: {  	s7 =	smul.u32 @!p0 $0xF7A, s2;
	p2 =	seq.s32 @!p0 s5, $0x0  }
0x1f: {  	s9 =	smul.u32 $0xF7A, s1;
	s8 =	simm.s32 @!p0 $0x1BF5;
	p2 =	por !p2, p0  }
0x20: {  	[sflag:s8] =	ssyncset.s32 @!p0 $0xFFFFF086;
	s6 =	sadd.s32 @!p0 s3, s7;
	s7 =	simm.s32 @!p0 $0x108  }
0x21: {  	s3 =	sadd.s32 s3, s9;
	s6 =	sadd.s32 @!p0 $0x88, s6;
	s7 =	simm.s32 @p2 $0x1082  }
0x22: {  	[simem:s7], [sflag:s8] =	dma.local @!p0 [hbm:s6], $0xF7A  }
0x23: {  	s9 =	sor.u32 $0xD0000000, s2;
	s6 =	simm.s32 $0x108;
	_ =	swait.ge @!p0 [sflag:s8], $0x0  }
0x24: {  	s3 =	sadd.s32 $0x88, s3;
	s6 =	simm.s32 @!p1 $0x1082;
	[sflag:s4] =	ssyncset.s32 $0xFFFFF086  }
0x25: {  	[simem:s6], [sflag:s4] =	dma.local [hbm:s3], $0xF7A  }
0x26: {  	[smem:$0x3F96] =	sst s1;
	(tag) =	ssettag s2;
	_ =	strace s9  }
0x27: {  	s1 =	sld [smem:$0x3FA6]  }
0x28: {  	s2 =	sld [smem:$0x3FA7]  }
0x29: {  	s4 =	sld [smem:$0x3FA9]  }
0x2a: {  	p0 =	seq.s32 s5, $0x0;
	s5 =	sld [smem:$0x3FAA]  }
0x2b: {  	s6 =	sld [smem:$0x3FAB]  }
0x2c: {  	s7 =	sld [smem:$0x3FAC]  }
0x2d: {  	s3 =	simm.s32 $0x108;
	s8 =	sld [smem:$0x3FAD]  }
0x2e: {  	s3 =	simm.s32 @!p0 $0x1082;
	s9 =	sld [smem:$0x3FAE]  }
0x2f: {  	lr =	sadd.s32 s0, s3;
	s0 =	sld [smem:$0x3FA5]  }
0x30: {  	s3 =	sld [smem:$0x3FA8]  }
0x31: {  	[smem:$0x3FB1] =	sst s10  }
0x32: {  	s10 =	sld [smem:$0x3FAF];
	_ =	sdelay $0x3  }
0x33: {  	p0 =	seq.s32 s10, $0x1;
	s10 =	sld [smem:$0x3FB1];
	_ =	sdelay $0x3  }
0x34: {  	[smem:$0x3FB1] =	sst s10  }
0x35: {  	s10 =	sld [smem:$0x3FB0];
	_ =	sdelay $0x3  }
0x36: {  	p1 =	seq.s32 s10, $0x1;
	s10 =	sld [smem:$0x3FB1];
	_ =	sdelay $0x3  }
0x37: {  	[smem:$0x3FB1] =	sst s10  }
0x38: {  	s10 =	sld [smem:$0x3FB2]  }
0x39: {  	_ = 	snop;
	(pc) =	sbr.ind lr, $3  }
0x3a: {  	_ = 	snop  }
0x3b: {  	_ = 	snop  }
0x3c: {  	p2 =	seq.s32 s10, $0x1;
	s10 =	sld [smem:$0x3FB1]  }
0x3d: {  	_ =	shalt  }
0x3e: {  	_ =	shalt  }
0x3f: {  	_ =	shalt  }
0x40: {  	_ =	shalt  }
0x41: {  	_ =	shalt  }
0x42: {  	_ =	shalt  }
0x43: {  	_ =	shalt  }
0x44: {  	_ =	shalt  }
0x45: {  	_ =	shalt  }
0x46: {  	_ =	shalt  }
0x47: {  	_ =	shalt  }
0x48: {  	_ =	shalt  }
0x49: {  	_ =	shalt  }
0x4a: {  	_ =	shalt  }
0x4b: {  	_ =	shalt  }
0x4c: {  	_ =	shalt  }
0x4d: {  	_ =	shalt  }
0x4e: {  	_ =	shalt  }
0x4f: {  	_ =	shalt  }
0x50: {  	_ =	shalt  }
0x51: {  	_ =	shalt  }
0x52: {  	_ =	shalt  }
0x53: {  	_ =	shalt  }
0x54: {  	_ =	shalt  }
0x55: {  	_ =	shalt  }
0x56: {  	_ =	shalt  }
0x57: {  	_ =	shalt  }
0x58: {  	_ =	shalt  }
0x59: {  	_ =	shalt  }
0x5a: {  	_ =	shalt  }
0x5b: {  	_ =	shalt  }
0x5c: {  	_ =	shalt  }
0x5d: {  	_ =	shalt  }
0x5e: {  	_ =	shalt  }
0x5f: {  	_ =	shalt  }
0x60: {  	_ =	shalt  }
0x61: {  	_ =	shalt  }
0x62: {  	_ =	shalt  }
0x63: {  	_ =	shalt  }
0x64: {  	_ =	shalt  }
0x65: {  	_ =	shalt  }
0x66: {  	_ =	shalt  }
0x67: {  	_ =	shalt  }
0x68: {  	_ =	shalt  }
0x69: {  	_ =	shalt  }
0x6a: {  	_ =	shalt  }
0x6b: {  	_ =	shalt  }
0x6c: {  	_ =	shalt  }
0x6d: {  	_ =	shalt  }
0x6e: {  	_ =	shalt  }
0x6f: {  	_ =	shalt  }
0x70: {  	_ =	shalt  }
0x71: {  	_ =	shalt  }
0x72: {  	_ =	shalt  }
0x73: {  	_ =	shalt  }
0x74: {  	_ =	shalt  }
0x75: {  	_ =	shalt  }
0x76: {  	_ =	shalt  }
0x77: {  	_ =	shalt  }
0x78: {  	_ =	shalt  }
0x79: {  	_ =	shalt  }
0x7a: {  	_ =	shalt  }
0x7b: {  	_ =	shalt  }
0x7c: {  	_ =	shalt  }
0x7d: {  	_ =	shalt  }
0x7e: {  	_ =	shalt  }
0x7f: {  	_ =	shalt  }
0x80: {  	_ =	shalt  }
0x81: {  	_ =	shalt  }
0x82: {  	_ =	shalt  }
0x83: {  	_ =	shalt  }
0x84: {  	_ =	shalt  }
0x85: {  	_ =	shalt  }
0x86: {  	_ =	shalt  }
0x87: {  	_ =	shalt  }
.Lfunc_end0:
.L_simem_size_0:
called_computation_lowered:
.L_overlay_start_0:
0x88: {  	s2 =	sld [smem:$0x3FD9]  }
0x89: {  	s3 =	sld [smem:$0x3FFE];
	_ =	sdelay $0x1  }
0x8a: {  	s1 =	srdreg.scid  }
0x8b: {  	s0 =	sand.u32 $0x1, s1  }
0x8c: {  	s17 =	sshll.u32 s0, $0xA;
	s2 =	sadd.s32 s3, s2  }
0x8d: {  	s2 =	sadd.s32 s2, s17  }
0x8e: {  	[smem:$0x3FBD] =	sst s2  }
0x8f: {  	_ = 	snop  }
0x90: {  	s2 =	sld [smem:$0x3FD0];
	(tm) =	ssettm $0x1  }
0x91: {  	s18 =	sld [smem:$0x3FFB];
	_ =	sdelay $0x3  }
0x92: {  	_ =	strace s18  }
0x93: {  	s3 =	sld [smem:$0x3FFC];
	_ =	sdelay $0x3  }
0x94: {  	_ =	strace s3  }
0x95: {  	s3 =	sld [smem:$0x3FFD];
	_ =	sdelay $0x3  }
0x96: {  	_ =	strace s3  }
0x97: {  	_ =	strace $0x8FFFFFFF  }
0x98: {  	s19 =	sld [smem:$0x3FDB];
	_ =	sdelay $0x1  }
0x99: {  	s4 =	simm.s32 $_scs_section_size  }
0x9a: {  	s5 =	simm.s32 $_size__tile_overlayer_lowered;
	s6 =	simm.s32 $_tile_overlayer_lowered  }
0x9b: {  	s22 =	simm.s32 $0x1BFF;
	s21 =	sshll.u32 s6, $0x1;
	s3 =	sadd.s32 s4, s19  }
0x9c: {  	s7 =	simm.s32 $0x0;
	s20 =	sshll.u32 s5, $0x1;
	s5 =	sadd.s32 s21, s3  }
0x9d: {  	[timem:s7], [sflag:s22] =	dma.local [hbm:s5], s20  }
0x9e: {  	_ =	swait.ge [sflag:s22], s20  }
0x9f: {  	s4 =	ssub.s32 $0x0, s20;
	[sflag:s22] =	ssyncset.done $0x0  }
0xa0: {  	[sflag:s22] =	ssyncadd.s32 s4;
	_ =	sdelay $0x1  }
0xa1: {  	s23 =	simm.s32 $0x1B8B  }
0xa2: {  	_ =	swait.ge [sflag:s23], $0x1  }
0xa3: {  	[sflag:s23] =	ssyncset.done $0x0  }
0xa4: {  	s25 =	simm.s32 $0x1B8E;
	s24 =	sld [smem:$0x3FFE];
	[sflag:s23] =	ssyncadd.s32 $0xFFFFFFFF  }
0xa5: {  	s26 =	simm.s32 $execute0_lowered;
	[smem:$0x3FD2] =	sst s25  }
0xa6: {  	s5 =	sshll.u32 s26, $0x1;
	_ =	strace $0x80000046;
	[dreg:$0x1] =	wrdreg $0xFFFFFFFF  }
0xa7: {  	s28 =	simm.s32 $_size_execute0_lowered;
	s3 =	sadd.s32 s3, s5;
	[dreg:$0x0] =	wrdreg $0x0  }
0xa8: {  	s5 =	sshll.u32 s28, $0x1;
	[dreg:$0x2] =	wrdreg s3  }
0xa9: {  	[dreg:$0x3] =	wrdreg s5  }
0xaa: {  	[dreg:$0x4] =	wrdreg $0xC0  }
0xab: {  	_ =	task [dreg:s7], $0x5FFFF  }
0xac: {  	[dreg:$0x1] =	wrdreg $0xFFFFFFFF  }
0xad: {  	[dreg:$0x0] =	wrdreg $0x60  }
0xae: {  	[dreg:$0x2] =	wrdreg s24  }
0xaf: {  	[dreg:$0x3] =	wrdreg s2  }
0xb0: {  	[dreg:$0x4] =	wrdreg $0x9  }
0xb1: {  	_ =	task.clear_ibuf [dreg:s7], $0x5FFFF;
	_ =	strace $0x90000046  }
0xb2: {  	s29 =	simm.s32 $0x9;
	_ =	strace $0x80000048  }
0xb3: {  	_ =	swait.ge [sflag:s29], $0x1  }
0xb4: {  	[sflag:s29] =	ssyncadd.s32 $0xFFFFFFFF  }
0xb5: {  	_ =	strace $0x90000048  }
0xb6: {  	_ =	sfence  }
0xb7: {  	s30 =	sld [smem:$0x0];
	_ =	sdelay $0x2  }
0xb8: {  	s31 =	sshll.u32 s1, $0xD;
	s1 =	sshrl.u32 s1, $0x2  }
0xb9: {  	s3 =	sand.u32 $0x4000, s31;
	s1 =	sadd.s32 s1, s30  }
0xba: {  	s0 =	sor.u32 s3, s0;
	s1 =	sshll.u32 s1, $0x11  }
0xbb: {  	s0 =	sor.u32 s1, s0  }
0xbc: {  	s0 =	sadd.s32 $0x8F2B, s0  }
0xbd: {  	[sflag:s0] =	ssyncadd.remote.s32 $0x1  }
0xbe: {  	_ =	sfence.sel $0xFFFF  }
0xbf: {  	[dreg:$0x0] =	wrdreg $0xFFFFFFFF;
	(pc) =	sbr.abs _section_cstart, $3  }
0xc0: {  	[dreg:$0x1] =	wrdreg $0xFFFFFFFF  }
0xc1: {  	_ =	task.clear_ibuf [dreg:s7], $0x2FFFF;
	_ =	strace $0x9FFFFFFF  }
0xc2: {  	(tm) =	ssettm $0x7FFFFFFF  }
0xc3: {  	_ =	shalt  }
tec
execute0_lowered:
.L_overlay_start_1:
0x0: {  	(tag) =	ssettag $0x1  }
0x1: {  	s4 =	rddreg [dreg:$0x0]  }
0x2: {  	s1 =	srdreg.scid;
	s0 =	stileid.u32  }
0x3: {  	s5 =	rddreg [dreg:$0x1];
	s11 =	simm.s32 $0x80;
	s12 =	simm.s32 $0x400  }
0x4: {  	s13 =	simm.s32 $0x1;
	s14 =	simm.s32 $0x2800;
	s15 =	simm.s32 $0x5000  }
0x5: {  	s16 =	simm.s32 $0x5080;
	s17 =	simm.s32 $0x7800;
	s18 =	simm.s32 $0xC700  }
0x6: {  	s19 =	simm.s32 $0x9F80;
	s20 =	simm.s32 $0x0;
	s6 =	sand.u32 $0x1, s1  }
0x7: {  	s2 =	sshll.u32 s0, $0x1;
	s1 =	rddreg [dreg:$0x2];
	s7 =	sshrl.u32 s0, $0x2  }
0x8: {  	s5 =	sadd.s32 $0x10, s5;
	s3 =	sor.u32 s6, s2;
	s2 =	simm.s32 $0x0  }
0x9: {  	s7 =	smul.u32 $0x14000, s7;
	s6 =	ssub.s32 $0x2, s6;
	s8 =	sshll.u32 s3, $0x7  }
0xa: {  	[smem:$0x7FF] =	sst s2;
	s9 =	smul.u32 $0x2710, s3;
	s3 =	sadd.s32 $0x16800, s4  }
0xb: {  	s31 =	sshrl.u32 s6, $0x1;
	s8 =	sand.u32 $0x380, s8;
	_ =	strace $0x80000047  }
0xc: {  	s10 =	ssub.s32 s6, s31;
	s7 =	sor.u32 s7, s8;
	s29 =	sshrl.u32 s9, $0x3  }
0xd: {  	s10 =	smax.u32 s10, $0x1;
	s7 =	sshrl.u32 s7, $0x3;
	s8 =	sadd.s32 s29, s4  }
0xe: {  	s30 =	sadd.s32 s7, s4;
	s4 =	sadd.s32 $0x16810, s4;
	s6 =	sadd.s32 $0x2E00, s8  }
0xf: {  	v0 =	vimm.f32 $0.0e+00;
	s7 =	sadd.s32 $0xCA40, s8;
	s8 =	sadd.s32 $0x43800, s8;
	s9 =	sadd.s32 $0x4D600, s30  }
.LBB2_1:
0x10: {  	[tilespmem:s2], [sflag:$0x1] =	stream.strided.gather [hbm4b:s3+s11], $0x2800, s12, s11, $0x38;
	[tilespmem:$0xEF00] =	vst v63  }
0x11: {  	_ =	swait.ge [sflag:s13], $0x2800  }
0x12: {  	[sflag:s13] =	ssyncset.done $0x0  }
0x13: {  	[sflag:s13] =	ssyncadd.s32 $0xFFFFD800  }
0x14: {  	[tilespmem:s14], [sflag:$0x1] =	stream.strided.gather [hbm4b:s4+s11], $0x2800, s12, s11, $0x38;
	[tilespmem:$0xEF00] =	vst v63  }
0x15: {  	_ =	swait.ge [sflag:s13], $0x2800  }
0x16: {  	[sflag:s13] =	ssyncset.done $0x0  }
0x17: {  	[sflag:s13] =	ssyncadd.s32 $0xFFFFD800  }
0x18: {  	[tilespmem:s15], [sflag:$0x1] =	stream.linear.gather [hbm4b:s5+s2], $0x10, $0x38;
	[tilespmem:$0xEF00] =	vst v63  }
0x19: {  	_ =	swait.ge [sflag:s13], $0x10  }
0x1a: {  	[sflag:s13] =	ssyncset.done $0x0  }
0x1b: {  	[sflag:s13] =	ssyncadd.s32 $0xFFFFFFF0  }
0x1c: {  	s21 =	simm.s32 $0x40;
	s22 =	simm.s32 $0x0;
	v7 =	vld [tilespmem:$0x5000]  }
.LBB2_2:
0x1d: {  	p0 =	sne.s32 s21, $0x9FC0;
	[tilespmem:s22+$0xC700] =	vst v0;
	s22 =	smov.u32 s21;
	s21 =	sadd.s32 $0x40, s21  }
.Ltmp0:
0x1e: {  	(pc) =	sbr.rel @p0 .LBB2_2-.Ltmp0, $2  }
0x1f: {  	_ =	sdelay $0x2  }
0x20: {  	s22 =	sshra.s32 s22, $0x2  }
0x21: {  	[tilespmem:s22+$0xC700] =	vst v0;
	s21 =	simm.s32 $0x0  }
0x22: {  	[tilespmem:s16], [sflag:$0x1] =	stream.linear.gather [hbm4b:s6+s21], $0x2710, $0x38;
	[tilespmem:$0xEF00] =	vst v63  }
0x23: {  	_ =	swait.ge [sflag:s13], $0x2710  }
0x24: {  	[sflag:s13] =	ssyncset.done $0x0  }
0x25: {  	[sflag:s13] =	ssyncadd.s32 $0xFFFFD8F0  }
0x26: {  	[tilespmem:s17], [sflag:$0x1] =	stream.linear.gather [hbm4b:s7+s21], $0x2710, $0x38;
	[tilespmem:$0xEF00] =	vst v63  }
0x27: {  	_ =	swait.ge [sflag:s13], $0x2710  }
0x28: {  	[sflag:s13] =	ssyncset.done $0x0  }
0x29: {  	s21 =	simm.s32 $0x0;
	[sflag:s13] =	ssyncadd.s32 $0xFFFFD8F0  }
0x2a: {  	v4 =	vld [tilespmem:s21+$0x7840]  }
0x2b: {  	v8 =	vld [tilespmem:s21+$0x7830]  }
0x2c: {  	v1 =	vld [tilespmem:s21+$0x50C0]  }
0x2d: {  	v9 =	vld [tilespmem:s21+$0x7820]  }
0x2e: {  	v2 =	vld [tilespmem:s21+$0x50B0]  }
0x2f: {  	v10 =	vld [tilespmem:s21+$0x7810]  }
0x30: {  	v3 =	vld [tilespmem:s21+$0x5090]  }
0x31: {  	v6 =	vld [tilespmem:s21+$0x5080]  }
0x32: {  	v5 =	vld [tilespmem:s21+$0x50A0]  }
0x33: {  	v12 =	vld [tilespmem:s21+$0x7800]  }
0x34: {  	v11 =	vld.idx.msk [tilespmem:v4+s14+$0x0], $0xffff  }
0x35: {  	v13 =	vld.idx.msk [tilespmem:v1+s2+$0x0], $0xffff  }
0x36: {  	v9 =	vld.idx.msk [tilespmem:v9+s14+$0x0], $0xffff  }
0x37: {  	v14 =	vld.idx.msk [tilespmem:v2+s2+$0x0], $0xffff  }
0x38: {  	v8 =	vld.idx.msk [tilespmem:v8+s14+$0x0], $0xffff  }
0x39: {  	v15 =	vld.idx.msk [tilespmem:v3+s2+$0x0], $0xffff  }
0x3a: {  	v10 =	vld.idx.msk [tilespmem:v10+s14+$0x0], $0xffff  }
0x3b: {  	v16 =	vld.idx.msk [tilespmem:v6+s2+$0x0], $0xffff  }
0x3c: {  	v12 =	vld.idx.msk [tilespmem:v12+s14+$0x0], $0xffff  }
0x3d: {  	v57 =	vld.idx.msk [tilespmem:v5+s2+$0x0], $0xffff;
	_ =	sdelay $0x2  }
0x3e: {  	v4 =	vbroadcast v7, $0x1;
	v11 =	vadd.f32 v11, v13  }
0x3f: {  	v7 =	vbroadcast v7, $0x2;
	v8 =	vadd.f32 v8, v14;
	v10 =	vadd.f32 v10, v15  }
0x40: {  	v12 =	vadd.f32 v12, v16;
	v9 =	vadd.f32 v9, v57;
	v11 =	vmul.f32 v11, v4  }
0x41: {  	v8 =	vmul.f32 v8, v4;
	v10 =	vmul.f32 v10, v4  }
0x42: {  	v12 =	vmul.f32 v12, v4;
	v9 =	vmul.f32 v9, v4;
	v11 =	vsub.f32 v11, v7  }
0x43: {  	v8 =	vsub.f32 v8, v7;
	v10 =	vsub.f32 v10, v7  }
0x44: {  	v12 =	vsub.f32 v12, v7;
	v9 =	vsub.f32 v9, v7  }
0x45: {  	v58 =	vmul.f32 $5.000000070e-02, v11;
	vm0 =	vge.f32 v11, $0.0e+00;
	v59 =	vmul.f32 $5.000000070e-02, v8  }
0x46: {  	vm13 =	vge.f32 v8, $0.0e+00;
	v60 =	vmul.f32 $5.000000070e-02, v10;
	vm14 =	vge.f32 v10, $0.0e+00  }
0x47: {  	v61 =	vmul.f32 $5.000000070e-02, v12;
	vm15 =	vge.f32 v12, $0.0e+00;
	v11 =	vsel vm0, v11, v58  }
0x48: {  	vm1 =	vge.f32 v9, $0.0e+00;
	v8 =	vsel vm13, v8, v59;
	v11 =	vmul.f32 $1.442695020e+00, v11  }
0x49: {  	v62 =	vmul.f32 $5.000000070e-02, v9;
	v10 =	vsel vm14, v10, v60;
	v8 =	vmul.f32 $1.442695020e+00, v8  }
0x4a: {  	v12 =	vsel vm15, v12, v61;
	v10 =	vmul.f32 $1.442695020e+00, v10;
	(erf) = vpow2.f32 v11  }
0x4b: {  	v9 =	vsel vm1, v9, v62;
	v63 =	vmul.f32 $1.442695020e+00, v12;
	(erf) = vpow2.f32 v8  }
0x4c: {  	v8 =	vmul.f32 $1.442695020e+00, v9;
	(erf) = vpow2.f32 v10  }
0x4d: {  	(erf) = vpow2.f32 v63  }
0x4e: {  	s22 =	simm.s32 $0x140;
	(erf) = vpow2.f32 v8  }
.LBB2_4:
0x4f: {  	_ =	sdelay $0x2  }
0x50: {  	p0 =	sne.s32 s22, $0x9B00;
	s23 =	smov.u32 s22;
	s22 =	sadd.s32 $0x140, s22  }
0x51: {  	v8 =	vpop (erf)  }
0x52: {  	[tilespmem:s21+$0x9FC0] =	vst v8;
	v9 =	vpop (erf)  }
0x53: {  	[tilespmem:s21+$0x9FB0] =	vst v9;
	v10 =	vpop (erf)  }
0x54: {  	[tilespmem:s21+$0x9F90] =	vst v10;
	v11 =	vpop (erf)  }
0x55: {  	[tilespmem:s21+$0x9F80] =	vst v11;
	v12 =	vpop (erf)  }
0x56: {  	[tilespmem:s21+$0x9FA0] =	vst v12  }
0x57: {  	[tilespmem:v6+s18+$0x0] =	vst.idx.add.f32.msk $0xffff, v11  }
0x58: {  	[tilespmem:v3+s18+$0x0] =	vst.idx.add.f32.msk $0xffff, v10  }
0x59: {  	[tilespmem:v5+s18+$0x0] =	vst.idx.add.f32.msk $0xffff, v12  }
0x5a: {  	[tilespmem:v2+s18+$0x0] =	vst.idx.add.f32.msk $0xffff, v9  }
0x5b: {  	s21 =	sshra.s32 s23, $0x2;
	[tilespmem:v1+s18+$0x0] =	vst.idx.add.f32.msk $0xffff, v8  }
0x5c: {  	v8 =	vld [tilespmem:s21+$0x7840]  }
0x5d: {  	v9 =	vld [tilespmem:s21+$0x7830]  }
0x5e: {  	v1 =	vld [tilespmem:s21+$0x50C0]  }
0x5f: {  	v10 =	vld [tilespmem:s21+$0x7820]  }
0x60: {  	v2 =	vld [tilespmem:s21+$0x50B0]  }
0x61: {  	v11 =	vld [tilespmem:s21+$0x7810]  }
0x62: {  	v3 =	vld [tilespmem:s21+$0x5090]  }
0x63: {  	v6 =	vld [tilespmem:s21+$0x5080]  }
0x64: {  	v5 =	vld [tilespmem:s21+$0x50A0]  }
0x65: {  	v8 =	vld.idx.msk [tilespmem:v8+s14+$0x0], $0xffff  }
0x66: {  	v12 =	vld [tilespmem:s21+$0x7800]  }
0x67: {  	v13 =	vld.idx.msk [tilespmem:v1+s2+$0x0], $0xffff  }
0x68: {  	v10 =	vld.idx.msk [tilespmem:v10+s14+$0x0], $0xffff  }
0x69: {  	v14 =	vld.idx.msk [tilespmem:v2+s2+$0x0], $0xffff  }
0x6a: {  	v9 =	vld.idx.msk [tilespmem:v9+s14+$0x0], $0xffff  }
0x6b: {  	v15 =	vld.idx.msk [tilespmem:v3+s2+$0x0], $0xffff  }
0x6c: {  	v11 =	vld.idx.msk [tilespmem:v11+s14+$0x0], $0xffff  }
0x6d: {  	v8 =	vadd.f32 v8, v13;
	v16 =	vld.idx.msk [tilespmem:v6+s2+$0x0], $0xffff  }
0x6e: {  	v12 =	vld.idx.msk [tilespmem:v12+s14+$0x0], $0xffff  }
0x6f: {  	v8 =	vmul.f32 v8, v4;
	v13 =	vld.idx.msk [tilespmem:v5+s2+$0x0], $0xffff  }
0x70: {  	v9 =	vadd.f32 v9, v14  }
0x71: {  	v8 =	vsub.f32 v8, v7  }
0x72: {  	v11 =	vadd.f32 v11, v15;
	v9 =	vmul.f32 v9, v4  }
0x73: {  	vm0 =	vge.f32 v8, $0.0e+00;
	v14 =	vmul.f32 $5.000000070e-02, v8  }
0x74: {  	v12 =	vadd.f32 v12, v16;
	v11 =	vmul.f32 v11, v4;
	v9 =	vsub.f32 v9, v7  }
0x75: {  	v10 =	vadd.f32 v10, v13;
	v8 =	vsel vm0, v8, v14  }
0x76: {  	v12 =	vmul.f32 v12, v4;
	v11 =	vsub.f32 v11, v7;
	v13 =	vmul.f32 $5.000000070e-02, v9  }
0x77: {  	vm0 =	vge.f32 v9, $0.0e+00;
	v8 =	vmul.f32 $1.442695020e+00, v8;
	v10 =	vmul.f32 v10, v4  }
0x78: {  	v12 =	vsub.f32 v12, v7;
	v14 =	vmul.f32 $5.000000070e-02, v11;
	v9 =	vsel vm0, v9, v13  }
0x79: {  	vm0 =	vge.f32 v11, $0.0e+00;
	v10 =	vsub.f32 v10, v7;
	v9 =	vmul.f32 $1.442695020e+00, v9  }
0x7a: {  	v13 =	vmul.f32 $5.000000070e-02, v12;
	v11 =	vsel vm0, v11, v14  }
0x7b: {  	vm0 =	vge.f32 v12, $0.0e+00;
	vm1 =	vge.f32 v10, $0.0e+00;
	v14 =	vmul.f32 $5.000000070e-02, v10  }
.Ltmp1:
0x7c: {  	v11 =	vmul.f32 $1.442695020e+00, v11;
	v12 =	vsel vm0, v12, v13;
	(erf) = vpow2.f32 v8;
	(pc) =	sbr.rel @p0 .LBB2_4-.Ltmp1, $4  }
0x7d: {  	v8 =	vmul.f32 $1.442695020e+00, v12;
	v10 =	vsel vm1, v10, v14;
	(erf) = vpow2.f32 v9  }
0x7e: {  	v9 =	vmul.f32 $1.442695020e+00, v10;
	(erf) = vpow2.f32 v11  }
0x7f: {  	(erf) = vpow2.f32 v8  }
0x80: {  	(erf) = vpow2.f32 v9  }
0x81: {  	_ =	sdelay $0x3  }
0x82: {  	v4 =	vpop (erf)  }
0x83: {  	[tilespmem:s21+$0x9FC0] =	vst v4;
	v7 =	vpop (erf)  }
0x84: {  	[tilespmem:s21+$0x9FB0] =	vst v7;
	v8 =	vpop (erf)  }
0x85: {  	[tilespmem:s21+$0x9F90] =	vst v8;
	v9 =	vpop (erf)  }
0x86: {  	[tilespmem:s21+$0x9F80] =	vst v9;
	v10 =	vpop (erf)  }
0x87: {  	[tilespmem:s21+$0x9FA0] =	vst v10  }
0x88: {  	[tilespmem:v6+s18+$0x0] =	vst.idx.add.f32.msk $0xffff, v9  }
0x89: {  	[tilespmem:v3+s18+$0x0] =	vst.idx.add.f32.msk $0xffff, v8  }
0x8a: {  	[tilespmem:v5+s18+$0x0] =	vst.idx.add.f32.msk $0xffff, v10  }
0x8b: {  	[tilespmem:v2+s18+$0x0] =	vst.idx.add.f32.msk $0xffff, v7  }
0x8c: {  	[tilespmem:v1+s18+$0x0] =	vst.idx.add.f32.msk $0xffff, v4  }
0x8d: {  	[hbm4b:s8+s2] =	stream.linear.scatter [tilespmem:s19], [sflag:$0x1], $0x2710, $0x38;
	[tilespmem:$0xEF00] =	vst v63  }
0x8e: {  	s20 =	sadd.s32 $0x1, s20;
	_ =	swait.ge [sflag:s13], $0x2710  }
0x8f: {  	p0 =	sne.s32 s20, s10;
	[sflag:s13] =	ssyncset.done $0x0  }
.Ltmp2:
0x90: {  	[sflag:s13] =	ssyncadd.s32 $0xFFFFD8F0;
	(pc) =	sbr.rel @p0 .LBB2_1-.Ltmp2, $4  }
0x91: {  	[hbm4b:s9+s11] =	stream.strided.scatter [tilespmem:s18], [sflag:$0x1], $0x2800, s12, s11, $0x38;
	[tilespmem:$0xEF00] =	vst v63  }
0x92: {  	_ =	swait.ge [sflag:s13], $0x2800  }
0x93: {  	[sflag:s13] =	ssyncset.done $0x0  }
0x94: {  	[sflag:s13] =	ssyncadd.s32 $0xFFFFD800  }
0x95: {  	_ =	sfence.sel $0x180000  }
0x96: {  	[bflag:$0x0] =	sbarrier.arrive $0xFFFF  }
0x97: {  	p0 =	sne.s32 s0, $0x0;
	_ =	strace $0x90000047  }
0x98: {  	s0 =	sadd.s32 @!p0 $0x100000, s1;
	[bflag:$0x2] =	sbarrier.arrive $0xFFFF  }
0x99: {  	[sflag:s0] =	ssyncadd.tile.s32 @!p0 $0x1;
	_ =	shalt  }
.Lfunc_end2:
_tile_overlayer_lowered:
.L_overlay_start_2:
0x9a: {  	(tag) =	ssettag $0x2  }
0x9b: {  	s0 =	rddreg [dreg:$0x0];
	s2 =	stileid.u32  }
0x9c: {  	s1 =	rddreg [dreg:$0x1];
	p0 =	sne.s32 s2, $0x0  }
0x9d: {  	s3 =	rddreg [dreg:$0x2];
	[bflag:$0x3] =	sbarrier.arrive $0xFFFF;
	s2 =	simm.s32 @!p0 $0x1C01  }
0x9e: {  	[timem:s3], [sflag:s2] =	dma.local @!p0 [hbm:s0], s1  }
0x9f: {  	s0 =	simm.s32 @!p0 $0x1  }
0xa0: {  	_ =	swait.ge @!p0 [sflag:s0], s1  }
0xa1: {  	s1 =	ssub.s32 @!p0 $0x0, s1;
	[sflag:s0] =	ssyncset.done @!p0 $0x0  }
0xa2: {  	[sflag:s0] =	ssyncadd.s32 @!p0 s1  }
0xa3: {  	[bflag:$0x3] =	sbarrier.arrive $0xFFFF  }
0xa4: {  	_ =	shalt  }

// kernel: kernel.9.cloned.1.call-start
scs
__scs_entry_jumppad:
0x0: {  	(pc) =	sbr.rel $0x88, $3  }
0x1: {  	(tag) =	ssettag $0x0;
	lr =	simm.s32 $0x1  }
0x2: {  	[smem:$0x3F96] =	sst lr;
	_ =	strace $0xD0000000  }
0x3: {  	_ = 	snop  }
0x4: {  	_ = 	snop  }
0x5: {  	_ = 	snop  }
0x6: {  	_ = 	snop  }
0x7: {  	_ = 	snop  }
__scs_overlays_trampoline_lowered:
0x8: {  	[smem:$0x3FA5] =	sst s0  }
0x9: {  	[smem:$0x3FA6] =	sst s1  }
0xa: {  	[smem:$0x3FA7] =	sst s2  }
0xb: {  	[smem:$0x3FA8] =	sst s3  }
0xc: {  	[smem:$0x3FA9] =	sst s4  }
0xd: {  	[smem:$0x3FAA] =	sst s5  }
0xe: {  	[smem:$0x3FAB] =	sst s6  }
0xf: {  	[smem:$0x3FAC] =	sst s7  }
0x10: {  	[smem:$0x3FAD] =	sst s8  }
0x11: {  	[smem:$0x3FAE] =	sst s9;
	s0 =	simm.s32 @!p0 $0x0  }
0x12: {  	s1 =	sld [smem:$0x3F94];
	s0 =	simm.s32 @p0 $0x1  }
0x13: {  	[smem:$0x3FAF] =	sst s0;
	s0 =	simm.s32 @!p1 $0x0  }
0x14: {  	s2 =	sld [smem:$0x3F93];
	s0 =	simm.s32 @p1 $0x1  }
0x15: {  	[smem:$0x3FB0] =	sst s0;
	s0 =	simm.s32 @!p2 $0x0  }
0x16: {  	s3 =	sld [smem:$0x3FDB];
	s0 =	simm.s32 @p2 $0x1  }
0x17: {  	s4 =	simm.s32 $0x1BF5;
	[smem:$0x3FB2] =	sst s0  }
0x18: {  	s0 =	sld [smem:$0x3F95];
	_ =	swait.ge [sflag:s4], $0x0  }
0x19: {  	s7 =	sld [smem:$0x3F96]  }
0x1a: {  	s8 =	sadd.s32 $0xFFFFE003, lr  }
0x1b: {  	s9 =	sadd.s32 $0xFFFFFEF7, lr;
	s5 =	simm.s32 $0xFFFFFFFF;
	p2 =	slt.u32 s8, $0xFFFFF086  }
0x1c: {  	p1 =	slt.u32 s9, $0xF7A;
	s5 =	simm.s32 @!p2 $0x0  }
0x1d: {  	s5 =	simm.s32 @p1 $0x1;
	p0 =	seq.s32 s7, s2  }
0x1e: {  	s7 =	smul.u32 @!p0 $0xF7A, s2;
	p2 =	seq.s32 @!p0 s5, $0x0  }
0x1f: {  	s9 =	smul.u32 $0xF7A, s1;
	s8 =	simm.s32 @!p0 $0x1BF5;
	p2 =	por !p2, p0  }
0x20: {  	[sflag:s8] =	ssyncset.s32 @!p0 $0xFFFFF086;
	s6 =	sadd.s32 @!p0 s3, s7;
	s7 =	simm.s32 @!p0 $0x108  }
0x21: {  	s3 =	sadd.s32 s3, s9;
	s6 =	sadd.s32 @!p0 $0x88, s6;
	s7 =	simm.s32 @p2 $0x1082  }
0x22: {  	[simem:s7], [sflag:s8] =	dma.local @!p0 [hbm:s6], $0xF7A  }
0x23: {  	s9 =	sor.u32 $0xD0000000, s2;
	s6 =	simm.s32 $0x108;
	_ =	swait.ge @!p0 [sflag:s8], $0x0  }
0x24: {  	s3 =	sadd.s32 $0x88, s3;
	s6 =	simm.s32 @!p1 $0x1082;
	[sflag:s4] =	ssyncset.s32 $0xFFFFF086  }
0x25: {  	[simem:s6], [sflag:s4] =	dma.local [hbm:s3], $0xF7A  }
0x26: {  	[smem:$0x3F96] =	sst s1;
	(tag) =	ssettag s2;
	_ =	strace s9  }
0x27: {  	s1 =	sld [smem:$0x3FA6]  }
0x28: {  	s2 =	sld [smem:$0x3FA7]  }
0x29: {  	s4 =	sld [smem:$0x3FA9]  }
0x2a: {  	p0 =	seq.s32 s5, $0x0;
	s5 =	sld [smem:$0x3FAA]  }
0x2b: {  	s6 =	sld [smem:$0x3FAB]  }
0x2c: {  	s7 =	sld [smem:$0x3FAC]  }
0x2d: {  	s3 =	simm.s32 $0x108;
	s8 =	sld [smem:$0x3FAD]  }
0x2e: {  	s3 =	simm.s32 @!p0 $0x1082;
	s9 =	sld [smem:$0x3FAE]  }
0x2f: {  	lr =	sadd.s32 s0, s3;
	s0 =	sld [smem:$0x3FA5]  }
0x30: {  	s3 =	sld [smem:$0x3FA8]  }
0x31: {  	[smem:$0x3FB1] =	sst s10  }
0x32: {  	s10 =	sld [smem:$0x3FAF];
	_ =	sdelay $0x3  }
0x33: {  	p0 =	seq.s32 s10, $0x1;
	s10 =	sld [smem:$0x3FB1];
	_ =	sdelay $0x3  }
0x34: {  	[smem:$0x3FB1] =	sst s10  }
0x35: {  	s10 =	sld [smem:$0x3FB0];
	_ =	sdelay $0x3  }
0x36: {  	p1 =	seq.s32 s10, $0x1;
	s10 =	sld [smem:$0x3FB1];
	_ =	sdelay $0x3  }
0x37: {  	[smem:$0x3FB1] =	sst s10  }
0x38: {  	s10 =	sld [smem:$0x3FB2]  }
0x39: {  	_ = 	snop;
	(pc) =	sbr.ind lr, $3  }
0x3a: {  	_ = 	snop  }
0x3b: {  	_ = 	snop  }
0x3c: {  	p2 =	seq.s32 s10, $0x1;
	s10 =	sld [smem:$0x3FB1]  }
0x3d: {  	_ =	shalt  }
0x3e: {  	_ =	shalt  }
0x3f: {  	_ =	shalt  }
0x40: {  	_ =	shalt  }
0x41: {  	_ =	shalt  }
0x42: {  	_ =	shalt  }
0x43: {  	_ =	shalt  }
0x44: {  	_ =	shalt  }
0x45: {  	_ =	shalt  }
0x46: {  	_ =	shalt  }
0x47: {  	_ =	shalt  }
0x48: {  	_ =	shalt  }
0x49: {  	_ =	shalt  }
0x4a: {  	_ =	shalt  }
0x4b: {  	_ =	shalt  }
0x4c: {  	_ =	shalt  }
0x4d: {  	_ =	shalt  }
0x4e: {  	_ =	shalt  }
0x4f: {  	_ =	shalt  }
0x50: {  	_ =	shalt  }
0x51: {  	_ =	shalt  }
0x52: {  	_ =	shalt  }
0x53: {  	_ =	shalt  }
0x54: {  	_ =	shalt  }
0x55: {  	_ =	shalt  }
0x56: {  	_ =	shalt  }
0x57: {  	_ =	shalt  }
0x58: {  	_ =	shalt  }
0x59: {  	_ =	shalt  }
0x5a: {  	_ =	shalt  }
0x5b: {  	_ =	shalt  }
0x5c: {  	_ =	shalt  }
0x5d: {  	_ =	shalt  }
0x5e: {  	_ =	shalt  }
0x5f: {  	_ =	shalt  }
0x60: {  	_ =	shalt  }
0x61: {  	_ =	shalt  }
0x62: {  	_ =	shalt  }
0x63: {  	_ =	shalt  }
0x64: {  	_ =	shalt  }
0x65: {  	_ =	shalt  }
0x66: {  	_ =	shalt  }
0x67: {  	_ =	shalt  }
0x68: {  	_ =	shalt  }
0x69: {  	_ =	shalt  }
0x6a: {  	_ =	shalt  }
0x6b: {  	_ =	shalt  }
0x6c: {  	_ =	shalt  }
0x6d: {  	_ =	shalt  }
0x6e: {  	_ =	shalt  }
0x6f: {  	_ =	shalt  }
0x70: {  	_ =	shalt  }
0x71: {  	_ =	shalt  }
0x72: {  	_ =	shalt  }
0x73: {  	_ =	shalt  }
0x74: {  	_ =	shalt  }
0x75: {  	_ =	shalt  }
0x76: {  	_ =	shalt  }
0x77: {  	_ =	shalt  }
0x78: {  	_ =	shalt  }
0x79: {  	_ =	shalt  }
0x7a: {  	_ =	shalt  }
0x7b: {  	_ =	shalt  }
0x7c: {  	_ =	shalt  }
0x7d: {  	_ =	shalt  }
0x7e: {  	_ =	shalt  }
0x7f: {  	_ =	shalt  }
0x80: {  	_ =	shalt  }
0x81: {  	_ =	shalt  }
0x82: {  	_ =	shalt  }
0x83: {  	_ =	shalt  }
0x84: {  	_ =	shalt  }
0x85: {  	_ =	shalt  }
0x86: {  	_ =	shalt  }
0x87: {  	_ =	shalt  }
.Lfunc_end0:
.L_simem_size_0:
called_computation.1_lowered:
.L_overlay_start_0:
0x88: {  	s2 =	sld [smem:$0x3FD9]  }
0x89: {  	s3 =	sld [smem:$0x3FFE];
	_ =	sdelay $0x1  }
0x8a: {  	s1 =	srdreg.scid  }
0x8b: {  	s0 =	sand.u32 $0x1, s1  }
0x8c: {  	s16 =	sshll.u32 s0, $0xA;
	s2 =	sadd.s32 s3, s2  }
0x8d: {  	s2 =	sadd.s32 s2, s16  }
0x8e: {  	[smem:$0x3FBD] =	sst s2  }
0x8f: {  	_ = 	snop  }
0x90: {  	(tm) =	ssettm $0x1  }
0x91: {  	s17 =	sld [smem:$0x3FFB];
	_ =	sdelay $0x3  }
0x92: {  	_ =	strace s17  }
0x93: {  	s2 =	sld [smem:$0x3FFC];
	_ =	sdelay $0x3  }
0x94: {  	_ =	strace s2  }
0x95: {  	s2 =	sld [smem:$0x3FFD];
	_ =	sdelay $0x3  }
0x96: {  	_ =	strace s2  }
0x97: {  	_ =	strace $0x8FFFFFFF  }
0x98: {  	s18 =	sld [smem:$0x3FDB];
	_ =	sdelay $0x1  }
0x99: {  	s19 =	simm.s32 $_scs_section_size  }
0x9a: {  	s4 =	simm.s32 $_size__tile_overlayer_lowered;
	s5 =	simm.s32 $_tile_overlayer_lowered  }
0x9b: {  	s22 =	simm.s32 $0x1BFF;
	s21 =	sshll.u32 s5, $0x1;
	s2 =	sadd.s32 s19, s18  }
0x9c: {  	s6 =	simm.s32 $0x0;
	s20 =	sshll.u32 s4, $0x1;
	s4 =	sadd.s32 s21, s2  }
0x9d: {  	[timem:s6], [sflag:s22] =	dma.local [hbm:s4], s20  }
0x9e: {  	_ =	swait.ge [sflag:s22], s20  }
0x9f: {  	s3 =	ssub.s32 $0x0, s20;
	[sflag:s22] =	ssyncset.done $0x0  }
0xa0: {  	[sflag:s22] =	ssyncadd.s32 s3;
	_ =	sdelay $0x1  }
0xa1: {  	s23 =	simm.s32 $0x1B8B  }
0xa2: {  	_ =	swait.ge [sflag:s23], $0x1  }
0xa3: {  	[sflag:s23] =	ssyncset.done $0x0  }
0xa4: {  	s25 =	simm.s32 $0x1B8E;
	s24 =	sld [smem:$0x3FFE];
	[sflag:s23] =	ssyncadd.s32 $0xFFFFFFFF  }
0xa5: {  	s26 =	simm.s32 $execute0_lowered;
	[smem:$0x3FD2] =	sst s25  }
0xa6: {  	s4 =	sshll.u32 s26, $0x1;
	_ =	strace $0x80000049;
	[dreg:$0x1] =	wrdreg $0xFFFFFFFF  }
0xa7: {  	s28 =	simm.s32 $_size_execute0_lowered;
	s2 =	sadd.s32 s2, s4;
	[dreg:$0x0] =	wrdreg $0x0  }
0xa8: {  	s4 =	sshll.u32 s28, $0x1;
	[dreg:$0x2] =	wrdreg s2  }
0xa9: {  	[dreg:$0x3] =	wrdreg s4  }
0xaa: {  	[dreg:$0x4] =	wrdreg $0xC0  }
0xab: {  	_ =	task [dreg:s6], $0x5FFFF  }
0xac: {  	[dreg:$0x1] =	wrdreg $0xFFFFFFFF  }
0xad: {  	[dreg:$0x0] =	wrdreg $0x60  }
0xae: {  	[dreg:$0x2] =	wrdreg s24  }
0xaf: {  	[dreg:$0x3] =	wrdreg $0xA6000  }
0xb0: {  	[dreg:$0x4] =	wrdreg $0x9  }
0xb1: {  	_ =	task.clear_ibuf [dreg:s6], $0x5FFFF;
	_ =	strace $0x90000049  }
0xb2: {  	s29 =	simm.s32 $0x9;
	_ =	strace $0x8000004B  }
0xb3: {  	_ =	swait.ge [sflag:s29], $0x1  }
0xb4: {  	[sflag:s29] =	ssyncadd.s32 $0xFFFFFFFF  }
0xb5: {  	_ =	strace $0x9000004B  }
0xb6: {  	_ =	sfence  }
0xb7: {  	s30 =	sld [smem:$0x0];
	_ =	sdelay $0x2  }
0xb8: {  	s31 =	sshll.u32 s1, $0xD;
	s1 =	sshrl.u32 s1, $0x2  }
0xb9: {  	s3 =	sand.u32 $0x4000, s31;
	s1 =	sadd.s32 s1, s30  }
0xba: {  	s0 =	sor.u32 s3, s0;
	s1 =	sshll.u32 s1, $0x11  }
0xbb: {  	s0 =	sor.u32 s1, s0  }
0xbc: {  	s0 =	sadd.s32 $0x8F2B, s0  }
0xbd: {  	[sflag:s0] =	ssyncadd.remote.s32 $0x1  }
0xbe: {  	_ =	sfence.sel $0xFFFF  }
0xbf: {  	[dreg:$0x0] =	wrdreg $0xFFFFFFFF;
	(pc) =	sbr.abs _section_cstart, $3  }
0xc0: {  	[dreg:$0x1] =	wrdreg $0xFFFFFFFF  }
0xc1: {  	_ =	task.clear_ibuf [dreg:s6], $0x2FFFF;
	_ =	strace $0x9FFFFFFF  }
0xc2: {  	(tm) =	ssettm $0x7FFFFFFF  }
0xc3: {  	_ =	shalt  }
tec
execute0_lowered:
.L_overlay_start_1:
0x0: {  	(tag) =	ssettag $0x1  }
0x1: {  	s0 =	rddreg [dreg:$0x0]  }
0x2: {  	s1 =	srdreg.scid;
	s2 =	rddreg [dreg:$0x1]  }
0x3: {  	s9 =	stileid.u32;
	s3 =	simm.s32 $0x0;
	s29 =	simm.s32 $0x600  }
0x4: {  	s31 =	simm.s32 $0x200;
	s28 =	simm.s32 $0x4;
	s30 =	simm.s32 $0x8  }
0x5: {  	s1 =	sand.u32 $0x1, s1;
	s5 =	smul.u32 $0x14000, s9;
	[smem:$0x7FF] =	sst s3  }
0x6: {  	s8 =	smul.u32 $0x50000, s9;
	s6 =	sadd.s32 $0x1B800, s0;
	s9 =	sshll.u32 s9, $0x1  }
0x7: {  	s4 =	smul.u32 $0x140000, s1;
	_ =	strace $0x8000004A;
	s26 =	ssub.s32 $0x2, s1  }
0x8: {  	s1 =	sor.u32 s1, s9;
	s8 =	sshrl.u32 s8, $0x2;
	s10 =	sshrl.u32 s26, $0x1  }
0x9: {  	s5 =	sadd.s32 s5, s4;
	s4 =	sadd.s32 $0x2E00, s0;
	s12 =	sadd.s32 s8, s2  }
0xa: {  	s8 =	smul.u32 $0x2710, s1;
	s11 =	sadd.s32 $0x5000, s12;
	[dreg:$0x3] =	wrdreg s12  }
0xb: {  	s7 =	sshrl.u32 s5, $0x3;
	s13 =	sadd.s32 $0x7800, s12;
	[dreg:$0x5] =	wrdreg s11  }
0xc: {  	s5 =	sadd.s32 $0x43800, s0;
	s14 =	sadd.s32 $0xA000, s12;
	[dreg:$0x6] =	wrdreg s13  }
0xd: {  	s15 =	sadd.s32 $0xC800, s12;
	s16 =	sadd.s32 $0xF000, s12;
	[dreg:$0x7] =	wrdreg s14  }
0xe: {  	s17 =	sadd.s32 $0x11800, s12;
	s0 =	sadd.s32 s7, s0;
	[dreg:$0x8] =	wrdreg s15  }
0xf: {  	s7 =	ssub.s32 s26, s10;
	s10 =	sadd.s32 $0x2800, s12;
	[dreg:$0x9] =	wrdreg s16  }
0x10: {  	s15 =	sadd.s32 $0x4E200, s8;
	[dreg:$0xa] =	wrdreg s17;
	s18 =	sshrl.u32 s8, $0x3  }
0x11: {  	s13 =	simm.s32 $0x500;
	s14 =	simm.s32 $0x1;
	s16 =	simm.s32 $0x50  }
0x12: {  	s17 =	simm.s32 $0x7E00;
	[dreg:$0x4] =	wrdreg s10;
	s19 =	sshrl.u32 s15, $0x3  }
0x13: {  	s20 =	sadd.s32 s4, s18;
	s21 =	sadd.s32 $0xA, s18;
	s11 =	sadd.s32 s5, s18  }
0x14: {  	s1 =	sadd.s32 $0x14, s18;
	s0 =	sadd.s32 $0x57600, s0;
	[dreg:$0xd] =	wrdreg s11  }
0x15: {  	s24 =	smax.u32 s7, $0x1;
	s10 =	simm.s32 $0x480;
	[dreg:$0x12] =	wrdreg s0  }
0x16: {  	s18 =	simm.s32 $0x2;
	s7 =	simm.s32 $0x7;
	[dreg:$0x13] =	wrdreg s24  }
0x17: {  	s9 =	sadd.s32 s4, s19;
	s22 =	sadd.s32 s4, s21;
	[dreg:$0xb] =	wrdreg s20  }
0x18: {  	s23 =	sadd.s32 s4, s1;
	s1 =	sadd.s32 s5, s1;
	[dreg:$0xc] =	wrdreg s9  }
0x19: {  	s25 =	sadd.s32 $0x9C4A, s20;
	s26 =	sadd.s32 $0x9C54, s20;
	[dreg:$0xe] =	wrdreg s22  }
0x1a: {  	s19 =	simm.s32 $0xD;
	s0 =	simm.s32 $0x400;
	[dreg:$0x10] =	wrdreg s23  }
0x1b: {  	s24 =	simm.s32 $0x300;
	s20 =	simm.s32 $0x5;
	[dreg:$0x11] =	wrdreg s1  }
0x1c: {  	s11 =	simm.s32 $0x0;
	s9 =	sadd.s32 s5, s21;
	[dreg:$0x14] =	wrdreg s25  }
0x1d: {  	[dreg:$0x15] =	wrdreg s26;
	s23 =	simm.s32 $0x580;
	s25 =	simm.s32 $0x6  }
0x1e: {  	v0 =	vimm.f32 $0.0e+00;
	s26 =	simm.s32 $0x9;
	s1 =	simm.s32 $0xB;
	[dreg:$0xf] =	wrdreg s9  }
.LBB2_1:
0x1f: {  	[dreg:$0x16] =	wrdreg s11;
	s9 =	simm.s32 $0x0;
	s11 =	simm.s32 $0x200  }
.LBB2_2:
0x20: {  	p0 =	sne.s32 s11, $0x9E00;
	[tilespmem:s9+$0x670] =	vst v0  }
0x21: {  	[tilespmem:s9+$0x600] =	vst v0  }
0x22: {  	[tilespmem:s9+$0x610] =	vst v0  }
.Ltmp0:
0x23: {  	[tilespmem:s9+$0x620] =	vst v0;
	(pc) =	sbr.rel @p0 .LBB2_2-.Ltmp0, $4  }
0x24: {  	[tilespmem:s9+$0x630] =	vst v0  }
0x25: {  	[tilespmem:s9+$0x640] =	vst v0  }
0x26: {  	[tilespmem:s9+$0x650] =	vst v0  }
0x27: {  	[tilespmem:s9+$0x660] =	vst v0;
	s9 =	sshra.s32 s11, $0x2;
	s11 =	sadd.s32 $0x200, s11  }
0x28: {  	[tilespmem:s9+$0x670] =	vst v0  }
0x29: {  	[tilespmem:s9+$0x600] =	vst v0  }
0x2a: {  	[tilespmem:s9+$0x610] =	vst v0  }
0x2b: {  	[tilespmem:s9+$0x620] =	vst v0  }
0x2c: {  	[tilespmem:s9+$0x630] =	vst v0  }
0x2d: {  	[tilespmem:s9+$0x640] =	vst v0  }
0x2e: {  	[tilespmem:s9+$0x650] =	vst v0  }
0x2f: {  	[tilespmem:s9+$0x660] =	vst v0  }
0x30: {  	[spmem:s12] =	stream.linear.scatter [tilespmem:s29], [sflag:$0xD], $0x2800, $0x38;
	[tilespmem:$0x1E600] =	vst v63  }
0x31: {  	_ =	swait.ge [sflag:s19], $0x2800  }
0x32: {  	[sflag:s19] =	ssyncset.done $0x0  }
0x33: {  	s11 =	rddreg [dreg:$0x4];
	[sflag:s19] =	ssyncadd.s32 $0xFFFFD800  }
0x34: {  	[spmem:s11] =	stream.linear.scatter [tilespmem:s29], [sflag:$0xD], $0x2800, $0x38;
	[tilespmem:$0x1E600] =	vst v63  }
0x35: {  	_ =	swait.ge [sflag:s19], $0x2800  }
0x36: {  	[sflag:s19] =	ssyncset.done $0x0  }
0x37: {  	s12 =	rddreg [dreg:$0x5];
	[sflag:s19] =	ssyncadd.s32 $0xFFFFD800  }
0x38: {  	[spmem:s12] =	stream.linear.scatter [tilespmem:s29], [sflag:$0xD], $0x2800, $0x38;
	[tilespmem:$0x1E600] =	vst v63  }
0x39: {  	_ =	swait.ge [sflag:s19], $0x2800  }
0x3a: {  	[sflag:s19] =	ssyncset.done $0x0  }
0x3b: {  	s21 =	rddreg [dreg:$0x6];
	[sflag:s19] =	ssyncadd.s32 $0xFFFFD800  }
0x3c: {  	[spmem:s21] =	stream.linear.scatter [tilespmem:s29], [sflag:$0xD], $0x2800, $0x38;
	[tilespmem:$0x1E600] =	vst v63  }
0x3d: {  	_ =	swait.ge [sflag:s19], $0x2800  }
0x3e: {  	[sflag:s19] =	ssyncset.done $0x0  }
0x3f: {  	s22 =	rddreg [dreg:$0x7];
	[sflag:s19] =	ssyncadd.s32 $0xFFFFD800  }
0x40: {  	[spmem:s22] =	stream.linear.scatter [tilespmem:s29], [sflag:$0xD], $0x2800, $0x38;
	[tilespmem:$0x1E600] =	vst v63  }
0x41: {  	_ =	swait.ge [sflag:s19], $0x2800  }
0x42: {  	[sflag:s19] =	ssyncset.done $0x0  }
0x43: {  	s11 =	rddreg [dreg:$0x8];
	[sflag:s19] =	ssyncadd.s32 $0xFFFFD800  }
0x44: {  	[spmem:s11] =	stream.linear.scatter [tilespmem:s29], [sflag:$0xD], $0x2800, $0x38;
	[tilespmem:$0x1E600] =	vst v63  }
0x45: {  	_ =	swait.ge [sflag:s19], $0x2800  }
0x46: {  	[sflag:s19] =	ssyncset.done $0x0  }
0x47: {  	s12 =	rddreg [dreg:$0x9];
	[sflag:s19] =	ssyncadd.s32 $0xFFFFD800  }
0x48: {  	[spmem:s12] =	stream.linear.scatter [tilespmem:s29], [sflag:$0xD], $0x2800, $0x38;
	[tilespmem:$0x1E600] =	vst v63  }
0x49: {  	_ =	swait.ge [sflag:s19], $0x2800  }
0x4a: {  	[sflag:s19] =	ssyncset.done $0x0  }
0x4b: {  	s21 =	rddreg [dreg:$0xa];
	[sflag:s19] =	ssyncadd.s32 $0xFFFFD800  }
0x4c: {  	[spmem:s21] =	stream.linear.scatter [tilespmem:s29], [sflag:$0xD], $0x2800, $0x38;
	[tilespmem:$0x1E600] =	vst v63  }
0x4d: {  	_ =	swait.ge [sflag:s19], $0x2800  }
0x4e: {  	[sflag:s19] =	ssyncset.done $0x0  }
0x4f: {  	[sflag:s19] =	ssyncadd.s32 $0xFFFFD800  }
0x50: {  	[bflag:$0x0] =	sbarrier.arrive $0xFFFF  }
0x51: {  	s9 =	simm.s32 $0x0;
	s11 =	rddreg [dreg:$0xb]  }
0x52: {  	[tilespmem:s9], [sflag:$0x1] =	stream.linear.gather [hbm4b:s11+s9], $0x50, $0x38;
	[tilespmem:$0x1E600] =	vst v63  }
0x53: {  	s22 =	rddreg [dreg:$0xc]  }
0x54: {  	[tilespmem:s31], [sflag:$0x1] =	stream.linear.gather [hbm4b:s22+s9], $0x50, $0x38;
	[tilespmem:$0x1E600] =	vst v63  }
0x55: {  	s12 =	rddreg [dreg:$0xd]  }
0x56: {  	[tilespmem:s0], [sflag:$0x1] =	stream.linear.gather [hbm4b:s12+s9], $0x50, $0x38;
	[tilespmem:$0x1E600] =	vst v63  }
0x57: {  	s21 =	simm.s32 $0x80;
	s19 =	rddreg [dreg:$0xe]  }
0x58: {  	[tilespmem:s21], [sflag:$0x2] =	stream.linear.gather [hbm4b:s19+s9], $0x50, $0x38;
	[tilespmem:$0x1E600] =	vst v63  }
0x59: {  	s22 =	rddreg [dreg:$0x14];
	s12 =	simm.s32 $0x280  }
0x5a: {  	[tilespmem:s12], [sflag:$0x2] =	stream.linear.gather [hbm4b:s22+s9], $0x50, $0x38;
	[tilespmem:$0x1E600] =	vst v63  }
0x5b: {  	s19 =	rddreg [dreg:$0xf]  }
0x5c: {  	[tilespmem:s10], [sflag:$0x2] =	stream.linear.gather [hbm4b:s19+s9], $0x50, $0x38;
	[tilespmem:$0x1E600] =	vst v63  }
0x5d: {  	s21 =	rddreg [dreg:$0x10];
	s22 =	simm.s32 $0x100  }
0x5e: {  	[tilespmem:s22], [sflag:$0x3] =	stream.linear.gather [hbm4b:s21+s9], $0x50, $0x38;
	[tilespmem:$0x1E600] =	vst v63  }
0x5f: {  	s19 =	rddreg [dreg:$0x15]  }
0x60: {  	[tilespmem:s24], [sflag:$0x3] =	stream.linear.gather [hbm4b:s19+s9], $0x50, $0x38;
	[tilespmem:$0x1E600] =	vst v63  }
0x61: {  	s21 =	rddreg [dreg:$0x11]  }
0x62: {  	[tilespmem:s13], [sflag:$0x3] =	stream.linear.gather [hbm4b:s21+s9], $0x50, $0x38;
	[tilespmem:$0x1E600] =	vst v63  }
0x63: {  	_ =	swait.ge [sflag:s14], $0x50  }
0x64: {  	[sflag:s14] =	ssyncset.done $0x0  }
0x65: {  	[sflag:s14] =	ssyncadd.s32 $0xFFFFFFB0  }
0x66: {  	_ =	swait.ge [sflag:s14], $0x50  }
0x67: {  	[sflag:s14] =	ssyncset.done $0x0  }
0x68: {  	[sflag:s14] =	ssyncadd.s32 $0xFFFFFFB0  }
0x69: {  	_ =	swait.ge [sflag:s14], $0x50  }
0x6a: {  	[sflag:s14] =	ssyncset.done $0x0  }
0x6b: {  	[sflag:s14] =	ssyncadd.s32 $0xFFFFFFB0  }
0x6c: {  	[tilespmem:s29], [sflag:$0x5] =	stream.indirect.gather [hbm4b:s6+s16], $0x80, s31, s16, $0xb8;
	[tilespmem:$0x1E600] =	vst v63  }
0x6d: {  	_ =	swait.ge [sflag:s18], $0x50  }
0x6e: {  	[sflag:s18] =	ssyncset.done $0x0  }
0x6f: {  	[sflag:s18] =	ssyncadd.s32 $0xFFFFFFB0  }
0x70: {  	_ =	swait.ge [sflag:s18], $0x50  }
0x71: {  	[sflag:s18] =	ssyncset.done $0x0  }
0x72: {  	[sflag:s18] =	ssyncadd.s32 $0xFFFFFFB0  }
0x73: {  	_ =	swait.ge [sflag:s18], $0x50  }
0x74: {  	[sflag:s18] =	ssyncset.done $0x0  }
0x75: {  	s22 =	simm.s32 $0x2E00;
	[sflag:s18] =	ssyncadd.s32 $0xFFFFFFB0  }
0x76: {  	[tilespmem:s22], [sflag:$0x6] =	stream.indirect.gather [hbm4b:s6+s16], $0x80, s12, s16, $0xb8;
	[tilespmem:$0x1E600] =	vst v63  }
.LBB2_4:
0x77: {  	_ =	swait.ge [sflag:s20], $0x2800  }
0x78: {  	[sflag:s20] =	ssyncset.done $0x0  }
0x79: {  	s11 =	simm.s32 $0x700;
	[sflag:s20] =	ssyncadd.s32 $0xFFFFD800  }
0x7a: {  	v3 =	vld [tilespmem:s11+$0xD0]  }
0x7b: {  	v4 =	vld [tilespmem:s11+$0xF0]  }
0x7c: {  	v5 =	vld [tilespmem:s11+$0xFFFFFFF0]  }
0x7d: {  	v6 =	vld [tilespmem:s11+$0x0]  }
0x7e: {  	v7 =	vld [tilespmem:s11+$0x10]  }
0x7f: {  	v8 =	vld [tilespmem:s11+$0x20]  }
0x80: {  	v9 =	vld [tilespmem:s11+$0x30]  }
0x81: {  	v10 =	vld [tilespmem:s11+$0x50]  }
0x82: {  	v11 =	vld [tilespmem:s11+$0x60]  }
0x83: {  	s19 =	simm.s32 $0x3;
	v13 =	vld [tilespmem:s11+$0x80]  }
0x84: {  	s12 =	simm.s32 $0x0;
	v2 =	vmov s19;
	v16 =	vld [tilespmem:s11+$0x90]  }
0x85: {  	s21 =	simm.s32 $0x1;
	v1 =	vmov s12;
	v18 =	vld [tilespmem:s11+$0x40]  }
0x86: {  	s22 =	simm.s32 $0x2;
	v12 =	vmov s21;
	v1 =	vand.u32 $0xFFFFFFFC, v1;
	v19 =	vld [tilespmem:s11+$0xB0]  }
0x87: {  	v14 =	vbroadcast v1, $0x0;
	v1 =	vand.u32 $0xFFFFFFFD, v12;
	v12 =	vmov s22;
	v20 =	vld [tilespmem:s11+$0xC0]  }
0x88: {  	v22 =	vld [tilespmem:s11+$0xFFFFFFC0];
	v15 =	vbroadcast v1, $0x0;
	v1 =	vand.u32 $0xFFFFFFFE, v12  }
0x89: {  	v17 =	vbroadcast v1, $0x0;
	v1 =	vld.idx.msk [tilespmem:v2+s0+$0x0], $0xffff  }
0x8a: {  	v23 =	vld [tilespmem:s11+$0xFFFFFFB0]  }
0x8b: {  	v61 =	vld [tilespmem:s11+$0xFFFFFF90]  }
0x8c: {  	v24 =	vld [tilespmem:s11+$0xFFFFFF60]  }
0x8d: {  	v21 =	vld.idx.msk [tilespmem:v14+s0+$0x0], $0xffff  }
0x8e: {  	v14 =	vld.idx.msk [tilespmem:v15+s0+$0x0], $0xffff;
	v3 =	vmul.f32 v3, v1  }
0x8f: {  	v62 =	vld [tilespmem:s11+$0xFFFFFF40];
	v20 =	vmul.f32 v20, v1  }
0x90: {  	v2 =	vld.idx.msk [tilespmem:v17+s0+$0x0], $0xffff;
	v13 =	vmul.f32 v13, v1;
	[tilespmem:s11+$0xD0] =	vst v3  }
0x91: {  	v15 =	vld [tilespmem:s11+$0xFFFFFFE0];
	v19 =	vmul.f32 v19, v1;
	[tilespmem:s11+$0xC0] =	vst v20  }
0x92: {  	v17 =	vld [tilespmem:s11+$0xFFFFFFD0];
	v4 =	vmul.f32 v4, v1;
	[tilespmem:s11+$0x80] =	vst v13  }
0x93: {  	v3 =	vld [tilespmem:s11+$0xFFFFFFA0];
	[tilespmem:s11+$0xB0] =	vst v19;
	v5 =	vmul.f32 v5, v14  }
0x94: {  	v13 =	vld [tilespmem:s11+$0xFFFFFF80];
	[tilespmem:s11+$0xF0] =	vst v4;
	v23 =	vmul.f32 v23, v14  }
0x95: {  	v19 =	vld [tilespmem:s11+$0xFFFFFF70];
	v6 =	vmul.f32 v6, v2;
	[tilespmem:s11+$0xFFFFFFF0] =	vst v5  }
0x96: {  	v25 =	vld [tilespmem:s11+$0xFFFFFF30];
	v7 =	vmul.f32 v7, v2;
	v8 =	vmul.f32 v8, v2;
	[tilespmem:s11+$0xFFFFFFB0] =	vst v23  }
0x97: {  	v12 =	vld [tilespmem:s11+$0xA0];
	v9 =	vmul.f32 v9, v2;
	v5 =	vmul.f32 v15, v14;
	[tilespmem:s11+$0x0] =	vst v6  }
0x98: {  	v63 =	vld [tilespmem:s11+$0xFFFFFF10];
	v15 =	vmul.f32 v22, v14;
	v6 =	vmul.f32 v17, v14;
	[tilespmem:s11+$0x10] =	vst v7  }
0x99: {  	v26 =	vld [tilespmem:s11+$0xFFFFFF00];
	v4 =	vmul.f32 v3, v14;
	v3 =	vmul.f32 v18, v2;
	[tilespmem:s11+$0x20] =	vst v8  }
0x9a: {  	v17 =	vld [tilespmem:s11+$0xFFFFFF50];
	v7 =	vmul.f32 v13, v14;
	v8 =	vmul.f32 v19, v21;
	[tilespmem:s11+$0x30] =	vst v9  }
0x9b: {  	v18 =	vld [tilespmem:s11+$0xFFFFFF20];
	v13 =	vmul.f32 v16, v1;
	v9 =	vmul.f32 v24, v21;
	[tilespmem:s11+$0xFFFFFFE0] =	vst v5  }
0x9c: {  	v5 =	vmul.f32 v61, v14;
	[tilespmem:s11+$0xFFFFFFC0] =	vst v15;
	v14 =	vmul.f32 v12, v1  }
0x9d: {  	v15 =	vmul.f32 v11, v2;
	[tilespmem:s11+$0xFFFFFFD0] =	vst v6;
	v6 =	vmul.f32 v10, v2  }
0x9e: {  	v11 =	vmul.f32 v62, v21;
	v12 =	vmul.f32 v25, v21;
	[tilespmem:s11+$0xA0] =	vst v14  }
0x9f: {  	v16 =	vld [tilespmem:s11+$0xE0];
	v14 =	vmul.f32 v63, v21;
	[tilespmem:s11+$0x50] =	vst v6;
	v6 =	vmul.f32 v26, v21  }
0xa0: {  	s12 =	simm.s32 $0x7;
	s19 =	simm.s32 $0x900;
	[tilespmem:s11+$0x90] =	vst v13;
	v10 =	vmul.f32 v17, v21;
	v13 =	vmul.f32 v18, v21;
	v17 =	vld [tilespmem:s11+$0x70]  }
.LBB2_5:
0xa1: {  	s21 =	sadd.s32 $0xFFFFFFFD, s12  }
0xa2: {  	v18 =	vmov s12;
	v19 =	vld [tilespmem:s19+$0xD0];
	p0 =	sne.s32 s12, $0x4F;
	[tilespmem:s11+$0x60] =	vst v15;
	s22 =	smov.u32 s12;
	s12 =	sadd.s32 $0x4, s12  }
0xa3: {  	v15 =	vmov s21;
	s21 =	sadd.s32 $0xFFFFFFFE, s22;
	v20 =	vld [tilespmem:s19+$0xF0];
	[tilespmem:s11+$0xFFFFFFA0] =	vst v4  }
0xa4: {  	v4 =	vand.u32 $0xFFFFFFFC, v15;
	v15 =	vmov s21;
	s21 =	sadd.s32 $0xFFFFFFFF, s22;
	v21 =	vld [tilespmem:s19+$0xFFFFFFF0];
	[tilespmem:s11+$0xFFFFFF90] =	vst v5  }
0xa5: {  	v4 =	vbroadcast v4, $0x0;
	v5 =	vand.u32 $0xFFFFFFFD, v15;
	v15 =	vmov s21;
	v22 =	vld [tilespmem:s19+$0x0];
	[tilespmem:s11+$0xFFFFFF80] =	vst v7  }
0xa6: {  	v5 =	vbroadcast v5, $0x0;
	v7 =	vand.u32 $0xFFFFFFFE, v15;
	v15 =	vld [tilespmem:s19+$0x10];
	[tilespmem:s11+$0xFFFFFF70] =	vst v8;
	v2 =	vmul.f32 v17, v2  }
0xa7: {  	v1 =	vmul.f32 v16, v1;
	v7 =	vbroadcast v7, $0x0;
	v8 =	vld [tilespmem:s19+$0x20];
	[tilespmem:s11+$0xFFFFFF60] =	vst v9  }
0xa8: {  	v9 =	vld [tilespmem:s19+$0x30];
	[tilespmem:s11+$0xFFFFFF50] =	vst v10  }
0xa9: {  	v10 =	vld [tilespmem:s19+$0x50];
	[tilespmem:s11+$0xFFFFFF40] =	vst v11  }
0xaa: {  	v11 =	vld [tilespmem:s19+$0x60];
	[tilespmem:s11+$0xFFFFFF30] =	vst v12  }
0xab: {  	v12 =	vld [tilespmem:s19+$0x80];
	[tilespmem:s11+$0xFFFFFF20] =	vst v13  }
0xac: {  	v13 =	vld [tilespmem:s19+$0x90];
	[tilespmem:s11+$0xFFFFFF10] =	vst v14  }
0xad: {  	v14 =	vld [tilespmem:s19+$0xA0];
	[tilespmem:s11+$0x40] =	vst v3  }
0xae: {  	v3 =	vld [tilespmem:s19+$0x40];
	[tilespmem:s11+$0x70] =	vst v2  }
0xaf: {  	v16 =	vld [tilespmem:s19+$0xB0];
	[tilespmem:s11+$0xE0] =	vst v1  }
0xb0: {  	v17 =	vld [tilespmem:s19+$0xC0];
	[tilespmem:s11+$0xFFFFFF00] =	vst v6;
	s11 =	smov.u32 s19  }
0xb1: {  	v1 =	vld.idx.msk [tilespmem:v18+s0+$0x0], $0xffff  }
0xb2: {  	v6 =	vld.idx.msk [tilespmem:v4+s0+$0x0], $0xffff  }
0xb3: {  	v18 =	vld.idx.msk [tilespmem:v5+s0+$0x0], $0xffff  }
0xb4: {  	v2 =	vld.idx.msk [tilespmem:v7+s0+$0x0], $0xffff  }
0xb5: {  	v4 =	vld [tilespmem:s19+$0xFFFFFFE0]  }
0xb6: {  	v5 =	vld [tilespmem:s19+$0xFFFFFFD0]  }
0xb7: {  	v19 =	vmul.f32 v19, v1;
	v20 =	vmul.f32 v20, v1;
	v7 =	vld [tilespmem:s19+$0xFFFFFFC0]  }
0xb8: {  	v12 =	vmul.f32 v12, v1;
	v17 =	vmul.f32 v17, v1;
	v23 =	vld [tilespmem:s19+$0xFFFFFFB0]  }
0xb9: {  	v16 =	vmul.f32 v16, v1;
	v21 =	vmul.f32 v21, v18;
	v24 =	vld [tilespmem:s19+$0xFFFFFFA0];
	[tilespmem:s19+$0xD0] =	vst v19  }
0xba: {  	v22 =	vmul.f32 v22, v2;
	v19 =	vld [tilespmem:s19+$0xFFFFFF90];
	v25 =	vmul.f32 v4, v18;
	[tilespmem:s19+$0xC0] =	vst v17  }
0xbb: {  	v27 =	vmul.f32 v15, v2;
	v17 =	vld [tilespmem:s19+$0xFFFFFF80];
	v26 =	vmul.f32 v5, v18;
	[tilespmem:s19+$0x80] =	vst v12  }
0xbc: {  	v29 =	vmul.f32 v8, v2;
	v12 =	vld [tilespmem:s19+$0xFFFFFF70];
	v28 =	vmul.f32 v7, v18;
	[tilespmem:s19+$0xB0] =	vst v16  }
0xbd: {  	v16 =	vld [tilespmem:s19+$0xFFFFFF60];
	v23 =	vmul.f32 v23, v18;
	[tilespmem:s19+$0xFFFFFFF0] =	vst v21;
	v21 =	vmul.f32 v9, v2  }
0xbe: {  	v3 =	vmul.f32 v3, v2;
	v30 =	vld [tilespmem:s19+$0xFFFFFF50];
	v4 =	vmul.f32 v24, v18;
	[tilespmem:s19+$0x0] =	vst v22  }
0xbf: {  	v22 =	vld [tilespmem:s19+$0xFFFFFF40];
	v5 =	vmul.f32 v19, v18;
	v19 =	vmul.f32 v10, v2;
	[tilespmem:s19+$0xF0] =	vst v20  }
0xc0: {  	v15 =	vmul.f32 v11, v2;
	v20 =	vld [tilespmem:s19+$0xFFFFFF30];
	v7 =	vmul.f32 v17, v18;
	[tilespmem:s19+$0xFFFFFFE0] =	vst v25  }
0xc1: {  	v18 =	vmul.f32 v13, v1;
	v17 =	vld [tilespmem:s19+$0xFFFFFF20];
	v8 =	vmul.f32 v12, v6;
	[tilespmem:s19+$0x10] =	vst v27  }
0xc2: {  	v24 =	vld [tilespmem:s19+$0xFFFFFF10];
	v9 =	vmul.f32 v16, v6;
	[tilespmem:s19+$0xFFFFFFD0] =	vst v26;
	v16 =	vmul.f32 v14, v1  }
0xc3: {  	v25 =	vld [tilespmem:s19+$0xFFFFFF00];
	v10 =	vmul.f32 v30, v6;
	[tilespmem:s19+$0xFFFFFFC0] =	vst v28  }
0xc4: {  	v11 =	vmul.f32 v22, v6;
	[tilespmem:s19+$0x20] =	vst v29  }
.Ltmp1:
0xc5: {  	v12 =	vmul.f32 v20, v6;
	[tilespmem:s19+$0x30] =	vst v21;
	(pc) =	sbr.rel @p0 .LBB2_5-.Ltmp1, $4  }
0xc6: {  	v13 =	vmul.f32 v17, v6;
	[tilespmem:s19+$0x50] =	vst v19  }
0xc7: {  	v14 =	vmul.f32 v24, v6;
	[tilespmem:s19+$0x90] =	vst v18  }
0xc8: {  	v6 =	vmul.f32 v25, v6;
	[tilespmem:s19+$0xA0] =	vst v16;
	v16 =	vld [tilespmem:s19+$0xE0]  }
0xc9: {  	s19 =	sadd.s32 $0x200, s19;
	[tilespmem:s11+$0xFFFFFFB0] =	vst v23;
	v17 =	vld [tilespmem:s11+$0x70]  }
0xca: {  	[tilespmem:s11+$0x60] =	vst v15  }
0xcb: {  	[tilespmem:s11+$0xFFFFFFA0] =	vst v4  }
0xcc: {  	[tilespmem:s11+$0xFFFFFF90] =	vst v5  }
0xcd: {  	[tilespmem:s11+$0xFFFFFF80] =	vst v7  }
0xce: {  	[tilespmem:s11+$0xFFFFFF70] =	vst v8  }
0xcf: {  	[tilespmem:s11+$0xFFFFFF60] =	vst v9  }
0xd0: {  	[tilespmem:s11+$0xFFFFFF50] =	vst v10  }
0xd1: {  	[tilespmem:s11+$0xFFFFFF40] =	vst v11  }
0xd2: {  	[tilespmem:s11+$0xFFFFFF30] =	vst v12  }
0xd3: {  	[tilespmem:s11+$0xFFFFFF20] =	vst v13  }
0xd4: {  	[tilespmem:s11+$0xFFFFFF10] =	vst v14  }
0xd5: {  	[tilespmem:s11+$0x40] =	vst v3;
	v1 =	vmul.f32 v16, v1  }
0xd6: {  	[tilespmem:s11+$0xFFFFFF00] =	vst v6;
	v2 =	vmul.f32 v17, v2  }
0xd7: {  	[tilespmem:s11+$0xE0] =	vst v1  }
0xd8: {  	p0 =	seq.s32 s9, $0x0;
	[tilespmem:s11+$0x70] =	vst v2;
	s11 =	smul.u32 $0x140, s9  }
0xd9: {  	[spmem:s2] =	stream.indirect.scatter.add.f32 [tilespmem:s29], [sflag:$0x9], $0x80, s3, s16, $0xb8;
	[tilespmem:$0x1E600] =	vst v63  }
0xda: {  	s12 =	simm.s32 @!p0 $0xC;
	s19 =	sadd.s32 $0xF0, s11  }
0xdb: {  	_ =	swait.ge @!p0 [sflag:s12], $0x2800;
	s21 =	sadd.s32 s8, s19  }
0xdc: {  	s22 =	simm.s32 $0x180;
	[sflag:s12] =	ssyncset.done @!p0 $0x0;
	s21 =	sshrl.u32 s21, $0x3  }
0xdd: {  	s19 =	sadd.s32 s15, s19;
	[sflag:s12] =	ssyncadd.s32 @!p0 $0xFFFFD800;
	s12 =	sadd.s32 s4, s21  }
0xde: {  	[tilespmem:s22], [sflag:$0x4] =	stream.linear.gather [hbm4b:s12+s3], $0x50, $0x38;
	[tilespmem:$0x1E600] =	vst v63  }
0xdf: {  	s12 =	sshrl.u32 s19, $0x3  }
0xe0: {  	s22 =	simm.s32 $0x380;
	s12 =	sadd.s32 s4, s12  }
0xe1: {  	[tilespmem:s22], [sflag:$0x4] =	stream.linear.gather [hbm4b:s12+s3], $0x50, $0x38;
	[tilespmem:$0x1E600] =	vst v63  }
0xe2: {  	s21 =	sadd.s32 s5, s21;
	s19 =	simm.s32 $0x3  }
0xe3: {  	[tilespmem:s23], [sflag:$0x4] =	stream.linear.gather [hbm4b:s21+s3], $0x50, $0x38;
	[tilespmem:$0x1E600] =	vst v63  }
0xe4: {  	_ =	swait.ge [sflag:s19], $0x50  }
0xe5: {  	[sflag:s19] =	ssyncset.done $0x0  }
0xe6: {  	[sflag:s19] =	ssyncadd.s32 $0xFFFFFFB0  }
0xe7: {  	_ =	swait.ge [sflag:s19], $0x50  }
0xe8: {  	[sflag:s19] =	ssyncset.done $0x0  }
0xe9: {  	[sflag:s19] =	ssyncadd.s32 $0xFFFFFFB0  }
0xea: {  	_ =	swait.ge [sflag:s19], $0x50  }
0xeb: {  	[sflag:s19] =	ssyncset.done $0x0  }
0xec: {  	s22 =	simm.s32 $0x5600;
	[sflag:s19] =	ssyncadd.s32 $0xFFFFFFB0  }
0xed: {  	[tilespmem:s22], [sflag:$0x7] =	stream.indirect.gather [hbm4b:s6+s16], $0x80, s24, s16, $0xb8;
	[tilespmem:$0x1E600] =	vst v63  }
0xee: {  	_ =	swait.ge [sflag:s25], $0x2800  }
0xef: {  	[sflag:s25] =	ssyncset.done $0x0  }
0xf0: {  	s12 =	simm.s32 $0x2F00;
	[sflag:s25] =	ssyncadd.s32 $0xFFFFD800  }
0xf1: {  	v3 =	vld [tilespmem:s12+$0xD0]  }
0xf2: {  	v4 =	vld [tilespmem:s12+$0xF0]  }
0xf3: {  	v5 =	vld [tilespmem:s12+$0xFFFFFFF0]  }
0xf4: {  	v6 =	vld [tilespmem:s12+$0x0]  }
0xf5: {  	v7 =	vld [tilespmem:s12+$0x10]  }
0xf6: {  	v8 =	vld [tilespmem:s12+$0x20]  }
0xf7: {  	v9 =	vld [tilespmem:s12+$0x30]  }
0xf8: {  	s24 =	simm.s32 $0x0;
	v10 =	vld [tilespmem:s12+$0x50]  }
0xf9: {  	s22 =	simm.s32 $0x1;
	v1 =	vmov s24;
	v11 =	vld [tilespmem:s12+$0x60]  }
0xfa: {  	v2 =	vmov s19;
	v12 =	vmov s22;
	s24 =	simm.s32 $0x2;
	v1 =	vand.u32 $0xFFFFFFFC, v1;
	v13 =	vld [tilespmem:s12+$0x80]  }
0xfb: {  	v14 =	vbroadcast v1, $0x0;
	v1 =	vand.u32 $0xFFFFFFFD, v12;
	v12 =	vmov s24;
	v16 =	vld [tilespmem:s12+$0x90]  }
0xfc: {  	v15 =	vbroadcast v1, $0x0;
	v1 =	vand.u32 $0xFFFFFFFE, v12;
	v12 =	vld [tilespmem:s12+$0xA0]  }
0xfd: {  	v18 =	vld [tilespmem:s12+$0x40]  }
0xfe: {  	v19 =	vld [tilespmem:s12+$0xB0]  }
0xff: {  	v20 =	vld [tilespmem:s12+$0xC0]  }
0x100: {  	v17 =	vbroadcast v1, $0x0;
	v1 =	vld.idx.msk [tilespmem:v2+s10+$0x0], $0xffff  }
0x101: {  	v22 =	vld [tilespmem:s12+$0xFFFFFFC0]  }
0x102: {  	v23 =	vld [tilespmem:s12+$0xFFFFFFB0]  }
0x103: {  	v61 =	vld [tilespmem:s12+$0xFFFFFF90]  }
0x104: {  	v21 =	vld.idx.msk [tilespmem:v14+s10+$0x0], $0xffff  }
0x105: {  	v14 =	vld.idx.msk [tilespmem:v15+s10+$0x0], $0xffff;
	v3 =	vmul.f32 v3, v1  }
0x106: {  	v24 =	vld [tilespmem:s12+$0xFFFFFF60];
	v20 =	vmul.f32 v20, v1  }
0x107: {  	v13 =	vmul.f32 v13, v1;
	v2 =	vld.idx.msk [tilespmem:v17+s10+$0x0], $0xffff;
	[tilespmem:s12+$0xD0] =	vst v3  }
0x108: {  	v15 =	vld [tilespmem:s12+$0xFFFFFFE0];
	v19 =	vmul.f32 v19, v1;
	[tilespmem:s12+$0xC0] =	vst v20  }
0x109: {  	v4 =	vmul.f32 v4, v1;
	v17 =	vld [tilespmem:s12+$0xFFFFFFD0];
	[tilespmem:s12+$0x80] =	vst v13  }
0x10a: {  	v3 =	vld [tilespmem:s12+$0xFFFFFFA0];
	[tilespmem:s12+$0xB0] =	vst v19;
	v5 =	vmul.f32 v5, v14  }
0x10b: {  	v13 =	vld [tilespmem:s12+$0xFFFFFF80];
	[tilespmem:s12+$0xF0] =	vst v4;
	v23 =	vmul.f32 v23, v14  }
0x10c: {  	v19 =	vld [tilespmem:s12+$0xFFFFFF70];
	v6 =	vmul.f32 v6, v2;
	[tilespmem:s12+$0xFFFFFFF0] =	vst v5  }
0x10d: {  	v62 =	vld [tilespmem:s12+$0xFFFFFF40];
	v7 =	vmul.f32 v7, v2;
	v8 =	vmul.f32 v8, v2;
	[tilespmem:s12+$0xFFFFFFB0] =	vst v23  }
0x10e: {  	v25 =	vld [tilespmem:s12+$0xFFFFFF30];
	v9 =	vmul.f32 v9, v2;
	v5 =	vmul.f32 v15, v14;
	[tilespmem:s12+$0x0] =	vst v6  }
0x10f: {  	v63 =	vld [tilespmem:s12+$0xFFFFFF10];
	v15 =	vmul.f32 v22, v14;
	v4 =	vmul.f32 v3, v14;
	[tilespmem:s12+$0x10] =	vst v7  }
0x110: {  	v26 =	vld [tilespmem:s12+$0xFFFFFF00];
	v3 =	vmul.f32 v18, v2;
	v6 =	vmul.f32 v17, v14;
	[tilespmem:s12+$0x20] =	vst v8  }
0x111: {  	v18 =	vld [tilespmem:s12+$0xFFFFFF20];
	v7 =	vmul.f32 v13, v14;
	v8 =	vmul.f32 v19, v21;
	[tilespmem:s12+$0x30] =	vst v9  }
0x112: {  	v17 =	vld [tilespmem:s12+$0xFFFFFF50];
	v13 =	vmul.f32 v16, v1;
	v9 =	vmul.f32 v24, v21;
	[tilespmem:s12+$0xFFFFFFE0] =	vst v5  }
0x113: {  	v5 =	vmul.f32 v61, v14;
	[tilespmem:s12+$0xFFFFFFC0] =	vst v15;
	v15 =	vmul.f32 v11, v2  }
0x114: {  	v14 =	vmul.f32 v12, v1;
	v11 =	vmul.f32 v62, v21;
	[tilespmem:s12+$0xFFFFFFD0] =	vst v6  }
0x115: {  	v12 =	vmul.f32 v25, v21;
	v6 =	vmul.f32 v10, v2;
	[tilespmem:s12+$0x90] =	vst v13  }
0x116: {  	v16 =	vld [tilespmem:s12+$0xE0];
	[tilespmem:s12+$0xA0] =	vst v14;
	v14 =	vmul.f32 v63, v21;
	v13 =	vmul.f32 v18, v21  }
0x117: {  	s21 =	simm.s32 $0x3100;
	s19 =	simm.s32 $0x7;
	[tilespmem:s12+$0x50] =	vst v6;
	v6 =	vmul.f32 v26, v21;
	v10 =	vmul.f32 v17, v21;
	v17 =	vld [tilespmem:s12+$0x70]  }
.LBB2_7:
0x118: {  	s22 =	sadd.s32 $0xFFFFFFFD, s19  }
0x119: {  	v18 =	vmov s19;
	v19 =	vld [tilespmem:s21+$0xD0];
	p0 =	sne.s32 s19, $0x4F;
	[tilespmem:s12+$0x60] =	vst v15;
	s24 =	smov.u32 s19;
	s19 =	sadd.s32 $0x4, s19  }
0x11a: {  	v15 =	vmov s22;
	s22 =	sadd.s32 $0xFFFFFFFE, s24;
	v20 =	vld [tilespmem:s21+$0xF0];
	[tilespmem:s12+$0xFFFFFFA0] =	vst v4  }
0x11b: {  	v4 =	vand.u32 $0xFFFFFFFC, v15;
	v15 =	vmov s22;
	s22 =	sadd.s32 $0xFFFFFFFF, s24;
	v21 =	vld [tilespmem:s21+$0xFFFFFFF0];
	[tilespmem:s12+$0xFFFFFF90] =	vst v5  }
0x11c: {  	v4 =	vbroadcast v4, $0x0;
	v5 =	vand.u32 $0xFFFFFFFD, v15;
	v15 =	vmov s22;
	v22 =	vld [tilespmem:s21+$0x0];
	[tilespmem:s12+$0xFFFFFF80] =	vst v7  }
0x11d: {  	v5 =	vbroadcast v5, $0x0;
	v7 =	vand.u32 $0xFFFFFFFE, v15;
	v15 =	vld [tilespmem:s21+$0x10];
	[tilespmem:s12+$0xFFFFFF70] =	vst v8;
	v2 =	vmul.f32 v17, v2  }
0x11e: {  	v1 =	vmul.f32 v16, v1;
	v7 =	vbroadcast v7, $0x0;
	v8 =	vld [tilespmem:s21+$0x20];
	[tilespmem:s12+$0xFFFFFF60] =	vst v9  }
0x11f: {  	v9 =	vld [tilespmem:s21+$0x30];
	[tilespmem:s12+$0xFFFFFF50] =	vst v10  }
0x120: {  	v10 =	vld [tilespmem:s21+$0x50];
	[tilespmem:s12+$0xFFFFFF40] =	vst v11  }
0x121: {  	v11 =	vld [tilespmem:s21+$0x60];
	[tilespmem:s12+$0xFFFFFF30] =	vst v12  }
0x122: {  	v12 =	vld [tilespmem:s21+$0x80];
	[tilespmem:s12+$0xFFFFFF20] =	vst v13  }
0x123: {  	v13 =	vld [tilespmem:s21+$0x90];
	[tilespmem:s12+$0xFFFFFF10] =	vst v14  }
0x124: {  	v14 =	vld [tilespmem:s21+$0xA0];
	[tilespmem:s12+$0x40] =	vst v3  }
0x125: {  	v3 =	vld [tilespmem:s21+$0x40];
	[tilespmem:s12+$0x70] =	vst v2  }
0x126: {  	v16 =	vld [tilespmem:s21+$0xB0];
	[tilespmem:s12+$0xE0] =	vst v1  }
0x127: {  	v17 =	vld [tilespmem:s21+$0xC0];
	[tilespmem:s12+$0xFFFFFF00] =	vst v6;
	s12 =	smov.u32 s21  }
0x128: {  	v1 =	vld.idx.msk [tilespmem:v18+s10+$0x0], $0xffff  }
0x129: {  	v6 =	vld.idx.msk [tilespmem:v4+s10+$0x0], $0xffff  }
0x12a: {  	v18 =	vld.idx.msk [tilespmem:v5+s10+$0x0], $0xffff  }
0x12b: {  	v2 =	vld.idx.msk [tilespmem:v7+s10+$0x0], $0xffff  }
0x12c: {  	v4 =	vld [tilespmem:s21+$0xFFFFFFE0]  }
0x12d: {  	v5 =	vld [tilespmem:s21+$0xFFFFFFD0]  }
0x12e: {  	v19 =	vmul.f32 v19, v1;
	v20 =	vmul.f32 v20, v1;
	v7 =	vld [tilespmem:s21+$0xFFFFFFC0]  }
0x12f: {  	v12 =	vmul.f32 v12, v1;
	v17 =	vmul.f32 v17, v1;
	v23 =	vld [tilespmem:s21+$0xFFFFFFB0]  }
0x130: {  	v16 =	vmul.f32 v16, v1;
	v21 =	vmul.f32 v21, v18;
	v24 =	vld [tilespmem:s21+$0xFFFFFFA0];
	[tilespmem:s21+$0xD0] =	vst v19  }
0x131: {  	v22 =	vmul.f32 v22, v2;
	v19 =	vld [tilespmem:s21+$0xFFFFFF90];
	v25 =	vmul.f32 v4, v18;
	[tilespmem:s21+$0xC0] =	vst v17  }
0x132: {  	v27 =	vmul.f32 v15, v2;
	v17 =	vld [tilespmem:s21+$0xFFFFFF80];
	v26 =	vmul.f32 v5, v18;
	[tilespmem:s21+$0x80] =	vst v12  }
0x133: {  	v29 =	vmul.f32 v8, v2;
	v12 =	vld [tilespmem:s21+$0xFFFFFF70];
	v28 =	vmul.f32 v7, v18;
	[tilespmem:s21+$0xB0] =	vst v16  }
0x134: {  	v16 =	vld [tilespmem:s21+$0xFFFFFF60];
	v23 =	vmul.f32 v23, v18;
	[tilespmem:s21+$0xFFFFFFF0] =	vst v21;
	v21 =	vmul.f32 v9, v2  }
0x135: {  	v3 =	vmul.f32 v3, v2;
	v30 =	vld [tilespmem:s21+$0xFFFFFF50];
	v4 =	vmul.f32 v24, v18;
	[tilespmem:s21+$0x0] =	vst v22  }
0x136: {  	v22 =	vld [tilespmem:s21+$0xFFFFFF40];
	v5 =	vmul.f32 v19, v18;
	v19 =	vmul.f32 v10, v2;
	[tilespmem:s21+$0xF0] =	vst v20  }
0x137: {  	v15 =	vmul.f32 v11, v2;
	v20 =	vld [tilespmem:s21+$0xFFFFFF30];
	v7 =	vmul.f32 v17, v18;
	[tilespmem:s21+$0xFFFFFFE0] =	vst v25  }
0x138: {  	v18 =	vmul.f32 v13, v1;
	v17 =	vld [tilespmem:s21+$0xFFFFFF20];
	v8 =	vmul.f32 v12, v6;
	[tilespmem:s21+$0x10] =	vst v27  }
0x139: {  	v24 =	vld [tilespmem:s21+$0xFFFFFF10];
	v9 =	vmul.f32 v16, v6;
	[tilespmem:s21+$0xFFFFFFD0] =	vst v26;
	v16 =	vmul.f32 v14, v1  }
0x13a: {  	v25 =	vld [tilespmem:s21+$0xFFFFFF00];
	v10 =	vmul.f32 v30, v6;
	[tilespmem:s21+$0xFFFFFFC0] =	vst v28  }
0x13b: {  	v11 =	vmul.f32 v22, v6;
	[tilespmem:s21+$0x20] =	vst v29  }
.Ltmp2:
0x13c: {  	v12 =	vmul.f32 v20, v6;
	[tilespmem:s21+$0x30] =	vst v21;
	(pc) =	sbr.rel @p0 .LBB2_7-.Ltmp2, $4  }
0x13d: {  	v13 =	vmul.f32 v17, v6;
	[tilespmem:s21+$0x50] =	vst v19  }
0x13e: {  	v14 =	vmul.f32 v24, v6;
	[tilespmem:s21+$0x90] =	vst v18  }
0x13f: {  	v6 =	vmul.f32 v25, v6;
	[tilespmem:s21+$0xA0] =	vst v16;
	v16 =	vld [tilespmem:s21+$0xE0]  }
0x140: {  	s21 =	sadd.s32 $0x200, s21;
	[tilespmem:s12+$0xFFFFFFB0] =	vst v23;
	v17 =	vld [tilespmem:s12+$0x70]  }
0x141: {  	[tilespmem:s12+$0x60] =	vst v15  }
0x142: {  	[tilespmem:s12+$0xFFFFFFA0] =	vst v4  }
0x143: {  	[tilespmem:s12+$0xFFFFFF90] =	vst v5  }
0x144: {  	[tilespmem:s12+$0xFFFFFF80] =	vst v7  }
0x145: {  	[tilespmem:s12+$0xFFFFFF70] =	vst v8  }
0x146: {  	[tilespmem:s12+$0xFFFFFF60] =	vst v9  }
0x147: {  	[tilespmem:s12+$0xFFFFFF50] =	vst v10  }
0x148: {  	[tilespmem:s12+$0xFFFFFF40] =	vst v11  }
0x149: {  	[tilespmem:s12+$0xFFFFFF30] =	vst v12  }
0x14a: {  	[tilespmem:s12+$0xFFFFFF20] =	vst v13  }
0x14b: {  	[tilespmem:s12+$0xFFFFFF10] =	vst v14  }
0x14c: {  	[tilespmem:s12+$0x40] =	vst v3;
	v1 =	vmul.f32 v16, v1  }
0x14d: {  	[tilespmem:s12+$0xFFFFFF00] =	vst v6;
	v2 =	vmul.f32 v17, v2  }
0x14e: {  	[tilespmem:s12+$0xE0] =	vst v1  }
0x14f: {  	s21 =	simm.s32 $0x80;
	s19 =	simm.s32 $0x2E00;
	s22 =	sadd.s32 $0x140, s11;
	[tilespmem:s12+$0x70] =	vst v2  }
0x150: {  	[spmem:s2] =	stream.indirect.scatter.add.f32 [tilespmem:s19], [sflag:$0xA], $0x80, s21, s16, $0xb8;
	[tilespmem:$0x1E600] =	vst v63  }
0x151: {  	s24 =	sadd.s32 s8, s22;
	_ =	swait.ge [sflag:s26], $0x2800  }
0x152: {  	s12 =	sadd.s32 s15, s22;
	s19 =	sshrl.u32 s24, $0x3;
	[sflag:s26] =	ssyncset.done $0x0  }
0x153: {  	s12 =	sshrl.u32 s12, $0x3;
	s21 =	sadd.s32 s4, s19;
	[sflag:s26] =	ssyncadd.s32 $0xFFFFD800  }
0x154: {  	[tilespmem:s3], [sflag:$0x1] =	stream.linear.gather [hbm4b:s21+s3], $0x50, $0x38;
	[tilespmem:$0x1E600] =	vst v63  }
0x155: {  	s12 =	sadd.s32 s4, s12  }
0x156: {  	[tilespmem:s31], [sflag:$0x1] =	stream.linear.gather [hbm4b:s12+s3], $0x50, $0x38;
	[tilespmem:$0x1E600] =	vst v63  }
0x157: {  	s19 =	sadd.s32 s5, s19  }
0x158: {  	[tilespmem:s0], [sflag:$0x1] =	stream.linear.gather [hbm4b:s19+s3], $0x50, $0x38;
	[tilespmem:$0x1E600] =	vst v63  }
0x159: {  	_ =	swait.ge [sflag:s28], $0x50  }
0x15a: {  	[sflag:s28] =	ssyncset.done $0x0  }
0x15b: {  	[sflag:s28] =	ssyncadd.s32 $0xFFFFFFB0  }
0x15c: {  	_ =	swait.ge [sflag:s28], $0x50  }
0x15d: {  	[sflag:s28] =	ssyncset.done $0x0  }
0x15e: {  	[sflag:s28] =	ssyncadd.s32 $0xFFFFFFB0  }
0x15f: {  	_ =	swait.ge [sflag:s28], $0x50  }
0x160: {  	[sflag:s28] =	ssyncset.done $0x0  }
0x161: {  	s21 =	simm.s32 $0x380;
	[sflag:s28] =	ssyncadd.s32 $0xFFFFFFB0  }
0x162: {  	[tilespmem:s17], [sflag:$0x8] =	stream.indirect.gather [hbm4b:s6+s16], $0x80, s21, s16, $0xb8;
	[tilespmem:$0x1E600] =	vst v63  }
0x163: {  	_ =	swait.ge [sflag:s7], $0x2800  }
0x164: {  	[sflag:s7] =	ssyncset.done $0x0  }
0x165: {  	s12 =	simm.s32 $0x5700;
	[sflag:s7] =	ssyncadd.s32 $0xFFFFD800  }
0x166: {  	v3 =	vld [tilespmem:s12+$0xD0]  }
0x167: {  	v4 =	vld [tilespmem:s12+$0xF0]  }
0x168: {  	v5 =	vld [tilespmem:s12+$0xFFFFFFF0]  }
0x169: {  	v6 =	vld [tilespmem:s12+$0x0]  }
0x16a: {  	v7 =	vld [tilespmem:s12+$0x10]  }
0x16b: {  	v8 =	vld [tilespmem:s12+$0x20]  }
0x16c: {  	v9 =	vld [tilespmem:s12+$0x30]  }
0x16d: {  	s22 =	simm.s32 $0x0;
	v10 =	vld [tilespmem:s12+$0x50]  }
0x16e: {  	s24 =	simm.s32 $0x3;
	v1 =	vmov s22;
	s22 =	simm.s32 $0x1;
	v11 =	vld [tilespmem:s12+$0x60]  }
0x16f: {  	v2 =	vmov s24;
	v1 =	vand.u32 $0xFFFFFFFC, v1;
	v12 =	vmov s22;
	s24 =	simm.s32 $0x2;
	v13 =	vld [tilespmem:s12+$0x80]  }
0x170: {  	v14 =	vbroadcast v1, $0x0;
	v1 =	vand.u32 $0xFFFFFFFD, v12;
	v12 =	vmov s24;
	v16 =	vld [tilespmem:s12+$0x90]  }
0x171: {  	v15 =	vbroadcast v1, $0x0;
	v1 =	vand.u32 $0xFFFFFFFE, v12;
	v12 =	vld [tilespmem:s12+$0xA0]  }
0x172: {  	v17 =	vbroadcast v1, $0x0;
	v18 =	vld [tilespmem:s12+$0x40]  }
0x173: {  	v19 =	vld [tilespmem:s12+$0xB0]  }
0x174: {  	v20 =	vld [tilespmem:s12+$0xC0]  }
0x175: {  	v1 =	vld.idx.msk [tilespmem:v2+s13+$0x0], $0xffff  }
0x176: {  	v21 =	vld.idx.msk [tilespmem:v14+s13+$0x0], $0xffff  }
0x177: {  	v14 =	vld.idx.msk [tilespmem:v15+s13+$0x0], $0xffff  }
0x178: {  	v2 =	vld.idx.msk [tilespmem:v17+s13+$0x0], $0xffff  }
0x179: {  	v15 =	vld [tilespmem:s12+$0xFFFFFFE0]  }
0x17a: {  	v17 =	vld [tilespmem:s12+$0xFFFFFFD0];
	v3 =	vmul.f32 v3, v1  }
0x17b: {  	v22 =	vld [tilespmem:s12+$0xFFFFFFC0];
	v20 =	vmul.f32 v20, v1  }
0x17c: {  	v23 =	vld [tilespmem:s12+$0xFFFFFFB0];
	v13 =	vmul.f32 v13, v1;
	[tilespmem:s12+$0xD0] =	vst v3  }
0x17d: {  	v61 =	vld [tilespmem:s12+$0xFFFFFF90];
	v19 =	vmul.f32 v19, v1;
	[tilespmem:s12+$0xC0] =	vst v20  }
0x17e: {  	v24 =	vld [tilespmem:s12+$0xFFFFFF60];
	v5 =	vmul.f32 v5, v14;
	[tilespmem:s12+$0x80] =	vst v13  }
0x17f: {  	v62 =	vld [tilespmem:s12+$0xFFFFFF40];
	v6 =	vmul.f32 v6, v2;
	[tilespmem:s12+$0xB0] =	vst v19  }
0x180: {  	v25 =	vld [tilespmem:s12+$0xFFFFFF30];
	v4 =	vmul.f32 v4, v1;
	[tilespmem:s12+$0xFFFFFFF0] =	vst v5  }
0x181: {  	v63 =	vld [tilespmem:s12+$0xFFFFFF10];
	v9 =	vmul.f32 v9, v2;
	[tilespmem:s12+$0x0] =	vst v6  }
0x182: {  	v7 =	vmul.f32 v7, v2;
	v3 =	vld [tilespmem:s12+$0xFFFFFFA0];
	v5 =	vmul.f32 v15, v14;
	[tilespmem:s12+$0xF0] =	vst v4  }
0x183: {  	v26 =	vld [tilespmem:s12+$0xFFFFFF00];
	v8 =	vmul.f32 v8, v2;
	v6 =	vmul.f32 v17, v14;
	[tilespmem:s12+$0x30] =	vst v9  }
0x184: {  	v23 =	vmul.f32 v23, v14;
	v13 =	vld [tilespmem:s12+$0xFFFFFF80];
	v15 =	vmul.f32 v22, v14;
	[tilespmem:s12+$0xFFFFFFE0] =	vst v5  }
0x185: {  	v19 =	vld [tilespmem:s12+$0xFFFFFF70];
	v9 =	vmul.f32 v24, v21;
	[tilespmem:s12+$0xFFFFFFD0] =	vst v6;
	v5 =	vmul.f32 v61, v14  }
0x186: {  	v17 =	vld [tilespmem:s12+$0xFFFFFF50];
	v6 =	vmul.f32 v10, v2;
	[tilespmem:s12+$0xFFFFFFC0] =	vst v15;
	v15 =	vmul.f32 v11, v2  }
0x187: {  	[tilespmem:s12+$0x10] =	vst v7;
	v4 =	vmul.f32 v3, v14;
	v3 =	vmul.f32 v18, v2;
	v18 =	vld [tilespmem:s12+$0xFFFFFF20]  }
0x188: {  	v11 =	vmul.f32 v62, v21;
	[tilespmem:s12+$0x50] =	vst v6;
	v6 =	vmul.f32 v26, v21  }
0x189: {  	[tilespmem:s12+$0x20] =	vst v8;
	v7 =	vmul.f32 v13, v14;
	v13 =	vmul.f32 v16, v1  }
0x18a: {  	[tilespmem:s12+$0xFFFFFFB0] =	vst v23;
	v8 =	vmul.f32 v19, v21;
	v14 =	vmul.f32 v12, v1  }
0x18b: {  	v10 =	vmul.f32 v17, v21;
	v12 =	vmul.f32 v25, v21;
	v16 =	vld [tilespmem:s12+$0xE0];
	[tilespmem:s12+$0x90] =	vst v13  }
0x18c: {  	s19 =	simm.s32 $0x7;
	s21 =	simm.s32 $0x5900;
	v17 =	vld [tilespmem:s12+$0x70];
	[tilespmem:s12+$0xA0] =	vst v14;
	v14 =	vmul.f32 v63, v21;
	v13 =	vmul.f32 v18, v21  }
.LBB2_9:
0x18d: {  	s22 =	sadd.s32 $0xFFFFFFFD, s19  }
0x18e: {  	v18 =	vmov s19;
	v19 =	vld [tilespmem:s21+$0xD0];
	p0 =	sne.s32 s19, $0x4F;
	[tilespmem:s12+$0x60] =	vst v15;
	s24 =	smov.u32 s19;
	s19 =	sadd.s32 $0x4, s19  }
0x18f: {  	v15 =	vmov s22;
	s22 =	sadd.s32 $0xFFFFFFFE, s24;
	v20 =	vld [tilespmem:s21+$0xF0];
	[tilespmem:s12+$0xFFFFFFA0] =	vst v4  }
0x190: {  	v4 =	vand.u32 $0xFFFFFFFC, v15;
	v15 =	vmov s22;
	s22 =	sadd.s32 $0xFFFFFFFF, s24;
	v21 =	vld [tilespmem:s21+$0xFFFFFFF0];
	[tilespmem:s12+$0xFFFFFF90] =	vst v5  }
0x191: {  	v4 =	vbroadcast v4, $0x0;
	v5 =	vand.u32 $0xFFFFFFFD, v15;
	v15 =	vmov s22;
	v22 =	vld [tilespmem:s21+$0x0];
	[tilespmem:s12+$0xFFFFFF80] =	vst v7  }
0x192: {  	v5 =	vbroadcast v5, $0x0;
	v7 =	vand.u32 $0xFFFFFFFE, v15;
	v15 =	vld [tilespmem:s21+$0x10];
	[tilespmem:s12+$0xFFFFFF70] =	vst v8;
	v2 =	vmul.f32 v17, v2  }
0x193: {  	v1 =	vmul.f32 v16, v1;
	v7 =	vbroadcast v7, $0x0;
	v8 =	vld [tilespmem:s21+$0x20];
	[tilespmem:s12+$0xFFFFFF60] =	vst v9  }
0x194: {  	v9 =	vld [tilespmem:s21+$0x30];
	[tilespmem:s12+$0xFFFFFF50] =	vst v10  }
0x195: {  	v10 =	vld [tilespmem:s21+$0x50];
	[tilespmem:s12+$0xFFFFFF40] =	vst v11  }
0x196: {  	v11 =	vld [tilespmem:s21+$0x60];
	[tilespmem:s12+$0xFFFFFF30] =	vst v12  }
0x197: {  	v12 =	vld [tilespmem:s21+$0x80];
	[tilespmem:s12+$0xFFFFFF20] =	vst v13  }
0x198: {  	v13 =	vld [tilespmem:s21+$0x90];
	[tilespmem:s12+$0xFFFFFF10] =	vst v14  }
0x199: {  	v14 =	vld [tilespmem:s21+$0xA0];
	[tilespmem:s12+$0x40] =	vst v3  }
0x19a: {  	v3 =	vld [tilespmem:s21+$0x40];
	[tilespmem:s12+$0x70] =	vst v2  }
0x19b: {  	v16 =	vld [tilespmem:s21+$0xB0];
	[tilespmem:s12+$0xE0] =	vst v1  }
0x19c: {  	v17 =	vld [tilespmem:s21+$0xC0];
	[tilespmem:s12+$0xFFFFFF00] =	vst v6;
	s12 =	smov.u32 s21  }
0x19d: {  	v1 =	vld.idx.msk [tilespmem:v18+s13+$0x0], $0xffff  }
0x19e: {  	v6 =	vld.idx.msk [tilespmem:v4+s13+$0x0], $0xffff  }
0x19f: {  	v18 =	vld.idx.msk [tilespmem:v5+s13+$0x0], $0xffff  }
0x1a0: {  	v2 =	vld.idx.msk [tilespmem:v7+s13+$0x0], $0xffff  }
0x1a1: {  	v4 =	vld [tilespmem:s21+$0xFFFFFFE0]  }
0x1a2: {  	v5 =	vld [tilespmem:s21+$0xFFFFFFD0]  }
0x1a3: {  	v19 =	vmul.f32 v19, v1;
	v20 =	vmul.f32 v20, v1;
	v7 =	vld [tilespmem:s21+$0xFFFFFFC0]  }
0x1a4: {  	v12 =	vmul.f32 v12, v1;
	v17 =	vmul.f32 v17, v1;
	v23 =	vld [tilespmem:s21+$0xFFFFFFB0]  }
0x1a5: {  	v16 =	vmul.f32 v16, v1;
	v21 =	vmul.f32 v21, v18;
	v24 =	vld [tilespmem:s21+$0xFFFFFFA0];
	[tilespmem:s21+$0xD0] =	vst v19  }
0x1a6: {  	v22 =	vmul.f32 v22, v2;
	v19 =	vld [tilespmem:s21+$0xFFFFFF90];
	v25 =	vmul.f32 v4, v18;
	[tilespmem:s21+$0xC0] =	vst v17  }
0x1a7: {  	v27 =	vmul.f32 v15, v2;
	v17 =	vld [tilespmem:s21+$0xFFFFFF80];
	v26 =	vmul.f32 v5, v18;
	[tilespmem:s21+$0x80] =	vst v12  }
0x1a8: {  	v29 =	vmul.f32 v8, v2;
	v12 =	vld [tilespmem:s21+$0xFFFFFF70];
	v28 =	vmul.f32 v7, v18;
	[tilespmem:s21+$0xB0] =	vst v16  }
0x1a9: {  	v16 =	vld [tilespmem:s21+$0xFFFFFF60];
	v23 =	vmul.f32 v23, v18;
	[tilespmem:s21+$0xFFFFFFF0] =	vst v21;
	v21 =	vmul.f32 v9, v2  }
0x1aa: {  	v3 =	vmul.f32 v3, v2;
	v30 =	vld [tilespmem:s21+$0xFFFFFF50];
	v4 =	vmul.f32 v24, v18;
	[tilespmem:s21+$0x0] =	vst v22  }
0x1ab: {  	v22 =	vld [tilespmem:s21+$0xFFFFFF40];
	v5 =	vmul.f32 v19, v18;
	v19 =	vmul.f32 v10, v2;
	[tilespmem:s21+$0xF0] =	vst v20  }
0x1ac: {  	v15 =	vmul.f32 v11, v2;
	v20 =	vld [tilespmem:s21+$0xFFFFFF30];
	v7 =	vmul.f32 v17, v18;
	[tilespmem:s21+$0xFFFFFFE0] =	vst v25  }
0x1ad: {  	v18 =	vmul.f32 v13, v1;
	v17 =	vld [tilespmem:s21+$0xFFFFFF20];
	v8 =	vmul.f32 v12, v6;
	[tilespmem:s21+$0x10] =	vst v27  }
0x1ae: {  	v24 =	vld [tilespmem:s21+$0xFFFFFF10];
	v9 =	vmul.f32 v16, v6;
	[tilespmem:s21+$0xFFFFFFD0] =	vst v26;
	v16 =	vmul.f32 v14, v1  }
0x1af: {  	v25 =	vld [tilespmem:s21+$0xFFFFFF00];
	v10 =	vmul.f32 v30, v6;
	[tilespmem:s21+$0xFFFFFFC0] =	vst v28  }
0x1b0: {  	v11 =	vmul.f32 v22, v6;
	[tilespmem:s21+$0x20] =	vst v29  }
.Ltmp3:
0x1b1: {  	v12 =	vmul.f32 v20, v6;
	[tilespmem:s21+$0x30] =	vst v21;
	(pc) =	sbr.rel @p0 .LBB2_9-.Ltmp3, $4  }
0x1b2: {  	v13 =	vmul.f32 v17, v6;
	[tilespmem:s21+$0x50] =	vst v19  }
0x1b3: {  	v14 =	vmul.f32 v24, v6;
	[tilespmem:s21+$0x90] =	vst v18  }
0x1b4: {  	v6 =	vmul.f32 v25, v6;
	[tilespmem:s21+$0xA0] =	vst v16;
	v16 =	vld [tilespmem:s21+$0xE0]  }
0x1b5: {  	s21 =	sadd.s32 $0x200, s21;
	[tilespmem:s12+$0xFFFFFFB0] =	vst v23;
	v17 =	vld [tilespmem:s12+$0x70]  }
0x1b6: {  	[tilespmem:s12+$0x60] =	vst v15  }
0x1b7: {  	[tilespmem:s12+$0xFFFFFFA0] =	vst v4  }
0x1b8: {  	[tilespmem:s12+$0xFFFFFF90] =	vst v5  }
0x1b9: {  	[tilespmem:s12+$0xFFFFFF80] =	vst v7  }
0x1ba: {  	[tilespmem:s12+$0xFFFFFF70] =	vst v8  }
0x1bb: {  	[tilespmem:s12+$0xFFFFFF60] =	vst v9  }
0x1bc: {  	[tilespmem:s12+$0xFFFFFF50] =	vst v10  }
0x1bd: {  	[tilespmem:s12+$0xFFFFFF40] =	vst v11  }
0x1be: {  	[tilespmem:s12+$0xFFFFFF30] =	vst v12  }
0x1bf: {  	[tilespmem:s12+$0xFFFFFF20] =	vst v13  }
0x1c0: {  	[tilespmem:s12+$0xFFFFFF10] =	vst v14  }
0x1c1: {  	[tilespmem:s12+$0x40] =	vst v3;
	v1 =	vmul.f32 v16, v1  }
0x1c2: {  	[tilespmem:s12+$0xFFFFFF00] =	vst v6;
	v2 =	vmul.f32 v17, v2  }
0x1c3: {  	p0 =	seq.s32 s9, $0x1E;
	[tilespmem:s12+$0xE0] =	vst v1  }
0x1c4: {  	s21 =	simm.s32 $0x100;
	s19 =	simm.s32 $0x5600;
	[tilespmem:s12+$0x70] =	vst v2;
	s12 =	simm.s32 @!p0 $0xA  }
0x1c5: {  	[spmem:s2] =	stream.indirect.scatter.add.f32 [tilespmem:s19], [sflag:$0xB], $0x80, s21, s16, $0xb8;
	[tilespmem:$0x1E600] =	vst v63  }
0x1c6: {  	s19 =	sadd.s32 @!p0 $0x190, s11;
	_ =	swait.ge @!p0 [sflag:s12], $0x2800  }
0x1c7: {  	s22 =	simm.s32 @!p0 $0x0;
	s21 =	sadd.s32 @!p0 s8, s19;
	[sflag:s12] =	ssyncset.done @!p0 $0x0  }
0x1c8: {  	s19 =	sadd.s32 @!p0 s15, s19;
	[sflag:s12] =	ssyncadd.s32 @!p0 $0xFFFFD800;
	s12 =	sshrl.u32 @!p0 s21, $0x3  }
0x1c9: {  	s24 =	simm.s32 @!p0 $0x80;
	s19 =	sshrl.u32 @!p0 s19, $0x3;
	s21 =	sadd.s32 @!p0 s4, s12  }
0x1ca: {  	[tilespmem:s24], [sflag:$0x2] =	stream.linear.gather @!p0 [hbm4b:s21+s22], $0x50, $0x38;
	[tilespmem:$0x1E600] =	vst v63  }
0x1cb: {  	s19 =	sadd.s32 @!p0 s4, s19;
	s21 =	simm.s32 @!p0 $0x280  }
0x1cc: {  	[tilespmem:s21], [sflag:$0x2] =	stream.linear.gather @!p0 [hbm4b:s19+s22], $0x50, $0x38;
	[tilespmem:$0x1E600] =	vst v63  }
0x1cd: {  	s12 =	sadd.s32 @!p0 s5, s12;
	s19 =	simm.s32 @!p0 $0x480  }
0x1ce: {  	[tilespmem:s19], [sflag:$0x2] =	stream.linear.gather @!p0 [hbm4b:s12+s22], $0x50, $0x38;
	[tilespmem:$0x1E600] =	vst v63  }
0x1cf: {  	_ =	swait.ge [sflag:s14], $0x50  }
0x1d0: {  	[sflag:s14] =	ssyncset.done $0x0  }
0x1d1: {  	[sflag:s14] =	ssyncadd.s32 $0xFFFFFFB0  }
0x1d2: {  	_ =	swait.ge [sflag:s14], $0x50  }
0x1d3: {  	[sflag:s14] =	ssyncset.done $0x0  }
0x1d4: {  	[sflag:s14] =	ssyncadd.s32 $0xFFFFFFB0  }
0x1d5: {  	_ =	swait.ge [sflag:s14], $0x50  }
0x1d6: {  	[sflag:s14] =	ssyncset.done $0x0  }
0x1d7: {  	[sflag:s14] =	ssyncadd.s32 $0xFFFFFFB0  }
0x1d8: {  	[tilespmem:s29], [sflag:$0x5] =	stream.indirect.gather [hbm4b:s6+s16], $0x80, s31, s16, $0xb8;
	[tilespmem:$0x1E600] =	vst v63  }
0x1d9: {  	_ =	swait.ge [sflag:s30], $0x2800  }
0x1da: {  	[sflag:s30] =	ssyncset.done $0x0  }
0x1db: {  	s12 =	simm.s32 $0x7F00;
	[sflag:s30] =	ssyncadd.s32 $0xFFFFD800  }
0x1dc: {  	v3 =	vld [tilespmem:s12+$0xD0]  }
0x1dd: {  	v4 =	vld [tilespmem:s12+$0xF0]  }
0x1de: {  	v5 =	vld [tilespmem:s12+$0xFFFFFFF0]  }
0x1df: {  	v6 =	vld [tilespmem:s12+$0x0]  }
0x1e0: {  	v7 =	vld [tilespmem:s12+$0x10]  }
0x1e1: {  	v8 =	vld [tilespmem:s12+$0x20]  }
0x1e2: {  	v9 =	vld [tilespmem:s12+$0x30]  }
0x1e3: {  	s22 =	simm.s32 $0x0;
	v10 =	vld [tilespmem:s12+$0x50]  }
0x1e4: {  	s24 =	simm.s32 $0x3;
	v1 =	vmov s22;
	s22 =	simm.s32 $0x1;
	v11 =	vld [tilespmem:s12+$0x60]  }
0x1e5: {  	v2 =	vmov s24;
	s24 =	simm.s32 $0x2;
	v1 =	vand.u32 $0xFFFFFFFC, v1;
	v12 =	vmov s22;
	v13 =	vld [tilespmem:s12+$0x80]  }
0x1e6: {  	v14 =	vbroadcast v1, $0x0;
	v1 =	vand.u32 $0xFFFFFFFD, v12;
	v12 =	vmov s24;
	v16 =	vld [tilespmem:s12+$0x90]  }
0x1e7: {  	v15 =	vbroadcast v1, $0x0;
	v1 =	vand.u32 $0xFFFFFFFE, v12;
	v12 =	vld [tilespmem:s12+$0xA0]  }
0x1e8: {  	v17 =	vbroadcast v1, $0x0;
	v18 =	vld [tilespmem:s12+$0x40]  }
0x1e9: {  	v19 =	vld [tilespmem:s12+$0xB0]  }
0x1ea: {  	v20 =	vld [tilespmem:s12+$0xC0]  }
0x1eb: {  	v1 =	vld.idx.msk [tilespmem:v2+s23+$0x0], $0xffff  }
0x1ec: {  	v21 =	vld.idx.msk [tilespmem:v14+s23+$0x0], $0xffff  }
0x1ed: {  	v14 =	vld.idx.msk [tilespmem:v15+s23+$0x0], $0xffff  }
0x1ee: {  	v2 =	vld.idx.msk [tilespmem:v17+s23+$0x0], $0xffff  }
0x1ef: {  	v15 =	vld [tilespmem:s12+$0xFFFFFFE0]  }
0x1f0: {  	v17 =	vld [tilespmem:s12+$0xFFFFFFD0];
	v3 =	vmul.f32 v3, v1  }
0x1f1: {  	v22 =	vld [tilespmem:s12+$0xFFFFFFC0];
	v20 =	vmul.f32 v20, v1  }
0x1f2: {  	v23 =	vld [tilespmem:s12+$0xFFFFFFB0];
	v13 =	vmul.f32 v13, v1;
	[tilespmem:s12+$0xD0] =	vst v3  }
0x1f3: {  	v61 =	vld [tilespmem:s12+$0xFFFFFF90];
	v19 =	vmul.f32 v19, v1;
	[tilespmem:s12+$0xC0] =	vst v20  }
0x1f4: {  	v24 =	vld [tilespmem:s12+$0xFFFFFF60];
	v5 =	vmul.f32 v5, v14;
	[tilespmem:s12+$0x80] =	vst v13  }
0x1f5: {  	v62 =	vld [tilespmem:s12+$0xFFFFFF40];
	v6 =	vmul.f32 v6, v2;
	[tilespmem:s12+$0xB0] =	vst v19  }
0x1f6: {  	v25 =	vld [tilespmem:s12+$0xFFFFFF30];
	v4 =	vmul.f32 v4, v1;
	[tilespmem:s12+$0xFFFFFFF0] =	vst v5  }
0x1f7: {  	v63 =	vld [tilespmem:s12+$0xFFFFFF10];
	v9 =	vmul.f32 v9, v2;
	[tilespmem:s12+$0x0] =	vst v6  }
0x1f8: {  	v7 =	vmul.f32 v7, v2;
	v3 =	vld [tilespmem:s12+$0xFFFFFFA0];
	v5 =	vmul.f32 v15, v14;
	[tilespmem:s12+$0xF0] =	vst v4  }
0x1f9: {  	v26 =	vld [tilespmem:s12+$0xFFFFFF00];
	v8 =	vmul.f32 v8, v2;
	v6 =	vmul.f32 v17, v14;
	[tilespmem:s12+$0x30] =	vst v9  }
0x1fa: {  	v23 =	vmul.f32 v23, v14;
	v13 =	vld [tilespmem:s12+$0xFFFFFF80];
	v15 =	vmul.f32 v22, v14;
	[tilespmem:s12+$0xFFFFFFE0] =	vst v5  }
0x1fb: {  	v19 =	vld [tilespmem:s12+$0xFFFFFF70];
	v9 =	vmul.f32 v24, v21;
	[tilespmem:s12+$0xFFFFFFD0] =	vst v6;
	v5 =	vmul.f32 v61, v14  }
0x1fc: {  	v17 =	vld [tilespmem:s12+$0xFFFFFF50];
	v6 =	vmul.f32 v10, v2;
	[tilespmem:s12+$0xFFFFFFC0] =	vst v15;
	v15 =	vmul.f32 v11, v2  }
0x1fd: {  	[tilespmem:s12+$0x10] =	vst v7;
	v4 =	vmul.f32 v3, v14;
	v3 =	vmul.f32 v18, v2;
	v18 =	vld [tilespmem:s12+$0xFFFFFF20]  }
0x1fe: {  	v11 =	vmul.f32 v62, v21;
	[tilespmem:s12+$0x50] =	vst v6;
	v6 =	vmul.f32 v26, v21  }
0x1ff: {  	[tilespmem:s12+$0x20] =	vst v8;
	v7 =	vmul.f32 v13, v14;
	v13 =	vmul.f32 v16, v1  }
0x200: {  	[tilespmem:s12+$0xFFFFFFB0] =	vst v23;
	v8 =	vmul.f32 v19, v21;
	v14 =	vmul.f32 v12, v1  }
0x201: {  	v10 =	vmul.f32 v17, v21;
	v12 =	vmul.f32 v25, v21;
	v16 =	vld [tilespmem:s12+$0xE0];
	[tilespmem:s12+$0x90] =	vst v13  }
0x202: {  	s21 =	simm.s32 $0x8100;
	s19 =	simm.s32 $0x7;
	v17 =	vld [tilespmem:s12+$0x70];
	[tilespmem:s12+$0xA0] =	vst v14;
	v14 =	vmul.f32 v63, v21;
	v13 =	vmul.f32 v18, v21  }
.LBB2_11:
0x203: {  	s22 =	sadd.s32 $0xFFFFFFFD, s19  }
0x204: {  	v18 =	vmov s19;
	v19 =	vld [tilespmem:s21+$0xD0];
	p1 =	sne.s32 s19, $0x4F;
	[tilespmem:s12+$0x60] =	vst v15;
	s24 =	smov.u32 s19;
	s19 =	sadd.s32 $0x4, s19  }
0x205: {  	v15 =	vmov s22;
	s22 =	sadd.s32 $0xFFFFFFFE, s24;
	v20 =	vld [tilespmem:s21+$0xF0];
	[tilespmem:s12+$0xFFFFFFA0] =	vst v4  }
0x206: {  	v4 =	vand.u32 $0xFFFFFFFC, v15;
	v15 =	vmov s22;
	s22 =	sadd.s32 $0xFFFFFFFF, s24;
	v21 =	vld [tilespmem:s21+$0xFFFFFFF0];
	[tilespmem:s12+$0xFFFFFF90] =	vst v5  }
0x207: {  	v4 =	vbroadcast v4, $0x0;
	v5 =	vand.u32 $0xFFFFFFFD, v15;
	v15 =	vmov s22;
	v22 =	vld [tilespmem:s21+$0x0];
	[tilespmem:s12+$0xFFFFFF80] =	vst v7  }
0x208: {  	v5 =	vbroadcast v5, $0x0;
	v7 =	vand.u32 $0xFFFFFFFE, v15;
	v15 =	vld [tilespmem:s21+$0x10];
	[tilespmem:s12+$0xFFFFFF70] =	vst v8;
	v2 =	vmul.f32 v17, v2  }
0x209: {  	v1 =	vmul.f32 v16, v1;
	v7 =	vbroadcast v7, $0x0;
	v8 =	vld [tilespmem:s21+$0x20];
	[tilespmem:s12+$0xFFFFFF60] =	vst v9  }
0x20a: {  	v9 =	vld [tilespmem:s21+$0x30];
	[tilespmem:s12+$0xFFFFFF50] =	vst v10  }
0x20b: {  	v10 =	vld [tilespmem:s21+$0x50];
	[tilespmem:s12+$0xFFFFFF40] =	vst v11  }
0x20c: {  	v11 =	vld [tilespmem:s21+$0x60];
	[tilespmem:s12+$0xFFFFFF30] =	vst v12  }
0x20d: {  	v12 =	vld [tilespmem:s21+$0x80];
	[tilespmem:s12+$0xFFFFFF20] =	vst v13  }
0x20e: {  	v13 =	vld [tilespmem:s21+$0x90];
	[tilespmem:s12+$0xFFFFFF10] =	vst v14  }
0x20f: {  	v14 =	vld [tilespmem:s21+$0xA0];
	[tilespmem:s12+$0x40] =	vst v3  }
0x210: {  	v3 =	vld [tilespmem:s21+$0x40];
	[tilespmem:s12+$0x70] =	vst v2  }
0x211: {  	v16 =	vld [tilespmem:s21+$0xB0];
	[tilespmem:s12+$0xE0] =	vst v1  }
0x212: {  	v17 =	vld [tilespmem:s21+$0xC0];
	[tilespmem:s12+$0xFFFFFF00] =	vst v6;
	s12 =	smov.u32 s21  }
0x213: {  	v1 =	vld.idx.msk [tilespmem:v18+s23+$0x0], $0xffff  }
0x214: {  	v6 =	vld.idx.msk [tilespmem:v4+s23+$0x0], $0xffff  }
0x215: {  	v18 =	vld.idx.msk [tilespmem:v5+s23+$0x0], $0xffff  }
0x216: {  	v2 =	vld.idx.msk [tilespmem:v7+s23+$0x0], $0xffff  }
0x217: {  	v4 =	vld [tilespmem:s21+$0xFFFFFFE0]  }
0x218: {  	v5 =	vld [tilespmem:s21+$0xFFFFFFD0]  }
0x219: {  	v19 =	vmul.f32 v19, v1;
	v20 =	vmul.f32 v20, v1;
	v7 =	vld [tilespmem:s21+$0xFFFFFFC0]  }
0x21a: {  	v12 =	vmul.f32 v12, v1;
	v17 =	vmul.f32 v17, v1;
	v23 =	vld [tilespmem:s21+$0xFFFFFFB0]  }
0x21b: {  	v16 =	vmul.f32 v16, v1;
	v21 =	vmul.f32 v21, v18;
	v24 =	vld [tilespmem:s21+$0xFFFFFFA0];
	[tilespmem:s21+$0xD0] =	vst v19  }
0x21c: {  	v22 =	vmul.f32 v22, v2;
	v19 =	vld [tilespmem:s21+$0xFFFFFF90];
	v25 =	vmul.f32 v4, v18;
	[tilespmem:s21+$0xC0] =	vst v17  }
0x21d: {  	v27 =	vmul.f32 v15, v2;
	v17 =	vld [tilespmem:s21+$0xFFFFFF80];
	v26 =	vmul.f32 v5, v18;
	[tilespmem:s21+$0x80] =	vst v12  }
0x21e: {  	v29 =	vmul.f32 v8, v2;
	v12 =	vld [tilespmem:s21+$0xFFFFFF70];
	v28 =	vmul.f32 v7, v18;
	[tilespmem:s21+$0xB0] =	vst v16  }
0x21f: {  	v16 =	vld [tilespmem:s21+$0xFFFFFF60];
	v23 =	vmul.f32 v23, v18;
	[tilespmem:s21+$0xFFFFFFF0] =	vst v21;
	v21 =	vmul.f32 v9, v2  }
0x220: {  	v3 =	vmul.f32 v3, v2;
	v30 =	vld [tilespmem:s21+$0xFFFFFF50];
	v4 =	vmul.f32 v24, v18;
	[tilespmem:s21+$0x0] =	vst v22  }
0x221: {  	v22 =	vld [tilespmem:s21+$0xFFFFFF40];
	v5 =	vmul.f32 v19, v18;
	v19 =	vmul.f32 v10, v2;
	[tilespmem:s21+$0xF0] =	vst v20  }
0x222: {  	v15 =	vmul.f32 v11, v2;
	v20 =	vld [tilespmem:s21+$0xFFFFFF30];
	v7 =	vmul.f32 v17, v18;
	[tilespmem:s21+$0xFFFFFFE0] =	vst v25  }
0x223: {  	v18 =	vmul.f32 v13, v1;
	v17 =	vld [tilespmem:s21+$0xFFFFFF20];
	v8 =	vmul.f32 v12, v6;
	[tilespmem:s21+$0x10] =	vst v27  }
0x224: {  	v24 =	vld [tilespmem:s21+$0xFFFFFF10];
	v9 =	vmul.f32 v16, v6;
	[tilespmem:s21+$0xFFFFFFD0] =	vst v26;
	v16 =	vmul.f32 v14, v1  }
0x225: {  	v25 =	vld [tilespmem:s21+$0xFFFFFF00];
	v10 =	vmul.f32 v30, v6;
	[tilespmem:s21+$0xFFFFFFC0] =	vst v28  }
0x226: {  	v11 =	vmul.f32 v22, v6;
	[tilespmem:s21+$0x20] =	vst v29  }
.Ltmp4:
0x227: {  	v12 =	vmul.f32 v20, v6;
	[tilespmem:s21+$0x30] =	vst v21;
	(pc) =	sbr.rel @p1 .LBB2_11-.Ltmp4, $4  }
0x228: {  	v13 =	vmul.f32 v17, v6;
	[tilespmem:s21+$0x50] =	vst v19  }
0x229: {  	v14 =	vmul.f32 v24, v6;
	[tilespmem:s21+$0x90] =	vst v18  }
0x22a: {  	v6 =	vmul.f32 v25, v6;
	[tilespmem:s21+$0xA0] =	vst v16;
	v16 =	vld [tilespmem:s21+$0xE0]  }
0x22b: {  	s21 =	sadd.s32 $0x200, s21;
	[tilespmem:s12+$0xFFFFFFB0] =	vst v23;
	v17 =	vld [tilespmem:s12+$0x70]  }
0x22c: {  	[tilespmem:s12+$0x60] =	vst v15  }
0x22d: {  	[tilespmem:s12+$0xFFFFFFA0] =	vst v4  }
0x22e: {  	[tilespmem:s12+$0xFFFFFF90] =	vst v5  }
0x22f: {  	[tilespmem:s12+$0xFFFFFF80] =	vst v7  }
0x230: {  	[tilespmem:s12+$0xFFFFFF70] =	vst v8  }
0x231: {  	[tilespmem:s12+$0xFFFFFF60] =	vst v9  }
0x232: {  	[tilespmem:s12+$0xFFFFFF50] =	vst v10  }
0x233: {  	[tilespmem:s12+$0xFFFFFF40] =	vst v11  }
0x234: {  	[tilespmem:s12+$0xFFFFFF30] =	vst v12  }
0x235: {  	[tilespmem:s12+$0xFFFFFF20] =	vst v13  }
0x236: {  	[tilespmem:s12+$0xFFFFFF10] =	vst v14  }
.Ltmp5:
0x237: {  	[tilespmem:s12+$0x40] =	vst v3;
	v1 =	vmul.f32 v16, v1;
	(pc) =	sbr.rel @p0 .LBB2_14-.Ltmp5, $4  }
0x238: {  	[tilespmem:s12+$0xFFFFFF00] =	vst v6;
	v2 =	vmul.f32 v17, v2  }
0x239: {  	[tilespmem:s12+$0xE0] =	vst v1  }
0x23a: {  	s24 =	simm.s32 $0x180;
	[tilespmem:s12+$0x70] =	vst v2  }
0x23b: {  	[spmem:s2] =	stream.indirect.scatter.add.f32 [tilespmem:s17], [sflag:$0xC], $0x80, s24, s16, $0xb8;
	[tilespmem:$0x1E600] =	vst v63  }
0x23c: {  	s11 =	sadd.s32 $0x1E0, s11  }
0x23d: {  	_ =	swait.ge [sflag:s1], $0x2800;
	s21 =	simm.s32 $0x100;
	s12 =	sadd.s32 s8, s11  }
0x23e: {  	[sflag:s1] =	ssyncset.done $0x0;
	s11 =	sadd.s32 s15, s11;
	s12 =	sshrl.u32 s12, $0x3  }
0x23f: {  	[sflag:s1] =	ssyncadd.s32 $0xFFFFD800;
	s11 =	sshrl.u32 s11, $0x3;
	s19 =	sadd.s32 s4, s12  }
0x240: {  	[tilespmem:s21], [sflag:$0x3] =	stream.linear.gather [hbm4b:s19+s3], $0x50, $0x38;
	[tilespmem:$0x1E600] =	vst v63  }
0x241: {  	s24 =	simm.s32 $0x300;
	s11 =	sadd.s32 s4, s11  }
0x242: {  	[tilespmem:s24], [sflag:$0x3] =	stream.linear.gather [hbm4b:s11+s3], $0x50, $0x38;
	[tilespmem:$0x1E600] =	vst v63  }
0x243: {  	s19 =	sadd.s32 s5, s12  }
0x244: {  	[tilespmem:s13], [sflag:$0x3] =	stream.linear.gather [hbm4b:s19+s3], $0x50, $0x38;
	[tilespmem:$0x1E600] =	vst v63  }
0x245: {  	_ =	swait.ge [sflag:s18], $0x50  }
0x246: {  	[sflag:s18] =	ssyncset.done $0x0  }
0x247: {  	[sflag:s18] =	ssyncadd.s32 $0xFFFFFFB0  }
0x248: {  	_ =	swait.ge [sflag:s18], $0x50  }
0x249: {  	[sflag:s18] =	ssyncset.done $0x0  }
.Ltmp6:
0x24a: {  	[sflag:s18] =	ssyncadd.s32 $0xFFFFFFB0;
	(pc) =	sbr.rel .LBB2_4-.Ltmp6, $4  }
0x24b: {  	_ =	swait.ge [sflag:s18], $0x50  }
0x24c: {  	s22 =	simm.s32 $0x2E00;
	[sflag:s18] =	ssyncset.done $0x0  }
0x24d: {  	s9 =	sadd.s32 $0x1, s9;
	s21 =	simm.s32 $0x280;
	[sflag:s18] =	ssyncadd.s32 $0xFFFFFFB0  }
0x24e: {  	[tilespmem:s22], [sflag:$0x6] =	stream.indirect.gather [hbm4b:s6+s16], $0x80, s21, s16, $0xb8;
	[tilespmem:$0x1E600] =	vst v63  }
.LBB2_14:
0x24f: {  	_ =	swait.ge [sflag:s20], $0x2800  }
0x250: {  	[sflag:s20] =	ssyncset.done $0x0  }
0x251: {  	s9 =	simm.s32 $0x700;
	[sflag:s20] =	ssyncadd.s32 $0xFFFFD800  }
0x252: {  	v3 =	vld [tilespmem:s9+$0xD0]  }
0x253: {  	v4 =	vld [tilespmem:s9+$0xF0]  }
0x254: {  	v5 =	vld [tilespmem:s9+$0xFFFFFFF0]  }
0x255: {  	v6 =	vld [tilespmem:s9+$0x0]  }
0x256: {  	v7 =	vld [tilespmem:s9+$0x10]  }
0x257: {  	v8 =	vld [tilespmem:s9+$0x20]  }
0x258: {  	v9 =	vld [tilespmem:s9+$0x30]  }
0x259: {  	v10 =	vld [tilespmem:s9+$0x50]  }
0x25a: {  	v11 =	vld [tilespmem:s9+$0x60]  }
0x25b: {  	s12 =	simm.s32 $0x3;
	v13 =	vld [tilespmem:s9+$0x80]  }
0x25c: {  	s11 =	simm.s32 $0x0;
	v2 =	vmov s12;
	v16 =	vld [tilespmem:s9+$0x90]  }
0x25d: {  	s22 =	simm.s32 $0x1;
	v1 =	vmov s11;
	v18 =	vld [tilespmem:s9+$0x40]  }
0x25e: {  	s24 =	simm.s32 $0x2;
	v12 =	vmov s22;
	v1 =	vand.u32 $0xFFFFFFFC, v1;
	v19 =	vld [tilespmem:s9+$0xB0]  }
0x25f: {  	v14 =	vbroadcast v1, $0x0;
	v1 =	vand.u32 $0xFFFFFFFD, v12;
	v12 =	vmov s24;
	v20 =	vld [tilespmem:s9+$0xC0]  }
0x260: {  	v22 =	vld [tilespmem:s9+$0xFFFFFFC0];
	v15 =	vbroadcast v1, $0x0;
	v1 =	vand.u32 $0xFFFFFFFE, v12  }
0x261: {  	v17 =	vbroadcast v1, $0x0;
	v1 =	vld.idx.msk [tilespmem:v2+s0+$0x0], $0xffff  }
0x262: {  	v23 =	vld [tilespmem:s9+$0xFFFFFFB0]  }
0x263: {  	v61 =	vld [tilespmem:s9+$0xFFFFFF90]  }
0x264: {  	v24 =	vld [tilespmem:s9+$0xFFFFFF60]  }
0x265: {  	v21 =	vld.idx.msk [tilespmem:v14+s0+$0x0], $0xffff  }
0x266: {  	v14 =	vld.idx.msk [tilespmem:v15+s0+$0x0], $0xffff;
	v3 =	vmul.f32 v3, v1  }
0x267: {  	v62 =	vld [tilespmem:s9+$0xFFFFFF40];
	v20 =	vmul.f32 v20, v1  }
0x268: {  	v2 =	vld.idx.msk [tilespmem:v17+s0+$0x0], $0xffff;
	v13 =	vmul.f32 v13, v1;
	[tilespmem:s9+$0xD0] =	vst v3  }
0x269: {  	v15 =	vld [tilespmem:s9+$0xFFFFFFE0];
	v19 =	vmul.f32 v19, v1;
	[tilespmem:s9+$0xC0] =	vst v20  }
0x26a: {  	v17 =	vld [tilespmem:s9+$0xFFFFFFD0];
	v4 =	vmul.f32 v4, v1;
	[tilespmem:s9+$0x80] =	vst v13  }
0x26b: {  	v3 =	vld [tilespmem:s9+$0xFFFFFFA0];
	[tilespmem:s9+$0xB0] =	vst v19;
	v5 =	vmul.f32 v5, v14  }
0x26c: {  	v13 =	vld [tilespmem:s9+$0xFFFFFF80];
	[tilespmem:s9+$0xF0] =	vst v4;
	v23 =	vmul.f32 v23, v14  }
0x26d: {  	v19 =	vld [tilespmem:s9+$0xFFFFFF70];
	v6 =	vmul.f32 v6, v2;
	[tilespmem:s9+$0xFFFFFFF0] =	vst v5  }
0x26e: {  	v25 =	vld [tilespmem:s9+$0xFFFFFF30];
	v7 =	vmul.f32 v7, v2;
	v8 =	vmul.f32 v8, v2;
	[tilespmem:s9+$0xFFFFFFB0] =	vst v23  }
0x26f: {  	v12 =	vld [tilespmem:s9+$0xA0];
	v9 =	vmul.f32 v9, v2;
	v5 =	vmul.f32 v15, v14;
	[tilespmem:s9+$0x0] =	vst v6  }
0x270: {  	v63 =	vld [tilespmem:s9+$0xFFFFFF10];
	v15 =	vmul.f32 v22, v14;
	v6 =	vmul.f32 v17, v14;
	[tilespmem:s9+$0x10] =	vst v7  }
0x271: {  	v26 =	vld [tilespmem:s9+$0xFFFFFF00];
	v4 =	vmul.f32 v3, v14;
	v3 =	vmul.f32 v18, v2;
	[tilespmem:s9+$0x20] =	vst v8  }
0x272: {  	v17 =	vld [tilespmem:s9+$0xFFFFFF50];
	v7 =	vmul.f32 v13, v14;
	v8 =	vmul.f32 v19, v21;
	[tilespmem:s9+$0x30] =	vst v9  }
0x273: {  	v18 =	vld [tilespmem:s9+$0xFFFFFF20];
	v13 =	vmul.f32 v16, v1;
	v9 =	vmul.f32 v24, v21;
	[tilespmem:s9+$0xFFFFFFE0] =	vst v5  }
0x274: {  	v5 =	vmul.f32 v61, v14;
	[tilespmem:s9+$0xFFFFFFC0] =	vst v15;
	v14 =	vmul.f32 v12, v1  }
0x275: {  	v15 =	vmul.f32 v11, v2;
	[tilespmem:s9+$0xFFFFFFD0] =	vst v6;
	v6 =	vmul.f32 v10, v2  }
0x276: {  	v11 =	vmul.f32 v62, v21;
	v12 =	vmul.f32 v25, v21;
	[tilespmem:s9+$0xA0] =	vst v14  }
0x277: {  	v16 =	vld [tilespmem:s9+$0xE0];
	v14 =	vmul.f32 v63, v21;
	[tilespmem:s9+$0x50] =	vst v6;
	v6 =	vmul.f32 v26, v21  }
0x278: {  	s11 =	simm.s32 $0x7;
	s12 =	simm.s32 $0x900;
	s24 =	simm.s32 $0x300;
	[tilespmem:s9+$0x90] =	vst v13;
	v10 =	vmul.f32 v17, v21;
	v13 =	vmul.f32 v18, v21;
	v17 =	vld [tilespmem:s9+$0x70]  }
.LBB2_15:
0x279: {  	s19 =	sadd.s32 $0xFFFFFFFD, s11  }
0x27a: {  	v18 =	vmov s11;
	v19 =	vld [tilespmem:s12+$0xD0];
	p0 =	sne.s32 s11, $0x4F;
	[tilespmem:s9+$0x60] =	vst v15;
	s21 =	smov.u32 s11;
	s11 =	sadd.s32 $0x4, s11  }
0x27b: {  	v15 =	vmov s19;
	s19 =	sadd.s32 $0xFFFFFFFE, s21;
	v20 =	vld [tilespmem:s12+$0xF0];
	[tilespmem:s9+$0xFFFFFFA0] =	vst v4  }
0x27c: {  	v4 =	vand.u32 $0xFFFFFFFC, v15;
	v15 =	vmov s19;
	s19 =	sadd.s32 $0xFFFFFFFF, s21;
	v21 =	vld [tilespmem:s12+$0xFFFFFFF0];
	[tilespmem:s9+$0xFFFFFF90] =	vst v5  }
0x27d: {  	v4 =	vbroadcast v4, $0x0;
	v5 =	vand.u32 $0xFFFFFFFD, v15;
	v15 =	vmov s19;
	v22 =	vld [tilespmem:s12+$0x0];
	[tilespmem:s9+$0xFFFFFF80] =	vst v7  }
0x27e: {  	v5 =	vbroadcast v5, $0x0;
	v7 =	vand.u32 $0xFFFFFFFE, v15;
	v15 =	vld [tilespmem:s12+$0x10];
	[tilespmem:s9+$0xFFFFFF70] =	vst v8;
	v2 =	vmul.f32 v17, v2  }
0x27f: {  	v1 =	vmul.f32 v16, v1;
	v7 =	vbroadcast v7, $0x0;
	v8 =	vld [tilespmem:s12+$0x20];
	[tilespmem:s9+$0xFFFFFF60] =	vst v9  }
0x280: {  	v9 =	vld [tilespmem:s12+$0x30];
	[tilespmem:s9+$0xFFFFFF50] =	vst v10  }
0x281: {  	v10 =	vld [tilespmem:s12+$0x50];
	[tilespmem:s9+$0xFFFFFF40] =	vst v11  }
0x282: {  	v11 =	vld [tilespmem:s12+$0x60];
	[tilespmem:s9+$0xFFFFFF30] =	vst v12  }
0x283: {  	v12 =	vld [tilespmem:s12+$0x80];
	[tilespmem:s9+$0xFFFFFF20] =	vst v13  }
0x284: {  	v13 =	vld [tilespmem:s12+$0x90];
	[tilespmem:s9+$0xFFFFFF10] =	vst v14  }
0x285: {  	v14 =	vld [tilespmem:s12+$0xA0];
	[tilespmem:s9+$0x40] =	vst v3  }
0x286: {  	v3 =	vld [tilespmem:s12+$0x40];
	[tilespmem:s9+$0x70] =	vst v2  }
0x287: {  	v16 =	vld [tilespmem:s12+$0xB0];
	[tilespmem:s9+$0xE0] =	vst v1  }
0x288: {  	v17 =	vld [tilespmem:s12+$0xC0];
	[tilespmem:s9+$0xFFFFFF00] =	vst v6;
	s9 =	smov.u32 s12  }
0x289: {  	v1 =	vld.idx.msk [tilespmem:v18+s0+$0x0], $0xffff  }
0x28a: {  	v6 =	vld.idx.msk [tilespmem:v4+s0+$0x0], $0xffff  }
0x28b: {  	v18 =	vld.idx.msk [tilespmem:v5+s0+$0x0], $0xffff  }
0x28c: {  	v2 =	vld.idx.msk [tilespmem:v7+s0+$0x0], $0xffff  }
0x28d: {  	v4 =	vld [tilespmem:s12+$0xFFFFFFE0]  }
0x28e: {  	v5 =	vld [tilespmem:s12+$0xFFFFFFD0]  }
0x28f: {  	v19 =	vmul.f32 v19, v1;
	v20 =	vmul.f32 v20, v1;
	v7 =	vld [tilespmem:s12+$0xFFFFFFC0]  }
0x290: {  	v12 =	vmul.f32 v12, v1;
	v17 =	vmul.f32 v17, v1;
	v23 =	vld [tilespmem:s12+$0xFFFFFFB0]  }
0x291: {  	v16 =	vmul.f32 v16, v1;
	v21 =	vmul.f32 v21, v18;
	v24 =	vld [tilespmem:s12+$0xFFFFFFA0];
	[tilespmem:s12+$0xD0] =	vst v19  }
0x292: {  	v22 =	vmul.f32 v22, v2;
	v19 =	vld [tilespmem:s12+$0xFFFFFF90];
	v25 =	vmul.f32 v4, v18;
	[tilespmem:s12+$0xC0] =	vst v17  }
0x293: {  	v27 =	vmul.f32 v15, v2;
	v17 =	vld [tilespmem:s12+$0xFFFFFF80];
	v26 =	vmul.f32 v5, v18;
	[tilespmem:s12+$0x80] =	vst v12  }
0x294: {  	v29 =	vmul.f32 v8, v2;
	v12 =	vld [tilespmem:s12+$0xFFFFFF70];
	v28 =	vmul.f32 v7, v18;
	[tilespmem:s12+$0xB0] =	vst v16  }
0x295: {  	v16 =	vld [tilespmem:s12+$0xFFFFFF60];
	v23 =	vmul.f32 v23, v18;
	[tilespmem:s12+$0xFFFFFFF0] =	vst v21;
	v21 =	vmul.f32 v9, v2  }
0x296: {  	v3 =	vmul.f32 v3, v2;
	v30 =	vld [tilespmem:s12+$0xFFFFFF50];
	v4 =	vmul.f32 v24, v18;
	[tilespmem:s12+$0x0] =	vst v22  }
0x297: {  	v22 =	vld [tilespmem:s12+$0xFFFFFF40];
	v5 =	vmul.f32 v19, v18;
	v19 =	vmul.f32 v10, v2;
	[tilespmem:s12+$0xF0] =	vst v20  }
0x298: {  	v15 =	vmul.f32 v11, v2;
	v20 =	vld [tilespmem:s12+$0xFFFFFF30];
	v7 =	vmul.f32 v17, v18;
	[tilespmem:s12+$0xFFFFFFE0] =	vst v25  }
0x299: {  	v18 =	vmul.f32 v13, v1;
	v17 =	vld [tilespmem:s12+$0xFFFFFF20];
	v8 =	vmul.f32 v12, v6;
	[tilespmem:s12+$0x10] =	vst v27  }
0x29a: {  	v24 =	vld [tilespmem:s12+$0xFFFFFF10];
	v9 =	vmul.f32 v16, v6;
	[tilespmem:s12+$0xFFFFFFD0] =	vst v26;
	v16 =	vmul.f32 v14, v1  }
0x29b: {  	v25 =	vld [tilespmem:s12+$0xFFFFFF00];
	v10 =	vmul.f32 v30, v6;
	[tilespmem:s12+$0xFFFFFFC0] =	vst v28  }
0x29c: {  	v11 =	vmul.f32 v22, v6;
	[tilespmem:s12+$0x20] =	vst v29  }
.Ltmp7:
0x29d: {  	v12 =	vmul.f32 v20, v6;
	[tilespmem:s12+$0x30] =	vst v21;
	(pc) =	sbr.rel @p0 .LBB2_15-.Ltmp7, $4  }
0x29e: {  	v13 =	vmul.f32 v17, v6;
	[tilespmem:s12+$0x50] =	vst v19  }
0x29f: {  	v14 =	vmul.f32 v24, v6;
	[tilespmem:s12+$0x90] =	vst v18  }
0x2a0: {  	v6 =	vmul.f32 v25, v6;
	[tilespmem:s12+$0xA0] =	vst v16;
	v16 =	vld [tilespmem:s12+$0xE0]  }
0x2a1: {  	s12 =	sadd.s32 $0x200, s12;
	[tilespmem:s9+$0xFFFFFFB0] =	vst v23;
	v17 =	vld [tilespmem:s9+$0x70]  }
0x2a2: {  	[tilespmem:s9+$0x60] =	vst v15  }
0x2a3: {  	[tilespmem:s9+$0xFFFFFFA0] =	vst v4  }
0x2a4: {  	[tilespmem:s9+$0xFFFFFF90] =	vst v5  }
0x2a5: {  	[tilespmem:s9+$0xFFFFFF80] =	vst v7  }
0x2a6: {  	[tilespmem:s9+$0xFFFFFF70] =	vst v8  }
0x2a7: {  	[tilespmem:s9+$0xFFFFFF60] =	vst v9  }
0x2a8: {  	[tilespmem:s9+$0xFFFFFF50] =	vst v10  }
0x2a9: {  	[tilespmem:s9+$0xFFFFFF40] =	vst v11  }
0x2aa: {  	[tilespmem:s9+$0xFFFFFF30] =	vst v12  }
0x2ab: {  	[tilespmem:s9+$0xFFFFFF20] =	vst v13  }
0x2ac: {  	[tilespmem:s9+$0xFFFFFF10] =	vst v14  }
0x2ad: {  	[tilespmem:s9+$0x40] =	vst v3;
	v1 =	vmul.f32 v16, v1  }
0x2ae: {  	[tilespmem:s9+$0xFFFFFF00] =	vst v6;
	v2 =	vmul.f32 v17, v2  }
0x2af: {  	[tilespmem:s9+$0xE0] =	vst v1  }
0x2b0: {  	s11 =	simm.s32 $0xA;
	[tilespmem:s9+$0x70] =	vst v2  }
0x2b1: {  	[spmem:s2] =	stream.indirect.scatter.add.f32 [tilespmem:s29], [sflag:$0x9], $0x80, s3, s16, $0xb8;
	[tilespmem:$0x1E600] =	vst v63  }
0x2b2: {  	_ =	swait.ge [sflag:s11], $0x2800  }
0x2b3: {  	[sflag:s11] =	ssyncset.done $0x0  }
0x2b4: {  	[sflag:s11] =	ssyncadd.s32 $0xFFFFD800  }
0x2b5: {  	_ =	swait.ge [sflag:s1], $0x2800  }
0x2b6: {  	[sflag:s1] =	ssyncset.done $0x0  }
0x2b7: {  	s12 =	simm.s32 $0xC;
	[sflag:s1] =	ssyncadd.s32 $0xFFFFD800  }
0x2b8: {  	_ =	swait.ge [sflag:s12], $0x2800  }
0x2b9: {  	[sflag:s12] =	ssyncset.done $0x0  }
0x2ba: {  	[sflag:s12] =	ssyncadd.s32 $0xFFFFD800  }
0x2bb: {  	_ =	swait.ge [sflag:s26], $0x2800  }
0x2bc: {  	[sflag:s26] =	ssyncset.done $0x0  }
0x2bd: {  	[sflag:s26] =	ssyncadd.s32 $0xFFFFD800  }
0x2be: {  	s19 =	stileid.u32;
	[bflag:$0x0] =	sbarrier.arrive $0xFFFF  }
0x2bf: {  	s9 =	sshll.u32 s19, $0x6;
	s12 =	rddreg [dreg:$0x3]  }
0x2c0: {  	s9 =	sor.u32 $0x1C0D, s9;
	s19 =	rddreg [dreg:$0x12];
	s11 =	sshrl.u32 s12, $0x3  }
0x2c1: {  	[hbm:s19], [sflag:s9] =	dma.local [spmem:s11], $0x2800  }
0x2c2: {  	s19 =	simm.s32 $0xD  }
0x2c3: {  	_ =	swait.ge [sflag:s19], $0x2800  }
0x2c4: {  	s21 =	rddreg [dreg:$0x16]  }
0x2c5: {  	s22 =	rddreg [dreg:$0x13];
	s11 =	sadd.s32 $0x1, s21  }
0x2c6: {  	p0 =	sne.s32 s11, s22  }
.Ltmp8:
0x2c7: {  	_ = 	snop;
	(pc) =	sbr.rel @p0 .LBB2_1-.Ltmp8, $3  }
0x2c8: {  	_ =	sdelay $0x1  }
0x2c9: {  	[sflag:s19] =	ssyncset.done $0x0  }
0x2ca: {  	[sflag:s19] =	ssyncadd.s32 $0xFFFFD800  }
0x2cb: {  	_ =	sfence.sel $0x180000  }
0x2cc: {  	[bflag:$0x0] =	sbarrier.arrive $0xFFFF  }
0x2cd: {  	_ =	strace $0x9000004A  }
0x2ce: {  	s0 =	stileid.u32;
	[bflag:$0x2] =	sbarrier.arrive $0xFFFF  }
0x2cf: {  	p0 =	sne.s32 s0, $0x0;
	s0 =	rddreg [dreg:$0x2]  }
0x2d0: {  	s0 =	sadd.s32 @!p0 $0x100000, s0  }
0x2d1: {  	[sflag:s0] =	ssyncadd.tile.s32 @!p0 $0x1;
	_ =	shalt  }
.Lfunc_end2:
_tile_overlayer_lowered:
.L_overlay_start_2:
0x2d2: {  	(tag) =	ssettag $0x2  }
0x2d3: {  	s0 =	rddreg [dreg:$0x0];
	s2 =	stileid.u32  }
0x2d4: {  	s1 =	rddreg [dreg:$0x1];
	p0 =	sne.s32 s2, $0x0  }
0x2d5: {  	s3 =	rddreg [dreg:$0x2];
	[bflag:$0x3] =	sbarrier.arrive $0xFFFF;
	s2 =	simm.s32 @!p0 $0x1C0D  }
0x2d6: {  	[timem:s3], [sflag:s2] =	dma.local @!p0 [hbm:s0], s1  }
0x2d7: {  	s0 =	simm.s32 @!p0 $0xD  }
0x2d8: {  	_ =	swait.ge @!p0 [sflag:s0], s1  }
0x2d9: {  	s1 =	ssub.s32 @!p0 $0x0, s1;
	[sflag:s0] =	ssyncset.done @!p0 $0x0  }
0x2da: {  	[sflag:s0] =	ssyncadd.s32 @!p0 s1  }
0x2db: {  	[bflag:$0x3] =	sbarrier.arrive $0xFFFF  }
0x2dc: {  	_ =	shalt  }

</sc_bundles>
